<compile_context>
chip_gen: v7x
topology: tpu7x:2x2x1
jax: 0.10.2.dev20260603
libtpu: 0.0.44.dev20260713+nightly
codegen_flags: <defaults>
</compile_context>

<pallas_src>
import functools

import jax
import jax.numpy as jnp
from jax import lax
from jax.experimental import pallas as pl
from jax.experimental.pallas import tpu as pltpu
from jax.experimental.pallas import tpu_sc as plsc

H, W = 2048, 2048
P = 64
N = 4096
PW = P + 8
CH = 16
RH = 16
NT = N // 128


def _patch_kernel(images, positions):
    info = plsc.get_sparse_core_info()
    nw = info.num_cores * info.num_subcores
    per_w = N // nw
    nchunk = per_w // CH
    ngrp = 4 * nchunk

    mesh = plsc.VectorSubcoreMesh(core_axis_name="c", subcore_axis_name="s")

    @functools.partial(
        pl.kernel,
        mesh=mesh,
        compiler_params=pltpu.CompilerParams(
            use_tc_tiling_on_sc=False, needs_layout_passes=False
        ),
        out_type=jax.ShapeDtypeStruct((P, 8, NT, 8, 128), jnp.float32),
        scratch_types=[
            pltpu.VMEM((2 * per_w,), jnp.int32),
            pltpu.SMEM((per_w, 2), jnp.int32),
            pltpu.VMEM((2, CH, RH, PW), jnp.float32),
            pltpu.VMEM((2, RH, 8, 1, 8, CH), jnp.float32),
            pltpu.SemaphoreType.DMA((2,)),
            pltpu.SemaphoreType.DMA((2,)),
        ],
    )
    def k(img_hbm, pos_hbm, out_hbm, pos_v, pos_s, ibuf, tbuf, in_sem,
          out_sem):
        wid = lax.axis_index("s") * info.num_cores + lax.axis_index("c")
        base = wid * per_w
        pltpu.sync_copy(pos_hbm.at[pl.ds(2 * base, 2 * per_w)], pos_v)
        for j in range(per_w // 8):
            v = pos_v[pl.ds(16 * j, 16)]
            for t in range(8):
                pos_s[8 * j + t, 0] = v[2 * t]
                pos_s[8 * j + t, 1] = v[2 * t + 1]

        lane = lax.iota(jnp.int32, 16)
        jt_idx = [(kk * 16 + lane) // 8 for kk in range(P // 16)]
        jr_idx = lane % 8
        zero_idx = jnp.zeros((16,), dtype=jnp.int32)

        def start_in(h, slot):
            cbase = (h // 4) * CH
            roff = (h % 4) * RH
            for t in range(CH):
                r = pos_s[cbase + t, 0]
                c = pos_s[cbase + t, 1]
                c8 = pl.multiple_of((c // 8) * 8, 8)
                pltpu.make_async_copy(
                    img_hbm.at[pl.ds(r + roff, RH), pl.ds(c8, PW)],
                    ibuf.at[slot, t],
                    in_sem.at[slot],
                ).start()

        def wait_in(slot):
            for t in range(CH):
                pltpu.make_async_copy(
                    img_hbm.at[pl.ds(0, RH), pl.ds(0, PW)],
                    ibuf.at[slot, t],
                    in_sem.at[slot],
                ).wait()

        def out_dst(h):
            cbase = (h // 4) * CH
            roff = (h % 4) * RH
            return out_hbm.at[
                pl.ds(roff, RH),
                slice(None),
                pl.ds(wid, 1),
                slice(None),
                pl.ds(cbase, CH),
            ]

        def start_out(h, ts):
            pltpu.make_async_copy(tbuf.at[ts], out_dst(h), out_sem.at[ts]).start()

        def wait_out(h, ts):
            pltpu.make_async_copy(tbuf.at[ts], out_dst(h), out_sem.at[ts]).wait()

        def shuffle(h, slot, ts):
            cbase = (h // 4) * CH
            tdst = tbuf.at[ts]

            def patch_body(t, _):
                s = pos_s[cbase + t, 1] % 8
                src = ibuf.at[slot, t]
                pn = jnp.full((16,), t, dtype=jnp.int32)
                cidx = [s + kk * 16 + lane for kk in range(P // 16)]

                def row_body(row, _):
                    ridx = jnp.full((16,), row, dtype=jnp.int32)
                    for kk in range(P // 16):
                        v = plsc.load_gather(src, [ridx, cidx[kk]])
                        plsc.store_scatter(
                            tdst,
                            [ridx, jt_idx[kk], zero_idx, jr_idx, pn],
                            v,
                        )
                    return 0

                lax.fori_loop(0, RH, row_body, 0)
                return 0

            lax.fori_loop(0, CH, patch_body, 0)

        start_in(0, 0)

        def body(h, _):
            slot = lax.rem(h, 2)
            nslot = lax.rem(h + 1, 2)

            @pl.when(h + 1 < ngrp)
            def _():
                start_in(h + 1, nslot)

            wait_in(slot)
            ts = lax.rem(h, 2)

            @pl.when(h >= 2)
            def _():
                wait_out(h - 2, ts)

            shuffle(h, slot, ts)
            start_out(h, ts)
            return 0

        lax.fori_loop(0, ngrp, body, 0)
        wait_out(ngrp - 2, lax.rem(ngrp - 2, 2))
        wait_out(ngrp - 1, lax.rem(ngrp - 1, 2))

    return k(images, positions.reshape(-1))


def kernel(images, positions, widths):
    del widths
    out5 = _patch_kernel(images, positions)
    return out5.transpose(2, 4, 0, 1, 3).reshape(N, P, P)

# --- scband reference (transcript-rebuilt; emitter-appended) ---
"""Pipeline reference for scband-patch-23991687315824 (READ-ONLY COPY).

The authoritative reference and input builder live on the scoring server;
editing this copy changes nothing except your own understanding.
"""

import jax, jax.numpy as jnp
import numpy as np

H, W = 2048, 2048
N = 4096
PATCH = 64

def setup_inputs(seed: int = 0) -> dict:
    key = jax.random.key(seed)
    k1, k2 = jax.random.split(key)
    images = jax.random.normal(k1, (H, W), dtype=jnp.float32)
    positions = jax.random.randint(k2, (N, 2), 0, H - PATCH, dtype=jnp.int32)
    return {"images": images, "positions": positions, "widths": PATCH}

def reference(images, positions, widths):
    # widths: Python int (square patch); original torch module takes tuple (w, w)
    w0 = PATCH
    w1 = PATCH
    zero = jnp.asarray(widths, dtype=jnp.int32) - PATCH
    def extract(pos):
        return jax.lax.dynamic_slice(images, (pos[0] + zero, pos[1] + zero), (w0, w1))
    patches = jax.vmap(extract)(positions)
    return patches

if __name__ == "__main__":
    import jax
    _d = setup_inputs()
    print(jax.jit(kernel)(*tuple(_d.values())))

</pallas_src>

<mosaic_0001>
#map = affine_map<(d0, d1) -> (0, 0)>
#map1 = affine_map<(d0, d1) -> (0)>
#map2 = affine_map<(d0, d1) -> (0, 0, 0, 0, 0)>
module attributes {stable_mosaic.version = 14 : i64} {
  func.func @k(%arg0: i32, %arg1: i32, %arg2: memref<2048x2048xf32, #tpu.memory_space<hbm>>, %arg3: memref<8192xi32, #tpu.memory_space<hbm>>, %arg4: memref<64x8x32x8x128xf32, #tpu.memory_space<hbm>>, %arg5: memref<256xi32, #tpu.memory_space<vmem>>, %arg6: memref<128x2xi32, #tpu.memory_space<smem>>, %arg7: memref<2x16x16x72xf32, #tpu.memory_space<vmem>>, %arg8: memref<2x16x8x1x8x16xf32, #tpu.memory_space<vmem>>, %arg9: memref<2x!tpu.dma_semaphore, #tpu.memory_space<semaphore_mem>>, %arg10: memref<2x!tpu.dma_semaphore, #tpu.memory_space<semaphore_mem>>) attributes {dimension_semantics = [#tpu.dimension_semantics<core_parallel>, #tpu.dimension_semantics<subcore_parallel>], iteration_bounds = array<i64: 2, 16>, scalar_prefetch = 0 : i64, scratch_operands = 6 : i64, tpu.core_type = #tpu.core_type<sc_vector_subcore>, window_params = [{transform_indices = #map}, {transform_indices = #map1}, {transform_indices = #map2}]} {
    %mul3A = arith.constant 2 : i32
    %mul3A_0 = arith.muli %arg1, %mul3A : i32
    %add3A = arith.addi %mul3A_0, %arg0 : i32
    %mul3A_1 = arith.constant 128 : i32
    %mul3A_2 = arith.muli %add3A, %mul3A_1 : i32
    %mul3A_3 = arith.constant 2 : i32
    %mul3A_4 = arith.muli %mul3A_3, %mul3A_2 : i32
    "tpu.region"() ({
      %run_scoped3A = tpu.sem_alloc : memref<!tpu.dma_semaphore, #tpu.memory_space<semaphore_mem>>
      %dma_start3A_2899 = tpu.memref_slice %arg3[%mul3A_4] : memref<8192xi32, #tpu.memory_space<hbm>> -> memref<256xi32, #tpu.memory_space<hbm>>
      %dma_start3A_2900 = tpu.memref_slice %arg3[%mul3A_4] : memref<8192xi32, #tpu.memory_space<hbm>> -> memref<256xi32, #tpu.memory_space<hbm>>
      tpu.enqueue_dma source(%dma_start3A_2900 : memref<256xi32, #tpu.memory_space<hbm>>) target(%arg5 : memref<256xi32, #tpu.memory_space<vmem>>) target_semaphore(%run_scoped3A : memref<!tpu.dma_semaphore, #tpu.memory_space<semaphore_mem>>)
      %dma_wait3A_2901 = tpu.memref_slice %arg3[%mul3A_4] : memref<8192xi32, #tpu.memory_space<hbm>> -> memref<256xi32, #tpu.memory_space<hbm>>
      %dma_wait3A_2902 = tpu.memref_slice %arg3[%mul3A_4] : memref<8192xi32, #tpu.memory_space<hbm>> -> memref<256xi32, #tpu.memory_space<hbm>>
      tpu.wait_dma2 semaphore(%run_scoped3A : memref<!tpu.dma_semaphore, #tpu.memory_space<semaphore_mem>>) src(%dma_wait3A_2902 : memref<256xi32, #tpu.memory_space<hbm>>) dst(%arg5 : memref<256xi32, #tpu.memory_space<vmem>>)
      tpu.yield
    }) : () -> ()
    %get3A = arith.constant 0 : index
    %get3A_5 = tpu.vector_load %arg5[%get3A] {strides = array<i32>} : memref<256xi32, #tpu.memory_space<vmem>>, vector<16xi32>,
    %slice3A = vector.extract_strided_slice %get3A_5 {offsets = [0], sizes = [1], strides = [1]} : vector<16xi32> to vector<1xi32>
    %squeeze3A = vector.extract %slice3A[0] : i32 from vector<1xi32>
    %swap3A = arith.constant 0 : i32
    %swap3A_6 = arith.constant 0 : i32
    %swap3A_7 = arith.index_cast %swap3A : i32 to index
    %swap3A_8 = arith.index_cast %swap3A_6 : i32 to index
    %swap3A_9 = memref.load %arg6[%swap3A_7, %swap3A_8] : memref<128x2xi32, #tpu.memory_space<smem>>
    memref.store %squeeze3A, %arg6[%swap3A_7, %swap3A_8] : memref<128x2xi32, #tpu.memory_space<smem>>
    %slice3A_10 = vector.extract_strided_slice %get3A_5 {offsets = [1], sizes = [1], strides = [1]} : vector<16xi32> to vector<1xi32>
    %squeeze3A_11 = vector.extract %slice3A_10[0] : i32 from vector<1xi32>
    %swap3A_12 = arith.constant 0 : i32
    %swap3A_13 = arith.constant 1 : i32
    %swap3A_14 = arith.index_cast %swap3A_12 : i32 to index
    %swap3A_15 = arith.index_cast %swap3A_13 : i32 to index
    %swap3A_16 = memref.load %arg6[%swap3A_14, %swap3A_15] : memref<128x2xi32, #tpu.memory_space<smem>>
    memref.store %squeeze3A_11, %arg6[%swap3A_14, %swap3A_15] : memref<128x2xi32, #tpu.memory_space<smem>>
    %slice3A_17 = vector.extract_strided_slice %get3A_5 {offsets = [2], sizes = [1], strides = [1]} : vector<16xi32> to vector<1xi32>
    %squeeze3A_18 = vector.extract %slice3A_17[0] : i32 from vector<1xi32>
    %swap3A_19 = arith.constant 1 : i32
    %swap3A_20 = arith.constant 0 : i32
    %swap3A_21 = arith.index_cast %swap3A_19 : i32 to index
    %swap3A_22 = arith.index_cast %swap3A_20 : i32 to index
    %swap3A_23 = memref.load %arg6[%swap3A_21, %swap3A_22] : memref<128x2xi32, #tpu.memory_space<smem>>
    memref.store %squeeze3A_18, %arg6[%swap3A_21, %swap3A_22] : memref<128x2xi32, #tpu.memory_space<smem>>
    %slice3A_24 = vector.extract_strided_slice %get3A_5 {offsets = [3], sizes = [1], strides = [1]} : vector<16xi32> to vector<1xi32>
    %squeeze3A_25 = vector.extract %slice3A_24[0] : i32 from vector<1xi32>
    %swap3A_26 = arith.constant 1 : i32
    %swap3A_27 = arith.constant 1 : i32
    %swap3A_28 = arith.index_cast %swap3A_26 : i32 to index
    %swap3A_29 = arith.index_cast %swap3A_27 : i32 to index
    %swap3A_30 = memref.load %arg6[%swap3A_28, %swap3A_29] : memref<128x2xi32, #tpu.memory_space<smem>>
    memref.store %squeeze3A_25, %arg6[%swap3A_28, %swap3A_29] : memref<128x2xi32, #tpu.memory_space<smem>>
    %slice3A_31 = vector.extract_strided_slice %get3A_5 {offsets = [4], sizes = [1], strides = [1]} : vector<16xi32> to vector<1xi32>
    %squeeze3A_32 = vector.extract %slice3A_31[0] : i32 from vector<1xi32>
    %swap3A_33 = arith.constant 2 : i32
    %swap3A_34 = arith.constant 0 : i32
    %swap3A_35 = arith.index_cast %swap3A_33 : i32 to index
    %swap3A_36 = arith.index_cast %swap3A_34 : i32 to index
    %swap3A_37 = memref.load %arg6[%swap3A_35, %swap3A_36] : memref<128x2xi32, #tpu.memory_space<smem>>
    memref.store %squeeze3A_32, %arg6[%swap3A_35, %swap3A_36] : memref<128x2xi32, #tpu.memory_space<smem>>
    %slice3A_38 = vector.extract_strided_slice %get3A_5 {offsets = [5], sizes = [1], strides = [1]} : vector<16xi32> to vector<1xi32>
    %squeeze3A_39 = vector.extract %slice3A_38[0] : i32 from vector<1xi32>
    %swap3A_40 = arith.constant 2 : i32
    %swap3A_41 = arith.constant 1 : i32
    %swap3A_42 = arith.index_cast %swap3A_40 : i32 to index
    %swap3A_43 = arith.index_cast %swap3A_41 : i32 to index
    %swap3A_44 = memref.load %arg6[%swap3A_42, %swap3A_43] : memref<128x2xi32, #tpu.memory_space<smem>>
    memref.store %squeeze3A_39, %arg6[%swap3A_42, %swap3A_43] : memref<128x2xi32, #tpu.memory_space<smem>>
    %slice3A_45 = vector.extract_strided_slice %get3A_5 {offsets = [6], sizes = [1], strides = [1]} : vector<16xi32> to vector<1xi32>
    %squeeze3A_46 = vector.extract %slice3A_45[0] : i32 from vector<1xi32>
    %swap3A_47 = arith.constant 3 : i32
    %swap3A_48 = arith.constant 0 : i32
    %swap3A_49 = arith.index_cast %swap3A_47 : i32 to index
    %swap3A_50 = arith.index_cast %swap3A_48 : i32 to index
    %swap3A_51 = memref.load %arg6[%swap3A_49, %swap3A_50] : memref<128x2xi32, #tpu.memory_space<smem>>
    memref.store %squeeze3A_46, %arg6[%swap3A_49, %swap3A_50] : memref<128x2xi32, #tpu.memory_space<smem>>
    %slice3A_52 = vector.extract_strided_slice %get3A_5 {offsets = [7], sizes = [1], strides = [1]} : vector<16xi32> to vector<1xi32>
    %squeeze3A_53 = vector.extract %slice3A_52[0] : i32 from vector<1xi32>
    %swap3A_54 = arith.constant 3 : i32
    %swap3A_55 = arith.constant 1 : i32
    %swap3A_56 = arith.index_cast %swap3A_54 : i32 to index
    %swap3A_57 = arith.index_cast %swap3A_55 : i32 to index
    %swap3A_58 = memref.load %arg6[%swap3A_56, %swap3A_57] : memref<128x2xi32, #tpu.memory_space<smem>>
    memref.store %squeeze3A_53, %arg6[%swap3A_56, %swap3A_57] : memref<128x2xi32, #tpu.memory_space<smem>>
    %slice3A_59 = vector.extract_strided_slice %get3A_5 {offsets = [8], sizes = [1], strides = [1]} : vector<16xi32> to vector<1xi32>
    %squeeze3A_60 = vector.extract %slice3A_59[0] : i32 from vector<1xi32>
    %swap3A_61 = arith.constant 4 : i32
    %swap3A_62 = arith.constant 0 : i32
    %swap3A_63 = arith.index_cast %swap3A_61 : i32 to index
    %swap3A_64 = arith.index_cast %swap3A_62 : i32 to index
    %swap3A_65 = memref.load %arg6[%swap3A_63, %swap3A_64] : memref<128x2xi32, #tpu.memory_space<smem>>
    memref.store %squeeze3A_60, %arg6[%swap3A_63, %swap3A_64] : memref<128x2xi32, #tpu.memory_space<smem>>
    %slice3A_66 = vector.extract_strided_slice %get3A_5 {offsets = [9], sizes = [1], strides = [1]} : vector<16xi32> to vector<1xi32>
    %squeeze3A_67 = vector.extract %slice3A_66[0] : i32 from vector<1xi32>
    %swap3A_68 = arith.constant 4 : i32
    %swap3A_69 = arith.constant 1 : i32
    %swap3A_70 = arith.index_cast %swap3A_68 : i32 to index
    %swap3A_71 = arith.index_cast %swap3A_69 : i32 to index
    %swap3A_72 = memref.load %arg6[%swap3A_70, %swap3A_71] : memref<128x2xi32, #tpu.memory_space<smem>>
    memref.store %squeeze3A_67, %arg6[%swap3A_70, %swap3A_71] : memref<128x2xi32, #tpu.memory_space<smem>>
    %slice3A_73 = vector.extract_strided_slice %get3A_5 {offsets = [10], sizes = [1], strides = [1]} : vector<16xi32> to vector<1xi32>
    %squeeze3A_74 = vector.extract %slice3A_73[0] : i32 from vector<1xi32>
    %swap3A_75 = arith.constant 5 : i32
    %swap3A_76 = arith.constant 0 : i32
    %swap3A_77 = arith.index_cast %swap3A_75 : i32 to index
    %swap3A_78 = arith.index_cast %swap3A_76 : i32 to index
    %swap3A_79 = memref.load %arg6[%swap3A_77, %swap3A_78] : memref<128x2xi32, #tpu.memory_space<smem>>
    memref.store %squeeze3A_74, %arg6[%swap3A_77, %swap3A_78] : memref<128x2xi32, #tpu.memory_space<smem>>
    %slice3A_80 = vector.extract_strided_slice %get3A_5 {offsets = [11], sizes = [1], strides = [1]} : vector<16xi32> to vector<1xi32>
    %squeeze3A_81 = vector.extract %slice3A_80[0] : i32 from vector<1xi32>
    %swap3A_82 = arith.constant 5 : i32
    %swap3A_83 = arith.constant 1 : i32
    %swap3A_84 = arith.index_cast %swap3A_82 : i32 to index
    %swap3A_85 = arith.index_cast %swap3A_83 : i32 to index
    %swap3A_86 = memref.load %arg6[%swap3A_84, %swap3A_85] : memref<128x2xi32, #tpu.memory_space<smem>>
    memref.store %squeeze3A_81, %arg6[%swap3A_84, %swap3A_85] : memref<128x2xi32, #tpu.memory_space<smem>>
    %slice3A_87 = vector.extract_strided_slice %get3A_5 {offsets = [12], sizes = [1], strides = [1]} : vector<16xi32> to vector<1xi32>
    %squeeze3A_88 = vector.extract %slice3A_87[0] : i32 from vector<1xi32>
    %swap3A_89 = arith.constant 6 : i32
    %swap3A_90 = arith.constant 0 : i32
    %swap3A_91 = arith.index_cast %swap3A_89 : i32 to index
    %swap3A_92 = arith.index_cast %swap3A_90 : i32 to index
    %swap3A_93 = memref.load %arg6[%swap3A_91, %swap3A_92] : memref<128x2xi32, #tpu.memory_space<smem>>
    memref.store %squeeze3A_88, %arg6[%swap3A_91, %swap3A_92] : memref<128x2xi32, #tpu.memory_space<smem>>
    %slice3A_94 = vector.extract_strided_slice %get3A_5 {offsets = [13], sizes = [1], strides = [1]} : vector<16xi32> to vector<1xi32>
    %squeeze3A_95 = vector.extract %slice3A_94[0] : i32 from vector<1xi32>
    %swap3A_96 = arith.constant 6 : i32
    %swap3A_97 = arith.constant 1 : i32
    %swap3A_98 = arith.index_cast %swap3A_96 : i32 to index
    %swap3A_99 = arith.index_cast %swap3A_97 : i32 to index
    %swap3A_100 = memref.load %arg6[%swap3A_98, %swap3A_99] : memref<128x2xi32, #tpu.memory_space<smem>>
    memref.store %squeeze3A_95, %arg6[%swap3A_98, %swap3A_99] : memref<128x2xi32, #tpu.memory_space<smem>>
    %slice3A_101 = vector.extract_strided_slice %get3A_5 {offsets = [14], sizes = [1], strides = [1]} : vector<16xi32> to vector<1xi32>
    %squeeze3A_102 = vector.extract %slice3A_101[0] : i32 from vector<1xi32>
    %swap3A_103 = arith.constant 7 : i32
    %swap3A_104 = arith.constant 0 : i32
    %swap3A_105 = arith.index_cast %swap3A_103 : i32 to index
    %swap3A_106 = arith.index_cast %swap3A_104 : i32 to index
    %swap3A_107 = memref.load %arg6[%swap3A_105, %swap3A_106] : memref<128x2xi32, #tpu.memory_space<smem>>
    memref.store %squeeze3A_102, %arg6[%swap3A_105, %swap3A_106] : memref<128x2xi32, #tpu.memory_space<smem>>
    %slice3A_108 = vector.extract_strided_slice %get3A_5 {offsets = [15], sizes = [1], strides = [1]} : vector<16xi32> to vector<1xi32>
    %squeeze3A_109 = vector.extract %slice3A_108[0] : i32 from vector<1xi32>
    %swap3A_110 = arith.constant 7 : i32
    %swap3A_111 = arith.constant 1 : i32
    %swap3A_112 = arith.index_cast %swap3A_110 : i32 to index
    %swap3A_113 = arith.index_cast %swap3A_111 : i32 to index
    %swap3A_114 = memref.load %arg6[%swap3A_112, %swap3A_113] : memref<128x2xi32, #tpu.memory_space<smem>>
    memref.store %squeeze3A_109, %arg6[%swap3A_112, %swap3A_113] : memref<128x2xi32, #tpu.memory_space<smem>>
    %get3A_115 = arith.constant 16 : index
    %get3A_116 = tpu.vector_load %arg5[%get3A_115] {strides = array<i32>} : memref<256xi32, #tpu.memory_space<vmem>>, vector<16xi32>,
    %slice3A_117 = vector.extract_strided_slice %get3A_116 {offsets = [0], sizes = [1], strides = [1]} : vector<16xi32> to vector<1xi32>
    %squeeze3A_118 = vector.extract %slice3A_117[0] : i32 from vector<1xi32>
    %swap3A_119 = arith.constant 8 : i32
    %swap3A_120 = arith.constant 0 : i32
    %swap3A_121 = arith.index_cast %swap3A_119 : i32 to index
    %swap3A_122 = arith.index_cast %swap3A_120 : i32 to index
    %swap3A_123 = memref.load %arg6[%swap3A_121, %swap3A_122] : memref<128x2xi32, #tpu.memory_space<smem>>
    memref.store %squeeze3A_118, %arg6[%swap3A_121, %swap3A_122] : memref<128x2xi32, #tpu.memory_space<smem>>
    %slice3A_124 = vector.extract_strided_slice %get3A_116 {offsets = [1], sizes = [1], strides = [1]} : vector<16xi32> to vector<1xi32>
    %squeeze3A_125 = vector.extract %slice3A_124[0] : i32 from vector<1xi32>
    %swap3A_126 = arith.constant 8 : i32
    %swap3A_127 = arith.constant 1 : i32
    %swap3A_128 = arith.index_cast %swap3A_126 : i32 to index
    %swap3A_129 = arith.index_cast %swap3A_127 : i32 to index
    %swap3A_130 = memref.load %arg6[%swap3A_128, %swap3A_129] : memref<128x2xi32, #tpu.memory_space<smem>>
    memref.store %squeeze3A_125, %arg6[%swap3A_128, %swap3A_129] : memref<128x2xi32, #tpu.memory_space<smem>>
    %slice3A_131 = vector.extract_strided_slice %get3A_116 {offsets = [2], sizes = [1], strides = [1]} : vector<16xi32> to vector<1xi32>
    %squeeze3A_132 = vector.extract %slice3A_131[0] : i32 from vector<1xi32>
    %swap3A_133 = arith.constant 9 : i32
    %swap3A_134 = arith.constant 0 : i32
    %swap3A_135 = arith.index_cast %swap3A_133 : i32 to index
    %swap3A_136 = arith.index_cast %swap3A_134 : i32 to index
    %swap3A_137 = memref.load %arg6[%swap3A_135, %swap3A_136] : memref<128x2xi32, #tpu.memory_space<smem>>
    memref.store %squeeze3A_132, %arg6[%swap3A_135, %swap3A_136] : memref<128x2xi32, #tpu.memory_space<smem>>
    %slice3A_138 = vector.extract_strided_slice %get3A_116 {offsets = [3], sizes = [1], strides = [1]} : vector<16xi32> to vector<1xi32>
    %squeeze3A_139 = vector.extract %slice3A_138[0] : i32 from vector<1xi32>
    %swap3A_140 = arith.constant 9 : i32
    %swap3A_141 = arith.constant 1 : i32
    %swap3A_142 = arith.index_cast %swap3A_140 : i32 to index
    %swap3A_143 = arith.index_cast %swap3A_141 : i32 to index
    %swap3A_144 = memref.load %arg6[%swap3A_142, %swap3A_143] : memref<128x2xi32, #tpu.memory_space<smem>>
    memref.store %squeeze3A_139, %arg6[%swap3A_142, %swap3A_143] : memref<128x2xi32, #tpu.memory_space<smem>>
    %slice3A_145 = vector.extract_strided_slice %get3A_116 {offsets = [4], sizes = [1], strides = [1]} : vector<16xi32> to vector<1xi32>
    %squeeze3A_146 = vector.extract %slice3A_145[0] : i32 from vector<1xi32>
    %swap3A_147 = arith.constant 10 : i32
    %swap3A_148 = arith.constant 0 : i32
    %swap3A_149 = arith.index_cast %swap3A_147 : i32 to index
    %swap3A_150 = arith.index_cast %swap3A_148 : i32 to index
    %swap3A_151 = memref.load %arg6[%swap3A_149, %swap3A_150] : memref<128x2xi32, #tpu.memory_space<smem>>
    memref.store %squeeze3A_146, %arg6[%swap3A_149, %swap3A_150] : memref<128x2xi32, #tpu.memory_space<smem>>
    %slice3A_152 = vector.extract_strided_slice %get3A_116 {offsets = [5], sizes = [1], strides = [1]} : vector<16xi32> to vector<1xi32>
    %squeeze3A_153 = vector.extract %slice3A_152[0] : i32 from vector<1xi32>
    %swap3A_154 = arith.constant 10 : i32
    %swap3A_155 = arith.constant 1 : i32
    %swap3A_156 = arith.index_cast %swap3A_154 : i32 to index
    %swap3A_157 = arith.index_cast %swap3A_155 : i32 to index
    %swap3A_158 = memref.load %arg6[%swap3A_156, %swap3A_157] : memref<128x2xi32, #tpu.memory_space<smem>>
    memref.store %squeeze3A_153, %arg6[%swap3A_156, %swap3A_157] : memref<128x2xi32, #tpu.memory_space<smem>>
    %slice3A_159 = vector.extract_strided_slice %get3A_116 {offsets = [6], sizes = [1], strides = [1]} : vector<16xi32> to vector<1xi32>
    %squeeze3A_160 = vector.extract %slice3A_159[0] : i32 from vector<1xi32>
    %swap3A_161 = arith.constant 11 : i32
    %swap3A_162 = arith.constant 0 : i32
    %swap3A_163 = arith.index_cast %swap3A_161 : i32 to index
    %swap3A_164 = arith.index_cast %swap3A_162 : i32 to index
    %swap3A_165 = memref.load %arg6[%swap3A_163, %swap3A_164] : memref<128x2xi32, #tpu.memory_space<smem>>
    memref.store %squeeze3A_160, %arg6[%swap3A_163, %swap3A_164] : memref<128x2xi32, #tpu.memory_space<smem>>
    %slice3A_166 = vector.extract_strided_slice %get3A_116 {offsets = [7], sizes = [1], strides = [1]} : vector<16xi32> to vector<1xi32>
    %squeeze3A_167 = vector.extract %slice3A_166[0] : i32 from vector<1xi32>
    %swap3A_168 = arith.constant 11 : i32
    %swap3A_169 = arith.constant 1 : i32
    %swap3A_170 = arith.index_cast %swap3A_168 : i32 to index
    %swap3A_171 = arith.index_cast %swap3A_169 : i32 to index
    %swap3A_172 = memref.load %arg6[%swap3A_170, %swap3A_171] : memref<128x2xi32, #tpu.memory_space<smem>>
    memref.store %squeeze3A_167, %arg6[%swap3A_170, %swap3A_171] : memref<128x2xi32, #tpu.memory_space<smem>>
    %slice3A_173 = vector.extract_strided_slice %get3A_116 {offsets = [8], sizes = [1], strides = [1]} : vector<16xi32> to vector<1xi32>
    %squeeze3A_174 = vector.extract %slice3A_173[0] : i32 from vector<1xi32>
    %swap3A_175 = arith.constant 12 : i32
    %swap3A_176 = arith.constant 0 : i32
    %swap3A_177 = arith.index_cast %swap3A_175 : i32 to index
    %swap3A_178 = arith.index_cast %swap3A_176 : i32 to index
    %swap3A_179 = memref.load %arg6[%swap3A_177, %swap3A_178] : memref<128x2xi32, #tpu.memory_space<smem>>
    memref.store %squeeze3A_174, %arg6[%swap3A_177, %swap3A_178] : memref<128x2xi32, #tpu.memory_space<smem>>
    %slice3A_180 = vector.extract_strided_slice %get3A_116 {offsets = [9], sizes = [1], strides = [1]} : vector<16xi32> to vector<1xi32>
    %squeeze3A_181 = vector.extract %slice3A_180[0] : i32 from vector<1xi32>
    %swap3A_182 = arith.constant 12 : i32
    %swap3A_183 = arith.constant 1 : i32
    %swap3A_184 = arith.index_cast %swap3A_182 : i32 to index
    %swap3A_185 = arith.index_cast %swap3A_183 : i32 to index
    %swap3A_186 = memref.load %arg6[%swap3A_184, %swap3A_185] : memref<128x2xi32, #tpu.memory_space<smem>>
    memref.store %squeeze3A_181, %arg6[%swap3A_184, %swap3A_185] : memref<128x2xi32, #tpu.memory_space<smem>>
    %slice3A_187 = vector.extract_strided_slice %get3A_116 {offsets = [10], sizes = [1], strides = [1]} : vector<16xi32> to vector<1xi32>
    %squeeze3A_188 = vector.extract %slice3A_187[0] : i32 from vector<1xi32>
    %swap3A_189 = arith.constant 13 : i32
    %swap3A_190 = arith.constant 0 : i32
    %swap3A_191 = arith.index_cast %swap3A_189 : i32 to index
    %swap3A_192 = arith.index_cast %swap3A_190 : i32 to index
    %swap3A_193 = memref.load %arg6[%swap3A_191, %swap3A_192] : memref<128x2xi32, #tpu.memory_space<smem>>
    memref.store %squeeze3A_188, %arg6[%swap3A_191, %swap3A_192] : memref<128x2xi32, #tpu.memory_space<smem>>
    %slice3A_194 = vector.extract_strided_slice %get3A_116 {offsets = [11], sizes = [1], strides = [1]} : vector<16xi32> to vector<1xi32>
    %squeeze3A_195 = vector.extract %slice3A_194[0] : i32 from vector<1xi32>
    %swap3A_196 = arith.constant 13 : i32
    %swap3A_197 = arith.constant 1 : i32
    %swap3A_198 = arith.index_cast %swap3A_196 : i32 to index
    %swap3A_199 = arith.index_cast %swap3A_197 : i32 to index
    %swap3A_200 = memref.load %arg6[%swap3A_198, %swap3A_199] : memref<128x2xi32, #tpu.memory_space<smem>>
    memref.store %squeeze3A_195, %arg6[%swap3A_198, %swap3A_199] : memref<128x2xi32, #tpu.memory_space<smem>>
    %slice3A_201 = vector.extract_strided_slice %get3A_116 {offsets = [12], sizes = [1], strides = [1]} : vector<16xi32> to vector<1xi32>
    %squeeze3A_202 = vector.extract %slice3A_201[0] : i32 from vector<1xi32>
    %swap3A_203 = arith.constant 14 : i32
    %swap3A_204 = arith.constant 0 : i32
    %swap3A_205 = arith.index_cast %swap3A_203 : i32 to index
    %swap3A_206 = arith.index_cast %swap3A_204 : i32 to index
    %swap3A_207 = memref.load %arg6[%swap3A_205, %swap3A_206] : memref<128x2xi32, #tpu.memory_space<smem>>
    memref.store %squeeze3A_202, %arg6[%swap3A_205, %swap3A_206] : memref<128x2xi32, #tpu.memory_space<smem>>
    %slice3A_208 = vector.extract_strided_slice %get3A_116 {offsets = [13], sizes = [1], strides = [1]} : vector<16xi32> to vector<1xi32>
    %squeeze3A_209 = vector.extract %slice3A_208[0] : i32 from vector<1xi32>
    %swap3A_210 = arith.constant 14 : i32
    %swap3A_211 = arith.constant 1 : i32
    %swap3A_212 = arith.index_cast %swap3A_210 : i32 to index
    %swap3A_213 = arith.index_cast %swap3A_211 : i32 to index
    %swap3A_214 = memref.load %arg6[%swap3A_212, %swap3A_213] : memref<128x2xi32, #tpu.memory_space<smem>>
    memref.store %squeeze3A_209, %arg6[%swap3A_212, %swap3A_213] : memref<128x2xi32, #tpu.memory_space<smem>>
    %slice3A_215 = vector.extract_strided_slice %get3A_116 {offsets = [14], sizes = [1], strides = [1]} : vector<16xi32> to vector<1xi32>
    %squeeze3A_216 = vector.extract %slice3A_215[0] : i32 from vector<1xi32>
    %swap3A_217 = arith.constant 15 : i32
    %swap3A_218 = arith.constant 0 : i32
    %swap3A_219 = arith.index_cast %swap3A_217 : i32 to index
    %swap3A_220 = arith.index_cast %swap3A_218 : i32 to index
    %swap3A_221 = memref.load %arg6[%swap3A_219, %swap3A_220] : memref<128x2xi32, #tpu.memory_space<smem>>
    memref.store %squeeze3A_216, %arg6[%swap3A_219, %swap3A_220] : memref<128x2xi32, #tpu.memory_space<smem>>
    %slice3A_222 = vector.extract_strided_slice %get3A_116 {offsets = [15], sizes = [1], strides = [1]} : vector<16xi32> to vector<1xi32>
    %squeeze3A_223 = vector.extract %slice3A_222[0] : i32 from vector<1xi32>
    %swap3A_224 = arith.constant 15 : i32
    %swap3A_225 = arith.constant 1 : i32
    %swap3A_226 = arith.index_cast %swap3A_224 : i32 to index
    %swap3A_227 = arith.index_cast %swap3A_225 : i32 to index
    %swap3A_228 = memref.load %arg6[%swap3A_226, %swap3A_227] : memref<128x2xi32, #tpu.memory_space<smem>>
    memref.store %squeeze3A_223, %arg6[%swap3A_226, %swap3A_227] : memref<128x2xi32, #tpu.memory_space<smem>>
    %get3A_229 = arith.constant 32 : index
    %get3A_230 = tpu.vector_load %arg5[%get3A_229] {strides = array<i32>} : memref<256xi32, #tpu.memory_space<vmem>>, vector<16xi32>,
    %slice3A_231 = vector.extract_strided_slice %get3A_230 {offsets = [0], sizes = [1], strides = [1]} : vector<16xi32> to vector<1xi32>
    %squeeze3A_232 = vector.extract %slice3A_231[0] : i32 from vector<1xi32>
    %swap3A_233 = arith.constant 16 : i32
    %swap3A_234 = arith.constant 0 : i32
    %swap3A_235 = arith.index_cast %swap3A_233 : i32 to index
    %swap3A_236 = arith.index_cast %swap3A_234 : i32 to index
    %swap3A_237 = memref.load %arg6[%swap3A_235, %swap3A_236] : memref<128x2xi32, #tpu.memory_space<smem>>
    memref.store %squeeze3A_232, %arg6[%swap3A_235, %swap3A_236] : memref<128x2xi32, #tpu.memory_space<smem>>
    %slice3A_238 = vector.extract_strided_slice %get3A_230 {offsets = [1], sizes = [1], strides = [1]} : vector<16xi32> to vector<1xi32>
    %squeeze3A_239 = vector.extract %slice3A_238[0] : i32 from vector<1xi32>
    %swap3A_240 = arith.constant 16 : i32
    %swap3A_241 = arith.constant 1 : i32
    %swap3A_242 = arith.index_cast %swap3A_240 : i32 to index
    %swap3A_243 = arith.index_cast %swap3A_241 : i32 to index
    %swap3A_244 = memref.load %arg6[%swap3A_242, %swap3A_243] : memref<128x2xi32, #tpu.memory_space<smem>>
    memref.store %squeeze3A_239, %arg6[%swap3A_242, %swap3A_243] : memref<128x2xi32, #tpu.memory_space<smem>>
    %slice3A_245 = vector.extract_strided_slice %get3A_230 {offsets = [2], sizes = [1], strides = [1]} : vector<16xi32> to vector<1xi32>
    %squeeze3A_246 = vector.extract %slice3A_245[0] : i32 from vector<1xi32>
    %swap3A_247 = arith.constant 17 : i32
    %swap3A_248 = arith.constant 0 : i32
    %swap3A_249 = arith.index_cast %swap3A_247 : i32 to index
    %swap3A_250 = arith.index_cast %swap3A_248 : i32 to index
    %swap3A_251 = memref.load %arg6[%swap3A_249, %swap3A_250] : memref<128x2xi32, #tpu.memory_space<smem>>
    memref.store %squeeze3A_246, %arg6[%swap3A_249, %swap3A_250] : memref<128x2xi32, #tpu.memory_space<smem>>
    %slice3A_252 = vector.extract_strided_slice %get3A_230 {offsets = [3], sizes = [1], strides = [1]} : vector<16xi32> to vector<1xi32>
    %squeeze3A_253 = vector.extract %slice3A_252[0] : i32 from vector<1xi32>
    %swap3A_254 = arith.constant 17 : i32
    %swap3A_255 = arith.constant 1 : i32
    %swap3A_256 = arith.index_cast %swap3A_254 : i32 to index
    %swap3A_257 = arith.index_cast %swap3A_255 : i32 to index
    %swap3A_258 = memref.load %arg6[%swap3A_256, %swap3A_257] : memref<128x2xi32, #tpu.memory_space<smem>>
    memref.store %squeeze3A_253, %arg6[%swap3A_256, %swap3A_257] : memref<128x2xi32, #tpu.memory_space<smem>>
    %slice3A_259 = vector.extract_strided_slice %get3A_230 {offsets = [4], sizes = [1], strides = [1]} : vector<16xi32> to vector<1xi32>
    %squeeze3A_260 = vector.extract %slice3A_259[0] : i32 from vector<1xi32>
    %swap3A_261 = arith.constant 18 : i32
    %swap3A_262 = arith.constant 0 : i32
    %swap3A_263 = arith.index_cast %swap3A_261 : i32 to index
    %swap3A_264 = arith.index_cast %swap3A_262 : i32 to index
    %swap3A_265 = memref.load %arg6[%swap3A_263, %swap3A_264] : memref<128x2xi32, #tpu.memory_space<smem>>
    memref.store %squeeze3A_260, %arg6[%swap3A_263, %swap3A_264] : memref<128x2xi32, #tpu.memory_space<smem>>
    %slice3A_266 = vector.extract_strided_slice %get3A_230 {offsets = [5], sizes = [1], strides = [1]} : vector<16xi32> to vector<1xi32>
    %squeeze3A_267 = vector.extract %slice3A_266[0] : i32 from vector<1xi32>
    %swap3A_268 = arith.constant 18 : i32
    %swap3A_269 = arith.constant 1 : i32
    %swap3A_270 = arith.index_cast %swap3A_268 : i32 to index
    %swap3A_271 = arith.index_cast %swap3A_269 : i32 to index
    %swap3A_272 = memref.load %arg6[%swap3A_270, %swap3A_271] : memref<128x2xi32, #tpu.memory_space<smem>>
    memref.store %squeeze3A_267, %arg6[%swap3A_270, %swap3A_271] : memref<128x2xi32, #tpu.memory_space<smem>>
    %slice3A_273 = vector.extract_strided_slice %get3A_230 {offsets = [6], sizes = [1], strides = [1]} : vector<16xi32> to vector<1xi32>
    %squeeze3A_274 = vector.extract %slice3A_273[0] : i32 from vector<1xi32>
    %swap3A_275 = arith.constant 19 : i32
    %swap3A_276 = arith.constant 0 : i32
    %swap3A_277 = arith.index_cast %swap3A_275 : i32 to index
    %swap3A_278 = arith.index_cast %swap3A_276 : i32 to index
    %swap3A_279 = memref.load %arg6[%swap3A_277, %swap3A_278] : memref<128x2xi32, #tpu.memory_space<smem>>
    memref.store %squeeze3A_274, %arg6[%swap3A_277, %swap3A_278] : memref<128x2xi32, #tpu.memory_space<smem>>
    %slice3A_280 = vector.extract_strided_slice %get3A_230 {offsets = [7], sizes = [1], strides = [1]} : vector<16xi32> to vector<1xi32>
    %squeeze3A_281 = vector.extract %slice3A_280[0] : i32 from vector<1xi32>
    %swap3A_282 = arith.constant 19 : i32
    %swap3A_283 = arith.constant 1 : i32
    %swap3A_284 = arith.index_cast %swap3A_282 : i32 to index
    %swap3A_285 = arith.index_cast %swap3A_283 : i32 to index
    %swap3A_286 = memref.load %arg6[%swap3A_284, %swap3A_285] : memref<128x2xi32, #tpu.memory_space<smem>>
    memref.store %squeeze3A_281, %arg6[%swap3A_284, %swap3A_285] : memref<128x2xi32, #tpu.memory_space<smem>>
    %slice3A_287 = vector.extract_strided_slice %get3A_230 {offsets = [8], sizes = [1], strides = [1]} : vector<16xi32> to vector<1xi32>
    %squeeze3A_288 = vector.extract %slice3A_287[0] : i32 from vector<1xi32>
    %swap3A_289 = arith.constant 20 : i32
    %swap3A_290 = arith.constant 0 : i32
    %swap3A_291 = arith.index_cast %swap3A_289 : i32 to index
    %swap3A_292 = arith.index_cast %swap3A_290 : i32 to index
    %swap3A_293 = memref.load %arg6[%swap3A_291, %swap3A_292] : memref<128x2xi32, #tpu.memory_space<smem>>
    memref.store %squeeze3A_288, %arg6[%swap3A_291, %swap3A_292] : memref<128x2xi32, #tpu.memory_space<smem>>
    %slice3A_294 = vector.extract_strided_slice %get3A_230 {offsets = [9], sizes = [1], strides = [1]} : vector<16xi32> to vector<1xi32>
    %squeeze3A_295 = vector.extract %slice3A_294[0] : i32 from vector<1xi32>
    %swap3A_296 = arith.constant 20 : i32
    %swap3A_297 = arith.constant 1 : i32
    %swap3A_298 = arith.index_cast %swap3A_296 : i32 to index
    %swap3A_299 = arith.index_cast %swap3A_297 : i32 to index
    %swap3A_300 = memref.load %arg6[%swap3A_298, %swap3A_299] : memref<128x2xi32, #tpu.memory_space<smem>>
    memref.store %squeeze3A_295, %arg6[%swap3A_298, %swap3A_299] : memref<128x2xi32, #tpu.memory_space<smem>>
    %slice3A_301 = vector.extract_strided_slice %get3A_230 {offsets = [10], sizes = [1], strides = [1]} : vector<16xi32> to vector<1xi32>
    %squeeze3A_302 = vector.extract %slice3A_301[0] : i32 from vector<1xi32>
    %swap3A_303 = arith.constant 21 : i32
    %swap3A_304 = arith.constant 0 : i32
    %swap3A_305 = arith.index_cast %swap3A_303 : i32 to index
    %swap3A_306 = arith.index_cast %swap3A_304 : i32 to index
    %swap3A_307 = memref.load %arg6[%swap3A_305, %swap3A_306] : memref<128x2xi32, #tpu.memory_space<smem>>
    memref.store %squeeze3A_302, %arg6[%swap3A_305, %swap3A_306] : memref<128x2xi32, #tpu.memory_space<smem>>
    %slice3A_308 = vector.extract_strided_slice %get3A_230 {offsets = [11], sizes = [1], strides = [1]} : vector<16xi32> to vector<1xi32>
    %squeeze3A_309 = vector.extract %slice3A_308[0] : i32 from vector<1xi32>
    %swap3A_310 = arith.constant 21 : i32
    %swap3A_311 = arith.constant 1 : i32
    %swap3A_312 = arith.index_cast %swap3A_310 : i32 to index
    %swap3A_313 = arith.index_cast %swap3A_311 : i32 to index
    %swap3A_314 = memref.load %arg6[%swap3A_312, %swap3A_313] : memref<128x2xi32, #tpu.memory_space<smem>>
    memref.store %squeeze3A_309, %arg6[%swap3A_312, %swap3A_313] : memref<128x2xi32, #tpu.memory_space<smem>>
    %slice3A_315 = vector.extract_strided_slice %get3A_230 {offsets = [12], sizes = [1], strides = [1]} : vector<16xi32> to vector<1xi32>
    %squeeze3A_316 = vector.extract %slice3A_315[0] : i32 from vector<1xi32>
    %swap3A_317 = arith.constant 22 : i32
    %swap3A_318 = arith.constant 0 : i32
    %swap3A_319 = arith.index_cast %swap3A_317 : i32 to index
    %swap3A_320 = arith.index_cast %swap3A_318 : i32 to index
    %swap3A_321 = memref.load %arg6[%swap3A_319, %swap3A_320] : memref<128x2xi32, #tpu.memory_space<smem>>
    memref.store %squeeze3A_316, %arg6[%swap3A_319, %swap3A_320] : memref<128x2xi32, #tpu.memory_space<smem>>
    %slice3A_322 = vector.extract_strided_slice %get3A_230 {offsets = [13], sizes = [1], strides = [1]} : vector<16xi32> to vector<1xi32>
    %squeeze3A_323 = vector.extract %slice3A_322[0] : i32 from vector<1xi32>
    %swap3A_324 = arith.constant 22 : i32
    %swap3A_325 = arith.constant 1 : i32
    %swap3A_326 = arith.index_cast %swap3A_324 : i32 to index
    %swap3A_327 = arith.index_cast %swap3A_325 : i32 to index
    %swap3A_328 = memref.load %arg6[%swap3A_326, %swap3A_327] : memref<128x2xi32, #tpu.memory_space<smem>>
    memref.store %squeeze3A_323, %arg6[%swap3A_326, %swap3A_327] : memref<128x2xi32, #tpu.memory_space<smem>>
    %slice3A_329 = vector.extract_strided_slice %get3A_230 {offsets = [14], sizes = [1], strides = [1]} : vector<16xi32> to vector<1xi32>
    %squeeze3A_330 = vector.extract %slice3A_329[0] : i32 from vector<1xi32>
    %swap3A_331 = arith.constant 23 : i32
    %swap3A_332 = arith.constant 0 : i32
    %swap3A_333 = arith.index_cast %swap3A_331 : i32 to index
    %swap3A_334 = arith.index_cast %swap3A_332 : i32 to index
    %swap3A_335 = memref.load %arg6[%swap3A_333, %swap3A_334] : memref<128x2xi32, #tpu.memory_space<smem>>
    memref.store %squeeze3A_330, %arg6[%swap3A_333, %swap3A_334] : memref<128x2xi32, #tpu.memory_space<smem>>
    %slice3A_336 = vector.extract_strided_slice %get3A_230 {offsets = [15], sizes = [1], strides = [1]} : vector<16xi32> to vector<1xi32>
    %squeeze3A_337 = vector.extract %slice3A_336[0] : i32 from vector<1xi32>
    %swap3A_338 = arith.constant 23 : i32
    %swap3A_339 = arith.constant 1 : i32
    %swap3A_340 = arith.index_cast %swap3A_338 : i32 to index
    %swap3A_341 = arith.index_cast %swap3A_339 : i32 to index
    %swap3A_342 = memref.load %arg6[%swap3A_340, %swap3A_341] : memref<128x2xi32, #tpu.memory_space<smem>>
    memref.store %squeeze3A_337, %arg6[%swap3A_340, %swap3A_341] : memref<128x2xi32, #tpu.memory_space<smem>>
    %get3A_343 = arith.constant 48 : index
    %get3A_344 = tpu.vector_load %arg5[%get3A_343] {strides = array<i32>} : memref<256xi32, #tpu.memory_space<vmem>>, vector<16xi32>,
    %slice3A_345 = vector.extract_strided_slice %get3A_344 {offsets = [0], sizes = [1], strides = [1]} : vector<16xi32> to vector<1xi32>
    %squeeze3A_346 = vector.extract %slice3A_345[0] : i32 from vector<1xi32>
    %swap3A_347 = arith.constant 24 : i32
    %swap3A_348 = arith.constant 0 : i32
    %swap3A_349 = arith.index_cast %swap3A_347 : i32 to index
    %swap3A_350 = arith.index_cast %swap3A_348 : i32 to index
    %swap3A_351 = memref.load %arg6[%swap3A_349, %swap3A_350] : memref<128x2xi32, #tpu.memory_space<smem>>
    memref.store %squeeze3A_346, %arg6[%swap3A_349, %swap3A_350] : memref<128x2xi32, #tpu.memory_space<smem>>
    %slice3A_352 = vector.extract_strided_slice %get3A_344 {offsets = [1], sizes = [1], strides = [1]} : vector<16xi32> to vector<1xi32>
    %squeeze3A_353 = vector.extract %slice3A_352[0] : i32 from vector<1xi32>
    %swap3A_354 = arith.constant 24 : i32
    %swap3A_355 = arith.constant 1 : i32
    %swap3A_356 = arith.index_cast %swap3A_354 : i32 to index
    %swap3A_357 = arith.index_cast %swap3A_355 : i32 to index
    %swap3A_358 = memref.load %arg6[%swap3A_356, %swap3A_357] : memref<128x2xi32, #tpu.memory_space<smem>>
    memref.store %squeeze3A_353, %arg6[%swap3A_356, %swap3A_357] : memref<128x2xi32, #tpu.memory_space<smem>>
    %slice3A_359 = vector.extract_strided_slice %get3A_344 {offsets = [2], sizes = [1], strides = [1]} : vector<16xi32> to vector<1xi32>
    %squeeze3A_360 = vector.extract %slice3A_359[0] : i32 from vector<1xi32>
    %swap3A_361 = arith.constant 25 : i32
    %swap3A_362 = arith.constant 0 : i32
    %swap3A_363 = arith.index_cast %swap3A_361 : i32 to index
    %swap3A_364 = arith.index_cast %swap3A_362 : i32 to index
    %swap3A_365 = memref.load %arg6[%swap3A_363, %swap3A_364] : memref<128x2xi32, #tpu.memory_space<smem>>
    memref.store %squeeze3A_360, %arg6[%swap3A_363, %swap3A_364] : memref<128x2xi32, #tpu.memory_space<smem>>
    %slice3A_366 = vector.extract_strided_slice %get3A_344 {offsets = [3], sizes = [1], strides = [1]} : vector<16xi32> to vector<1xi32>
    %squeeze3A_367 = vector.extract %slice3A_366[0] : i32 from vector<1xi32>
    %swap3A_368 = arith.constant 25 : i32
    %swap3A_369 = arith.constant 1 : i32
    %swap3A_370 = arith.index_cast %swap3A_368 : i32 to index
    %swap3A_371 = arith.index_cast %swap3A_369 : i32 to index
    %swap3A_372 = memref.load %arg6[%swap3A_370, %swap3A_371] : memref<128x2xi32, #tpu.memory_space<smem>>
    memref.store %squeeze3A_367, %arg6[%swap3A_370, %swap3A_371] : memref<128x2xi32, #tpu.memory_space<smem>>
    %slice3A_373 = vector.extract_strided_slice %get3A_344 {offsets = [4], sizes = [1], strides = [1]} : vector<16xi32> to vector<1xi32>
    %squeeze3A_374 = vector.extract %slice3A_373[0] : i32 from vector<1xi32>
    %swap3A_375 = arith.constant 26 : i32
    %swap3A_376 = arith.constant 0 : i32
    %swap3A_377 = arith.index_cast %swap3A_375 : i32 to index
    %swap3A_378 = arith.index_cast %swap3A_376 : i32 to index
    %swap3A_379 = memref.load %arg6[%swap3A_377, %swap3A_378] : memref<128x2xi32, #tpu.memory_space<smem>>
    memref.store %squeeze3A_374, %arg6[%swap3A_377, %swap3A_378] : memref<128x2xi32, #tpu.memory_space<smem>>
    %slice3A_380 = vector.extract_strided_slice %get3A_344 {offsets = [5], sizes = [1], strides = [1]} : vector<16xi32> to vector<1xi32>
    %squeeze3A_381 = vector.extract %slice3A_380[0] : i32 from vector<1xi32>
    %swap3A_382 = arith.constant 26 : i32
    %swap3A_383 = arith.constant 1 : i32
    %swap3A_384 = arith.index_cast %swap3A_382 : i32 to index
    %swap3A_385 = arith.index_cast %swap3A_383 : i32 to index
    %swap3A_386 = memref.load %arg6[%swap3A_384, %swap3A_385] : memref<128x2xi32, #tpu.memory_space<smem>>
    memref.store %squeeze3A_381, %arg6[%swap3A_384, %swap3A_385] : memref<128x2xi32, #tpu.memory_space<smem>>
    %slice3A_387 = vector.extract_strided_slice %get3A_344 {offsets = [6], sizes = [1], strides = [1]} : vector<16xi32> to vector<1xi32>
    %squeeze3A_388 = vector.extract %slice3A_387[0] : i32 from vector<1xi32>
    %swap3A_389 = arith.constant 27 : i32
    %swap3A_390 = arith.constant 0 : i32
    %swap3A_391 = arith.index_cast %swap3A_389 : i32 to index
    %swap3A_392 = arith.index_cast %swap3A_390 : i32 to index
    %swap3A_393 = memref.load %arg6[%swap3A_391, %swap3A_392] : memref<128x2xi32, #tpu.memory_space<smem>>
    memref.store %squeeze3A_388, %arg6[%swap3A_391, %swap3A_392] : memref<128x2xi32, #tpu.memory_space<smem>>
    %slice3A_394 = vector.extract_strided_slice %get3A_344 {offsets = [7], sizes = [1], strides = [1]} : vector<16xi32> to vector<1xi32>
    %squeeze3A_395 = vector.extract %slice3A_394[0] : i32 from vector<1xi32>
    %swap3A_396 = arith.constant 27 : i32
    %swap3A_397 = arith.constant 1 : i32
    %swap3A_398 = arith.index_cast %swap3A_396 : i32 to index
    %swap3A_399 = arith.index_cast %swap3A_397 : i32 to index
    %swap3A_400 = memref.load %arg6[%swap3A_398, %swap3A_399] : memref<128x2xi32, #tpu.memory_space<smem>>
    memref.store %squeeze3A_395, %arg6[%swap3A_398, %swap3A_399] : memref<128x2xi32, #tpu.memory_space<smem>>
    %slice3A_401 = vector.extract_strided_slice %get3A_344 {offsets = [8], sizes = [1], strides = [1]} : vector<16xi32> to vector<1xi32>
    %squeeze3A_402 = vector.extract %slice3A_401[0] : i32 from vector<1xi32>
    %swap3A_403 = arith.constant 28 : i32
    %swap3A_404 = arith.constant 0 : i32
    %swap3A_405 = arith.index_cast %swap3A_403 : i32 to index
    %swap3A_406 = arith.index_cast %swap3A_404 : i32 to index
    %swap3A_407 = memref.load %arg6[%swap3A_405, %swap3A_406] : memref<128x2xi32, #tpu.memory_space<smem>>
    memref.store %squeeze3A_402, %arg6[%swap3A_405, %swap3A_406] : memref<128x2xi32, #tpu.memory_space<smem>>
    %slice3A_408 = vector.extract_strided_slice %get3A_344 {offsets = [9], sizes = [1], strides = [1]} : vector<16xi32> to vector<1xi32>
    %squeeze3A_409 = vector.extract %slice3A_408[0] : i32 from vector<1xi32>
    %swap3A_410 = arith.constant 28 : i32
    %swap3A_411 = arith.constant 1 : i32
    %swap3A_412 = arith.index_cast %swap3A_410 : i32 to index
    %swap3A_413 = arith.index_cast %swap3A_411 : i32 to index
    %swap3A_414 = memref.load %arg6[%swap3A_412, %swap3A_413] : memref<128x2xi32, #tpu.memory_space<smem>>
    memref.store %squeeze3A_409, %arg6[%swap3A_412, %swap3A_413] : memref<128x2xi32, #tpu.memory_space<smem>>
    %slice3A_415 = vector.extract_strided_slice %get3A_344 {offsets = [10], sizes = [1], strides = [1]} : vector<16xi32> to vector<1xi32>
    %squeeze3A_416 = vector.extract %slice3A_415[0] : i32 from vector<1xi32>
    %swap3A_417 = arith.constant 29 : i32
    %swap3A_418 = arith.constant 0 : i32
    %swap3A_419 = arith.index_cast %swap3A_417 : i32 to index
    %swap3A_420 = arith.index_cast %swap3A_418 : i32 to index
    %swap3A_421 = memref.load %arg6[%swap3A_419, %swap3A_420] : memref<128x2xi32, #tpu.memory_space<smem>>
    memref.store %squeeze3A_416, %arg6[%swap3A_419, %swap3A_420] : memref<128x2xi32, #tpu.memory_space<smem>>
    %slice3A_422 = vector.extract_strided_slice %get3A_344 {offsets = [11], sizes = [1], strides = [1]} : vector<16xi32> to vector<1xi32>
    %squeeze3A_423 = vector.extract %slice3A_422[0] : i32 from vector<1xi32>
    %swap3A_424 = arith.constant 29 : i32
    %swap3A_425 = arith.constant 1 : i32
    %swap3A_426 = arith.index_cast %swap3A_424 : i32 to index
    %swap3A_427 = arith.index_cast %swap3A_425 : i32 to index
    %swap3A_428 = memref.load %arg6[%swap3A_426, %swap3A_427] : memref<128x2xi32, #tpu.memory_space<smem>>
    memref.store %squeeze3A_423, %arg6[%swap3A_426, %swap3A_427] : memref<128x2xi32, #tpu.memory_space<smem>>
    %slice3A_429 = vector.extract_strided_slice %get3A_344 {offsets = [12], sizes = [1], strides = [1]} : vector<16xi32> to vector<1xi32>
    %squeeze3A_430 = vector.extract %slice3A_429[0] : i32 from vector<1xi32>
    %swap3A_431 = arith.constant 30 : i32
    %swap3A_432 = arith.constant 0 : i32
    %swap3A_433 = arith.index_cast %swap3A_431 : i32 to index
    %swap3A_434 = arith.index_cast %swap3A_432 : i32 to index
    %swap3A_435 = memref.load %arg6[%swap3A_433, %swap3A_434] : memref<128x2xi32, #tpu.memory_space<smem>>
    memref.store %squeeze3A_430, %arg6[%swap3A_433, %swap3A_434] : memref<128x2xi32, #tpu.memory_space<smem>>
    %slice3A_436 = vector.extract_strided_slice %get3A_344 {offsets = [13], sizes = [1], strides = [1]} : vector<16xi32> to vector<1xi32>
    %squeeze3A_437 = vector.extract %slice3A_436[0] : i32 from vector<1xi32>
    %swap3A_438 = arith.constant 30 : i32
    %swap3A_439 = arith.constant 1 : i32
    %swap3A_440 = arith.index_cast %swap3A_438 : i32 to index
    %swap3A_441 = arith.index_cast %swap3A_439 : i32 to index
    %swap3A_442 = memref.load %arg6[%swap3A_440, %swap3A_441] : memref<128x2xi32, #tpu.memory_space<smem>>
    memref.store %squeeze3A_437, %arg6[%swap3A_440, %swap3A_441] : memref<128x2xi32, #tpu.memory_space<smem>>
    %slice3A_443 = vector.extract_strided_slice %get3A_344 {offsets = [14], sizes = [1], strides = [1]} : vector<16xi32> to vector<1xi32>
    %squeeze3A_444 = vector.extract %slice3A_443[0] : i32 from vector<1xi32>
    %swap3A_445 = arith.constant 31 : i32
    %swap3A_446 = arith.constant 0 : i32
    %swap3A_447 = arith.index_cast %swap3A_445 : i32 to index
    %swap3A_448 = arith.index_cast %swap3A_446 : i32 to index
    %swap3A_449 = memref.load %arg6[%swap3A_447, %swap3A_448] : memref<128x2xi32, #tpu.memory_space<smem>>
    memref.store %squeeze3A_444, %arg6[%swap3A_447, %swap3A_448] : memref<128x2xi32, #tpu.memory_space<smem>>
    %slice3A_450 = vector.extract_strided_slice %get3A_344 {offsets = [15], sizes = [1], strides = [1]} : vector<16xi32> to vector<1xi32>
    %squeeze3A_451 = vector.extract %slice3A_450[0] : i32 from vector<1xi32>
    %swap3A_452 = arith.constant 31 : i32
    %swap3A_453 = arith.constant 1 : i32
    %swap3A_454 = arith.index_cast %swap3A_452 : i32 to index
    %swap3A_455 = arith.index_cast %swap3A_453 : i32 to index
    %swap3A_456 = memref.load %arg6[%swap3A_454, %swap3A_455] : memref<128x2xi32, #tpu.memory_space<smem>>
    memref.store %squeeze3A_451, %arg6[%swap3A_454, %swap3A_455] : memref<128x2xi32, #tpu.memory_space<smem>>
    %get3A_457 = arith.constant 64 : index
    %get3A_458 = tpu.vector_load %arg5[%get3A_457] {strides = array<i32>} : memref<256xi32, #tpu.memory_space<vmem>>, vector<16xi32>,
    %slice3A_459 = vector.extract_strided_slice %get3A_458 {offsets = [0], sizes = [1], strides = [1]} : vector<16xi32> to vector<1xi32>
    %squeeze3A_460 = vector.extract %slice3A_459[0] : i32 from vector<1xi32>
    %swap3A_461 = arith.constant 32 : i32
    %swap3A_462 = arith.constant 0 : i32
    %swap3A_463 = arith.index_cast %swap3A_461 : i32 to index
    %swap3A_464 = arith.index_cast %swap3A_462 : i32 to index
    %swap3A_465 = memref.load %arg6[%swap3A_463, %swap3A_464] : memref<128x2xi32, #tpu.memory_space<smem>>
    memref.store %squeeze3A_460, %arg6[%swap3A_463, %swap3A_464] : memref<128x2xi32, #tpu.memory_space<smem>>
    %slice3A_466 = vector.extract_strided_slice %get3A_458 {offsets = [1], sizes = [1], strides = [1]} : vector<16xi32> to vector<1xi32>
    %squeeze3A_467 = vector.extract %slice3A_466[0] : i32 from vector<1xi32>
    %swap3A_468 = arith.constant 32 : i32
    %swap3A_469 = arith.constant 1 : i32
    %swap3A_470 = arith.index_cast %swap3A_468 : i32 to index
    %swap3A_471 = arith.index_cast %swap3A_469 : i32 to index
    %swap3A_472 = memref.load %arg6[%swap3A_470, %swap3A_471] : memref<128x2xi32, #tpu.memory_space<smem>>
    memref.store %squeeze3A_467, %arg6[%swap3A_470, %swap3A_471] : memref<128x2xi32, #tpu.memory_space<smem>>
    %slice3A_473 = vector.extract_strided_slice %get3A_458 {offsets = [2], sizes = [1], strides = [1]} : vector<16xi32> to vector<1xi32>
    %squeeze3A_474 = vector.extract %slice3A_473[0] : i32 from vector<1xi32>
    %swap3A_475 = arith.constant 33 : i32
    %swap3A_476 = arith.constant 0 : i32
    %swap3A_477 = arith.index_cast %swap3A_475 : i32 to index
    %swap3A_478 = arith.index_cast %swap3A_476 : i32 to index
    %swap3A_479 = memref.load %arg6[%swap3A_477, %swap3A_478] : memref<128x2xi32, #tpu.memory_space<smem>>
    memref.store %squeeze3A_474, %arg6[%swap3A_477, %swap3A_478] : memref<128x2xi32, #tpu.memory_space<smem>>
    %slice3A_480 = vector.extract_strided_slice %get3A_458 {offsets = [3], sizes = [1], strides = [1]} : vector<16xi32> to vector<1xi32>
    %squeeze3A_481 = vector.extract %slice3A_480[0] : i32 from vector<1xi32>
    %swap3A_482 = arith.constant 33 : i32
    %swap3A_483 = arith.constant 1 : i32
    %swap3A_484 = arith.index_cast %swap3A_482 : i32 to index
    %swap3A_485 = arith.index_cast %swap3A_483 : i32 to index
    %swap3A_486 = memref.load %arg6[%swap3A_484, %swap3A_485] : memref<128x2xi32, #tpu.memory_space<smem>>
    memref.store %squeeze3A_481, %arg6[%swap3A_484, %swap3A_485] : memref<128x2xi32, #tpu.memory_space<smem>>
    %slice3A_487 = vector.extract_strided_slice %get3A_458 {offsets = [4], sizes = [1], strides = [1]} : vector<16xi32> to vector<1xi32>
    %squeeze3A_488 = vector.extract %slice3A_487[0] : i32 from vector<1xi32>
    %swap3A_489 = arith.constant 34 : i32
    %swap3A_490 = arith.constant 0 : i32
    %swap3A_491 = arith.index_cast %swap3A_489 : i32 to index
    %swap3A_492 = arith.index_cast %swap3A_490 : i32 to index
    %swap3A_493 = memref.load %arg6[%swap3A_491, %swap3A_492] : memref<128x2xi32, #tpu.memory_space<smem>>
    memref.store %squeeze3A_488, %arg6[%swap3A_491, %swap3A_492] : memref<128x2xi32, #tpu.memory_space<smem>>
    %slice3A_494 = vector.extract_strided_slice %get3A_458 {offsets = [5], sizes = [1], strides = [1]} : vector<16xi32> to vector<1xi32>
    %squeeze3A_495 = vector.extract %slice3A_494[0] : i32 from vector<1xi32>
    %swap3A_496 = arith.constant 34 : i32
    %swap3A_497 = arith.constant 1 : i32
    %swap3A_498 = arith.index_cast %swap3A_496 : i32 to index
    %swap3A_499 = arith.index_cast %swap3A_497 : i32 to index
    %swap3A_500 = memref.load %arg6[%swap3A_498, %swap3A_499] : memref<128x2xi32, #tpu.memory_space<smem>>
    memref.store %squeeze3A_495, %arg6[%swap3A_498, %swap3A_499] : memref<128x2xi32, #tpu.memory_space<smem>>
    %slice3A_501 = vector.extract_strided_slice %get3A_458 {offsets = [6], sizes = [1], strides = [1]} : vector<16xi32> to vector<1xi32>
    %squeeze3A_502 = vector.extract %slice3A_501[0] : i32 from vector<1xi32>
    %swap3A_503 = arith.constant 35 : i32
    %swap3A_504 = arith.constant 0 : i32
    %swap3A_505 = arith.index_cast %swap3A_503 : i32 to index
    %swap3A_506 = arith.index_cast %swap3A_504 : i32 to index
    %swap3A_507 = memref.load %arg6[%swap3A_505, %swap3A_506] : memref<128x2xi32, #tpu.memory_space<smem>>
    memref.store %squeeze3A_502, %arg6[%swap3A_505, %swap3A_506] : memref<128x2xi32, #tpu.memory_space<smem>>
    %slice3A_508 = vector.extract_strided_slice %get3A_458 {offsets = [7], sizes = [1], strides = [1]} : vector<16xi32> to vector<1xi32>
    %squeeze3A_509 = vector.extract %slice3A_508[0] : i32 from vector<1xi32>
    %swap3A_510 = arith.constant 35 : i32
    %swap3A_511 = arith.constant 1 : i32
    %swap3A_512 = arith.index_cast %swap3A_510 : i32 to index
    %swap3A_513 = arith.index_cast %swap3A_511 : i32 to index
    %swap3A_514 = memref.load %arg6[%swap3A_512, %swap3A_513] : memref<128x2xi32, #tpu.memory_space<smem>>
    memref.store %squeeze3A_509, %arg6[%swap3A_512, %swap3A_513] : memref<128x2xi32, #tpu.memory_space<smem>>
    %slice3A_515 = vector.extract_strided_slice %get3A_458 {offsets = [8], sizes = [1], strides = [1]} : vector<16xi32> to vector<1xi32>
    %squeeze3A_516 = vector.extract %slice3A_515[0] : i32 from vector<1xi32>
    %swap3A_517 = arith.constant 36 : i32
    %swap3A_518 = arith.constant 0 : i32
    %swap3A_519 = arith.index_cast %swap3A_517 : i32 to index
    %swap3A_520 = arith.index_cast %swap3A_518 : i32 to index
    %swap3A_521 = memref.load %arg6[%swap3A_519, %swap3A_520] : memref<128x2xi32, #tpu.memory_space<smem>>
    memref.store %squeeze3A_516, %arg6[%swap3A_519, %swap3A_520] : memref<128x2xi32, #tpu.memory_space<smem>>
    %slice3A_522 = vector.extract_strided_slice %get3A_458 {offsets = [9], sizes = [1], strides = [1]} : vector<16xi32> to vector<1xi32>
    %squeeze3A_523 = vector.extract %slice3A_522[0] : i32 from vector<1xi32>
    %swap3A_524 = arith.constant 36 : i32
    %swap3A_525 = arith.constant 1 : i32
    %swap3A_526 = arith.index_cast %swap3A_524 : i32 to index
    %swap3A_527 = arith.index_cast %swap3A_525 : i32 to index
    %swap3A_528 = memref.load %arg6[%swap3A_526, %swap3A_527] : memref<128x2xi32, #tpu.memory_space<smem>>
    memref.store %squeeze3A_523, %arg6[%swap3A_526, %swap3A_527] : memref<128x2xi32, #tpu.memory_space<smem>>
    %slice3A_529 = vector.extract_strided_slice %get3A_458 {offsets = [10], sizes = [1], strides = [1]} : vector<16xi32> to vector<1xi32>
    %squeeze3A_530 = vector.extract %slice3A_529[0] : i32 from vector<1xi32>
    %swap3A_531 = arith.constant 37 : i32
    %swap3A_532 = arith.constant 0 : i32
    %swap3A_533 = arith.index_cast %swap3A_531 : i32 to index
    %swap3A_534 = arith.index_cast %swap3A_532 : i32 to index
    %swap3A_535 = memref.load %arg6[%swap3A_533, %swap3A_534] : memref<128x2xi32, #tpu.memory_space<smem>>
    memref.store %squeeze3A_530, %arg6[%swap3A_533, %swap3A_534] : memref<128x2xi32, #tpu.memory_space<smem>>
    %slice3A_536 = vector.extract_strided_slice %get3A_458 {offsets = [11], sizes = [1], strides = [1]} : vector<16xi32> to vector<1xi32>
    %squeeze3A_537 = vector.extract %slice3A_536[0] : i32 from vector<1xi32>
    %swap3A_538 = arith.constant 37 : i32
    %swap3A_539 = arith.constant 1 : i32
    %swap3A_540 = arith.index_cast %swap3A_538 : i32 to index
    %swap3A_541 = arith.index_cast %swap3A_539 : i32 to index
    %swap3A_542 = memref.load %arg6[%swap3A_540, %swap3A_541] : memref<128x2xi32, #tpu.memory_space<smem>>
    memref.store %squeeze3A_537, %arg6[%swap3A_540, %swap3A_541] : memref<128x2xi32, #tpu.memory_space<smem>>
    %slice3A_543 = vector.extract_strided_slice %get3A_458 {offsets = [12], sizes = [1], strides = [1]} : vector<16xi32> to vector<1xi32>
    %squeeze3A_544 = vector.extract %slice3A_543[0] : i32 from vector<1xi32>
    %swap3A_545 = arith.constant 38 : i32
    %swap3A_546 = arith.constant 0 : i32
    %swap3A_547 = arith.index_cast %swap3A_545 : i32 to index
    %swap3A_548 = arith.index_cast %swap3A_546 : i32 to index
    %swap3A_549 = memref.load %arg6[%swap3A_547, %swap3A_548] : memref<128x2xi32, #tpu.memory_space<smem>>
    memref.store %squeeze3A_544, %arg6[%swap3A_547, %swap3A_548] : memref<128x2xi32, #tpu.memory_space<smem>>
    %slice3A_550 = vector.extract_strided_slice %get3A_458 {offsets = [13], sizes = [1], strides = [1]} : vector<16xi32> to vector<1xi32>
    %squeeze3A_551 = vector.extract %slice3A_550[0] : i32 from vector<1xi32>
    %swap3A_552 = arith.constant 38 : i32
    %swap3A_553 = arith.constant 1 : i32
    %swap3A_554 = arith.index_cast %swap3A_552 : i32 to index
    %swap3A_555 = arith.index_cast %swap3A_553 : i32 to index
    %swap3A_556 = memref.load %arg6[%swap3A_554, %swap3A_555] : memref<128x2xi32, #tpu.memory_space<smem>>
    memref.store %squeeze3A_551, %arg6[%swap3A_554, %swap3A_555] : memref<128x2xi32, #tpu.memory_space<smem>>
    %slice3A_557 = vector.extract_strided_slice %get3A_458 {offsets = [14], sizes = [1], strides = [1]} : vector<16xi32> to vector<1xi32>
    %squeeze3A_558 = vector.extract %slice3A_557[0] : i32 from vector<1xi32>
    %swap3A_559 = arith.constant 39 : i32
    %swap3A_560 = arith.constant 0 : i32
    %swap3A_561 = arith.index_cast %swap3A_559 : i32 to index
    %swap3A_562 = arith.index_cast %swap3A_560 : i32 to index
    %swap3A_563 = memref.load %arg6[%swap3A_561, %swap3A_562] : memref<128x2xi32, #tpu.memory_space<smem>>
    memref.store %squeeze3A_558, %arg6[%swap3A_561, %swap3A_562] : memref<128x2xi32, #tpu.memory_space<smem>>
    %slice3A_564 = vector.extract_strided_slice %get3A_458 {offsets = [15], sizes = [1], strides = [1]} : vector<16xi32> to vector<1xi32>
    %squeeze3A_565 = vector.extract %slice3A_564[0] : i32 from vector<1xi32>
    %swap3A_566 = arith.constant 39 : i32
    %swap3A_567 = arith.constant 1 : i32
    %swap3A_568 = arith.index_cast %swap3A_566 : i32 to index
    %swap3A_569 = arith.index_cast %swap3A_567 : i32 to index
    %swap3A_570 = memref.load %arg6[%swap3A_568, %swap3A_569] : memref<128x2xi32, #tpu.memory_space<smem>>
    memref.store %squeeze3A_565, %arg6[%swap3A_568, %swap3A_569] : memref<128x2xi32, #tpu.memory_space<smem>>
    %get3A_571 = arith.constant 80 : index
    %get3A_572 = tpu.vector_load %arg5[%get3A_571] {strides = array<i32>} : memref<256xi32, #tpu.memory_space<vmem>>, vector<16xi32>,
    %slice3A_573 = vector.extract_strided_slice %get3A_572 {offsets = [0], sizes = [1], strides = [1]} : vector<16xi32> to vector<1xi32>
    %squeeze3A_574 = vector.extract %slice3A_573[0] : i32 from vector<1xi32>
    %swap3A_575 = arith.constant 40 : i32
    %swap3A_576 = arith.constant 0 : i32
    %swap3A_577 = arith.index_cast %swap3A_575 : i32 to index
    %swap3A_578 = arith.index_cast %swap3A_576 : i32 to index
    %swap3A_579 = memref.load %arg6[%swap3A_577, %swap3A_578] : memref<128x2xi32, #tpu.memory_space<smem>>
    memref.store %squeeze3A_574, %arg6[%swap3A_577, %swap3A_578] : memref<128x2xi32, #tpu.memory_space<smem>>
    %slice3A_580 = vector.extract_strided_slice %get3A_572 {offsets = [1], sizes = [1], strides = [1]} : vector<16xi32> to vector<1xi32>
    %squeeze3A_581 = vector.extract %slice3A_580[0] : i32 from vector<1xi32>
    %swap3A_582 = arith.constant 40 : i32
    %swap3A_583 = arith.constant 1 : i32
    %swap3A_584 = arith.index_cast %swap3A_582 : i32 to index
    %swap3A_585 = arith.index_cast %swap3A_583 : i32 to index
    %swap3A_586 = memref.load %arg6[%swap3A_584, %swap3A_585] : memref<128x2xi32, #tpu.memory_space<smem>>
    memref.store %squeeze3A_581, %arg6[%swap3A_584, %swap3A_585] : memref<128x2xi32, #tpu.memory_space<smem>>
    %slice3A_587 = vector.extract_strided_slice %get3A_572 {offsets = [2], sizes = [1], strides = [1]} : vector<16xi32> to vector<1xi32>
    %squeeze3A_588 = vector.extract %slice3A_587[0] : i32 from vector<1xi32>
    %swap3A_589 = arith.constant 41 : i32
    %swap3A_590 = arith.constant 0 : i32
    %swap3A_591 = arith.index_cast %swap3A_589 : i32 to index
    %swap3A_592 = arith.index_cast %swap3A_590 : i32 to index
    %swap3A_593 = memref.load %arg6[%swap3A_591, %swap3A_592] : memref<128x2xi32, #tpu.memory_space<smem>>
    memref.store %squeeze3A_588, %arg6[%swap3A_591, %swap3A_592] : memref<128x2xi32, #tpu.memory_space<smem>>
    %slice3A_594 = vector.extract_strided_slice %get3A_572 {offsets = [3], sizes = [1], strides = [1]} : vector<16xi32> to vector<1xi32>
    %squeeze3A_595 = vector.extract %slice3A_594[0] : i32 from vector<1xi32>
    %swap3A_596 = arith.constant 41 : i32
    %swap3A_597 = arith.constant 1 : i32
    %swap3A_598 = arith.index_cast %swap3A_596 : i32 to index
    %swap3A_599 = arith.index_cast %swap3A_597 : i32 to index
    %swap3A_600 = memref.load %arg6[%swap3A_598, %swap3A_599] : memref<128x2xi32, #tpu.memory_space<smem>>
    memref.store %squeeze3A_595, %arg6[%swap3A_598, %swap3A_599] : memref<128x2xi32, #tpu.memory_space<smem>>
    %slice3A_601 = vector.extract_strided_slice %get3A_572 {offsets = [4], sizes = [1], strides = [1]} : vector<16xi32> to vector<1xi32>
    %squeeze3A_602 = vector.extract %slice3A_601[0] : i32 from vector<1xi32>
    %swap3A_603 = arith.constant 42 : i32
    %swap3A_604 = arith.constant 0 : i32
    %swap3A_605 = arith.index_cast %swap3A_603 : i32 to index
    %swap3A_606 = arith.index_cast %swap3A_604 : i32 to index
    %swap3A_607 = memref.load %arg6[%swap3A_605, %swap3A_606] : memref<128x2xi32, #tpu.memory_space<smem>>
    memref.store %squeeze3A_602, %arg6[%swap3A_605, %swap3A_606] : memref<128x2xi32, #tpu.memory_space<smem>>
    %slice3A_608 = vector.extract_strided_slice %get3A_572 {offsets = [5], sizes = [1], strides = [1]} : vector<16xi32> to vector<1xi32>
    %squeeze3A_609 = vector.extract %slice3A_608[0] : i32 from vector<1xi32>
    %swap3A_610 = arith.constant 42 : i32
    %swap3A_611 = arith.constant 1 : i32
    %swap3A_612 = arith.index_cast %swap3A_610 : i32 to index
    %swap3A_613 = arith.index_cast %swap3A_611 : i32 to index
    %swap3A_614 = memref.load %arg6[%swap3A_612, %swap3A_613] : memref<128x2xi32, #tpu.memory_space<smem>>
    memref.store %squeeze3A_609, %arg6[%swap3A_612, %swap3A_613] : memref<128x2xi32, #tpu.memory_space<smem>>
    %slice3A_615 = vector.extract_strided_slice %get3A_572 {offsets = [6], sizes = [1], strides = [1]} : vector<16xi32> to vector<1xi32>
    %squeeze3A_616 = vector.extract %slice3A_615[0] : i32 from vector<1xi32>
    %swap3A_617 = arith.constant 43 : i32
    %swap3A_618 = arith.constant 0 : i32
    %swap3A_619 = arith.index_cast %swap3A_617 : i32 to index
    %swap3A_620 = arith.index_cast %swap3A_618 : i32 to index
    %swap3A_621 = memref.load %arg6[%swap3A_619, %swap3A_620] : memref<128x2xi32, #tpu.memory_space<smem>>
    memref.store %squeeze3A_616, %arg6[%swap3A_619, %swap3A_620] : memref<128x2xi32, #tpu.memory_space<smem>>
    %slice3A_622 = vector.extract_strided_slice %get3A_572 {offsets = [7], sizes = [1], strides = [1]} : vector<16xi32> to vector<1xi32>
    %squeeze3A_623 = vector.extract %slice3A_622[0] : i32 from vector<1xi32>
    %swap3A_624 = arith.constant 43 : i32
    %swap3A_625 = arith.constant 1 : i32
    %swap3A_626 = arith.index_cast %swap3A_624 : i32 to index
    %swap3A_627 = arith.index_cast %swap3A_625 : i32 to index
    %swap3A_628 = memref.load %arg6[%swap3A_626, %swap3A_627] : memref<128x2xi32, #tpu.memory_space<smem>>
    memref.store %squeeze3A_623, %arg6[%swap3A_626, %swap3A_627] : memref<128x2xi32, #tpu.memory_space<smem>>
    %slice3A_629 = vector.extract_strided_slice %get3A_572 {offsets = [8], sizes = [1], strides = [1]} : vector<16xi32> to vector<1xi32>
    %squeeze3A_630 = vector.extract %slice3A_629[0] : i32 from vector<1xi32>
    %swap3A_631 = arith.constant 44 : i32
    %swap3A_632 = arith.constant 0 : i32
    %swap3A_633 = arith.index_cast %swap3A_631 : i32 to index
    %swap3A_634 = arith.index_cast %swap3A_632 : i32 to index
    %swap3A_635 = memref.load %arg6[%swap3A_633, %swap3A_634] : memref<128x2xi32, #tpu.memory_space<smem>>
    memref.store %squeeze3A_630, %arg6[%swap3A_633, %swap3A_634] : memref<128x2xi32, #tpu.memory_space<smem>>
    %slice3A_636 = vector.extract_strided_slice %get3A_572 {offsets = [9], sizes = [1], strides = [1]} : vector<16xi32> to vector<1xi32>
    %squeeze3A_637 = vector.extract %slice3A_636[0] : i32 from vector<1xi32>
    %swap3A_638 = arith.constant 44 : i32
    %swap3A_639 = arith.constant 1 : i32
    %swap3A_640 = arith.index_cast %swap3A_638 : i32 to index
    %swap3A_641 = arith.index_cast %swap3A_639 : i32 to index
    %swap3A_642 = memref.load %arg6[%swap3A_640, %swap3A_641] : memref<128x2xi32, #tpu.memory_space<smem>>
    memref.store %squeeze3A_637, %arg6[%swap3A_640, %swap3A_641] : memref<128x2xi32, #tpu.memory_space<smem>>
    %slice3A_643 = vector.extract_strided_slice %get3A_572 {offsets = [10], sizes = [1], strides = [1]} : vector<16xi32> to vector<1xi32>
    %squeeze3A_644 = vector.extract %slice3A_643[0] : i32 from vector<1xi32>
    %swap3A_645 = arith.constant 45 : i32
    %swap3A_646 = arith.constant 0 : i32
    %swap3A_647 = arith.index_cast %swap3A_645 : i32 to index
    %swap3A_648 = arith.index_cast %swap3A_646 : i32 to index
    %swap3A_649 = memref.load %arg6[%swap3A_647, %swap3A_648] : memref<128x2xi32, #tpu.memory_space<smem>>
    memref.store %squeeze3A_644, %arg6[%swap3A_647, %swap3A_648] : memref<128x2xi32, #tpu.memory_space<smem>>
    %slice3A_650 = vector.extract_strided_slice %get3A_572 {offsets = [11], sizes = [1], strides = [1]} : vector<16xi32> to vector<1xi32>
    %squeeze3A_651 = vector.extract %slice3A_650[0] : i32 from vector<1xi32>
    %swap3A_652 = arith.constant 45 : i32
    %swap3A_653 = arith.constant 1 : i32
    %swap3A_654 = arith.index_cast %swap3A_652 : i32 to index
    %swap3A_655 = arith.index_cast %swap3A_653 : i32 to index
    %swap3A_656 = memref.load %arg6[%swap3A_654, %swap3A_655] : memref<128x2xi32, #tpu.memory_space<smem>>
    memref.store %squeeze3A_651, %arg6[%swap3A_654, %swap3A_655] : memref<128x2xi32, #tpu.memory_space<smem>>
    %slice3A_657 = vector.extract_strided_slice %get3A_572 {offsets = [12], sizes = [1], strides = [1]} : vector<16xi32> to vector<1xi32>
    %squeeze3A_658 = vector.extract %slice3A_657[0] : i32 from vector<1xi32>
    %swap3A_659 = arith.constant 46 : i32
    %swap3A_660 = arith.constant 0 : i32
    %swap3A_661 = arith.index_cast %swap3A_659 : i32 to index
    %swap3A_662 = arith.index_cast %swap3A_660 : i32 to index
    %swap3A_663 = memref.load %arg6[%swap3A_661, %swap3A_662] : memref<128x2xi32, #tpu.memory_space<smem>>
    memref.store %squeeze3A_658, %arg6[%swap3A_661, %swap3A_662] : memref<128x2xi32, #tpu.memory_space<smem>>
    %slice3A_664 = vector.extract_strided_slice %get3A_572 {offsets = [13], sizes = [1], strides = [1]} : vector<16xi32> to vector<1xi32>
    %squeeze3A_665 = vector.extract %slice3A_664[0] : i32 from vector<1xi32>
    %swap3A_666 = arith.constant 46 : i32
    %swap3A_667 = arith.constant 1 : i32
    %swap3A_668 = arith.index_cast %swap3A_666 : i32 to index
    %swap3A_669 = arith.index_cast %swap3A_667 : i32 to index
    %swap3A_670 = memref.load %arg6[%swap3A_668, %swap3A_669] : memref<128x2xi32, #tpu.memory_space<smem>>
    memref.store %squeeze3A_665, %arg6[%swap3A_668, %swap3A_669] : memref<128x2xi32, #tpu.memory_space<smem>>
    %slice3A_671 = vector.extract_strided_slice %get3A_572 {offsets = [14], sizes = [1], strides = [1]} : vector<16xi32> to vector<1xi32>
    %squeeze3A_672 = vector.extract %slice3A_671[0] : i32 from vector<1xi32>
    %swap3A_673 = arith.constant 47 : i32
    %swap3A_674 = arith.constant 0 : i32
    %swap3A_675 = arith.index_cast %swap3A_673 : i32 to index
    %swap3A_676 = arith.index_cast %swap3A_674 : i32 to index
    %swap3A_677 = memref.load %arg6[%swap3A_675, %swap3A_676] : memref<128x2xi32, #tpu.memory_space<smem>>
    memref.store %squeeze3A_672, %arg6[%swap3A_675, %swap3A_676] : memref<128x2xi32, #tpu.memory_space<smem>>
    %slice3A_678 = vector.extract_strided_slice %get3A_572 {offsets = [15], sizes = [1], strides = [1]} : vector<16xi32> to vector<1xi32>
    %squeeze3A_679 = vector.extract %slice3A_678[0] : i32 from vector<1xi32>
    %swap3A_680 = arith.constant 47 : i32
    %swap3A_681 = arith.constant 1 : i32
    %swap3A_682 = arith.index_cast %swap3A_680 : i32 to index
    %swap3A_683 = arith.index_cast %swap3A_681 : i32 to index
    %swap3A_684 = memref.load %arg6[%swap3A_682, %swap3A_683] : memref<128x2xi32, #tpu.memory_space<smem>>
    memref.store %squeeze3A_679, %arg6[%swap3A_682, %swap3A_683] : memref<128x2xi32, #tpu.memory_space<smem>>
    %get3A_685 = arith.constant 96 : index
    %get3A_686 = tpu.vector_load %arg5[%get3A_685] {strides = array<i32>} : memref<256xi32, #tpu.memory_space<vmem>>, vector<16xi32>,
    %slice3A_687 = vector.extract_strided_slice %get3A_686 {offsets = [0], sizes = [1], strides = [1]} : vector<16xi32> to vector<1xi32>
    %squeeze3A_688 = vector.extract %slice3A_687[0] : i32 from vector<1xi32>
    %swap3A_689 = arith.constant 48 : i32
    %swap3A_690 = arith.constant 0 : i32
    %swap3A_691 = arith.index_cast %swap3A_689 : i32 to index
    %swap3A_692 = arith.index_cast %swap3A_690 : i32 to index
    %swap3A_693 = memref.load %arg6[%swap3A_691, %swap3A_692] : memref<128x2xi32, #tpu.memory_space<smem>>
    memref.store %squeeze3A_688, %arg6[%swap3A_691, %swap3A_692] : memref<128x2xi32, #tpu.memory_space<smem>>
    %slice3A_694 = vector.extract_strided_slice %get3A_686 {offsets = [1], sizes = [1], strides = [1]} : vector<16xi32> to vector<1xi32>
    %squeeze3A_695 = vector.extract %slice3A_694[0] : i32 from vector<1xi32>
    %swap3A_696 = arith.constant 48 : i32
    %swap3A_697 = arith.constant 1 : i32
    %swap3A_698 = arith.index_cast %swap3A_696 : i32 to index
    %swap3A_699 = arith.index_cast %swap3A_697 : i32 to index
    %swap3A_700 = memref.load %arg6[%swap3A_698, %swap3A_699] : memref<128x2xi32, #tpu.memory_space<smem>>
    memref.store %squeeze3A_695, %arg6[%swap3A_698, %swap3A_699] : memref<128x2xi32, #tpu.memory_space<smem>>
    %slice3A_701 = vector.extract_strided_slice %get3A_686 {offsets = [2], sizes = [1], strides = [1]} : vector<16xi32> to vector<1xi32>
    %squeeze3A_702 = vector.extract %slice3A_701[0] : i32 from vector<1xi32>
    %swap3A_703 = arith.constant 49 : i32
    %swap3A_704 = arith.constant 0 : i32
    %swap3A_705 = arith.index_cast %swap3A_703 : i32 to index
    %swap3A_706 = arith.index_cast %swap3A_704 : i32 to index
    %swap3A_707 = memref.load %arg6[%swap3A_705, %swap3A_706] : memref<128x2xi32, #tpu.memory_space<smem>>
    memref.store %squeeze3A_702, %arg6[%swap3A_705, %swap3A_706] : memref<128x2xi32, #tpu.memory_space<smem>>
    %slice3A_708 = vector.extract_strided_slice %get3A_686 {offsets = [3], sizes = [1], strides = [1]} : vector<16xi32> to vector<1xi32>
    %squeeze3A_709 = vector.extract %slice3A_708[0] : i32 from vector<1xi32>
    %swap3A_710 = arith.constant 49 : i32
    %swap3A_711 = arith.constant 1 : i32
    %swap3A_712 = arith.index_cast %swap3A_710 : i32 to index
    %swap3A_713 = arith.index_cast %swap3A_711 : i32 to index
    %swap3A_714 = memref.load %arg6[%swap3A_712, %swap3A_713] : memref<128x2xi32, #tpu.memory_space<smem>>
    memref.store %squeeze3A_709, %arg6[%swap3A_712, %swap3A_713] : memref<128x2xi32, #tpu.memory_space<smem>>
    %slice3A_715 = vector.extract_strided_slice %get3A_686 {offsets = [4], sizes = [1], strides = [1]} : vector<16xi32> to vector<1xi32>
    %squeeze3A_716 = vector.extract %slice3A_715[0] : i32 from vector<1xi32>
    %swap3A_717 = arith.constant 50 : i32
    %swap3A_718 = arith.constant 0 : i32
    %swap3A_719 = arith.index_cast %swap3A_717 : i32 to index
    %swap3A_720 = arith.index_cast %swap3A_718 : i32 to index
    %swap3A_721 = memref.load %arg6[%swap3A_719, %swap3A_720] : memref<128x2xi32, #tpu.memory_space<smem>>
    memref.store %squeeze3A_716, %arg6[%swap3A_719, %swap3A_720] : memref<128x2xi32, #tpu.memory_space<smem>>
    %slice3A_722 = vector.extract_strided_slice %get3A_686 {offsets = [5], sizes = [1], strides = [1]} : vector<16xi32> to vector<1xi32>
    %squeeze3A_723 = vector.extract %slice3A_722[0] : i32 from vector<1xi32>
    %swap3A_724 = arith.constant 50 : i32
    %swap3A_725 = arith.constant 1 : i32
    %swap3A_726 = arith.index_cast %swap3A_724 : i32 to index
    %swap3A_727 = arith.index_cast %swap3A_725 : i32 to index
    %swap3A_728 = memref.load %arg6[%swap3A_726, %swap3A_727] : memref<128x2xi32, #tpu.memory_space<smem>>
    memref.store %squeeze3A_723, %arg6[%swap3A_726, %swap3A_727] : memref<128x2xi32, #tpu.memory_space<smem>>
    %slice3A_729 = vector.extract_strided_slice %get3A_686 {offsets = [6], sizes = [1], strides = [1]} : vector<16xi32> to vector<1xi32>
    %squeeze3A_730 = vector.extract %slice3A_729[0] : i32 from vector<1xi32>
    %swap3A_731 = arith.constant 51 : i32
    %swap3A_732 = arith.constant 0 : i32
    %swap3A_733 = arith.index_cast %swap3A_731 : i32 to index
    %swap3A_734 = arith.index_cast %swap3A_732 : i32 to index
    %swap3A_735 = memref.load %arg6[%swap3A_733, %swap3A_734] : memref<128x2xi32, #tpu.memory_space<smem>>
    memref.store %squeeze3A_730, %arg6[%swap3A_733, %swap3A_734] : memref<128x2xi32, #tpu.memory_space<smem>>
    %slice3A_736 = vector.extract_strided_slice %get3A_686 {offsets = [7], sizes = [1], strides = [1]} : vector<16xi32> to vector<1xi32>
    %squeeze3A_737 = vector.extract %slice3A_736[0] : i32 from vector<1xi32>
    %swap3A_738 = arith.constant 51 : i32
    %swap3A_739 = arith.constant 1 : i32
    %swap3A_740 = arith.index_cast %swap3A_738 : i32 to index
    %swap3A_741 = arith.index_cast %swap3A_739 : i32 to index
    %swap3A_742 = memref.load %arg6[%swap3A_740, %swap3A_741] : memref<128x2xi32, #tpu.memory_space<smem>>
    memref.store %squeeze3A_737, %arg6[%swap3A_740, %swap3A_741] : memref<128x2xi32, #tpu.memory_space<smem>>
    %slice3A_743 = vector.extract_strided_slice %get3A_686 {offsets = [8], sizes = [1], strides = [1]} : vector<16xi32> to vector<1xi32>
    %squeeze3A_744 = vector.extract %slice3A_743[0] : i32 from vector<1xi32>
    %swap3A_745 = arith.constant 52 : i32
    %swap3A_746 = arith.constant 0 : i32
    %swap3A_747 = arith.index_cast %swap3A_745 : i32 to index
    %swap3A_748 = arith.index_cast %swap3A_746 : i32 to index
    %swap3A_749 = memref.load %arg6[%swap3A_747, %swap3A_748] : memref<128x2xi32, #tpu.memory_space<smem>>
    memref.store %squeeze3A_744, %arg6[%swap3A_747, %swap3A_748] : memref<128x2xi32, #tpu.memory_space<smem>>
    %slice3A_750 = vector.extract_strided_slice %get3A_686 {offsets = [9], sizes = [1], strides = [1]} : vector<16xi32> to vector<1xi32>
    %squeeze3A_751 = vector.extract %slice3A_750[0] : i32 from vector<1xi32>
    %swap3A_752 = arith.constant 52 : i32
    %swap3A_753 = arith.constant 1 : i32
    %swap3A_754 = arith.index_cast %swap3A_752 : i32 to index
    %swap3A_755 = arith.index_cast %swap3A_753 : i32 to index
    %swap3A_756 = memref.load %arg6[%swap3A_754, %swap3A_755] : memref<128x2xi32, #tpu.memory_space<smem>>
    memref.store %squeeze3A_751, %arg6[%swap3A_754, %swap3A_755] : memref<128x2xi32, #tpu.memory_space<smem>>
    %slice3A_757 = vector.extract_strided_slice %get3A_686 {offsets = [10], sizes = [1], strides = [1]} : vector<16xi32> to vector<1xi32>
    %squeeze3A_758 = vector.extract %slice3A_757[0] : i32 from vector<1xi32>
    %swap3A_759 = arith.constant 53 : i32
    %swap3A_760 = arith.constant 0 : i32
    %swap3A_761 = arith.index_cast %swap3A_759 : i32 to index
    %swap3A_762 = arith.index_cast %swap3A_760 : i32 to index
    %swap3A_763 = memref.load %arg6[%swap3A_761, %swap3A_762] : memref<128x2xi32, #tpu.memory_space<smem>>
    memref.store %squeeze3A_758, %arg6[%swap3A_761, %swap3A_762] : memref<128x2xi32, #tpu.memory_space<smem>>
    %slice3A_764 = vector.extract_strided_slice %get3A_686 {offsets = [11], sizes = [1], strides = [1]} : vector<16xi32> to vector<1xi32>
    %squeeze3A_765 = vector.extract %slice3A_764[0] : i32 from vector<1xi32>
    %swap3A_766 = arith.constant 53 : i32
    %swap3A_767 = arith.constant 1 : i32
    %swap3A_768 = arith.index_cast %swap3A_766 : i32 to index
    %swap3A_769 = arith.index_cast %swap3A_767 : i32 to index
    %swap3A_770 = memref.load %arg6[%swap3A_768, %swap3A_769] : memref<128x2xi32, #tpu.memory_space<smem>>
    memref.store %squeeze3A_765, %arg6[%swap3A_768, %swap3A_769] : memref<128x2xi32, #tpu.memory_space<smem>>
    %slice3A_771 = vector.extract_strided_slice %get3A_686 {offsets = [12], sizes = [1], strides = [1]} : vector<16xi32> to vector<1xi32>
    %squeeze3A_772 = vector.extract %slice3A_771[0] : i32 from vector<1xi32>
    %swap3A_773 = arith.constant 54 : i32
    %swap3A_774 = arith.constant 0 : i32
    %swap3A_775 = arith.index_cast %swap3A_773 : i32 to index
    %swap3A_776 = arith.index_cast %swap3A_774 : i32 to index
    %swap3A_777 = memref.load %arg6[%swap3A_775, %swap3A_776] : memref<128x2xi32, #tpu.memory_space<smem>>
    memref.store %squeeze3A_772, %arg6[%swap3A_775, %swap3A_776] : memref<128x2xi32, #tpu.memory_space<smem>>
    %slice3A_778 = vector.extract_strided_slice %get3A_686 {offsets = [13], sizes = [1], strides = [1]} : vector<16xi32> to vector<1xi32>
    %squeeze3A_779 = vector.extract %slice3A_778[0] : i32 from vector<1xi32>
    %swap3A_780 = arith.constant 54 : i32
    %swap3A_781 = arith.constant 1 : i32
    %swap3A_782 = arith.index_cast %swap3A_780 : i32 to index
    %swap3A_783 = arith.index_cast %swap3A_781 : i32 to index
    %swap3A_784 = memref.load %arg6[%swap3A_782, %swap3A_783] : memref<128x2xi32, #tpu.memory_space<smem>>
    memref.store %squeeze3A_779, %arg6[%swap3A_782, %swap3A_783] : memref<128x2xi32, #tpu.memory_space<smem>>
    %slice3A_785 = vector.extract_strided_slice %get3A_686 {offsets = [14], sizes = [1], strides = [1]} : vector<16xi32> to vector<1xi32>
    %squeeze3A_786 = vector.extract %slice3A_785[0] : i32 from vector<1xi32>
    %swap3A_787 = arith.constant 55 : i32
    %swap3A_788 = arith.constant 0 : i32
    %swap3A_789 = arith.index_cast %swap3A_787 : i32 to index
    %swap3A_790 = arith.index_cast %swap3A_788 : i32 to index
    %swap3A_791 = memref.load %arg6[%swap3A_789, %swap3A_790] : memref<128x2xi32, #tpu.memory_space<smem>>
    memref.store %squeeze3A_786, %arg6[%swap3A_789, %swap3A_790] : memref<128x2xi32, #tpu.memory_space<smem>>
    %slice3A_792 = vector.extract_strided_slice %get3A_686 {offsets = [15], sizes = [1], strides = [1]} : vector<16xi32> to vector<1xi32>
    %squeeze3A_793 = vector.extract %slice3A_792[0] : i32 from vector<1xi32>
    %swap3A_794 = arith.constant 55 : i32
    %swap3A_795 = arith.constant 1 : i32
    %swap3A_796 = arith.index_cast %swap3A_794 : i32 to index
    %swap3A_797 = arith.index_cast %swap3A_795 : i32 to index
    %swap3A_798 = memref.load %arg6[%swap3A_796, %swap3A_797] : memref<128x2xi32, #tpu.memory_space<smem>>
    memref.store %squeeze3A_793, %arg6[%swap3A_796, %swap3A_797] : memref<128x2xi32, #tpu.memory_space<smem>>
    %get3A_799 = arith.constant 112 : index
    %get3A_800 = tpu.vector_load %arg5[%get3A_799] {strides = array<i32>} : memref<256xi32, #tpu.memory_space<vmem>>, vector<16xi32>,
    %slice3A_801 = vector.extract_strided_slice %get3A_800 {offsets = [0], sizes = [1], strides = [1]} : vector<16xi32> to vector<1xi32>
    %squeeze3A_802 = vector.extract %slice3A_801[0] : i32 from vector<1xi32>
    %swap3A_803 = arith.constant 56 : i32
    %swap3A_804 = arith.constant 0 : i32
    %swap3A_805 = arith.index_cast %swap3A_803 : i32 to index
    %swap3A_806 = arith.index_cast %swap3A_804 : i32 to index
    %swap3A_807 = memref.load %arg6[%swap3A_805, %swap3A_806] : memref<128x2xi32, #tpu.memory_space<smem>>
    memref.store %squeeze3A_802, %arg6[%swap3A_805, %swap3A_806] : memref<128x2xi32, #tpu.memory_space<smem>>
    %slice3A_808 = vector.extract_strided_slice %get3A_800 {offsets = [1], sizes = [1], strides = [1]} : vector<16xi32> to vector<1xi32>
    %squeeze3A_809 = vector.extract %slice3A_808[0] : i32 from vector<1xi32>
    %swap3A_810 = arith.constant 56 : i32
    %swap3A_811 = arith.constant 1 : i32
    %swap3A_812 = arith.index_cast %swap3A_810 : i32 to index
    %swap3A_813 = arith.index_cast %swap3A_811 : i32 to index
    %swap3A_814 = memref.load %arg6[%swap3A_812, %swap3A_813] : memref<128x2xi32, #tpu.memory_space<smem>>
    memref.store %squeeze3A_809, %arg6[%swap3A_812, %swap3A_813] : memref<128x2xi32, #tpu.memory_space<smem>>
    %slice3A_815 = vector.extract_strided_slice %get3A_800 {offsets = [2], sizes = [1], strides = [1]} : vector<16xi32> to vector<1xi32>
    %squeeze3A_816 = vector.extract %slice3A_815[0] : i32 from vector<1xi32>
    %swap3A_817 = arith.constant 57 : i32
    %swap3A_818 = arith.constant 0 : i32
    %swap3A_819 = arith.index_cast %swap3A_817 : i32 to index
    %swap3A_820 = arith.index_cast %swap3A_818 : i32 to index
    %swap3A_821 = memref.load %arg6[%swap3A_819, %swap3A_820] : memref<128x2xi32, #tpu.memory_space<smem>>
    memref.store %squeeze3A_816, %arg6[%swap3A_819, %swap3A_820] : memref<128x2xi32, #tpu.memory_space<smem>>
    %slice3A_822 = vector.extract_strided_slice %get3A_800 {offsets = [3], sizes = [1], strides = [1]} : vector<16xi32> to vector<1xi32>
    %squeeze3A_823 = vector.extract %slice3A_822[0] : i32 from vector<1xi32>
    %swap3A_824 = arith.constant 57 : i32
    %swap3A_825 = arith.constant 1 : i32
    %swap3A_826 = arith.index_cast %swap3A_824 : i32 to index
    %swap3A_827 = arith.index_cast %swap3A_825 : i32 to index
    %swap3A_828 = memref.load %arg6[%swap3A_826, %swap3A_827] : memref<128x2xi32, #tpu.memory_space<smem>>
    memref.store %squeeze3A_823, %arg6[%swap3A_826, %swap3A_827] : memref<128x2xi32, #tpu.memory_space<smem>>
    %slice3A_829 = vector.extract_strided_slice %get3A_800 {offsets = [4], sizes = [1], strides = [1]} : vector<16xi32> to vector<1xi32>
    %squeeze3A_830 = vector.extract %slice3A_829[0] : i32 from vector<1xi32>
    %swap3A_831 = arith.constant 58 : i32
    %swap3A_832 = arith.constant 0 : i32
    %swap3A_833 = arith.index_cast %swap3A_831 : i32 to index
    %swap3A_834 = arith.index_cast %swap3A_832 : i32 to index
    %swap3A_835 = memref.load %arg6[%swap3A_833, %swap3A_834] : memref<128x2xi32, #tpu.memory_space<smem>>
    memref.store %squeeze3A_830, %arg6[%swap3A_833, %swap3A_834] : memref<128x2xi32, #tpu.memory_space<smem>>
    %slice3A_836 = vector.extract_strided_slice %get3A_800 {offsets = [5], sizes = [1], strides = [1]} : vector<16xi32> to vector<1xi32>
    %squeeze3A_837 = vector.extract %slice3A_836[0] : i32 from vector<1xi32>
    %swap3A_838 = arith.constant 58 : i32
    %swap3A_839 = arith.constant 1 : i32
    %swap3A_840 = arith.index_cast %swap3A_838 : i32 to index
    %swap3A_841 = arith.index_cast %swap3A_839 : i32 to index
    %swap3A_842 = memref.load %arg6[%swap3A_840, %swap3A_841] : memref<128x2xi32, #tpu.memory_space<smem>>
    memref.store %squeeze3A_837, %arg6[%swap3A_840, %swap3A_841] : memref<128x2xi32, #tpu.memory_space<smem>>
    %slice3A_843 = vector.extract_strided_slice %get3A_800 {offsets = [6], sizes = [1], strides = [1]} : vector<16xi32> to vector<1xi32>
    %squeeze3A_844 = vector.extract %slice3A_843[0] : i32 from vector<1xi32>
    %swap3A_845 = arith.constant 59 : i32
    %swap3A_846 = arith.constant 0 : i32
    %swap3A_847 = arith.index_cast %swap3A_845 : i32 to index
    %swap3A_848 = arith.index_cast %swap3A_846 : i32 to index
    %swap3A_849 = memref.load %arg6[%swap3A_847, %swap3A_848] : memref<128x2xi32, #tpu.memory_space<smem>>
    memref.store %squeeze3A_844, %arg6[%swap3A_847, %swap3A_848] : memref<128x2xi32, #tpu.memory_space<smem>>
    %slice3A_850 = vector.extract_strided_slice %get3A_800 {offsets = [7], sizes = [1], strides = [1]} : vector<16xi32> to vector<1xi32>
    %squeeze3A_851 = vector.extract %slice3A_850[0] : i32 from vector<1xi32>
    %swap3A_852 = arith.constant 59 : i32
    %swap3A_853 = arith.constant 1 : i32
    %swap3A_854 = arith.index_cast %swap3A_852 : i32 to index
    %swap3A_855 = arith.index_cast %swap3A_853 : i32 to index
    %swap3A_856 = memref.load %arg6[%swap3A_854, %swap3A_855] : memref<128x2xi32, #tpu.memory_space<smem>>
    memref.store %squeeze3A_851, %arg6[%swap3A_854, %swap3A_855] : memref<128x2xi32, #tpu.memory_space<smem>>
    %slice3A_857 = vector.extract_strided_slice %get3A_800 {offsets = [8], sizes = [1], strides = [1]} : vector<16xi32> to vector<1xi32>
    %squeeze3A_858 = vector.extract %slice3A_857[0] : i32 from vector<1xi32>
    %swap3A_859 = arith.constant 60 : i32
    %swap3A_860 = arith.constant 0 : i32
    %swap3A_861 = arith.index_cast %swap3A_859 : i32 to index
    %swap3A_862 = arith.index_cast %swap3A_860 : i32 to index
    %swap3A_863 = memref.load %arg6[%swap3A_861, %swap3A_862] : memref<128x2xi32, #tpu.memory_space<smem>>
    memref.store %squeeze3A_858, %arg6[%swap3A_861, %swap3A_862] : memref<128x2xi32, #tpu.memory_space<smem>>
    %slice3A_864 = vector.extract_strided_slice %get3A_800 {offsets = [9], sizes = [1], strides = [1]} : vector<16xi32> to vector<1xi32>
    %squeeze3A_865 = vector.extract %slice3A_864[0] : i32 from vector<1xi32>
    %swap3A_866 = arith.constant 60 : i32
    %swap3A_867 = arith.constant 1 : i32
    %swap3A_868 = arith.index_cast %swap3A_866 : i32 to index
    %swap3A_869 = arith.index_cast %swap3A_867 : i32 to index
    %swap3A_870 = memref.load %arg6[%swap3A_868, %swap3A_869] : memref<128x2xi32, #tpu.memory_space<smem>>
    memref.store %squeeze3A_865, %arg6[%swap3A_868, %swap3A_869] : memref<128x2xi32, #tpu.memory_space<smem>>
    %slice3A_871 = vector.extract_strided_slice %get3A_800 {offsets = [10], sizes = [1], strides = [1]} : vector<16xi32> to vector<1xi32>
    %squeeze3A_872 = vector.extract %slice3A_871[0] : i32 from vector<1xi32>
    %swap3A_873 = arith.constant 61 : i32
    %swap3A_874 = arith.constant 0 : i32
    %swap3A_875 = arith.index_cast %swap3A_873 : i32 to index
    %swap3A_876 = arith.index_cast %swap3A_874 : i32 to index
    %swap3A_877 = memref.load %arg6[%swap3A_875, %swap3A_876] : memref<128x2xi32, #tpu.memory_space<smem>>
    memref.store %squeeze3A_872, %arg6[%swap3A_875, %swap3A_876] : memref<128x2xi32, #tpu.memory_space<smem>>
    %slice3A_878 = vector.extract_strided_slice %get3A_800 {offsets = [11], sizes = [1], strides = [1]} : vector<16xi32> to vector<1xi32>
    %squeeze3A_879 = vector.extract %slice3A_878[0] : i32 from vector<1xi32>
    %swap3A_880 = arith.constant 61 : i32
    %swap3A_881 = arith.constant 1 : i32
    %swap3A_882 = arith.index_cast %swap3A_880 : i32 to index
    %swap3A_883 = arith.index_cast %swap3A_881 : i32 to index
    %swap3A_884 = memref.load %arg6[%swap3A_882, %swap3A_883] : memref<128x2xi32, #tpu.memory_space<smem>>
    memref.store %squeeze3A_879, %arg6[%swap3A_882, %swap3A_883] : memref<128x2xi32, #tpu.memory_space<smem>>
    %slice3A_885 = vector.extract_strided_slice %get3A_800 {offsets = [12], sizes = [1], strides = [1]} : vector<16xi32> to vector<1xi32>
    %squeeze3A_886 = vector.extract %slice3A_885[0] : i32 from vector<1xi32>
    %swap3A_887 = arith.constant 62 : i32
    %swap3A_888 = arith.constant 0 : i32
    %swap3A_889 = arith.index_cast %swap3A_887 : i32 to index
    %swap3A_890 = arith.index_cast %swap3A_888 : i32 to index
    %swap3A_891 = memref.load %arg6[%swap3A_889, %swap3A_890] : memref<128x2xi32, #tpu.memory_space<smem>>
    memref.store %squeeze3A_886, %arg6[%swap3A_889, %swap3A_890] : memref<128x2xi32, #tpu.memory_space<smem>>
    %slice3A_892 = vector.extract_strided_slice %get3A_800 {offsets = [13], sizes = [1], strides = [1]} : vector<16xi32> to vector<1xi32>
    %squeeze3A_893 = vector.extract %slice3A_892[0] : i32 from vector<1xi32>
    %swap3A_894 = arith.constant 62 : i32
    %swap3A_895 = arith.constant 1 : i32
    %swap3A_896 = arith.index_cast %swap3A_894 : i32 to index
    %swap3A_897 = arith.index_cast %swap3A_895 : i32 to index
    %swap3A_898 = memref.load %arg6[%swap3A_896, %swap3A_897] : memref<128x2xi32, #tpu.memory_space<smem>>
    memref.store %squeeze3A_893, %arg6[%swap3A_896, %swap3A_897] : memref<128x2xi32, #tpu.memory_space<smem>>
    %slice3A_899 = vector.extract_strided_slice %get3A_800 {offsets = [14], sizes = [1], strides = [1]} : vector<16xi32> to vector<1xi32>
    %squeeze3A_900 = vector.extract %slice3A_899[0] : i32 from vector<1xi32>
    %swap3A_901 = arith.constant 63 : i32
    %swap3A_902 = arith.constant 0 : i32
    %swap3A_903 = arith.index_cast %swap3A_901 : i32 to index
    %swap3A_904 = arith.index_cast %swap3A_902 : i32 to index
    %swap3A_905 = memref.load %arg6[%swap3A_903, %swap3A_904] : memref<128x2xi32, #tpu.memory_space<smem>>
    memref.store %squeeze3A_900, %arg6[%swap3A_903, %swap3A_904] : memref<128x2xi32, #tpu.memory_space<smem>>
    %slice3A_906 = vector.extract_strided_slice %get3A_800 {offsets = [15], sizes = [1], strides = [1]} : vector<16xi32> to vector<1xi32>
    %squeeze3A_907 = vector.extract %slice3A_906[0] : i32 from vector<1xi32>
    %swap3A_908 = arith.constant 63 : i32
    %swap3A_909 = arith.constant 1 : i32
    %swap3A_910 = arith.index_cast %swap3A_908 : i32 to index
    %swap3A_911 = arith.index_cast %swap3A_909 : i32 to index
    %swap3A_912 = memref.load %arg6[%swap3A_910, %swap3A_911] : memref<128x2xi32, #tpu.memory_space<smem>>
    memref.store %squeeze3A_907, %arg6[%swap3A_910, %swap3A_911] : memref<128x2xi32, #tpu.memory_space<smem>>
    %get3A_913 = arith.constant 128 : index
    %get3A_914 = tpu.vector_load %arg5[%get3A_913] {strides = array<i32>} : memref<256xi32, #tpu.memory_space<vmem>>, vector<16xi32>,
    %slice3A_915 = vector.extract_strided_slice %get3A_914 {offsets = [0], sizes = [1], strides = [1]} : vector<16xi32> to vector<1xi32>
    %squeeze3A_916 = vector.extract %slice3A_915[0] : i32 from vector<1xi32>
    %swap3A_917 = arith.constant 64 : i32
    %swap3A_918 = arith.constant 0 : i32
    %swap3A_919 = arith.index_cast %swap3A_917 : i32 to index
    %swap3A_920 = arith.index_cast %swap3A_918 : i32 to index
    %swap3A_921 = memref.load %arg6[%swap3A_919, %swap3A_920] : memref<128x2xi32, #tpu.memory_space<smem>>
    memref.store %squeeze3A_916, %arg6[%swap3A_919, %swap3A_920] : memref<128x2xi32, #tpu.memory_space<smem>>
    %slice3A_922 = vector.extract_strided_slice %get3A_914 {offsets = [1], sizes = [1], strides = [1]} : vector<16xi32> to vector<1xi32>
    %squeeze3A_923 = vector.extract %slice3A_922[0] : i32 from vector<1xi32>
    %swap3A_924 = arith.constant 64 : i32
    %swap3A_925 = arith.constant 1 : i32
    %swap3A_926 = arith.index_cast %swap3A_924 : i32 to index
    %swap3A_927 = arith.index_cast %swap3A_925 : i32 to index
    %swap3A_928 = memref.load %arg6[%swap3A_926, %swap3A_927] : memref<128x2xi32, #tpu.memory_space<smem>>
    memref.store %squeeze3A_923, %arg6[%swap3A_926, %swap3A_927] : memref<128x2xi32, #tpu.memory_space<smem>>
    %slice3A_929 = vector.extract_strided_slice %get3A_914 {offsets = [2], sizes = [1], strides = [1]} : vector<16xi32> to vector<1xi32>
    %squeeze3A_930 = vector.extract %slice3A_929[0] : i32 from vector<1xi32>
    %swap3A_931 = arith.constant 65 : i32
    %swap3A_932 = arith.constant 0 : i32
    %swap3A_933 = arith.index_cast %swap3A_931 : i32 to index
    %swap3A_934 = arith.index_cast %swap3A_932 : i32 to index
    %swap3A_935 = memref.load %arg6[%swap3A_933, %swap3A_934] : memref<128x2xi32, #tpu.memory_space<smem>>
    memref.store %squeeze3A_930, %arg6[%swap3A_933, %swap3A_934] : memref<128x2xi32, #tpu.memory_space<smem>>
    %slice3A_936 = vector.extract_strided_slice %get3A_914 {offsets = [3], sizes = [1], strides = [1]} : vector<16xi32> to vector<1xi32>
    %squeeze3A_937 = vector.extract %slice3A_936[0] : i32 from vector<1xi32>
    %swap3A_938 = arith.constant 65 : i32
    %swap3A_939 = arith.constant 1 : i32
    %swap3A_940 = arith.index_cast %swap3A_938 : i32 to index
    %swap3A_941 = arith.index_cast %swap3A_939 : i32 to index
    %swap3A_942 = memref.load %arg6[%swap3A_940, %swap3A_941] : memref<128x2xi32, #tpu.memory_space<smem>>
    memref.store %squeeze3A_937, %arg6[%swap3A_940, %swap3A_941] : memref<128x2xi32, #tpu.memory_space<smem>>
    %slice3A_943 = vector.extract_strided_slice %get3A_914 {offsets = [4], sizes = [1], strides = [1]} : vector<16xi32> to vector<1xi32>
    %squeeze3A_944 = vector.extract %slice3A_943[0] : i32 from vector<1xi32>
    %swap3A_945 = arith.constant 66 : i32
    %swap3A_946 = arith.constant 0 : i32
    %swap3A_947 = arith.index_cast %swap3A_945 : i32 to index
    %swap3A_948 = arith.index_cast %swap3A_946 : i32 to index
    %swap3A_949 = memref.load %arg6[%swap3A_947, %swap3A_948] : memref<128x2xi32, #tpu.memory_space<smem>>
    memref.store %squeeze3A_944, %arg6[%swap3A_947, %swap3A_948] : memref<128x2xi32, #tpu.memory_space<smem>>
    %slice3A_950 = vector.extract_strided_slice %get3A_914 {offsets = [5], sizes = [1], strides = [1]} : vector<16xi32> to vector<1xi32>
    %squeeze3A_951 = vector.extract %slice3A_950[0] : i32 from vector<1xi32>
    %swap3A_952 = arith.constant 66 : i32
    %swap3A_953 = arith.constant 1 : i32
    %swap3A_954 = arith.index_cast %swap3A_952 : i32 to index
    %swap3A_955 = arith.index_cast %swap3A_953 : i32 to index
    %swap3A_956 = memref.load %arg6[%swap3A_954, %swap3A_955] : memref<128x2xi32, #tpu.memory_space<smem>>
    memref.store %squeeze3A_951, %arg6[%swap3A_954, %swap3A_955] : memref<128x2xi32, #tpu.memory_space<smem>>
    %slice3A_957 = vector.extract_strided_slice %get3A_914 {offsets = [6], sizes = [1], strides = [1]} : vector<16xi32> to vector<1xi32>
    %squeeze3A_958 = vector.extract %slice3A_957[0] : i32 from vector<1xi32>
    %swap3A_959 = arith.constant 67 : i32
    %swap3A_960 = arith.constant 0 : i32
    %swap3A_961 = arith.index_cast %swap3A_959 : i32 to index
    %swap3A_962 = arith.index_cast %swap3A_960 : i32 to index
    %swap3A_963 = memref.load %arg6[%swap3A_961, %swap3A_962] : memref<128x2xi32, #tpu.memory_space<smem>>
    memref.store %squeeze3A_958, %arg6[%swap3A_961, %swap3A_962] : memref<128x2xi32, #tpu.memory_space<smem>>
    %slice3A_964 = vector.extract_strided_slice %get3A_914 {offsets = [7], sizes = [1], strides = [1]} : vector<16xi32> to vector<1xi32>
    %squeeze3A_965 = vector.extract %slice3A_964[0] : i32 from vector<1xi32>
    %swap3A_966 = arith.constant 67 : i32
    %swap3A_967 = arith.constant 1 : i32
    %swap3A_968 = arith.index_cast %swap3A_966 : i32 to index
    %swap3A_969 = arith.index_cast %swap3A_967 : i32 to index
    %swap3A_970 = memref.load %arg6[%swap3A_968, %swap3A_969] : memref<128x2xi32, #tpu.memory_space<smem>>
    memref.store %squeeze3A_965, %arg6[%swap3A_968, %swap3A_969] : memref<128x2xi32, #tpu.memory_space<smem>>
    %slice3A_971 = vector.extract_strided_slice %get3A_914 {offsets = [8], sizes = [1], strides = [1]} : vector<16xi32> to vector<1xi32>
    %squeeze3A_972 = vector.extract %slice3A_971[0] : i32 from vector<1xi32>
    %swap3A_973 = arith.constant 68 : i32
    %swap3A_974 = arith.constant 0 : i32
    %swap3A_975 = arith.index_cast %swap3A_973 : i32 to index
    %swap3A_976 = arith.index_cast %swap3A_974 : i32 to index
    %swap3A_977 = memref.load %arg6[%swap3A_975, %swap3A_976] : memref<128x2xi32, #tpu.memory_space<smem>>
    memref.store %squeeze3A_972, %arg6[%swap3A_975, %swap3A_976] : memref<128x2xi32, #tpu.memory_space<smem>>
    %slice3A_978 = vector.extract_strided_slice %get3A_914 {offsets = [9], sizes = [1], strides = [1]} : vector<16xi32> to vector<1xi32>
    %squeeze3A_979 = vector.extract %slice3A_978[0] : i32 from vector<1xi32>
    %swap3A_980 = arith.constant 68 : i32
    %swap3A_981 = arith.constant 1 : i32
    %swap3A_982 = arith.index_cast %swap3A_980 : i32 to index
    %swap3A_983 = arith.index_cast %swap3A_981 : i32 to index
    %swap3A_984 = memref.load %arg6[%swap3A_982, %swap3A_983] : memref<128x2xi32, #tpu.memory_space<smem>>
    memref.store %squeeze3A_979, %arg6[%swap3A_982, %swap3A_983] : memref<128x2xi32, #tpu.memory_space<smem>>
    %slice3A_985 = vector.extract_strided_slice %get3A_914 {offsets = [10], sizes = [1], strides = [1]} : vector<16xi32> to vector<1xi32>
    %squeeze3A_986 = vector.extract %slice3A_985[0] : i32 from vector<1xi32>
    %swap3A_987 = arith.constant 69 : i32
    %swap3A_988 = arith.constant 0 : i32
    %swap3A_989 = arith.index_cast %swap3A_987 : i32 to index
    %swap3A_990 = arith.index_cast %swap3A_988 : i32 to index
    %swap3A_991 = memref.load %arg6[%swap3A_989, %swap3A_990] : memref<128x2xi32, #tpu.memory_space<smem>>
    memref.store %squeeze3A_986, %arg6[%swap3A_989, %swap3A_990] : memref<128x2xi32, #tpu.memory_space<smem>>
    %slice3A_992 = vector.extract_strided_slice %get3A_914 {offsets = [11], sizes = [1], strides = [1]} : vector<16xi32> to vector<1xi32>
    %squeeze3A_993 = vector.extract %slice3A_992[0] : i32 from vector<1xi32>
    %swap3A_994 = arith.constant 69 : i32
    %swap3A_995 = arith.constant 1 : i32
    %swap3A_996 = arith.index_cast %swap3A_994 : i32 to index
    %swap3A_997 = arith.index_cast %swap3A_995 : i32 to index
    %swap3A_998 = memref.load %arg6[%swap3A_996, %swap3A_997] : memref<128x2xi32, #tpu.memory_space<smem>>
    memref.store %squeeze3A_993, %arg6[%swap3A_996, %swap3A_997] : memref<128x2xi32, #tpu.memory_space<smem>>
    %slice3A_999 = vector.extract_strided_slice %get3A_914 {offsets = [12], sizes = [1], strides = [1]} : vector<16xi32> to vector<1xi32>
    %squeeze3A_1000 = vector.extract %slice3A_999[0] : i32 from vector<1xi32>
    %swap3A_1001 = arith.constant 70 : i32
    %swap3A_1002 = arith.constant 0 : i32
    %swap3A_1003 = arith.index_cast %swap3A_1001 : i32 to index
    %swap3A_1004 = arith.index_cast %swap3A_1002 : i32 to index
    %swap3A_1005 = memref.load %arg6[%swap3A_1003, %swap3A_1004] : memref<128x2xi32, #tpu.memory_space<smem>>
    memref.store %squeeze3A_1000, %arg6[%swap3A_1003, %swap3A_1004] : memref<128x2xi32, #tpu.memory_space<smem>>
    %slice3A_1006 = vector.extract_strided_slice %get3A_914 {offsets = [13], sizes = [1], strides = [1]} : vector<16xi32> to vector<1xi32>
    %squeeze3A_1007 = vector.extract %slice3A_1006[0] : i32 from vector<1xi32>
    %swap3A_1008 = arith.constant 70 : i32
    %swap3A_1009 = arith.constant 1 : i32
    %swap3A_1010 = arith.index_cast %swap3A_1008 : i32 to index
    %swap3A_1011 = arith.index_cast %swap3A_1009 : i32 to index
    %swap3A_1012 = memref.load %arg6[%swap3A_1010, %swap3A_1011] : memref<128x2xi32, #tpu.memory_space<smem>>
    memref.store %squeeze3A_1007, %arg6[%swap3A_1010, %swap3A_1011] : memref<128x2xi32, #tpu.memory_space<smem>>
    %slice3A_1013 = vector.extract_strided_slice %get3A_914 {offsets = [14], sizes = [1], strides = [1]} : vector<16xi32> to vector<1xi32>
    %squeeze3A_1014 = vector.extract %slice3A_1013[0] : i32 from vector<1xi32>
    %swap3A_1015 = arith.constant 71 : i32
    %swap3A_1016 = arith.constant 0 : i32
    %swap3A_1017 = arith.index_cast %swap3A_1015 : i32 to index
    %swap3A_1018 = arith.index_cast %swap3A_1016 : i32 to index
    %swap3A_1019 = memref.load %arg6[%swap3A_1017, %swap3A_1018] : memref<128x2xi32, #tpu.memory_space<smem>>
    memref.store %squeeze3A_1014, %arg6[%swap3A_1017, %swap3A_1018] : memref<128x2xi32, #tpu.memory_space<smem>>
    %slice3A_1020 = vector.extract_strided_slice %get3A_914 {offsets = [15], sizes = [1], strides = [1]} : vector<16xi32> to vector<1xi32>
    %squeeze3A_1021 = vector.extract %slice3A_1020[0] : i32 from vector<1xi32>
    %swap3A_1022 = arith.constant 71 : i32
    %swap3A_1023 = arith.constant 1 : i32
    %swap3A_1024 = arith.index_cast %swap3A_1022 : i32 to index
    %swap3A_1025 = arith.index_cast %swap3A_1023 : i32 to index
    %swap3A_1026 = memref.load %arg6[%swap3A_1024, %swap3A_1025] : memref<128x2xi32, #tpu.memory_space<smem>>
    memref.store %squeeze3A_1021, %arg6[%swap3A_1024, %swap3A_1025] : memref<128x2xi32, #tpu.memory_space<smem>>
    %get3A_1027 = arith.constant 144 : index
    %get3A_1028 = tpu.vector_load %arg5[%get3A_1027] {strides = array<i32>} : memref<256xi32, #tpu.memory_space<vmem>>, vector<16xi32>,
    %slice3A_1029 = vector.extract_strided_slice %get3A_1028 {offsets = [0], sizes = [1], strides = [1]} : vector<16xi32> to vector<1xi32>
    %squeeze3A_1030 = vector.extract %slice3A_1029[0] : i32 from vector<1xi32>
    %swap3A_1031 = arith.constant 72 : i32
    %swap3A_1032 = arith.constant 0 : i32
    %swap3A_1033 = arith.index_cast %swap3A_1031 : i32 to index
    %swap3A_1034 = arith.index_cast %swap3A_1032 : i32 to index
    %swap3A_1035 = memref.load %arg6[%swap3A_1033, %swap3A_1034] : memref<128x2xi32, #tpu.memory_space<smem>>
    memref.store %squeeze3A_1030, %arg6[%swap3A_1033, %swap3A_1034] : memref<128x2xi32, #tpu.memory_space<smem>>
    %slice3A_1036 = vector.extract_strided_slice %get3A_1028 {offsets = [1], sizes = [1], strides = [1]} : vector<16xi32> to vector<1xi32>
    %squeeze3A_1037 = vector.extract %slice3A_1036[0] : i32 from vector<1xi32>
    %swap3A_1038 = arith.constant 72 : i32
    %swap3A_1039 = arith.constant 1 : i32
    %swap3A_1040 = arith.index_cast %swap3A_1038 : i32 to index
    %swap3A_1041 = arith.index_cast %swap3A_1039 : i32 to index
    %swap3A_1042 = memref.load %arg6[%swap3A_1040, %swap3A_1041] : memref<128x2xi32, #tpu.memory_space<smem>>
    memref.store %squeeze3A_1037, %arg6[%swap3A_1040, %swap3A_1041] : memref<128x2xi32, #tpu.memory_space<smem>>
    %slice3A_1043 = vector.extract_strided_slice %get3A_1028 {offsets = [2], sizes = [1], strides = [1]} : vector<16xi32> to vector<1xi32>
    %squeeze3A_1044 = vector.extract %slice3A_1043[0] : i32 from vector<1xi32>
    %swap3A_1045 = arith.constant 73 : i32
    %swap3A_1046 = arith.constant 0 : i32
    %swap3A_1047 = arith.index_cast %swap3A_1045 : i32 to index
    %swap3A_1048 = arith.index_cast %swap3A_1046 : i32 to index
    %swap3A_1049 = memref.load %arg6[%swap3A_1047, %swap3A_1048] : memref<128x2xi32, #tpu.memory_space<smem>>
    memref.store %squeeze3A_1044, %arg6[%swap3A_1047, %swap3A_1048] : memref<128x2xi32, #tpu.memory_space<smem>>
    %slice3A_1050 = vector.extract_strided_slice %get3A_1028 {offsets = [3], sizes = [1], strides = [1]} : vector<16xi32> to vector<1xi32>
    %squeeze3A_1051 = vector.extract %slice3A_1050[0] : i32 from vector<1xi32>
    %swap3A_1052 = arith.constant 73 : i32
    %swap3A_1053 = arith.constant 1 : i32
    %swap3A_1054 = arith.index_cast %swap3A_1052 : i32 to index
    %swap3A_1055 = arith.index_cast %swap3A_1053 : i32 to index
    %swap3A_1056 = memref.load %arg6[%swap3A_1054, %swap3A_1055] : memref<128x2xi32, #tpu.memory_space<smem>>
    memref.store %squeeze3A_1051, %arg6[%swap3A_1054, %swap3A_1055] : memref<128x2xi32, #tpu.memory_space<smem>>
    %slice3A_1057 = vector.extract_strided_slice %get3A_1028 {offsets = [4], sizes = [1], strides = [1]} : vector<16xi32> to vector<1xi32>
    %squeeze3A_1058 = vector.extract %slice3A_1057[0] : i32 from vector<1xi32>
    %swap3A_1059 = arith.constant 74 : i32
    %swap3A_1060 = arith.constant 0 : i32
    %swap3A_1061 = arith.index_cast %swap3A_1059 : i32 to index
    %swap3A_1062 = arith.index_cast %swap3A_1060 : i32 to index
    %swap3A_1063 = memref.load %arg6[%swap3A_1061, %swap3A_1062] : memref<128x2xi32, #tpu.memory_space<smem>>
    memref.store %squeeze3A_1058, %arg6[%swap3A_1061, %swap3A_1062] : memref<128x2xi32, #tpu.memory_space<smem>>
    %slice3A_1064 = vector.extract_strided_slice %get3A_1028 {offsets = [5], sizes = [1], strides = [1]} : vector<16xi32> to vector<1xi32>
    %squeeze3A_1065 = vector.extract %slice3A_1064[0] : i32 from vector<1xi32>
    %swap3A_1066 = arith.constant 74 : i32
    %swap3A_1067 = arith.constant 1 : i32
    %swap3A_1068 = arith.index_cast %swap3A_1066 : i32 to index
    %swap3A_1069 = arith.index_cast %swap3A_1067 : i32 to index
    %swap3A_1070 = memref.load %arg6[%swap3A_1068, %swap3A_1069] : memref<128x2xi32, #tpu.memory_space<smem>>
    memref.store %squeeze3A_1065, %arg6[%swap3A_1068, %swap3A_1069] : memref<128x2xi32, #tpu.memory_space<smem>>
    %slice3A_1071 = vector.extract_strided_slice %get3A_1028 {offsets = [6], sizes = [1], strides = [1]} : vector<16xi32> to vector<1xi32>
    %squeeze3A_1072 = vector.extract %slice3A_1071[0] : i32 from vector<1xi32>
    %swap3A_1073 = arith.constant 75 : i32
    %swap3A_1074 = arith.constant 0 : i32
    %swap3A_1075 = arith.index_cast %swap3A_1073 : i32 to index
    %swap3A_1076 = arith.index_cast %swap3A_1074 : i32 to index
    %swap3A_1077 = memref.load %arg6[%swap3A_1075, %swap3A_1076] : memref<128x2xi32, #tpu.memory_space<smem>>
    memref.store %squeeze3A_1072, %arg6[%swap3A_1075, %swap3A_1076] : memref<128x2xi32, #tpu.memory_space<smem>>
    %slice3A_1078 = vector.extract_strided_slice %get3A_1028 {offsets = [7], sizes = [1], strides = [1]} : vector<16xi32> to vector<1xi32>
    %squeeze3A_1079 = vector.extract %slice3A_1078[0] : i32 from vector<1xi32>
    %swap3A_1080 = arith.constant 75 : i32
    %swap3A_1081 = arith.constant 1 : i32
    %swap3A_1082 = arith.index_cast %swap3A_1080 : i32 to index
    %swap3A_1083 = arith.index_cast %swap3A_1081 : i32 to index
    %swap3A_1084 = memref.load %arg6[%swap3A_1082, %swap3A_1083] : memref<128x2xi32, #tpu.memory_space<smem>>
    memref.store %squeeze3A_1079, %arg6[%swap3A_1082, %swap3A_1083] : memref<128x2xi32, #tpu.memory_space<smem>>
    %slice3A_1085 = vector.extract_strided_slice %get3A_1028 {offsets = [8], sizes = [1], strides = [1]} : vector<16xi32> to vector<1xi32>
    %squeeze3A_1086 = vector.extract %slice3A_1085[0] : i32 from vector<1xi32>
    %swap3A_1087 = arith.constant 76 : i32
    %swap3A_1088 = arith.constant 0 : i32
    %swap3A_1089 = arith.index_cast %swap3A_1087 : i32 to index
    %swap3A_1090 = arith.index_cast %swap3A_1088 : i32 to index
    %swap3A_1091 = memref.load %arg6[%swap3A_1089, %swap3A_1090] : memref<128x2xi32, #tpu.memory_space<smem>>
    memref.store %squeeze3A_1086, %arg6[%swap3A_1089, %swap3A_1090] : memref<128x2xi32, #tpu.memory_space<smem>>
    %slice3A_1092 = vector.extract_strided_slice %get3A_1028 {offsets = [9], sizes = [1], strides = [1]} : vector<16xi32> to vector<1xi32>
    %squeeze3A_1093 = vector.extract %slice3A_1092[0] : i32 from vector<1xi32>
    %swap3A_1094 = arith.constant 76 : i32
    %swap3A_1095 = arith.constant 1 : i32
    %swap3A_1096 = arith.index_cast %swap3A_1094 : i32 to index
    %swap3A_1097 = arith.index_cast %swap3A_1095 : i32 to index
    %swap3A_1098 = memref.load %arg6[%swap3A_1096, %swap3A_1097] : memref<128x2xi32, #tpu.memory_space<smem>>
    memref.store %squeeze3A_1093, %arg6[%swap3A_1096, %swap3A_1097] : memref<128x2xi32, #tpu.memory_space<smem>>
    %slice3A_1099 = vector.extract_strided_slice %get3A_1028 {offsets = [10], sizes = [1], strides = [1]} : vector<16xi32> to vector<1xi32>
    %squeeze3A_1100 = vector.extract %slice3A_1099[0] : i32 from vector<1xi32>
    %swap3A_1101 = arith.constant 77 : i32
    %swap3A_1102 = arith.constant 0 : i32
    %swap3A_1103 = arith.index_cast %swap3A_1101 : i32 to index
    %swap3A_1104 = arith.index_cast %swap3A_1102 : i32 to index
    %swap3A_1105 = memref.load %arg6[%swap3A_1103, %swap3A_1104] : memref<128x2xi32, #tpu.memory_space<smem>>
    memref.store %squeeze3A_1100, %arg6[%swap3A_1103, %swap3A_1104] : memref<128x2xi32, #tpu.memory_space<smem>>
    %slice3A_1106 = vector.extract_strided_slice %get3A_1028 {offsets = [11], sizes = [1], strides = [1]} : vector<16xi32> to vector<1xi32>
    %squeeze3A_1107 = vector.extract %slice3A_1106[0] : i32 from vector<1xi32>
    %swap3A_1108 = arith.constant 77 : i32
    %swap3A_1109 = arith.constant 1 : i32
    %swap3A_1110 = arith.index_cast %swap3A_1108 : i32 to index
    %swap3A_1111 = arith.index_cast %swap3A_1109 : i32 to index
    %swap3A_1112 = memref.load %arg6[%swap3A_1110, %swap3A_1111] : memref<128x2xi32, #tpu.memory_space<smem>>
    memref.store %squeeze3A_1107, %arg6[%swap3A_1110, %swap3A_1111] : memref<128x2xi32, #tpu.memory_space<smem>>
    %slice3A_1113 = vector.extract_strided_slice %get3A_1028 {offsets = [12], sizes = [1], strides = [1]} : vector<16xi32> to vector<1xi32>
    %squeeze3A_1114 = vector.extract %slice3A_1113[0] : i32 from vector<1xi32>
    %swap3A_1115 = arith.constant 78 : i32
    %swap3A_1116 = arith.constant 0 : i32
    %swap3A_1117 = arith.index_cast %swap3A_1115 : i32 to index
    %swap3A_1118 = arith.index_cast %swap3A_1116 : i32 to index
    %swap3A_1119 = memref.load %arg6[%swap3A_1117, %swap3A_1118] : memref<128x2xi32, #tpu.memory_space<smem>>
    memref.store %squeeze3A_1114, %arg6[%swap3A_1117, %swap3A_1118] : memref<128x2xi32, #tpu.memory_space<smem>>
    %slice3A_1120 = vector.extract_strided_slice %get3A_1028 {offsets = [13], sizes = [1], strides = [1]} : vector<16xi32> to vector<1xi32>
    %squeeze3A_1121 = vector.extract %slice3A_1120[0] : i32 from vector<1xi32>
    %swap3A_1122 = arith.constant 78 : i32
    %swap3A_1123 = arith.constant 1 : i32
    %swap3A_1124 = arith.index_cast %swap3A_1122 : i32 to index
    %swap3A_1125 = arith.index_cast %swap3A_1123 : i32 to index
    %swap3A_1126 = memref.load %arg6[%swap3A_1124, %swap3A_1125] : memref<128x2xi32, #tpu.memory_space<smem>>
    memref.store %squeeze3A_1121, %arg6[%swap3A_1124, %swap3A_1125] : memref<128x2xi32, #tpu.memory_space<smem>>
    %slice3A_1127 = vector.extract_strided_slice %get3A_1028 {offsets = [14], sizes = [1], strides = [1]} : vector<16xi32> to vector<1xi32>
    %squeeze3A_1128 = vector.extract %slice3A_1127[0] : i32 from vector<1xi32>
    %swap3A_1129 = arith.constant 79 : i32
    %swap3A_1130 = arith.constant 0 : i32
    %swap3A_1131 = arith.index_cast %swap3A_1129 : i32 to index
    %swap3A_1132 = arith.index_cast %swap3A_1130 : i32 to index
    %swap3A_1133 = memref.load %arg6[%swap3A_1131, %swap3A_1132] : memref<128x2xi32, #tpu.memory_space<smem>>
    memref.store %squeeze3A_1128, %arg6[%swap3A_1131, %swap3A_1132] : memref<128x2xi32, #tpu.memory_space<smem>>
    %slice3A_1134 = vector.extract_strided_slice %get3A_1028 {offsets = [15], sizes = [1], strides = [1]} : vector<16xi32> to vector<1xi32>
    %squeeze3A_1135 = vector.extract %slice3A_1134[0] : i32 from vector<1xi32>
    %swap3A_1136 = arith.constant 79 : i32
    %swap3A_1137 = arith.constant 1 : i32
    %swap3A_1138 = arith.index_cast %swap3A_1136 : i32 to index
    %swap3A_1139 = arith.index_cast %swap3A_1137 : i32 to index
    %swap3A_1140 = memref.load %arg6[%swap3A_1138, %swap3A_1139] : memref<128x2xi32, #tpu.memory_space<smem>>
    memref.store %squeeze3A_1135, %arg6[%swap3A_1138, %swap3A_1139] : memref<128x2xi32, #tpu.memory_space<smem>>
    %get3A_1141 = arith.constant 160 : index
    %get3A_1142 = tpu.vector_load %arg5[%get3A_1141] {strides = array<i32>} : memref<256xi32, #tpu.memory_space<vmem>>, vector<16xi32>,
    %slice3A_1143 = vector.extract_strided_slice %get3A_1142 {offsets = [0], sizes = [1], strides = [1]} : vector<16xi32> to vector<1xi32>
    %squeeze3A_1144 = vector.extract %slice3A_1143[0] : i32 from vector<1xi32>
    %swap3A_1145 = arith.constant 80 : i32
    %swap3A_1146 = arith.constant 0 : i32
    %swap3A_1147 = arith.index_cast %swap3A_1145 : i32 to index
    %swap3A_1148 = arith.index_cast %swap3A_1146 : i32 to index
    %swap3A_1149 = memref.load %arg6[%swap3A_1147, %swap3A_1148] : memref<128x2xi32, #tpu.memory_space<smem>>
    memref.store %squeeze3A_1144, %arg6[%swap3A_1147, %swap3A_1148] : memref<128x2xi32, #tpu.memory_space<smem>>
    %slice3A_1150 = vector.extract_strided_slice %get3A_1142 {offsets = [1], sizes = [1], strides = [1]} : vector<16xi32> to vector<1xi32>
    %squeeze3A_1151 = vector.extract %slice3A_1150[0] : i32 from vector<1xi32>
    %swap3A_1152 = arith.constant 80 : i32
    %swap3A_1153 = arith.constant 1 : i32
    %swap3A_1154 = arith.index_cast %swap3A_1152 : i32 to index
    %swap3A_1155 = arith.index_cast %swap3A_1153 : i32 to index
    %swap3A_1156 = memref.load %arg6[%swap3A_1154, %swap3A_1155] : memref<128x2xi32, #tpu.memory_space<smem>>
    memref.store %squeeze3A_1151, %arg6[%swap3A_1154, %swap3A_1155] : memref<128x2xi32, #tpu.memory_space<smem>>
    %slice3A_1157 = vector.extract_strided_slice %get3A_1142 {offsets = [2], sizes = [1], strides = [1]} : vector<16xi32> to vector<1xi32>
    %squeeze3A_1158 = vector.extract %slice3A_1157[0] : i32 from vector<1xi32>
    %swap3A_1159 = arith.constant 81 : i32
    %swap3A_1160 = arith.constant 0 : i32
    %swap3A_1161 = arith.index_cast %swap3A_1159 : i32 to index
    %swap3A_1162 = arith.index_cast %swap3A_1160 : i32 to index
    %swap3A_1163 = memref.load %arg6[%swap3A_1161, %swap3A_1162] : memref<128x2xi32, #tpu.memory_space<smem>>
    memref.store %squeeze3A_1158, %arg6[%swap3A_1161, %swap3A_1162] : memref<128x2xi32, #tpu.memory_space<smem>>
    %slice3A_1164 = vector.extract_strided_slice %get3A_1142 {offsets = [3], sizes = [1], strides = [1]} : vector<16xi32> to vector<1xi32>
    %squeeze3A_1165 = vector.extract %slice3A_1164[0] : i32 from vector<1xi32>
    %swap3A_1166 = arith.constant 81 : i32
    %swap3A_1167 = arith.constant 1 : i32
    %swap3A_1168 = arith.index_cast %swap3A_1166 : i32 to index
    %swap3A_1169 = arith.index_cast %swap3A_1167 : i32 to index
    %swap3A_1170 = memref.load %arg6[%swap3A_1168, %swap3A_1169] : memref<128x2xi32, #tpu.memory_space<smem>>
    memref.store %squeeze3A_1165, %arg6[%swap3A_1168, %swap3A_1169] : memref<128x2xi32, #tpu.memory_space<smem>>
    %slice3A_1171 = vector.extract_strided_slice %get3A_1142 {offsets = [4], sizes = [1], strides = [1]} : vector<16xi32> to vector<1xi32>
    %squeeze3A_1172 = vector.extract %slice3A_1171[0] : i32 from vector<1xi32>
    %swap3A_1173 = arith.constant 82 : i32
    %swap3A_1174 = arith.constant 0 : i32
    %swap3A_1175 = arith.index_cast %swap3A_1173 : i32 to index
    %swap3A_1176 = arith.index_cast %swap3A_1174 : i32 to index
    %swap3A_1177 = memref.load %arg6[%swap3A_1175, %swap3A_1176] : memref<128x2xi32, #tpu.memory_space<smem>>
    memref.store %squeeze3A_1172, %arg6[%swap3A_1175, %swap3A_1176] : memref<128x2xi32, #tpu.memory_space<smem>>
    %slice3A_1178 = vector.extract_strided_slice %get3A_1142 {offsets = [5], sizes = [1], strides = [1]} : vector<16xi32> to vector<1xi32>
    %squeeze3A_1179 = vector.extract %slice3A_1178[0] : i32 from vector<1xi32>
    %swap3A_1180 = arith.constant 82 : i32
    %swap3A_1181 = arith.constant 1 : i32
    %swap3A_1182 = arith.index_cast %swap3A_1180 : i32 to index
    %swap3A_1183 = arith.index_cast %swap3A_1181 : i32 to index
    %swap3A_1184 = memref.load %arg6[%swap3A_1182, %swap3A_1183] : memref<128x2xi32, #tpu.memory_space<smem>>
    memref.store %squeeze3A_1179, %arg6[%swap3A_1182, %swap3A_1183] : memref<128x2xi32, #tpu.memory_space<smem>>
    %slice3A_1185 = vector.extract_strided_slice %get3A_1142 {offsets = [6], sizes = [1], strides = [1]} : vector<16xi32> to vector<1xi32>
    %squeeze3A_1186 = vector.extract %slice3A_1185[0] : i32 from vector<1xi32>
    %swap3A_1187 = arith.constant 83 : i32
    %swap3A_1188 = arith.constant 0 : i32
    %swap3A_1189 = arith.index_cast %swap3A_1187 : i32 to index
    %swap3A_1190 = arith.index_cast %swap3A_1188 : i32 to index
    %swap3A_1191 = memref.load %arg6[%swap3A_1189, %swap3A_1190] : memref<128x2xi32, #tpu.memory_space<smem>>
    memref.store %squeeze3A_1186, %arg6[%swap3A_1189, %swap3A_1190] : memref<128x2xi32, #tpu.memory_space<smem>>
    %slice3A_1192 = vector.extract_strided_slice %get3A_1142 {offsets = [7], sizes = [1], strides = [1]} : vector<16xi32> to vector<1xi32>
    %squeeze3A_1193 = vector.extract %slice3A_1192[0] : i32 from vector<1xi32>
    %swap3A_1194 = arith.constant 83 : i32
    %swap3A_1195 = arith.constant 1 : i32
    %swap3A_1196 = arith.index_cast %swap3A_1194 : i32 to index
    %swap3A_1197 = arith.index_cast %swap3A_1195 : i32 to index
    %swap3A_1198 = memref.load %arg6[%swap3A_1196, %swap3A_1197] : memref<128x2xi32, #tpu.memory_space<smem>>
    memref.store %squeeze3A_1193, %arg6[%swap3A_1196, %swap3A_1197] : memref<128x2xi32, #tpu.memory_space<smem>>
    %slice3A_1199 = vector.extract_strided_slice %get3A_1142 {offsets = [8], sizes = [1], strides = [1]} : vector<16xi32> to vector<1xi32>
    %squeeze3A_1200 = vector.extract %slice3A_1199[0] : i32 from vector<1xi32>
    %swap3A_1201 = arith.constant 84 : i32
    %swap3A_1202 = arith.constant 0 : i32
    %swap3A_1203 = arith.index_cast %swap3A_1201 : i32 to index
    %swap3A_1204 = arith.index_cast %swap3A_1202 : i32 to index
    %swap3A_1205 = memref.load %arg6[%swap3A_1203, %swap3A_1204] : memref<128x2xi32, #tpu.memory_space<smem>>
    memref.store %squeeze3A_1200, %arg6[%swap3A_1203, %swap3A_1204] : memref<128x2xi32, #tpu.memory_space<smem>>
    %slice3A_1206 = vector.extract_strided_slice %get3A_1142 {offsets = [9], sizes = [1], strides = [1]} : vector<16xi32> to vector<1xi32>
    %squeeze3A_1207 = vector.extract %slice3A_1206[0] : i32 from vector<1xi32>
    %swap3A_1208 = arith.constant 84 : i32
    %swap3A_1209 = arith.constant 1 : i32
    %swap3A_1210 = arith.index_cast %swap3A_1208 : i32 to index
    %swap3A_1211 = arith.index_cast %swap3A_1209 : i32 to index
    %swap3A_1212 = memref.load %arg6[%swap3A_1210, %swap3A_1211] : memref<128x2xi32, #tpu.memory_space<smem>>
    memref.store %squeeze3A_1207, %arg6[%swap3A_1210, %swap3A_1211] : memref<128x2xi32, #tpu.memory_space<smem>>
    %slice3A_1213 = vector.extract_strided_slice %get3A_1142 {offsets = [10], sizes = [1], strides = [1]} : vector<16xi32> to vector<1xi32>
    %squeeze3A_1214 = vector.extract %slice3A_1213[0] : i32 from vector<1xi32>
    %swap3A_1215 = arith.constant 85 : i32
    %swap3A_1216 = arith.constant 0 : i32
    %swap3A_1217 = arith.index_cast %swap3A_1215 : i32 to index
    %swap3A_1218 = arith.index_cast %swap3A_1216 : i32 to index
    %swap3A_1219 = memref.load %arg6[%swap3A_1217, %swap3A_1218] : memref<128x2xi32, #tpu.memory_space<smem>>
    memref.store %squeeze3A_1214, %arg6[%swap3A_1217, %swap3A_1218] : memref<128x2xi32, #tpu.memory_space<smem>>
    %slice3A_1220 = vector.extract_strided_slice %get3A_1142 {offsets = [11], sizes = [1], strides = [1]} : vector<16xi32> to vector<1xi32>
    %squeeze3A_1221 = vector.extract %slice3A_1220[0] : i32 from vector<1xi32>
    %swap3A_1222 = arith.constant 85 : i32
    %swap3A_1223 = arith.constant 1 : i32
    %swap3A_1224 = arith.index_cast %swap3A_1222 : i32 to index
    %swap3A_1225 = arith.index_cast %swap3A_1223 : i32 to index
    %swap3A_1226 = memref.load %arg6[%swap3A_1224, %swap3A_1225] : memref<128x2xi32, #tpu.memory_space<smem>>
    memref.store %squeeze3A_1221, %arg6[%swap3A_1224, %swap3A_1225] : memref<128x2xi32, #tpu.memory_space<smem>>
    %slice3A_1227 = vector.extract_strided_slice %get3A_1142 {offsets = [12], sizes = [1], strides = [1]} : vector<16xi32> to vector<1xi32>
    %squeeze3A_1228 = vector.extract %slice3A_1227[0] : i32 from vector<1xi32>
    %swap3A_1229 = arith.constant 86 : i32
    %swap3A_1230 = arith.constant 0 : i32
    %swap3A_1231 = arith.index_cast %swap3A_1229 : i32 to index
    %swap3A_1232 = arith.index_cast %swap3A_1230 : i32 to index
    %swap3A_1233 = memref.load %arg6[%swap3A_1231, %swap3A_1232] : memref<128x2xi32, #tpu.memory_space<smem>>
    memref.store %squeeze3A_1228, %arg6[%swap3A_1231, %swap3A_1232] : memref<128x2xi32, #tpu.memory_space<smem>>
    %slice3A_1234 = vector.extract_strided_slice %get3A_1142 {offsets = [13], sizes = [1], strides = [1]} : vector<16xi32> to vector<1xi32>
    %squeeze3A_1235 = vector.extract %slice3A_1234[0] : i32 from vector<1xi32>
    %swap3A_1236 = arith.constant 86 : i32
    %swap3A_1237 = arith.constant 1 : i32
    %swap3A_1238 = arith.index_cast %swap3A_1236 : i32 to index
    %swap3A_1239 = arith.index_cast %swap3A_1237 : i32 to index
    %swap3A_1240 = memref.load %arg6[%swap3A_1238, %swap3A_1239] : memref<128x2xi32, #tpu.memory_space<smem>>
    memref.store %squeeze3A_1235, %arg6[%swap3A_1238, %swap3A_1239] : memref<128x2xi32, #tpu.memory_space<smem>>
    %slice3A_1241 = vector.extract_strided_slice %get3A_1142 {offsets = [14], sizes = [1], strides = [1]} : vector<16xi32> to vector<1xi32>
    %squeeze3A_1242 = vector.extract %slice3A_1241[0] : i32 from vector<1xi32>
    %swap3A_1243 = arith.constant 87 : i32
    %swap3A_1244 = arith.constant 0 : i32
    %swap3A_1245 = arith.index_cast %swap3A_1243 : i32 to index
    %swap3A_1246 = arith.index_cast %swap3A_1244 : i32 to index
    %swap3A_1247 = memref.load %arg6[%swap3A_1245, %swap3A_1246] : memref<128x2xi32, #tpu.memory_space<smem>>
    memref.store %squeeze3A_1242, %arg6[%swap3A_1245, %swap3A_1246] : memref<128x2xi32, #tpu.memory_space<smem>>
    %slice3A_1248 = vector.extract_strided_slice %get3A_1142 {offsets = [15], sizes = [1], strides = [1]} : vector<16xi32> to vector<1xi32>
    %squeeze3A_1249 = vector.extract %slice3A_1248[0] : i32 from vector<1xi32>
    %swap3A_1250 = arith.constant 87 : i32
    %swap3A_1251 = arith.constant 1 : i32
    %swap3A_1252 = arith.index_cast %swap3A_1250 : i32 to index
    %swap3A_1253 = arith.index_cast %swap3A_1251 : i32 to index
    %swap3A_1254 = memref.load %arg6[%swap3A_1252, %swap3A_1253] : memref<128x2xi32, #tpu.memory_space<smem>>
    memref.store %squeeze3A_1249, %arg6[%swap3A_1252, %swap3A_1253] : memref<128x2xi32, #tpu.memory_space<smem>>
    %get3A_1255 = arith.constant 176 : index
    %get3A_1256 = tpu.vector_load %arg5[%get3A_1255] {strides = array<i32>} : memref<256xi32, #tpu.memory_space<vmem>>, vector<16xi32>,
    %slice3A_1257 = vector.extract_strided_slice %get3A_1256 {offsets = [0], sizes = [1], strides = [1]} : vector<16xi32> to vector<1xi32>
    %squeeze3A_1258 = vector.extract %slice3A_1257[0] : i32 from vector<1xi32>
    %swap3A_1259 = arith.constant 88 : i32
    %swap3A_1260 = arith.constant 0 : i32
    %swap3A_1261 = arith.index_cast %swap3A_1259 : i32 to index
    %swap3A_1262 = arith.index_cast %swap3A_1260 : i32 to index
    %swap3A_1263 = memref.load %arg6[%swap3A_1261, %swap3A_1262] : memref<128x2xi32, #tpu.memory_space<smem>>
    memref.store %squeeze3A_1258, %arg6[%swap3A_1261, %swap3A_1262] : memref<128x2xi32, #tpu.memory_space<smem>>
    %slice3A_1264 = vector.extract_strided_slice %get3A_1256 {offsets = [1], sizes = [1], strides = [1]} : vector<16xi32> to vector<1xi32>
    %squeeze3A_1265 = vector.extract %slice3A_1264[0] : i32 from vector<1xi32>
    %swap3A_1266 = arith.constant 88 : i32
    %swap3A_1267 = arith.constant 1 : i32
    %swap3A_1268 = arith.index_cast %swap3A_1266 : i32 to index
    %swap3A_1269 = arith.index_cast %swap3A_1267 : i32 to index
    %swap3A_1270 = memref.load %arg6[%swap3A_1268, %swap3A_1269] : memref<128x2xi32, #tpu.memory_space<smem>>
    memref.store %squeeze3A_1265, %arg6[%swap3A_1268, %swap3A_1269] : memref<128x2xi32, #tpu.memory_space<smem>>
    %slice3A_1271 = vector.extract_strided_slice %get3A_1256 {offsets = [2], sizes = [1], strides = [1]} : vector<16xi32> to vector<1xi32>
    %squeeze3A_1272 = vector.extract %slice3A_1271[0] : i32 from vector<1xi32>
    %swap3A_1273 = arith.constant 89 : i32
    %swap3A_1274 = arith.constant 0 : i32
    %swap3A_1275 = arith.index_cast %swap3A_1273 : i32 to index
    %swap3A_1276 = arith.index_cast %swap3A_1274 : i32 to index
    %swap3A_1277 = memref.load %arg6[%swap3A_1275, %swap3A_1276] : memref<128x2xi32, #tpu.memory_space<smem>>
    memref.store %squeeze3A_1272, %arg6[%swap3A_1275, %swap3A_1276] : memref<128x2xi32, #tpu.memory_space<smem>>
    %slice3A_1278 = vector.extract_strided_slice %get3A_1256 {offsets = [3], sizes = [1], strides = [1]} : vector<16xi32> to vector<1xi32>
    %squeeze3A_1279 = vector.extract %slice3A_1278[0] : i32 from vector<1xi32>
    %swap3A_1280 = arith.constant 89 : i32
    %swap3A_1281 = arith.constant 1 : i32
    %swap3A_1282 = arith.index_cast %swap3A_1280 : i32 to index
    %swap3A_1283 = arith.index_cast %swap3A_1281 : i32 to index
    %swap3A_1284 = memref.load %arg6[%swap3A_1282, %swap3A_1283] : memref<128x2xi32, #tpu.memory_space<smem>>
    memref.store %squeeze3A_1279, %arg6[%swap3A_1282, %swap3A_1283] : memref<128x2xi32, #tpu.memory_space<smem>>
    %slice3A_1285 = vector.extract_strided_slice %get3A_1256 {offsets = [4], sizes = [1], strides = [1]} : vector<16xi32> to vector<1xi32>
    %squeeze3A_1286 = vector.extract %slice3A_1285[0] : i32 from vector<1xi32>
    %swap3A_1287 = arith.constant 90 : i32
    %swap3A_1288 = arith.constant 0 : i32
    %swap3A_1289 = arith.index_cast %swap3A_1287 : i32 to index
    %swap3A_1290 = arith.index_cast %swap3A_1288 : i32 to index
    %swap3A_1291 = memref.load %arg6[%swap3A_1289, %swap3A_1290] : memref<128x2xi32, #tpu.memory_space<smem>>
    memref.store %squeeze3A_1286, %arg6[%swap3A_1289, %swap3A_1290] : memref<128x2xi32, #tpu.memory_space<smem>>
    %slice3A_1292 = vector.extract_strided_slice %get3A_1256 {offsets = [5], sizes = [1], strides = [1]} : vector<16xi32> to vector<1xi32>
    %squeeze3A_1293 = vector.extract %slice3A_1292[0] : i32 from vector<1xi32>
    %swap3A_1294 = arith.constant 90 : i32
    %swap3A_1295 = arith.constant 1 : i32
    %swap3A_1296 = arith.index_cast %swap3A_1294 : i32 to index
    %swap3A_1297 = arith.index_cast %swap3A_1295 : i32 to index
    %swap3A_1298 = memref.load %arg6[%swap3A_1296, %swap3A_1297] : memref<128x2xi32, #tpu.memory_space<smem>>
    memref.store %squeeze3A_1293, %arg6[%swap3A_1296, %swap3A_1297] : memref<128x2xi32, #tpu.memory_space<smem>>
    %slice3A_1299 = vector.extract_strided_slice %get3A_1256 {offsets = [6], sizes = [1], strides = [1]} : vector<16xi32> to vector<1xi32>
    %squeeze3A_1300 = vector.extract %slice3A_1299[0] : i32 from vector<1xi32>
    %swap3A_1301 = arith.constant 91 : i32
    %swap3A_1302 = arith.constant 0 : i32
    %swap3A_1303 = arith.index_cast %swap3A_1301 : i32 to index
    %swap3A_1304 = arith.index_cast %swap3A_1302 : i32 to index
    %swap3A_1305 = memref.load %arg6[%swap3A_1303, %swap3A_1304] : memref<128x2xi32, #tpu.memory_space<smem>>
    memref.store %squeeze3A_1300, %arg6[%swap3A_1303, %swap3A_1304] : memref<128x2xi32, #tpu.memory_space<smem>>
    %slice3A_1306 = vector.extract_strided_slice %get3A_1256 {offsets = [7], sizes = [1], strides = [1]} : vector<16xi32> to vector<1xi32>
    %squeeze3A_1307 = vector.extract %slice3A_1306[0] : i32 from vector<1xi32>
    %swap3A_1308 = arith.constant 91 : i32
    %swap3A_1309 = arith.constant 1 : i32
    %swap3A_1310 = arith.index_cast %swap3A_1308 : i32 to index
    %swap3A_1311 = arith.index_cast %swap3A_1309 : i32 to index
    %swap3A_1312 = memref.load %arg6[%swap3A_1310, %swap3A_1311] : memref<128x2xi32, #tpu.memory_space<smem>>
    memref.store %squeeze3A_1307, %arg6[%swap3A_1310, %swap3A_1311] : memref<128x2xi32, #tpu.memory_space<smem>>
    %slice3A_1313 = vector.extract_strided_slice %get3A_1256 {offsets = [8], sizes = [1], strides = [1]} : vector<16xi32> to vector<1xi32>
    %squeeze3A_1314 = vector.extract %slice3A_1313[0] : i32 from vector<1xi32>
    %swap3A_1315 = arith.constant 92 : i32
    %swap3A_1316 = arith.constant 0 : i32
    %swap3A_1317 = arith.index_cast %swap3A_1315 : i32 to index
    %swap3A_1318 = arith.index_cast %swap3A_1316 : i32 to index
    %swap3A_1319 = memref.load %arg6[%swap3A_1317, %swap3A_1318] : memref<128x2xi32, #tpu.memory_space<smem>>
    memref.store %squeeze3A_1314, %arg6[%swap3A_1317, %swap3A_1318] : memref<128x2xi32, #tpu.memory_space<smem>>
    %slice3A_1320 = vector.extract_strided_slice %get3A_1256 {offsets = [9], sizes = [1], strides = [1]} : vector<16xi32> to vector<1xi32>
    %squeeze3A_1321 = vector.extract %slice3A_1320[0] : i32 from vector<1xi32>
    %swap3A_1322 = arith.constant 92 : i32
    %swap3A_1323 = arith.constant 1 : i32
    %swap3A_1324 = arith.index_cast %swap3A_1322 : i32 to index
    %swap3A_1325 = arith.index_cast %swap3A_1323 : i32 to index
    %swap3A_1326 = memref.load %arg6[%swap3A_1324, %swap3A_1325] : memref<128x2xi32, #tpu.memory_space<smem>>
    memref.store %squeeze3A_1321, %arg6[%swap3A_1324, %swap3A_1325] : memref<128x2xi32, #tpu.memory_space<smem>>
    %slice3A_1327 = vector.extract_strided_slice %get3A_1256 {offsets = [10], sizes = [1], strides = [1]} : vector<16xi32> to vector<1xi32>
    %squeeze3A_1328 = vector.extract %slice3A_1327[0] : i32 from vector<1xi32>
    %swap3A_1329 = arith.constant 93 : i32
    %swap3A_1330 = arith.constant 0 : i32
    %swap3A_1331 = arith.index_cast %swap3A_1329 : i32 to index
    %swap3A_1332 = arith.index_cast %swap3A_1330 : i32 to index
    %swap3A_1333 = memref.load %arg6[%swap3A_1331, %swap3A_1332] : memref<128x2xi32, #tpu.memory_space<smem>>
    memref.store %squeeze3A_1328, %arg6[%swap3A_1331, %swap3A_1332] : memref<128x2xi32, #tpu.memory_space<smem>>
    %slice3A_1334 = vector.extract_strided_slice %get3A_1256 {offsets = [11], sizes = [1], strides = [1]} : vector<16xi32> to vector<1xi32>
    %squeeze3A_1335 = vector.extract %slice3A_1334[0] : i32 from vector<1xi32>
    %swap3A_1336 = arith.constant 93 : i32
    %swap3A_1337 = arith.constant 1 : i32
    %swap3A_1338 = arith.index_cast %swap3A_1336 : i32 to index
    %swap3A_1339 = arith.index_cast %swap3A_1337 : i32 to index
    %swap3A_1340 = memref.load %arg6[%swap3A_1338, %swap3A_1339] : memref<128x2xi32, #tpu.memory_space<smem>>
    memref.store %squeeze3A_1335, %arg6[%swap3A_1338, %swap3A_1339] : memref<128x2xi32, #tpu.memory_space<smem>>
    %slice3A_1341 = vector.extract_strided_slice %get3A_1256 {offsets = [12], sizes = [1], strides = [1]} : vector<16xi32> to vector<1xi32>
    %squeeze3A_1342 = vector.extract %slice3A_1341[0] : i32 from vector<1xi32>
    %swap3A_1343 = arith.constant 94 : i32
    %swap3A_1344 = arith.constant 0 : i32
    %swap3A_1345 = arith.index_cast %swap3A_1343 : i32 to index
    %swap3A_1346 = arith.index_cast %swap3A_1344 : i32 to index
    %swap3A_1347 = memref.load %arg6[%swap3A_1345, %swap3A_1346] : memref<128x2xi32, #tpu.memory_space<smem>>
    memref.store %squeeze3A_1342, %arg6[%swap3A_1345, %swap3A_1346] : memref<128x2xi32, #tpu.memory_space<smem>>
    %slice3A_1348 = vector.extract_strided_slice %get3A_1256 {offsets = [13], sizes = [1], strides = [1]} : vector<16xi32> to vector<1xi32>
    %squeeze3A_1349 = vector.extract %slice3A_1348[0] : i32 from vector<1xi32>
    %swap3A_1350 = arith.constant 94 : i32
    %swap3A_1351 = arith.constant 1 : i32
    %swap3A_1352 = arith.index_cast %swap3A_1350 : i32 to index
    %swap3A_1353 = arith.index_cast %swap3A_1351 : i32 to index
    %swap3A_1354 = memref.load %arg6[%swap3A_1352, %swap3A_1353] : memref<128x2xi32, #tpu.memory_space<smem>>
    memref.store %squeeze3A_1349, %arg6[%swap3A_1352, %swap3A_1353] : memref<128x2xi32, #tpu.memory_space<smem>>
    %slice3A_1355 = vector.extract_strided_slice %get3A_1256 {offsets = [14], sizes = [1], strides = [1]} : vector<16xi32> to vector<1xi32>
    %squeeze3A_1356 = vector.extract %slice3A_1355[0] : i32 from vector<1xi32>
    %swap3A_1357 = arith.constant 95 : i32
    %swap3A_1358 = arith.constant 0 : i32
    %swap3A_1359 = arith.index_cast %swap3A_1357 : i32 to index
    %swap3A_1360 = arith.index_cast %swap3A_1358 : i32 to index
    %swap3A_1361 = memref.load %arg6[%swap3A_1359, %swap3A_1360] : memref<128x2xi32, #tpu.memory_space<smem>>
    memref.store %squeeze3A_1356, %arg6[%swap3A_1359, %swap3A_1360] : memref<128x2xi32, #tpu.memory_space<smem>>
    %slice3A_1362 = vector.extract_strided_slice %get3A_1256 {offsets = [15], sizes = [1], strides = [1]} : vector<16xi32> to vector<1xi32>
    %squeeze3A_1363 = vector.extract %slice3A_1362[0] : i32 from vector<1xi32>
    %swap3A_1364 = arith.constant 95 : i32
    %swap3A_1365 = arith.constant 1 : i32
    %swap3A_1366 = arith.index_cast %swap3A_1364 : i32 to index
    %swap3A_1367 = arith.index_cast %swap3A_1365 : i32 to index
    %swap3A_1368 = memref.load %arg6[%swap3A_1366, %swap3A_1367] : memref<128x2xi32, #tpu.memory_space<smem>>
    memref.store %squeeze3A_1363, %arg6[%swap3A_1366, %swap3A_1367] : memref<128x2xi32, #tpu.memory_space<smem>>
    %get3A_1369 = arith.constant 192 : index
    %get3A_1370 = tpu.vector_load %arg5[%get3A_1369] {strides = array<i32>} : memref<256xi32, #tpu.memory_space<vmem>>, vector<16xi32>,
    %slice3A_1371 = vector.extract_strided_slice %get3A_1370 {offsets = [0], sizes = [1], strides = [1]} : vector<16xi32> to vector<1xi32>
    %squeeze3A_1372 = vector.extract %slice3A_1371[0] : i32 from vector<1xi32>
    %swap3A_1373 = arith.constant 96 : i32
    %swap3A_1374 = arith.constant 0 : i32
    %swap3A_1375 = arith.index_cast %swap3A_1373 : i32 to index
    %swap3A_1376 = arith.index_cast %swap3A_1374 : i32 to index
    %swap3A_1377 = memref.load %arg6[%swap3A_1375, %swap3A_1376] : memref<128x2xi32, #tpu.memory_space<smem>>
    memref.store %squeeze3A_1372, %arg6[%swap3A_1375, %swap3A_1376] : memref<128x2xi32, #tpu.memory_space<smem>>
    %slice3A_1378 = vector.extract_strided_slice %get3A_1370 {offsets = [1], sizes = [1], strides = [1]} : vector<16xi32> to vector<1xi32>
    %squeeze3A_1379 = vector.extract %slice3A_1378[0] : i32 from vector<1xi32>
    %swap3A_1380 = arith.constant 96 : i32
    %swap3A_1381 = arith.constant 1 : i32
    %swap3A_1382 = arith.index_cast %swap3A_1380 : i32 to index
    %swap3A_1383 = arith.index_cast %swap3A_1381 : i32 to index
    %swap3A_1384 = memref.load %arg6[%swap3A_1382, %swap3A_1383] : memref<128x2xi32, #tpu.memory_space<smem>>
    memref.store %squeeze3A_1379, %arg6[%swap3A_1382, %swap3A_1383] : memref<128x2xi32, #tpu.memory_space<smem>>
    %slice3A_1385 = vector.extract_strided_slice %get3A_1370 {offsets = [2], sizes = [1], strides = [1]} : vector<16xi32> to vector<1xi32>
    %squeeze3A_1386 = vector.extract %slice3A_1385[0] : i32 from vector<1xi32>
    %swap3A_1387 = arith.constant 97 : i32
    %swap3A_1388 = arith.constant 0 : i32
    %swap3A_1389 = arith.index_cast %swap3A_1387 : i32 to index
    %swap3A_1390 = arith.index_cast %swap3A_1388 : i32 to index
    %swap3A_1391 = memref.load %arg6[%swap3A_1389, %swap3A_1390] : memref<128x2xi32, #tpu.memory_space<smem>>
    memref.store %squeeze3A_1386, %arg6[%swap3A_1389, %swap3A_1390] : memref<128x2xi32, #tpu.memory_space<smem>>
    %slice3A_1392 = vector.extract_strided_slice %get3A_1370 {offsets = [3], sizes = [1], strides = [1]} : vector<16xi32> to vector<1xi32>
    %squeeze3A_1393 = vector.extract %slice3A_1392[0] : i32 from vector<1xi32>
    %swap3A_1394 = arith.constant 97 : i32
    %swap3A_1395 = arith.constant 1 : i32
    %swap3A_1396 = arith.index_cast %swap3A_1394 : i32 to index
    %swap3A_1397 = arith.index_cast %swap3A_1395 : i32 to index
    %swap3A_1398 = memref.load %arg6[%swap3A_1396, %swap3A_1397] : memref<128x2xi32, #tpu.memory_space<smem>>
    memref.store %squeeze3A_1393, %arg6[%swap3A_1396, %swap3A_1397] : memref<128x2xi32, #tpu.memory_space<smem>>
    %slice3A_1399 = vector.extract_strided_slice %get3A_1370 {offsets = [4], sizes = [1], strides = [1]} : vector<16xi32> to vector<1xi32>
    %squeeze3A_1400 = vector.extract %slice3A_1399[0] : i32 from vector<1xi32>
    %swap3A_1401 = arith.constant 98 : i32
    %swap3A_1402 = arith.constant 0 : i32
    %swap3A_1403 = arith.index_cast %swap3A_1401 : i32 to index
    %swap3A_1404 = arith.index_cast %swap3A_1402 : i32 to index
    %swap3A_1405 = memref.load %arg6[%swap3A_1403, %swap3A_1404] : memref<128x2xi32, #tpu.memory_space<smem>>
    memref.store %squeeze3A_1400, %arg6[%swap3A_1403, %swap3A_1404] : memref<128x2xi32, #tpu.memory_space<smem>>
    %slice3A_1406 = vector.extract_strided_slice %get3A_1370 {offsets = [5], sizes = [1], strides = [1]} : vector<16xi32> to vector<1xi32>
    %squeeze3A_1407 = vector.extract %slice3A_1406[0] : i32 from vector<1xi32>
    %swap3A_1408 = arith.constant 98 : i32
    %swap3A_1409 = arith.constant 1 : i32
    %swap3A_1410 = arith.index_cast %swap3A_1408 : i32 to index
    %swap3A_1411 = arith.index_cast %swap3A_1409 : i32 to index
    %swap3A_1412 = memref.load %arg6[%swap3A_1410, %swap3A_1411] : memref<128x2xi32, #tpu.memory_space<smem>>
    memref.store %squeeze3A_1407, %arg6[%swap3A_1410, %swap3A_1411] : memref<128x2xi32, #tpu.memory_space<smem>>
    %slice3A_1413 = vector.extract_strided_slice %get3A_1370 {offsets = [6], sizes = [1], strides = [1]} : vector<16xi32> to vector<1xi32>
    %squeeze3A_1414 = vector.extract %slice3A_1413[0] : i32 from vector<1xi32>
    %swap3A_1415 = arith.constant 99 : i32
    %swap3A_1416 = arith.constant 0 : i32
    %swap3A_1417 = arith.index_cast %swap3A_1415 : i32 to index
    %swap3A_1418 = arith.index_cast %swap3A_1416 : i32 to index
    %swap3A_1419 = memref.load %arg6[%swap3A_1417, %swap3A_1418] : memref<128x2xi32, #tpu.memory_space<smem>>
    memref.store %squeeze3A_1414, %arg6[%swap3A_1417, %swap3A_1418] : memref<128x2xi32, #tpu.memory_space<smem>>
    %slice3A_1420 = vector.extract_strided_slice %get3A_1370 {offsets = [7], sizes = [1], strides = [1]} : vector<16xi32> to vector<1xi32>
    %squeeze3A_1421 = vector.extract %slice3A_1420[0] : i32 from vector<1xi32>
    %swap3A_1422 = arith.constant 99 : i32
    %swap3A_1423 = arith.constant 1 : i32
    %swap3A_1424 = arith.index_cast %swap3A_1422 : i32 to index
    %swap3A_1425 = arith.index_cast %swap3A_1423 : i32 to index
    %swap3A_1426 = memref.load %arg6[%swap3A_1424, %swap3A_1425] : memref<128x2xi32, #tpu.memory_space<smem>>
    memref.store %squeeze3A_1421, %arg6[%swap3A_1424, %swap3A_1425] : memref<128x2xi32, #tpu.memory_space<smem>>
    %slice3A_1427 = vector.extract_strided_slice %get3A_1370 {offsets = [8], sizes = [1], strides = [1]} : vector<16xi32> to vector<1xi32>
    %squeeze3A_1428 = vector.extract %slice3A_1427[0] : i32 from vector<1xi32>
    %swap3A_1429 = arith.constant 100 : i32
    %swap3A_1430 = arith.constant 0 : i32
    %swap3A_1431 = arith.index_cast %swap3A_1429 : i32 to index
    %swap3A_1432 = arith.index_cast %swap3A_1430 : i32 to index
    %swap3A_1433 = memref.load %arg6[%swap3A_1431, %swap3A_1432] : memref<128x2xi32, #tpu.memory_space<smem>>
    memref.store %squeeze3A_1428, %arg6[%swap3A_1431, %swap3A_1432] : memref<128x2xi32, #tpu.memory_space<smem>>
    %slice3A_1434 = vector.extract_strided_slice %get3A_1370 {offsets = [9], sizes = [1], strides = [1]} : vector<16xi32> to vector<1xi32>
    %squeeze3A_1435 = vector.extract %slice3A_1434[0] : i32 from vector<1xi32>
    %swap3A_1436 = arith.constant 100 : i32
    %swap3A_1437 = arith.constant 1 : i32
    %swap3A_1438 = arith.index_cast %swap3A_1436 : i32 to index
    %swap3A_1439 = arith.index_cast %swap3A_1437 : i32 to index
    %swap3A_1440 = memref.load %arg6[%swap3A_1438, %swap3A_1439] : memref<128x2xi32, #tpu.memory_space<smem>>
    memref.store %squeeze3A_1435, %arg6[%swap3A_1438, %swap3A_1439] : memref<128x2xi32, #tpu.memory_space<smem>>
    %slice3A_1441 = vector.extract_strided_slice %get3A_1370 {offsets = [10], sizes = [1], strides = [1]} : vector<16xi32> to vector<1xi32>
    %squeeze3A_1442 = vector.extract %slice3A_1441[0] : i32 from vector<1xi32>
    %swap3A_1443 = arith.constant 101 : i32
    %swap3A_1444 = arith.constant 0 : i32
    %swap3A_1445 = arith.index_cast %swap3A_1443 : i32 to index
    %swap3A_1446 = arith.index_cast %swap3A_1444 : i32 to index
    %swap3A_1447 = memref.load %arg6[%swap3A_1445, %swap3A_1446] : memref<128x2xi32, #tpu.memory_space<smem>>
    memref.store %squeeze3A_1442, %arg6[%swap3A_1445, %swap3A_1446] : memref<128x2xi32, #tpu.memory_space<smem>>
    %slice3A_1448 = vector.extract_strided_slice %get3A_1370 {offsets = [11], sizes = [1], strides = [1]} : vector<16xi32> to vector<1xi32>
    %squeeze3A_1449 = vector.extract %slice3A_1448[0] : i32 from vector<1xi32>
    %swap3A_1450 = arith.constant 101 : i32
    %swap3A_1451 = arith.constant 1 : i32
    %swap3A_1452 = arith.index_cast %swap3A_1450 : i32 to index
    %swap3A_1453 = arith.index_cast %swap3A_1451 : i32 to index
    %swap3A_1454 = memref.load %arg6[%swap3A_1452, %swap3A_1453] : memref<128x2xi32, #tpu.memory_space<smem>>
    memref.store %squeeze3A_1449, %arg6[%swap3A_1452, %swap3A_1453] : memref<128x2xi32, #tpu.memory_space<smem>>
    %slice3A_1455 = vector.extract_strided_slice %get3A_1370 {offsets = [12], sizes = [1], strides = [1]} : vector<16xi32> to vector<1xi32>
    %squeeze3A_1456 = vector.extract %slice3A_1455[0] : i32 from vector<1xi32>
    %swap3A_1457 = arith.constant 102 : i32
    %swap3A_1458 = arith.constant 0 : i32
    %swap3A_1459 = arith.index_cast %swap3A_1457 : i32 to index
    %swap3A_1460 = arith.index_cast %swap3A_1458 : i32 to index
    %swap3A_1461 = memref.load %arg6[%swap3A_1459, %swap3A_1460] : memref<128x2xi32, #tpu.memory_space<smem>>
    memref.store %squeeze3A_1456, %arg6[%swap3A_1459, %swap3A_1460] : memref<128x2xi32, #tpu.memory_space<smem>>
    %slice3A_1462 = vector.extract_strided_slice %get3A_1370 {offsets = [13], sizes = [1], strides = [1]} : vector<16xi32> to vector<1xi32>
    %squeeze3A_1463 = vector.extract %slice3A_1462[0] : i32 from vector<1xi32>
    %swap3A_1464 = arith.constant 102 : i32
    %swap3A_1465 = arith.constant 1 : i32
    %swap3A_1466 = arith.index_cast %swap3A_1464 : i32 to index
    %swap3A_1467 = arith.index_cast %swap3A_1465 : i32 to index
    %swap3A_1468 = memref.load %arg6[%swap3A_1466, %swap3A_1467] : memref<128x2xi32, #tpu.memory_space<smem>>
    memref.store %squeeze3A_1463, %arg6[%swap3A_1466, %swap3A_1467] : memref<128x2xi32, #tpu.memory_space<smem>>
    %slice3A_1469 = vector.extract_strided_slice %get3A_1370 {offsets = [14], sizes = [1], strides = [1]} : vector<16xi32> to vector<1xi32>
    %squeeze3A_1470 = vector.extract %slice3A_1469[0] : i32 from vector<1xi32>
    %swap3A_1471 = arith.constant 103 : i32
    %swap3A_1472 = arith.constant 0 : i32
    %swap3A_1473 = arith.index_cast %swap3A_1471 : i32 to index
    %swap3A_1474 = arith.index_cast %swap3A_1472 : i32 to index
    %swap3A_1475 = memref.load %arg6[%swap3A_1473, %swap3A_1474] : memref<128x2xi32, #tpu.memory_space<smem>>
    memref.store %squeeze3A_1470, %arg6[%swap3A_1473, %swap3A_1474] : memref<128x2xi32, #tpu.memory_space<smem>>
    %slice3A_1476 = vector.extract_strided_slice %get3A_1370 {offsets = [15], sizes = [1], strides = [1]} : vector<16xi32> to vector<1xi32>
    %squeeze3A_1477 = vector.extract %slice3A_1476[0] : i32 from vector<1xi32>
    %swap3A_1478 = arith.constant 103 : i32
    %swap3A_1479 = arith.constant 1 : i32
    %swap3A_1480 = arith.index_cast %swap3A_1478 : i32 to index
    %swap3A_1481 = arith.index_cast %swap3A_1479 : i32 to index
    %swap3A_1482 = memref.load %arg6[%swap3A_1480, %swap3A_1481] : memref<128x2xi32, #tpu.memory_space<smem>>
    memref.store %squeeze3A_1477, %arg6[%swap3A_1480, %swap3A_1481] : memref<128x2xi32, #tpu.memory_space<smem>>
    %get3A_1483 = arith.constant 208 : index
    %get3A_1484 = tpu.vector_load %arg5[%get3A_1483] {strides = array<i32>} : memref<256xi32, #tpu.memory_space<vmem>>, vector<16xi32>,
    %slice3A_1485 = vector.extract_strided_slice %get3A_1484 {offsets = [0], sizes = [1], strides = [1]} : vector<16xi32> to vector<1xi32>
    %squeeze3A_1486 = vector.extract %slice3A_1485[0] : i32 from vector<1xi32>
    %swap3A_1487 = arith.constant 104 : i32
    %swap3A_1488 = arith.constant 0 : i32
    %swap3A_1489 = arith.index_cast %swap3A_1487 : i32 to index
    %swap3A_1490 = arith.index_cast %swap3A_1488 : i32 to index
    %swap3A_1491 = memref.load %arg6[%swap3A_1489, %swap3A_1490] : memref<128x2xi32, #tpu.memory_space<smem>>
    memref.store %squeeze3A_1486, %arg6[%swap3A_1489, %swap3A_1490] : memref<128x2xi32, #tpu.memory_space<smem>>
    %slice3A_1492 = vector.extract_strided_slice %get3A_1484 {offsets = [1], sizes = [1], strides = [1]} : vector<16xi32> to vector<1xi32>
    %squeeze3A_1493 = vector.extract %slice3A_1492[0] : i32 from vector<1xi32>
    %swap3A_1494 = arith.constant 104 : i32
    %swap3A_1495 = arith.constant 1 : i32
    %swap3A_1496 = arith.index_cast %swap3A_1494 : i32 to index
    %swap3A_1497 = arith.index_cast %swap3A_1495 : i32 to index
    %swap3A_1498 = memref.load %arg6[%swap3A_1496, %swap3A_1497] : memref<128x2xi32, #tpu.memory_space<smem>>
    memref.store %squeeze3A_1493, %arg6[%swap3A_1496, %swap3A_1497] : memref<128x2xi32, #tpu.memory_space<smem>>
    %slice3A_1499 = vector.extract_strided_slice %get3A_1484 {offsets = [2], sizes = [1], strides = [1]} : vector<16xi32> to vector<1xi32>
    %squeeze3A_1500 = vector.extract %slice3A_1499[0] : i32 from vector<1xi32>
    %swap3A_1501 = arith.constant 105 : i32
    %swap3A_1502 = arith.constant 0 : i32
    %swap3A_1503 = arith.index_cast %swap3A_1501 : i32 to index
    %swap3A_1504 = arith.index_cast %swap3A_1502 : i32 to index
    %swap3A_1505 = memref.load %arg6[%swap3A_1503, %swap3A_1504] : memref<128x2xi32, #tpu.memory_space<smem>>
    memref.store %squeeze3A_1500, %arg6[%swap3A_1503, %swap3A_1504] : memref<128x2xi32, #tpu.memory_space<smem>>
    %slice3A_1506 = vector.extract_strided_slice %get3A_1484 {offsets = [3], sizes = [1], strides = [1]} : vector<16xi32> to vector<1xi32>
    %squeeze3A_1507 = vector.extract %slice3A_1506[0] : i32 from vector<1xi32>
    %swap3A_1508 = arith.constant 105 : i32
    %swap3A_1509 = arith.constant 1 : i32
    %swap3A_1510 = arith.index_cast %swap3A_1508 : i32 to index
    %swap3A_1511 = arith.index_cast %swap3A_1509 : i32 to index
    %swap3A_1512 = memref.load %arg6[%swap3A_1510, %swap3A_1511] : memref<128x2xi32, #tpu.memory_space<smem>>
    memref.store %squeeze3A_1507, %arg6[%swap3A_1510, %swap3A_1511] : memref<128x2xi32, #tpu.memory_space<smem>>
    %slice3A_1513 = vector.extract_strided_slice %get3A_1484 {offsets = [4], sizes = [1], strides = [1]} : vector<16xi32> to vector<1xi32>
    %squeeze3A_1514 = vector.extract %slice3A_1513[0] : i32 from vector<1xi32>
    %swap3A_1515 = arith.constant 106 : i32
    %swap3A_1516 = arith.constant 0 : i32
    %swap3A_1517 = arith.index_cast %swap3A_1515 : i32 to index
    %swap3A_1518 = arith.index_cast %swap3A_1516 : i32 to index
    %swap3A_1519 = memref.load %arg6[%swap3A_1517, %swap3A_1518] : memref<128x2xi32, #tpu.memory_space<smem>>
    memref.store %squeeze3A_1514, %arg6[%swap3A_1517, %swap3A_1518] : memref<128x2xi32, #tpu.memory_space<smem>>
    %slice3A_1520 = vector.extract_strided_slice %get3A_1484 {offsets = [5], sizes = [1], strides = [1]} : vector<16xi32> to vector<1xi32>
    %squeeze3A_1521 = vector.extract %slice3A_1520[0] : i32 from vector<1xi32>
    %swap3A_1522 = arith.constant 106 : i32
    %swap3A_1523 = arith.constant 1 : i32
    %swap3A_1524 = arith.index_cast %swap3A_1522 : i32 to index
    %swap3A_1525 = arith.index_cast %swap3A_1523 : i32 to index
    %swap3A_1526 = memref.load %arg6[%swap3A_1524, %swap3A_1525] : memref<128x2xi32, #tpu.memory_space<smem>>
    memref.store %squeeze3A_1521, %arg6[%swap3A_1524, %swap3A_1525] : memref<128x2xi32, #tpu.memory_space<smem>>
    %slice3A_1527 = vector.extract_strided_slice %get3A_1484 {offsets = [6], sizes = [1], strides = [1]} : vector<16xi32> to vector<1xi32>
    %squeeze3A_1528 = vector.extract %slice3A_1527[0] : i32 from vector<1xi32>
    %swap3A_1529 = arith.constant 107 : i32
    %swap3A_1530 = arith.constant 0 : i32
    %swap3A_1531 = arith.index_cast %swap3A_1529 : i32 to index
    %swap3A_1532 = arith.index_cast %swap3A_1530 : i32 to index
    %swap3A_1533 = memref.load %arg6[%swap3A_1531, %swap3A_1532] : memref<128x2xi32, #tpu.memory_space<smem>>
    memref.store %squeeze3A_1528, %arg6[%swap3A_1531, %swap3A_1532] : memref<128x2xi32, #tpu.memory_space<smem>>
    %slice3A_1534 = vector.extract_strided_slice %get3A_1484 {offsets = [7], sizes = [1], strides = [1]} : vector<16xi32> to vector<1xi32>
    %squeeze3A_1535 = vector.extract %slice3A_1534[0] : i32 from vector<1xi32>
    %swap3A_1536 = arith.constant 107 : i32
    %swap3A_1537 = arith.constant 1 : i32
    %swap3A_1538 = arith.index_cast %swap3A_1536 : i32 to index
    %swap3A_1539 = arith.index_cast %swap3A_1537 : i32 to index
    %swap3A_1540 = memref.load %arg6[%swap3A_1538, %swap3A_1539] : memref<128x2xi32, #tpu.memory_space<smem>>
    memref.store %squeeze3A_1535, %arg6[%swap3A_1538, %swap3A_1539] : memref<128x2xi32, #tpu.memory_space<smem>>
    %slice3A_1541 = vector.extract_strided_slice %get3A_1484 {offsets = [8], sizes = [1], strides = [1]} : vector<16xi32> to vector<1xi32>
    %squeeze3A_1542 = vector.extract %slice3A_1541[0] : i32 from vector<1xi32>
    %swap3A_1543 = arith.constant 108 : i32
    %swap3A_1544 = arith.constant 0 : i32
    %swap3A_1545 = arith.index_cast %swap3A_1543 : i32 to index
    %swap3A_1546 = arith.index_cast %swap3A_1544 : i32 to index
    %swap3A_1547 = memref.load %arg6[%swap3A_1545, %swap3A_1546] : memref<128x2xi32, #tpu.memory_space<smem>>
    memref.store %squeeze3A_1542, %arg6[%swap3A_1545, %swap3A_1546] : memref<128x2xi32, #tpu.memory_space<smem>>
    %slice3A_1548 = vector.extract_strided_slice %get3A_1484 {offsets = [9], sizes = [1], strides = [1]} : vector<16xi32> to vector<1xi32>
    %squeeze3A_1549 = vector.extract %slice3A_1548[0] : i32 from vector<1xi32>
    %swap3A_1550 = arith.constant 108 : i32
    %swap3A_1551 = arith.constant 1 : i32
    %swap3A_1552 = arith.index_cast %swap3A_1550 : i32 to index
    %swap3A_1553 = arith.index_cast %swap3A_1551 : i32 to index
    %swap3A_1554 = memref.load %arg6[%swap3A_1552, %swap3A_1553] : memref<128x2xi32, #tpu.memory_space<smem>>
    memref.store %squeeze3A_1549, %arg6[%swap3A_1552, %swap3A_1553] : memref<128x2xi32, #tpu.memory_space<smem>>
    %slice3A_1555 = vector.extract_strided_slice %get3A_1484 {offsets = [10], sizes = [1], strides = [1]} : vector<16xi32> to vector<1xi32>
    %squeeze3A_1556 = vector.extract %slice3A_1555[0] : i32 from vector<1xi32>
    %swap3A_1557 = arith.constant 109 : i32
    %swap3A_1558 = arith.constant 0 : i32
    %swap3A_1559 = arith.index_cast %swap3A_1557 : i32 to index
    %swap3A_1560 = arith.index_cast %swap3A_1558 : i32 to index
    %swap3A_1561 = memref.load %arg6[%swap3A_1559, %swap3A_1560] : memref<128x2xi32, #tpu.memory_space<smem>>
    memref.store %squeeze3A_1556, %arg6[%swap3A_1559, %swap3A_1560] : memref<128x2xi32, #tpu.memory_space<smem>>
    %slice3A_1562 = vector.extract_strided_slice %get3A_1484 {offsets = [11], sizes = [1], strides = [1]} : vector<16xi32> to vector<1xi32>
    %squeeze3A_1563 = vector.extract %slice3A_1562[0] : i32 from vector<1xi32>
    %swap3A_1564 = arith.constant 109 : i32
    %swap3A_1565 = arith.constant 1 : i32
    %swap3A_1566 = arith.index_cast %swap3A_1564 : i32 to index
    %swap3A_1567 = arith.index_cast %swap3A_1565 : i32 to index
    %swap3A_1568 = memref.load %arg6[%swap3A_1566, %swap3A_1567] : memref<128x2xi32, #tpu.memory_space<smem>>
    memref.store %squeeze3A_1563, %arg6[%swap3A_1566, %swap3A_1567] : memref<128x2xi32, #tpu.memory_space<smem>>
    %slice3A_1569 = vector.extract_strided_slice %get3A_1484 {offsets = [12], sizes = [1], strides = [1]} : vector<16xi32> to vector<1xi32>
    %squeeze3A_1570 = vector.extract %slice3A_1569[0] : i32 from vector<1xi32>
    %swap3A_1571 = arith.constant 110 : i32
    %swap3A_1572 = arith.constant 0 : i32
    %swap3A_1573 = arith.index_cast %swap3A_1571 : i32 to index
    %swap3A_1574 = arith.index_cast %swap3A_1572 : i32 to index
    %swap3A_1575 = memref.load %arg6[%swap3A_1573, %swap3A_1574] : memref<128x2xi32, #tpu.memory_space<smem>>
    memref.store %squeeze3A_1570, %arg6[%swap3A_1573, %swap3A_1574] : memref<128x2xi32, #tpu.memory_space<smem>>
    %slice3A_1576 = vector.extract_strided_slice %get3A_1484 {offsets = [13], sizes = [1], strides = [1]} : vector<16xi32> to vector<1xi32>
    %squeeze3A_1577 = vector.extract %slice3A_1576[0] : i32 from vector<1xi32>
    %swap3A_1578 = arith.constant 110 : i32
    %swap3A_1579 = arith.constant 1 : i32
    %swap3A_1580 = arith.index_cast %swap3A_1578 : i32 to index
    %swap3A_1581 = arith.index_cast %swap3A_1579 : i32 to index
    %swap3A_1582 = memref.load %arg6[%swap3A_1580, %swap3A_1581] : memref<128x2xi32, #tpu.memory_space<smem>>
    memref.store %squeeze3A_1577, %arg6[%swap3A_1580, %swap3A_1581] : memref<128x2xi32, #tpu.memory_space<smem>>
    %slice3A_1583 = vector.extract_strided_slice %get3A_1484 {offsets = [14], sizes = [1], strides = [1]} : vector<16xi32> to vector<1xi32>
    %squeeze3A_1584 = vector.extract %slice3A_1583[0] : i32 from vector<1xi32>
    %swap3A_1585 = arith.constant 111 : i32
    %swap3A_1586 = arith.constant 0 : i32
    %swap3A_1587 = arith.index_cast %swap3A_1585 : i32 to index
    %swap3A_1588 = arith.index_cast %swap3A_1586 : i32 to index
    %swap3A_1589 = memref.load %arg6[%swap3A_1587, %swap3A_1588] : memref<128x2xi32, #tpu.memory_space<smem>>
    memref.store %squeeze3A_1584, %arg6[%swap3A_1587, %swap3A_1588] : memref<128x2xi32, #tpu.memory_space<smem>>
    %slice3A_1590 = vector.extract_strided_slice %get3A_1484 {offsets = [15], sizes = [1], strides = [1]} : vector<16xi32> to vector<1xi32>
    %squeeze3A_1591 = vector.extract %slice3A_1590[0] : i32 from vector<1xi32>
    %swap3A_1592 = arith.constant 111 : i32
    %swap3A_1593 = arith.constant 1 : i32
    %swap3A_1594 = arith.index_cast %swap3A_1592 : i32 to index
    %swap3A_1595 = arith.index_cast %swap3A_1593 : i32 to index
    %swap3A_1596 = memref.load %arg6[%swap3A_1594, %swap3A_1595] : memref<128x2xi32, #tpu.memory_space<smem>>
    memref.store %squeeze3A_1591, %arg6[%swap3A_1594, %swap3A_1595] : memref<128x2xi32, #tpu.memory_space<smem>>
    %get3A_1597 = arith.constant 224 : index
    %get3A_1598 = tpu.vector_load %arg5[%get3A_1597] {strides = array<i32>} : memref<256xi32, #tpu.memory_space<vmem>>, vector<16xi32>,
    %slice3A_1599 = vector.extract_strided_slice %get3A_1598 {offsets = [0], sizes = [1], strides = [1]} : vector<16xi32> to vector<1xi32>
    %squeeze3A_1600 = vector.extract %slice3A_1599[0] : i32 from vector<1xi32>
    %swap3A_1601 = arith.constant 112 : i32
    %swap3A_1602 = arith.constant 0 : i32
    %swap3A_1603 = arith.index_cast %swap3A_1601 : i32 to index
    %swap3A_1604 = arith.index_cast %swap3A_1602 : i32 to index
    %swap3A_1605 = memref.load %arg6[%swap3A_1603, %swap3A_1604] : memref<128x2xi32, #tpu.memory_space<smem>>
    memref.store %squeeze3A_1600, %arg6[%swap3A_1603, %swap3A_1604] : memref<128x2xi32, #tpu.memory_space<smem>>
    %slice3A_1606 = vector.extract_strided_slice %get3A_1598 {offsets = [1], sizes = [1], strides = [1]} : vector<16xi32> to vector<1xi32>
    %squeeze3A_1607 = vector.extract %slice3A_1606[0] : i32 from vector<1xi32>
    %swap3A_1608 = arith.constant 112 : i32
    %swap3A_1609 = arith.constant 1 : i32
    %swap3A_1610 = arith.index_cast %swap3A_1608 : i32 to index
    %swap3A_1611 = arith.index_cast %swap3A_1609 : i32 to index
    %swap3A_1612 = memref.load %arg6[%swap3A_1610, %swap3A_1611] : memref<128x2xi32, #tpu.memory_space<smem>>
    memref.store %squeeze3A_1607, %arg6[%swap3A_1610, %swap3A_1611] : memref<128x2xi32, #tpu.memory_space<smem>>
    %slice3A_1613 = vector.extract_strided_slice %get3A_1598 {offsets = [2], sizes = [1], strides = [1]} : vector<16xi32> to vector<1xi32>
    %squeeze3A_1614 = vector.extract %slice3A_1613[0] : i32 from vector<1xi32>
    %swap3A_1615 = arith.constant 113 : i32
    %swap3A_1616 = arith.constant 0 : i32
    %swap3A_1617 = arith.index_cast %swap3A_1615 : i32 to index
    %swap3A_1618 = arith.index_cast %swap3A_1616 : i32 to index
    %swap3A_1619 = memref.load %arg6[%swap3A_1617, %swap3A_1618] : memref<128x2xi32, #tpu.memory_space<smem>>
    memref.store %squeeze3A_1614, %arg6[%swap3A_1617, %swap3A_1618] : memref<128x2xi32, #tpu.memory_space<smem>>
    %slice3A_1620 = vector.extract_strided_slice %get3A_1598 {offsets = [3], sizes = [1], strides = [1]} : vector<16xi32> to vector<1xi32>
    %squeeze3A_1621 = vector.extract %slice3A_1620[0] : i32 from vector<1xi32>
    %swap3A_1622 = arith.constant 113 : i32
    %swap3A_1623 = arith.constant 1 : i32
    %swap3A_1624 = arith.index_cast %swap3A_1622 : i32 to index
    %swap3A_1625 = arith.index_cast %swap3A_1623 : i32 to index
    %swap3A_1626 = memref.load %arg6[%swap3A_1624, %swap3A_1625] : memref<128x2xi32, #tpu.memory_space<smem>>
    memref.store %squeeze3A_1621, %arg6[%swap3A_1624, %swap3A_1625] : memref<128x2xi32, #tpu.memory_space<smem>>
    %slice3A_1627 = vector.extract_strided_slice %get3A_1598 {offsets = [4], sizes = [1], strides = [1]} : vector<16xi32> to vector<1xi32>
    %squeeze3A_1628 = vector.extract %slice3A_1627[0] : i32 from vector<1xi32>
    %swap3A_1629 = arith.constant 114 : i32
    %swap3A_1630 = arith.constant 0 : i32
    %swap3A_1631 = arith.index_cast %swap3A_1629 : i32 to index
    %swap3A_1632 = arith.index_cast %swap3A_1630 : i32 to index
    %swap3A_1633 = memref.load %arg6[%swap3A_1631, %swap3A_1632] : memref<128x2xi32, #tpu.memory_space<smem>>
    memref.store %squeeze3A_1628, %arg6[%swap3A_1631, %swap3A_1632] : memref<128x2xi32, #tpu.memory_space<smem>>
    %slice3A_1634 = vector.extract_strided_slice %get3A_1598 {offsets = [5], sizes = [1], strides = [1]} : vector<16xi32> to vector<1xi32>
    %squeeze3A_1635 = vector.extract %slice3A_1634[0] : i32 from vector<1xi32>
    %swap3A_1636 = arith.constant 114 : i32
    %swap3A_1637 = arith.constant 1 : i32
    %swap3A_1638 = arith.index_cast %swap3A_1636 : i32 to index
    %swap3A_1639 = arith.index_cast %swap3A_1637 : i32 to index
    %swap3A_1640 = memref.load %arg6[%swap3A_1638, %swap3A_1639] : memref<128x2xi32, #tpu.memory_space<smem>>
    memref.store %squeeze3A_1635, %arg6[%swap3A_1638, %swap3A_1639] : memref<128x2xi32, #tpu.memory_space<smem>>
    %slice3A_1641 = vector.extract_strided_slice %get3A_1598 {offsets = [6], sizes = [1], strides = [1]} : vector<16xi32> to vector<1xi32>
    %squeeze3A_1642 = vector.extract %slice3A_1641[0] : i32 from vector<1xi32>
    %swap3A_1643 = arith.constant 115 : i32
    %swap3A_1644 = arith.constant 0 : i32
    %swap3A_1645 = arith.index_cast %swap3A_1643 : i32 to index
    %swap3A_1646 = arith.index_cast %swap3A_1644 : i32 to index
    %swap3A_1647 = memref.load %arg6[%swap3A_1645, %swap3A_1646] : memref<128x2xi32, #tpu.memory_space<smem>>
    memref.store %squeeze3A_1642, %arg6[%swap3A_1645, %swap3A_1646] : memref<128x2xi32, #tpu.memory_space<smem>>
    %slice3A_1648 = vector.extract_strided_slice %get3A_1598 {offsets = [7], sizes = [1], strides = [1]} : vector<16xi32> to vector<1xi32>
    %squeeze3A_1649 = vector.extract %slice3A_1648[0] : i32 from vector<1xi32>
    %swap3A_1650 = arith.constant 115 : i32
    %swap3A_1651 = arith.constant 1 : i32
    %swap3A_1652 = arith.index_cast %swap3A_1650 : i32 to index
    %swap3A_1653 = arith.index_cast %swap3A_1651 : i32 to index
    %swap3A_1654 = memref.load %arg6[%swap3A_1652, %swap3A_1653] : memref<128x2xi32, #tpu.memory_space<smem>>
    memref.store %squeeze3A_1649, %arg6[%swap3A_1652, %swap3A_1653] : memref<128x2xi32, #tpu.memory_space<smem>>
    %slice3A_1655 = vector.extract_strided_slice %get3A_1598 {offsets = [8], sizes = [1], strides = [1]} : vector<16xi32> to vector<1xi32>
    %squeeze3A_1656 = vector.extract %slice3A_1655[0] : i32 from vector<1xi32>
    %swap3A_1657 = arith.constant 116 : i32
    %swap3A_1658 = arith.constant 0 : i32
    %swap3A_1659 = arith.index_cast %swap3A_1657 : i32 to index
    %swap3A_1660 = arith.index_cast %swap3A_1658 : i32 to index
    %swap3A_1661 = memref.load %arg6[%swap3A_1659, %swap3A_1660] : memref<128x2xi32, #tpu.memory_space<smem>>
    memref.store %squeeze3A_1656, %arg6[%swap3A_1659, %swap3A_1660] : memref<128x2xi32, #tpu.memory_space<smem>>
    %slice3A_1662 = vector.extract_strided_slice %get3A_1598 {offsets = [9], sizes = [1], strides = [1]} : vector<16xi32> to vector<1xi32>
    %squeeze3A_1663 = vector.extract %slice3A_1662[0] : i32 from vector<1xi32>
    %swap3A_1664 = arith.constant 116 : i32
    %swap3A_1665 = arith.constant 1 : i32
    %swap3A_1666 = arith.index_cast %swap3A_1664 : i32 to index
    %swap3A_1667 = arith.index_cast %swap3A_1665 : i32 to index
    %swap3A_1668 = memref.load %arg6[%swap3A_1666, %swap3A_1667] : memref<128x2xi32, #tpu.memory_space<smem>>
    memref.store %squeeze3A_1663, %arg6[%swap3A_1666, %swap3A_1667] : memref<128x2xi32, #tpu.memory_space<smem>>
    %slice3A_1669 = vector.extract_strided_slice %get3A_1598 {offsets = [10], sizes = [1], strides = [1]} : vector<16xi32> to vector<1xi32>
    %squeeze3A_1670 = vector.extract %slice3A_1669[0] : i32 from vector<1xi32>
    %swap3A_1671 = arith.constant 117 : i32
    %swap3A_1672 = arith.constant 0 : i32
    %swap3A_1673 = arith.index_cast %swap3A_1671 : i32 to index
    %swap3A_1674 = arith.index_cast %swap3A_1672 : i32 to index
    %swap3A_1675 = memref.load %arg6[%swap3A_1673, %swap3A_1674] : memref<128x2xi32, #tpu.memory_space<smem>>
    memref.store %squeeze3A_1670, %arg6[%swap3A_1673, %swap3A_1674] : memref<128x2xi32, #tpu.memory_space<smem>>
    %slice3A_1676 = vector.extract_strided_slice %get3A_1598 {offsets = [11], sizes = [1], strides = [1]} : vector<16xi32> to vector<1xi32>
    %squeeze3A_1677 = vector.extract %slice3A_1676[0] : i32 from vector<1xi32>
    %swap3A_1678 = arith.constant 117 : i32
    %swap3A_1679 = arith.constant 1 : i32
    %swap3A_1680 = arith.index_cast %swap3A_1678 : i32 to index
    %swap3A_1681 = arith.index_cast %swap3A_1679 : i32 to index
    %swap3A_1682 = memref.load %arg6[%swap3A_1680, %swap3A_1681] : memref<128x2xi32, #tpu.memory_space<smem>>
    memref.store %squeeze3A_1677, %arg6[%swap3A_1680, %swap3A_1681] : memref<128x2xi32, #tpu.memory_space<smem>>
    %slice3A_1683 = vector.extract_strided_slice %get3A_1598 {offsets = [12], sizes = [1], strides = [1]} : vector<16xi32> to vector<1xi32>
    %squeeze3A_1684 = vector.extract %slice3A_1683[0] : i32 from vector<1xi32>
    %swap3A_1685 = arith.constant 118 : i32
    %swap3A_1686 = arith.constant 0 : i32
    %swap3A_1687 = arith.index_cast %swap3A_1685 : i32 to index
    %swap3A_1688 = arith.index_cast %swap3A_1686 : i32 to index
    %swap3A_1689 = memref.load %arg6[%swap3A_1687, %swap3A_1688] : memref<128x2xi32, #tpu.memory_space<smem>>
    memref.store %squeeze3A_1684, %arg6[%swap3A_1687, %swap3A_1688] : memref<128x2xi32, #tpu.memory_space<smem>>
    %slice3A_1690 = vector.extract_strided_slice %get3A_1598 {offsets = [13], sizes = [1], strides = [1]} : vector<16xi32> to vector<1xi32>
    %squeeze3A_1691 = vector.extract %slice3A_1690[0] : i32 from vector<1xi32>
    %swap3A_1692 = arith.constant 118 : i32
    %swap3A_1693 = arith.constant 1 : i32
    %swap3A_1694 = arith.index_cast %swap3A_1692 : i32 to index
    %swap3A_1695 = arith.index_cast %swap3A_1693 : i32 to index
    %swap3A_1696 = memref.load %arg6[%swap3A_1694, %swap3A_1695] : memref<128x2xi32, #tpu.memory_space<smem>>
    memref.store %squeeze3A_1691, %arg6[%swap3A_1694, %swap3A_1695] : memref<128x2xi32, #tpu.memory_space<smem>>
    %slice3A_1697 = vector.extract_strided_slice %get3A_1598 {offsets = [14], sizes = [1], strides = [1]} : vector<16xi32> to vector<1xi32>
    %squeeze3A_1698 = vector.extract %slice3A_1697[0] : i32 from vector<1xi32>
    %swap3A_1699 = arith.constant 119 : i32
    %swap3A_1700 = arith.constant 0 : i32
    %swap3A_1701 = arith.index_cast %swap3A_1699 : i32 to index
    %swap3A_1702 = arith.index_cast %swap3A_1700 : i32 to index
    %swap3A_1703 = memref.load %arg6[%swap3A_1701, %swap3A_1702] : memref<128x2xi32, #tpu.memory_space<smem>>
    memref.store %squeeze3A_1698, %arg6[%swap3A_1701, %swap3A_1702] : memref<128x2xi32, #tpu.memory_space<smem>>
    %slice3A_1704 = vector.extract_strided_slice %get3A_1598 {offsets = [15], sizes = [1], strides = [1]} : vector<16xi32> to vector<1xi32>
    %squeeze3A_1705 = vector.extract %slice3A_1704[0] : i32 from vector<1xi32>
    %swap3A_1706 = arith.constant 119 : i32
    %swap3A_1707 = arith.constant 1 : i32
    %swap3A_1708 = arith.index_cast %swap3A_1706 : i32 to index
    %swap3A_1709 = arith.index_cast %swap3A_1707 : i32 to index
    %swap3A_1710 = memref.load %arg6[%swap3A_1708, %swap3A_1709] : memref<128x2xi32, #tpu.memory_space<smem>>
    memref.store %squeeze3A_1705, %arg6[%swap3A_1708, %swap3A_1709] : memref<128x2xi32, #tpu.memory_space<smem>>
    %get3A_1711 = arith.constant 240 : index
    %get3A_1712 = tpu.vector_load %arg5[%get3A_1711] {strides = array<i32>} : memref<256xi32, #tpu.memory_space<vmem>>, vector<16xi32>,
    %slice3A_1713 = vector.extract_strided_slice %get3A_1712 {offsets = [0], sizes = [1], strides = [1]} : vector<16xi32> to vector<1xi32>
    %squeeze3A_1714 = vector.extract %slice3A_1713[0] : i32 from vector<1xi32>
    %swap3A_1715 = arith.constant 120 : i32
    %swap3A_1716 = arith.constant 0 : i32
    %swap3A_1717 = arith.index_cast %swap3A_1715 : i32 to index
    %swap3A_1718 = arith.index_cast %swap3A_1716 : i32 to index
    %swap3A_1719 = memref.load %arg6[%swap3A_1717, %swap3A_1718] : memref<128x2xi32, #tpu.memory_space<smem>>
    memref.store %squeeze3A_1714, %arg6[%swap3A_1717, %swap3A_1718] : memref<128x2xi32, #tpu.memory_space<smem>>
    %slice3A_1720 = vector.extract_strided_slice %get3A_1712 {offsets = [1], sizes = [1], strides = [1]} : vector<16xi32> to vector<1xi32>
    %squeeze3A_1721 = vector.extract %slice3A_1720[0] : i32 from vector<1xi32>
    %swap3A_1722 = arith.constant 120 : i32
    %swap3A_1723 = arith.constant 1 : i32
    %swap3A_1724 = arith.index_cast %swap3A_1722 : i32 to index
    %swap3A_1725 = arith.index_cast %swap3A_1723 : i32 to index
    %swap3A_1726 = memref.load %arg6[%swap3A_1724, %swap3A_1725] : memref<128x2xi32, #tpu.memory_space<smem>>
    memref.store %squeeze3A_1721, %arg6[%swap3A_1724, %swap3A_1725] : memref<128x2xi32, #tpu.memory_space<smem>>
    %slice3A_1727 = vector.extract_strided_slice %get3A_1712 {offsets = [2], sizes = [1], strides = [1]} : vector<16xi32> to vector<1xi32>
    %squeeze3A_1728 = vector.extract %slice3A_1727[0] : i32 from vector<1xi32>
    %swap3A_1729 = arith.constant 121 : i32
    %swap3A_1730 = arith.constant 0 : i32
    %swap3A_1731 = arith.index_cast %swap3A_1729 : i32 to index
    %swap3A_1732 = arith.index_cast %swap3A_1730 : i32 to index
    %swap3A_1733 = memref.load %arg6[%swap3A_1731, %swap3A_1732] : memref<128x2xi32, #tpu.memory_space<smem>>
    memref.store %squeeze3A_1728, %arg6[%swap3A_1731, %swap3A_1732] : memref<128x2xi32, #tpu.memory_space<smem>>
    %slice3A_1734 = vector.extract_strided_slice %get3A_1712 {offsets = [3], sizes = [1], strides = [1]} : vector<16xi32> to vector<1xi32>
    %squeeze3A_1735 = vector.extract %slice3A_1734[0] : i32 from vector<1xi32>
    %swap3A_1736 = arith.constant 121 : i32
    %swap3A_1737 = arith.constant 1 : i32
    %swap3A_1738 = arith.index_cast %swap3A_1736 : i32 to index
    %swap3A_1739 = arith.index_cast %swap3A_1737 : i32 to index
    %swap3A_1740 = memref.load %arg6[%swap3A_1738, %swap3A_1739] : memref<128x2xi32, #tpu.memory_space<smem>>
    memref.store %squeeze3A_1735, %arg6[%swap3A_1738, %swap3A_1739] : memref<128x2xi32, #tpu.memory_space<smem>>
    %slice3A_1741 = vector.extract_strided_slice %get3A_1712 {offsets = [4], sizes = [1], strides = [1]} : vector<16xi32> to vector<1xi32>
    %squeeze3A_1742 = vector.extract %slice3A_1741[0] : i32 from vector<1xi32>
    %swap3A_1743 = arith.constant 122 : i32
    %swap3A_1744 = arith.constant 0 : i32
    %swap3A_1745 = arith.index_cast %swap3A_1743 : i32 to index
    %swap3A_1746 = arith.index_cast %swap3A_1744 : i32 to index
    %swap3A_1747 = memref.load %arg6[%swap3A_1745, %swap3A_1746] : memref<128x2xi32, #tpu.memory_space<smem>>
    memref.store %squeeze3A_1742, %arg6[%swap3A_1745, %swap3A_1746] : memref<128x2xi32, #tpu.memory_space<smem>>
    %slice3A_1748 = vector.extract_strided_slice %get3A_1712 {offsets = [5], sizes = [1], strides = [1]} : vector<16xi32> to vector<1xi32>
    %squeeze3A_1749 = vector.extract %slice3A_1748[0] : i32 from vector<1xi32>
    %swap3A_1750 = arith.constant 122 : i32
    %swap3A_1751 = arith.constant 1 : i32
    %swap3A_1752 = arith.index_cast %swap3A_1750 : i32 to index
    %swap3A_1753 = arith.index_cast %swap3A_1751 : i32 to index
    %swap3A_1754 = memref.load %arg6[%swap3A_1752, %swap3A_1753] : memref<128x2xi32, #tpu.memory_space<smem>>
    memref.store %squeeze3A_1749, %arg6[%swap3A_1752, %swap3A_1753] : memref<128x2xi32, #tpu.memory_space<smem>>
    %slice3A_1755 = vector.extract_strided_slice %get3A_1712 {offsets = [6], sizes = [1], strides = [1]} : vector<16xi32> to vector<1xi32>
    %squeeze3A_1756 = vector.extract %slice3A_1755[0] : i32 from vector<1xi32>
    %swap3A_1757 = arith.constant 123 : i32
    %swap3A_1758 = arith.constant 0 : i32
    %swap3A_1759 = arith.index_cast %swap3A_1757 : i32 to index
    %swap3A_1760 = arith.index_cast %swap3A_1758 : i32 to index
    %swap3A_1761 = memref.load %arg6[%swap3A_1759, %swap3A_1760] : memref<128x2xi32, #tpu.memory_space<smem>>
    memref.store %squeeze3A_1756, %arg6[%swap3A_1759, %swap3A_1760] : memref<128x2xi32, #tpu.memory_space<smem>>
    %slice3A_1762 = vector.extract_strided_slice %get3A_1712 {offsets = [7], sizes = [1], strides = [1]} : vector<16xi32> to vector<1xi32>
    %squeeze3A_1763 = vector.extract %slice3A_1762[0] : i32 from vector<1xi32>
    %swap3A_1764 = arith.constant 123 : i32
    %swap3A_1765 = arith.constant 1 : i32
    %swap3A_1766 = arith.index_cast %swap3A_1764 : i32 to index
    %swap3A_1767 = arith.index_cast %swap3A_1765 : i32 to index
    %swap3A_1768 = memref.load %arg6[%swap3A_1766, %swap3A_1767] : memref<128x2xi32, #tpu.memory_space<smem>>
    memref.store %squeeze3A_1763, %arg6[%swap3A_1766, %swap3A_1767] : memref<128x2xi32, #tpu.memory_space<smem>>
    %slice3A_1769 = vector.extract_strided_slice %get3A_1712 {offsets = [8], sizes = [1], strides = [1]} : vector<16xi32> to vector<1xi32>
    %squeeze3A_1770 = vector.extract %slice3A_1769[0] : i32 from vector<1xi32>
    %swap3A_1771 = arith.constant 124 : i32
    %swap3A_1772 = arith.constant 0 : i32
    %swap3A_1773 = arith.index_cast %swap3A_1771 : i32 to index
    %swap3A_1774 = arith.index_cast %swap3A_1772 : i32 to index
    %swap3A_1775 = memref.load %arg6[%swap3A_1773, %swap3A_1774] : memref<128x2xi32, #tpu.memory_space<smem>>
    memref.store %squeeze3A_1770, %arg6[%swap3A_1773, %swap3A_1774] : memref<128x2xi32, #tpu.memory_space<smem>>
    %slice3A_1776 = vector.extract_strided_slice %get3A_1712 {offsets = [9], sizes = [1], strides = [1]} : vector<16xi32> to vector<1xi32>
    %squeeze3A_1777 = vector.extract %slice3A_1776[0] : i32 from vector<1xi32>
    %swap3A_1778 = arith.constant 124 : i32
    %swap3A_1779 = arith.constant 1 : i32
    %swap3A_1780 = arith.index_cast %swap3A_1778 : i32 to index
    %swap3A_1781 = arith.index_cast %swap3A_1779 : i32 to index
    %swap3A_1782 = memref.load %arg6[%swap3A_1780, %swap3A_1781] : memref<128x2xi32, #tpu.memory_space<smem>>
    memref.store %squeeze3A_1777, %arg6[%swap3A_1780, %swap3A_1781] : memref<128x2xi32, #tpu.memory_space<smem>>
    %slice3A_1783 = vector.extract_strided_slice %get3A_1712 {offsets = [10], sizes = [1], strides = [1]} : vector<16xi32> to vector<1xi32>
    %squeeze3A_1784 = vector.extract %slice3A_1783[0] : i32 from vector<1xi32>
    %swap3A_1785 = arith.constant 125 : i32
    %swap3A_1786 = arith.constant 0 : i32
    %swap3A_1787 = arith.index_cast %swap3A_1785 : i32 to index
    %swap3A_1788 = arith.index_cast %swap3A_1786 : i32 to index
    %swap3A_1789 = memref.load %arg6[%swap3A_1787, %swap3A_1788] : memref<128x2xi32, #tpu.memory_space<smem>>
    memref.store %squeeze3A_1784, %arg6[%swap3A_1787, %swap3A_1788] : memref<128x2xi32, #tpu.memory_space<smem>>
    %slice3A_1790 = vector.extract_strided_slice %get3A_1712 {offsets = [11], sizes = [1], strides = [1]} : vector<16xi32> to vector<1xi32>
    %squeeze3A_1791 = vector.extract %slice3A_1790[0] : i32 from vector<1xi32>
    %swap3A_1792 = arith.constant 125 : i32
    %swap3A_1793 = arith.constant 1 : i32
    %swap3A_1794 = arith.index_cast %swap3A_1792 : i32 to index
    %swap3A_1795 = arith.index_cast %swap3A_1793 : i32 to index
    %swap3A_1796 = memref.load %arg6[%swap3A_1794, %swap3A_1795] : memref<128x2xi32, #tpu.memory_space<smem>>
    memref.store %squeeze3A_1791, %arg6[%swap3A_1794, %swap3A_1795] : memref<128x2xi32, #tpu.memory_space<smem>>
    %slice3A_1797 = vector.extract_strided_slice %get3A_1712 {offsets = [12], sizes = [1], strides = [1]} : vector<16xi32> to vector<1xi32>
    %squeeze3A_1798 = vector.extract %slice3A_1797[0] : i32 from vector<1xi32>
    %swap3A_1799 = arith.constant 126 : i32
    %swap3A_1800 = arith.constant 0 : i32
    %swap3A_1801 = arith.index_cast %swap3A_1799 : i32 to index
    %swap3A_1802 = arith.index_cast %swap3A_1800 : i32 to index
    %swap3A_1803 = memref.load %arg6[%swap3A_1801, %swap3A_1802] : memref<128x2xi32, #tpu.memory_space<smem>>
    memref.store %squeeze3A_1798, %arg6[%swap3A_1801, %swap3A_1802] : memref<128x2xi32, #tpu.memory_space<smem>>
    %slice3A_1804 = vector.extract_strided_slice %get3A_1712 {offsets = [13], sizes = [1], strides = [1]} : vector<16xi32> to vector<1xi32>
    %squeeze3A_1805 = vector.extract %slice3A_1804[0] : i32 from vector<1xi32>
    %swap3A_1806 = arith.constant 126 : i32
    %swap3A_1807 = arith.constant 1 : i32
    %swap3A_1808 = arith.index_cast %swap3A_1806 : i32 to index
    %swap3A_1809 = arith.index_cast %swap3A_1807 : i32 to index
    %swap3A_1810 = memref.load %arg6[%swap3A_1808, %swap3A_1809] : memref<128x2xi32, #tpu.memory_space<smem>>
    memref.store %squeeze3A_1805, %arg6[%swap3A_1808, %swap3A_1809] : memref<128x2xi32, #tpu.memory_space<smem>>
    %slice3A_1811 = vector.extract_strided_slice %get3A_1712 {offsets = [14], sizes = [1], strides = [1]} : vector<16xi32> to vector<1xi32>
    %squeeze3A_1812 = vector.extract %slice3A_1811[0] : i32 from vector<1xi32>
    %swap3A_1813 = arith.constant 127 : i32
    %swap3A_1814 = arith.constant 0 : i32
    %swap3A_1815 = arith.index_cast %swap3A_1813 : i32 to index
    %swap3A_1816 = arith.index_cast %swap3A_1814 : i32 to index
    %swap3A_1817 = memref.load %arg6[%swap3A_1815, %swap3A_1816] : memref<128x2xi32, #tpu.memory_space<smem>>
    memref.store %squeeze3A_1812, %arg6[%swap3A_1815, %swap3A_1816] : memref<128x2xi32, #tpu.memory_space<smem>>
    %slice3A_1818 = vector.extract_strided_slice %get3A_1712 {offsets = [15], sizes = [1], strides = [1]} : vector<16xi32> to vector<1xi32>
    %squeeze3A_1819 = vector.extract %slice3A_1818[0] : i32 from vector<1xi32>
    %swap3A_1820 = arith.constant 127 : i32
    %swap3A_1821 = arith.constant 1 : i32
    %swap3A_1822 = arith.index_cast %swap3A_1820 : i32 to index
    %swap3A_1823 = arith.index_cast %swap3A_1821 : i32 to index
    %swap3A_1824 = memref.load %arg6[%swap3A_1822, %swap3A_1823] : memref<128x2xi32, #tpu.memory_space<smem>>
    memref.store %squeeze3A_1819, %arg6[%swap3A_1822, %swap3A_1823] : memref<128x2xi32, #tpu.memory_space<smem>>
    %iota3A = tpu.iota {dimensions = array<i32: 0>} : vector<16xi32>
    %add3A_1825 = arith.constant 0 : i32
    %add3A_1826 = vector.broadcast %add3A_1825 : i32 to vector<16xi32>
    %add3A_1827 = arith.addi %add3A_1826, %iota3A : vector<16xi32>
    %jit3A = arith.constant 8 : i32
    %div3A = vector.broadcast %jit3A : i32 to vector<16xi32>
    %div3A_1828 = arith.divsi %add3A_1827, %div3A : vector<16xi32>
    %sign3A = arith.constant 0 : i32
    %sign3A_1829 = vector.broadcast %sign3A : i32 to vector<16xi32>
    %sign3A_1830 = arith.cmpi sgt, %add3A_1827, %sign3A_1829 : vector<16xi32>
    %sign3A_1831 = arith.extui %sign3A_1830 : vector<16xi1> to vector<16xi32>
    %sign3A_1832 = arith.constant 0 : i32
    %sign3A_1833 = vector.broadcast %sign3A_1832 : i32 to vector<16xi32>
    %sign3A_1834 = arith.cmpi slt, %add3A_1827, %sign3A_1833 : vector<16xi32>
    %sign3A_1835 = arith.extui %sign3A_1834 : vector<16xi1> to vector<16xi32>
    %sign3A_1836 = arith.subi %sign3A_1831, %sign3A_1835 : vector<16xi32>
    %sign3A_1837 = arith.constant 0 : i32
    %sign3A_1838 = arith.cmpi sgt, %jit3A, %sign3A_1837 : i32
    %sign3A_1839 = arith.extui %sign3A_1838 : i1 to i32
    %sign3A_1840 = arith.constant 0 : i32
    %sign3A_1841 = arith.cmpi slt, %jit3A, %sign3A_1840 : i32
    %sign3A_1842 = arith.extui %sign3A_1841 : i1 to i32
    %sign3A_1843 = arith.subi %sign3A_1839, %sign3A_1842 : i32
    %ne3A = vector.broadcast %sign3A_1843 : i32 to vector<16xi32>
    %ne3A_1844 = arith.cmpi ne, %sign3A_1836, %ne3A : vector<16xi32>
    %rem3A = vector.broadcast %jit3A : i32 to vector<16xi32>
    %rem3A_1845 = arith.remsi %add3A_1827, %rem3A : vector<16xi32>
    %ne3A_1846 = arith.constant 0 : i32
    %ne3A_1847 = vector.broadcast %ne3A_1846 : i32 to vector<16xi32>
    %ne3A_1848 = arith.cmpi ne, %rem3A_1845, %ne3A_1847 : vector<16xi32>
    %and3A = arith.andi %ne3A_1844, %ne3A_1848 : vector<16xi1>
    %sub3A = arith.constant 1 : i32
    %sub3A_1849 = vector.broadcast %sub3A : i32 to vector<16xi32>
    %sub3A_1850 = arith.subi %div3A_1828, %sub3A_1849 : vector<16xi32>
    %select_n3A = arith.select %and3A, %sub3A_1850, %div3A_1828 : vector<16xi1>, vector<16xi32>
    %add3A_1851 = arith.constant 16 : i32
    %add3A_1852 = vector.broadcast %add3A_1851 : i32 to vector<16xi32>
    %add3A_1853 = arith.addi %add3A_1852, %iota3A : vector<16xi32>
    %jit3A_1854 = arith.constant 8 : i32
    %div3A_1855 = vector.broadcast %jit3A_1854 : i32 to vector<16xi32>
    %div3A_1856 = arith.divsi %add3A_1853, %div3A_1855 : vector<16xi32>
    %sign3A_1857 = arith.constant 0 : i32
    %sign3A_1858 = vector.broadcast %sign3A_1857 : i32 to vector<16xi32>
    %sign3A_1859 = arith.cmpi sgt, %add3A_1853, %sign3A_1858 : vector<16xi32>
    %sign3A_1860 = arith.extui %sign3A_1859 : vector<16xi1> to vector<16xi32>
    %sign3A_1861 = arith.constant 0 : i32
    %sign3A_1862 = vector.broadcast %sign3A_1861 : i32 to vector<16xi32>
    %sign3A_1863 = arith.cmpi slt, %add3A_1853, %sign3A_1862 : vector<16xi32>
    %sign3A_1864 = arith.extui %sign3A_1863 : vector<16xi1> to vector<16xi32>
    %sign3A_1865 = arith.subi %sign3A_1860, %sign3A_1864 : vector<16xi32>
    %sign3A_1866 = arith.constant 0 : i32
    %sign3A_1867 = arith.cmpi sgt, %jit3A_1854, %sign3A_1866 : i32
    %sign3A_1868 = arith.extui %sign3A_1867 : i1 to i32
    %sign3A_1869 = arith.constant 0 : i32
    %sign3A_1870 = arith.cmpi slt, %jit3A_1854, %sign3A_1869 : i32
    %sign3A_1871 = arith.extui %sign3A_1870 : i1 to i32
    %sign3A_1872 = arith.subi %sign3A_1868, %sign3A_1871 : i32
    %ne3A_1873 = vector.broadcast %sign3A_1872 : i32 to vector<16xi32>
    %ne3A_1874 = arith.cmpi ne, %sign3A_1865, %ne3A_1873 : vector<16xi32>
    %rem3A_1875 = vector.broadcast %jit3A_1854 : i32 to vector<16xi32>
    %rem3A_1876 = arith.remsi %add3A_1853, %rem3A_1875 : vector<16xi32>
    %ne3A_1877 = arith.constant 0 : i32
    %ne3A_1878 = vector.broadcast %ne3A_1877 : i32 to vector<16xi32>
    %ne3A_1879 = arith.cmpi ne, %rem3A_1876, %ne3A_1878 : vector<16xi32>
    %and3A_1880 = arith.andi %ne3A_1874, %ne3A_1879 : vector<16xi1>
    %sub3A_1881 = arith.constant 1 : i32
    %sub3A_1882 = vector.broadcast %sub3A_1881 : i32 to vector<16xi32>
    %sub3A_1883 = arith.subi %div3A_1856, %sub3A_1882 : vector<16xi32>
    %select_n3A_1884 = arith.select %and3A_1880, %sub3A_1883, %div3A_1856 : vector<16xi1>, vector<16xi32>
    %add3A_1885 = arith.constant 32 : i32
    %add3A_1886 = vector.broadcast %add3A_1885 : i32 to vector<16xi32>
    %add3A_1887 = arith.addi %add3A_1886, %iota3A : vector<16xi32>
    %jit3A_1888 = arith.constant 8 : i32
    %div3A_1889 = vector.broadcast %jit3A_1888 : i32 to vector<16xi32>
    %div3A_1890 = arith.divsi %add3A_1887, %div3A_1889 : vector<16xi32>
    %sign3A_1891 = arith.constant 0 : i32
    %sign3A_1892 = vector.broadcast %sign3A_1891 : i32 to vector<16xi32>
    %sign3A_1893 = arith.cmpi sgt, %add3A_1887, %sign3A_1892 : vector<16xi32>
    %sign3A_1894 = arith.extui %sign3A_1893 : vector<16xi1> to vector<16xi32>
    %sign3A_1895 = arith.constant 0 : i32
    %sign3A_1896 = vector.broadcast %sign3A_1895 : i32 to vector<16xi32>
    %sign3A_1897 = arith.cmpi slt, %add3A_1887, %sign3A_1896 : vector<16xi32>
    %sign3A_1898 = arith.extui %sign3A_1897 : vector<16xi1> to vector<16xi32>
    %sign3A_1899 = arith.subi %sign3A_1894, %sign3A_1898 : vector<16xi32>
    %sign3A_1900 = arith.constant 0 : i32
    %sign3A_1901 = arith.cmpi sgt, %jit3A_1888, %sign3A_1900 : i32
    %sign3A_1902 = arith.extui %sign3A_1901 : i1 to i32
    %sign3A_1903 = arith.constant 0 : i32
    %sign3A_1904 = arith.cmpi slt, %jit3A_1888, %sign3A_1903 : i32
    %sign3A_1905 = arith.extui %sign3A_1904 : i1 to i32
    %sign3A_1906 = arith.subi %sign3A_1902, %sign3A_1905 : i32
    %ne3A_1907 = vector.broadcast %sign3A_1906 : i32 to vector<16xi32>
    %ne3A_1908 = arith.cmpi ne, %sign3A_1899, %ne3A_1907 : vector<16xi32>
    %rem3A_1909 = vector.broadcast %jit3A_1888 : i32 to vector<16xi32>
    %rem3A_1910 = arith.remsi %add3A_1887, %rem3A_1909 : vector<16xi32>
    %ne3A_1911 = arith.constant 0 : i32
    %ne3A_1912 = vector.broadcast %ne3A_1911 : i32 to vector<16xi32>
    %ne3A_1913 = arith.cmpi ne, %rem3A_1910, %ne3A_1912 : vector<16xi32>
    %and3A_1914 = arith.andi %ne3A_1908, %ne3A_1913 : vector<16xi1>
    %sub3A_1915 = arith.constant 1 : i32
    %sub3A_1916 = vector.broadcast %sub3A_1915 : i32 to vector<16xi32>
    %sub3A_1917 = arith.subi %div3A_1890, %sub3A_1916 : vector<16xi32>
    %select_n3A_1918 = arith.select %and3A_1914, %sub3A_1917, %div3A_1890 : vector<16xi1>, vector<16xi32>
    %add3A_1919 = arith.constant 48 : i32
    %add3A_1920 = vector.broadcast %add3A_1919 : i32 to vector<16xi32>
    %add3A_1921 = arith.addi %add3A_1920, %iota3A : vector<16xi32>
    %jit3A_1922 = arith.constant 8 : i32
    %div3A_1923 = vector.broadcast %jit3A_1922 : i32 to vector<16xi32>
    %div3A_1924 = arith.divsi %add3A_1921, %div3A_1923 : vector<16xi32>
    %sign3A_1925 = arith.constant 0 : i32
    %sign3A_1926 = vector.broadcast %sign3A_1925 : i32 to vector<16xi32>
    %sign3A_1927 = arith.cmpi sgt, %add3A_1921, %sign3A_1926 : vector<16xi32>
    %sign3A_1928 = arith.extui %sign3A_1927 : vector<16xi1> to vector<16xi32>
    %sign3A_1929 = arith.constant 0 : i32
    %sign3A_1930 = vector.broadcast %sign3A_1929 : i32 to vector<16xi32>
    %sign3A_1931 = arith.cmpi slt, %add3A_1921, %sign3A_1930 : vector<16xi32>
    %sign3A_1932 = arith.extui %sign3A_1931 : vector<16xi1> to vector<16xi32>
    %sign3A_1933 = arith.subi %sign3A_1928, %sign3A_1932 : vector<16xi32>
    %sign3A_1934 = arith.constant 0 : i32
    %sign3A_1935 = arith.cmpi sgt, %jit3A_1922, %sign3A_1934 : i32
    %sign3A_1936 = arith.extui %sign3A_1935 : i1 to i32
    %sign3A_1937 = arith.constant 0 : i32
    %sign3A_1938 = arith.cmpi slt, %jit3A_1922, %sign3A_1937 : i32
    %sign3A_1939 = arith.extui %sign3A_1938 : i1 to i32
    %sign3A_1940 = arith.subi %sign3A_1936, %sign3A_1939 : i32
    %ne3A_1941 = vector.broadcast %sign3A_1940 : i32 to vector<16xi32>
    %ne3A_1942 = arith.cmpi ne, %sign3A_1933, %ne3A_1941 : vector<16xi32>
    %rem3A_1943 = vector.broadcast %jit3A_1922 : i32 to vector<16xi32>
    %rem3A_1944 = arith.remsi %add3A_1921, %rem3A_1943 : vector<16xi32>
    %ne3A_1945 = arith.constant 0 : i32
    %ne3A_1946 = vector.broadcast %ne3A_1945 : i32 to vector<16xi32>
    %ne3A_1947 = arith.cmpi ne, %rem3A_1944, %ne3A_1946 : vector<16xi32>
    %and3A_1948 = arith.andi %ne3A_1942, %ne3A_1947 : vector<16xi1>
    %sub3A_1949 = arith.constant 1 : i32
    %sub3A_1950 = vector.broadcast %sub3A_1949 : i32 to vector<16xi32>
    %sub3A_1951 = arith.subi %div3A_1924, %sub3A_1950 : vector<16xi32>
    %select_n3A_1952 = arith.select %and3A_1948, %sub3A_1951, %div3A_1924 : vector<16xi1>, vector<16xi32>
    %jit3A_1953 = arith.constant 8 : i32
    %eq3A = arith.constant 0 : i32
    %eq3A_1954 = arith.cmpi eq, %jit3A_1953, %eq3A : i32
    %jit3A_1955 = arith.constant 1 : i32
    %select_n3A_1956 = arith.select %eq3A_1954, %jit3A_1955, %jit3A_1953 : i32
    %rem3A_1957 = vector.broadcast %select_n3A_1956 : i32 to vector<16xi32>
    %rem3A_1958 = arith.remsi %iota3A, %rem3A_1957 : vector<16xi32>
    %ne3A_1959 = arith.constant 0 : i32
    %ne3A_1960 = vector.broadcast %ne3A_1959 : i32 to vector<16xi32>
    %ne3A_1961 = arith.cmpi ne, %rem3A_1958, %ne3A_1960 : vector<16xi32>
    %lt3A = arith.constant 0 : i32
    %lt3A_1962 = vector.broadcast %lt3A : i32 to vector<16xi32>
    %lt3A_1963 = arith.cmpi slt, %rem3A_1958, %lt3A_1962 : vector<16xi32>
    %lt3A_1964 = arith.constant 0 : i32
    %lt3A_1965 = arith.cmpi slt, %select_n3A_1956, %lt3A_1964 : i32
    %ne3A_1966 = vector.broadcast %lt3A_1965 : i1 to vector<16xi1>
    %ne3A_1967 = vector.broadcast %ne3A_1966 : vector<16xi1> to vector<16xi1>
    %ne3A_1968 = arith.xori %lt3A_1963, %ne3A_1967 : vector<16xi1>
    %and3A_1969 = arith.andi %ne3A_1968, %ne3A_1961 : vector<16xi1>
    %add3A_1970 = vector.broadcast %select_n3A_1956 : i32 to vector<16xi32>
    %add3A_1971 = arith.addi %rem3A_1958, %add3A_1970 : vector<16xi32>
    %select_n3A_1972 = arith.select %and3A_1969, %add3A_1971, %rem3A_1958 : vector<16xi1>, vector<16xi32>
    %broadcast_in_dim3A = arith.constant 0 : i32
    %broadcast_in_dim3A_1973 = vector.broadcast %broadcast_in_dim3A : i32 to vector<16xi32>
    %get3A_1974 = arith.constant 0 : i32
    %get3A_1975 = arith.constant 0 : i32
    %get3A_1976 = arith.index_cast %get3A_1974 : i32 to index
    %get3A_1977 = arith.index_cast %get3A_1975 : i32 to index
    %get3A_1978 = memref.load %arg6[%get3A_1976, %get3A_1977] : memref<128x2xi32, #tpu.memory_space<smem>>
    %get3A_1979 = arith.constant 0 : i32
    %get3A_1980 = arith.constant 1 : i32
    %get3A_1981 = arith.index_cast %get3A_1979 : i32 to index
    %get3A_1982 = arith.index_cast %get3A_1980 : i32 to index
    %get3A_1983 = memref.load %arg6[%get3A_1981, %get3A_1982] : memref<128x2xi32, #tpu.memory_space<smem>>
    %jit3A_1984 = arith.constant 8 : i32
    %div3A_1985 = arith.divsi %get3A_1983, %jit3A_1984 : i32
    %sign3A_1986 = arith.constant 0 : i32
    %sign3A_1987 = arith.cmpi sgt, %get3A_1983, %sign3A_1986 : i32
    %sign3A_1988 = arith.extui %sign3A_1987 : i1 to i32
    %sign3A_1989 = arith.constant 0 : i32
    %sign3A_1990 = arith.cmpi slt, %get3A_1983, %sign3A_1989 : i32
    %sign3A_1991 = arith.extui %sign3A_1990 : i1 to i32
    %sign3A_1992 = arith.subi %sign3A_1988, %sign3A_1991 : i32
    %sign3A_1993 = arith.constant 0 : i32
    %sign3A_1994 = arith.cmpi sgt, %jit3A_1984, %sign3A_1993 : i32
    %sign3A_1995 = arith.extui %sign3A_1994 : i1 to i32
    %sign3A_1996 = arith.constant 0 : i32
    %sign3A_1997 = arith.cmpi slt, %jit3A_1984, %sign3A_1996 : i32
    %sign3A_1998 = arith.extui %sign3A_1997 : i1 to i32
    %sign3A_1999 = arith.subi %sign3A_1995, %sign3A_1998 : i32
    %ne3A_2000 = arith.cmpi ne, %sign3A_1992, %sign3A_1999 : i32
    %rem3A_2001 = arith.remsi %get3A_1983, %jit3A_1984 : i32
    %ne3A_2002 = arith.constant 0 : i32
    %ne3A_2003 = arith.cmpi ne, %rem3A_2001, %ne3A_2002 : i32
    %and3A_2004 = arith.andi %ne3A_2000, %ne3A_2003 : i1
    %sub3A_2005 = arith.constant 1 : i32
    %sub3A_2006 = arith.subi %div3A_1985, %sub3A_2005 : i32
    %select_n3A_2007 = arith.select %and3A_2004, %sub3A_2006, %div3A_1985 : i32
    %mul3A_2008 = arith.constant 8 : i32
    %mul3A_2009 = arith.muli %select_n3A_2007, %mul3A_2008 : i32
    %multiple_of3A = tpu.assume_multiple %mul3A_2009, 8 : i32
    %add3A_2010 = arith.constant 0 : i32
    %add3A_2011 = arith.addi %get3A_1978, %add3A_2010 : i32
    %dma_start3A = arith.constant 0 : i32
    %dma_start3A_2012 = arith.constant 0 : i32
    %dma_start3A_2013 = arith.constant 0 : i32
    %dma_start3A_2014 = arith.constant 0 : i32
    %dma_start3A_2015 = arith.constant 0 : i32
    %dma_start3A_2016 = tpu.memref_slice %arg7[%dma_start3A, %dma_start3A_2012, %dma_start3A_2014, %dma_start3A_2015] : memref<2x16x16x72xf32, #tpu.memory_space<vmem>> -> memref<1x1x16x72xf32, #tpu.memory_space<vmem>>
    %dma_start3A_2017 = tpu.memref_squeeze %dma_start3A_2016 : memref<1x1x16x72xf32, #tpu.memory_space<vmem>> -> memref<16x72xf32, #tpu.memory_space<vmem>>
    %dma_start3A_2018 = tpu.memref_slice %arg2[%add3A_2011, %multiple_of3A] : memref<2048x2048xf32, #tpu.memory_space<hbm>> -> memref<16x72xf32, #tpu.memory_space<hbm>>
    %dma_start3A_2019 = tpu.memref_slice %arg9[%dma_start3A_2013] : memref<2x!tpu.dma_semaphore, #tpu.memory_space<semaphore_mem>> -> memref<1x!tpu.dma_semaphore, #tpu.memory_space<semaphore_mem>>
    %dma_start3A_2020 = tpu.memref_squeeze %dma_start3A_2019 : memref<1x!tpu.dma_semaphore, #tpu.memory_space<semaphore_mem>> -> memref<!tpu.dma_semaphore, #tpu.memory_space<semaphore_mem>>
    %dma_start3A_2021 = arith.constant 0 : i32
    %dma_start3A_2022 = arith.constant 0 : i32
    %dma_start3A_2023 = tpu.memref_slice %arg7[%dma_start3A, %dma_start3A_2012, %dma_start3A_2021, %dma_start3A_2022] : memref<2x16x16x72xf32, #tpu.memory_space<vmem>> -> memref<1x1x16x72xf32, #tpu.memory_space<vmem>>
    %dma_start3A_2024 = tpu.memref_squeeze %dma_start3A_2023 : memref<1x1x16x72xf32, #tpu.memory_space<vmem>> -> memref<16x72xf32, #tpu.memory_space<vmem>>
    %dma_start3A_2025 = tpu.memref_slice %arg2[%add3A_2011, %multiple_of3A] : memref<2048x2048xf32, #tpu.memory_space<hbm>> -> memref<16x72xf32, #tpu.memory_space<hbm>>
    tpu.enqueue_dma source(%dma_start3A_2025 : memref<16x72xf32, #tpu.memory_space<hbm>>) target(%dma_start3A_2024 : memref<16x72xf32, #tpu.memory_space<vmem>>) target_semaphore(%dma_start3A_2020 : memref<!tpu.dma_semaphore, #tpu.memory_space<semaphore_mem>>)
    %get3A_2026 = arith.constant 1 : i32
    %get3A_2027 = arith.constant 0 : i32
    %get3A_2028 = arith.index_cast %get3A_2026 : i32 to index
    %get3A_2029 = arith.index_cast %get3A_2027 : i32 to index
    %get3A_2030 = memref.load %arg6[%get3A_2028, %get3A_2029] : memref<128x2xi32, #tpu.memory_space<smem>>
    %get3A_2031 = arith.constant 1 : i32
    %get3A_2032 = arith.constant 1 : i32
    %get3A_2033 = arith.index_cast %get3A_2031 : i32 to index
    %get3A_2034 = arith.index_cast %get3A_2032 : i32 to index
    %get3A_2035 = memref.load %arg6[%get3A_2033, %get3A_2034] : memref<128x2xi32, #tpu.memory_space<smem>>
    %jit3A_2036 = arith.constant 8 : i32
    %div3A_2037 = arith.divsi %get3A_2035, %jit3A_2036 : i32
    %sign3A_2038 = arith.constant 0 : i32
    %sign3A_2039 = arith.cmpi sgt, %get3A_2035, %sign3A_2038 : i32
    %sign3A_2040 = arith.extui %sign3A_2039 : i1 to i32
    %sign3A_2041 = arith.constant 0 : i32
    %sign3A_2042 = arith.cmpi slt, %get3A_2035, %sign3A_2041 : i32
    %sign3A_2043 = arith.extui %sign3A_2042 : i1 to i32
    %sign3A_2044 = arith.subi %sign3A_2040, %sign3A_2043 : i32
    %sign3A_2045 = arith.constant 0 : i32
    %sign3A_2046 = arith.cmpi sgt, %jit3A_2036, %sign3A_2045 : i32
    %sign3A_2047 = arith.extui %sign3A_2046 : i1 to i32
    %sign3A_2048 = arith.constant 0 : i32
    %sign3A_2049 = arith.cmpi slt, %jit3A_2036, %sign3A_2048 : i32
    %sign3A_2050 = arith.extui %sign3A_2049 : i1 to i32
    %sign3A_2051 = arith.subi %sign3A_2047, %sign3A_2050 : i32
    %ne3A_2052 = arith.cmpi ne, %sign3A_2044, %sign3A_2051 : i32
    %rem3A_2053 = arith.remsi %get3A_2035, %jit3A_2036 : i32
    %ne3A_2054 = arith.constant 0 : i32
    %ne3A_2055 = arith.cmpi ne, %rem3A_2053, %ne3A_2054 : i32
    %and3A_2056 = arith.andi %ne3A_2052, %ne3A_2055 : i1
    %sub3A_2057 = arith.constant 1 : i32
    %sub3A_2058 = arith.subi %div3A_2037, %sub3A_2057 : i32
    %select_n3A_2059 = arith.select %and3A_2056, %sub3A_2058, %div3A_2037 : i32
    %mul3A_2060 = arith.constant 8 : i32
    %mul3A_2061 = arith.muli %select_n3A_2059, %mul3A_2060 : i32
    %multiple_of3A_2062 = tpu.assume_multiple %mul3A_2061, 8 : i32
    %add3A_2063 = arith.constant 0 : i32
    %add3A_2064 = arith.addi %get3A_2030, %add3A_2063 : i32
    %dma_start3A_2065 = arith.constant 0 : i32
    %dma_start3A_2066 = arith.constant 1 : i32
    %dma_start3A_2067 = arith.constant 0 : i32
    %dma_start3A_2068 = arith.constant 0 : i32
    %dma_start3A_2069 = arith.constant 0 : i32
    %dma_start3A_2070 = tpu.memref_slice %arg7[%dma_start3A_2065, %dma_start3A_2066, %dma_start3A_2068, %dma_start3A_2069] : memref<2x16x16x72xf32, #tpu.memory_space<vmem>> -> memref<1x1x16x72xf32, #tpu.memory_space<vmem>>
    %dma_start3A_2071 = tpu.memref_squeeze %dma_start3A_2070 : memref<1x1x16x72xf32, #tpu.memory_space<vmem>> -> memref<16x72xf32, #tpu.memory_space<vmem>>
    %dma_start3A_2072 = tpu.memref_slice %arg2[%add3A_2064, %multiple_of3A_2062] : memref<2048x2048xf32, #tpu.memory_space<hbm>> -> memref<16x72xf32, #tpu.memory_space<hbm>>
    %dma_start3A_2073 = tpu.memref_slice %arg9[%dma_start3A_2067] : memref<2x!tpu.dma_semaphore, #tpu.memory_space<semaphore_mem>> -> memref<1x!tpu.dma_semaphore, #tpu.memory_space<semaphore_mem>>
    %dma_start3A_2074 = tpu.memref_squeeze %dma_start3A_2073 : memref<1x!tpu.dma_semaphore, #tpu.memory_space<semaphore_mem>> -> memref<!tpu.dma_semaphore, #tpu.memory_space<semaphore_mem>>
    %dma_start3A_2075 = arith.constant 0 : i32
    %dma_start3A_2076 = arith.constant 0 : i32
    %dma_start3A_2077 = tpu.memref_slice %arg7[%dma_start3A_2065, %dma_start3A_2066, %dma_start3A_2075, %dma_start3A_2076] : memref<2x16x16x72xf32, #tpu.memory_space<vmem>> -> memref<1x1x16x72xf32, #tpu.memory_space<vmem>>
    %dma_start3A_2078 = tpu.memref_squeeze %dma_start3A_2077 : memref<1x1x16x72xf32, #tpu.memory_space<vmem>> -> memref<16x72xf32, #tpu.memory_space<vmem>>
    %dma_start3A_2079 = tpu.memref_slice %arg2[%add3A_2064, %multiple_of3A_2062] : memref<2048x2048xf32, #tpu.memory_space<hbm>> -> memref<16x72xf32, #tpu.memory_space<hbm>>
    tpu.enqueue_dma source(%dma_start3A_2079 : memref<16x72xf32, #tpu.memory_space<hbm>>) target(%dma_start3A_2078 : memref<16x72xf32, #tpu.memory_space<vmem>>) target_semaphore(%dma_start3A_2074 : memref<!tpu.dma_semaphore, #tpu.memory_space<semaphore_mem>>)
    %get3A_2080 = arith.constant 2 : i32
    %get3A_2081 = arith.constant 0 : i32
    %get3A_2082 = arith.index_cast %get3A_2080 : i32 to index
    %get3A_2083 = arith.index_cast %get3A_2081 : i32 to index
    %get3A_2084 = memref.load %arg6[%get3A_2082, %get3A_2083] : memref<128x2xi32, #tpu.memory_space<smem>>
    %get3A_2085 = arith.constant 2 : i32
    %get3A_2086 = arith.constant 1 : i32
    %get3A_2087 = arith.index_cast %get3A_2085 : i32 to index
    %get3A_2088 = arith.index_cast %get3A_2086 : i32 to index
    %get3A_2089 = memref.load %arg6[%get3A_2087, %get3A_2088] : memref<128x2xi32, #tpu.memory_space<smem>>
    %jit3A_2090 = arith.constant 8 : i32
    %div3A_2091 = arith.divsi %get3A_2089, %jit3A_2090 : i32
    %sign3A_2092 = arith.constant 0 : i32
    %sign3A_2093 = arith.cmpi sgt, %get3A_2089, %sign3A_2092 : i32
    %sign3A_2094 = arith.extui %sign3A_2093 : i1 to i32
    %sign3A_2095 = arith.constant 0 : i32
    %sign3A_2096 = arith.cmpi slt, %get3A_2089, %sign3A_2095 : i32
    %sign3A_2097 = arith.extui %sign3A_2096 : i1 to i32
    %sign3A_2098 = arith.subi %sign3A_2094, %sign3A_2097 : i32
    %sign3A_2099 = arith.constant 0 : i32
    %sign3A_2100 = arith.cmpi sgt, %jit3A_2090, %sign3A_2099 : i32
    %sign3A_2101 = arith.extui %sign3A_2100 : i1 to i32
    %sign3A_2102 = arith.constant 0 : i32
    %sign3A_2103 = arith.cmpi slt, %jit3A_2090, %sign3A_2102 : i32
    %sign3A_2104 = arith.extui %sign3A_2103 : i1 to i32
    %sign3A_2105 = arith.subi %sign3A_2101, %sign3A_2104 : i32
    %ne3A_2106 = arith.cmpi ne, %sign3A_2098, %sign3A_2105 : i32
    %rem3A_2107 = arith.remsi %get3A_2089, %jit3A_2090 : i32
    %ne3A_2108 = arith.constant 0 : i32
    %ne3A_2109 = arith.cmpi ne, %rem3A_2107, %ne3A_2108 : i32
    %and3A_2110 = arith.andi %ne3A_2106, %ne3A_2109 : i1
    %sub3A_2111 = arith.constant 1 : i32
    %sub3A_2112 = arith.subi %div3A_2091, %sub3A_2111 : i32
    %select_n3A_2113 = arith.select %and3A_2110, %sub3A_2112, %div3A_2091 : i32
    %mul3A_2114 = arith.constant 8 : i32
    %mul3A_2115 = arith.muli %select_n3A_2113, %mul3A_2114 : i32
    %multiple_of3A_2116 = tpu.assume_multiple %mul3A_2115, 8 : i32
    %add3A_2117 = arith.constant 0 : i32
    %add3A_2118 = arith.addi %get3A_2084, %add3A_2117 : i32
    %dma_start3A_2119 = arith.constant 0 : i32
    %dma_start3A_2120 = arith.constant 2 : i32
    %dma_start3A_2121 = arith.constant 0 : i32
    %dma_start3A_2122 = arith.constant 0 : i32
    %dma_start3A_2123 = arith.constant 0 : i32
    %dma_start3A_2124 = tpu.memref_slice %arg7[%dma_start3A_2119, %dma_start3A_2120, %dma_start3A_2122, %dma_start3A_2123] : memref<2x16x16x72xf32, #tpu.memory_space<vmem>> -> memref<1x1x16x72xf32, #tpu.memory_space<vmem>>
    %dma_start3A_2125 = tpu.memref_squeeze %dma_start3A_2124 : memref<1x1x16x72xf32, #tpu.memory_space<vmem>> -> memref<16x72xf32, #tpu.memory_space<vmem>>
    %dma_start3A_2126 = tpu.memref_slice %arg2[%add3A_2118, %multiple_of3A_2116] : memref<2048x2048xf32, #tpu.memory_space<hbm>> -> memref<16x72xf32, #tpu.memory_space<hbm>>
    %dma_start3A_2127 = tpu.memref_slice %arg9[%dma_start3A_2121] : memref<2x!tpu.dma_semaphore, #tpu.memory_space<semaphore_mem>> -> memref<1x!tpu.dma_semaphore, #tpu.memory_space<semaphore_mem>>
    %dma_start3A_2128 = tpu.memref_squeeze %dma_start3A_2127 : memref<1x!tpu.dma_semaphore, #tpu.memory_space<semaphore_mem>> -> memref<!tpu.dma_semaphore, #tpu.memory_space<semaphore_mem>>
    %dma_start3A_2129 = arith.constant 0 : i32
    %dma_start3A_2130 = arith.constant 0 : i32
    %dma_start3A_2131 = tpu.memref_slice %arg7[%dma_start3A_2119, %dma_start3A_2120, %dma_start3A_2129, %dma_start3A_2130] : memref<2x16x16x72xf32, #tpu.memory_space<vmem>> -> memref<1x1x16x72xf32, #tpu.memory_space<vmem>>
    %dma_start3A_2132 = tpu.memref_squeeze %dma_start3A_2131 : memref<1x1x16x72xf32, #tpu.memory_space<vmem>> -> memref<16x72xf32, #tpu.memory_space<vmem>>
    %dma_start3A_2133 = tpu.memref_slice %arg2[%add3A_2118, %multiple_of3A_2116] : memref<2048x2048xf32, #tpu.memory_space<hbm>> -> memref<16x72xf32, #tpu.memory_space<hbm>>
    tpu.enqueue_dma source(%dma_start3A_2133 : memref<16x72xf32, #tpu.memory_space<hbm>>) target(%dma_start3A_2132 : memref<16x72xf32, #tpu.memory_space<vmem>>) target_semaphore(%dma_start3A_2128 : memref<!tpu.dma_semaphore, #tpu.memory_space<semaphore_mem>>)
    %get3A_2134 = arith.constant 3 : i32
    %get3A_2135 = arith.constant 0 : i32
    %get3A_2136 = arith.index_cast %get3A_2134 : i32 to index
    %get3A_2137 = arith.index_cast %get3A_2135 : i32 to index
    %get3A_2138 = memref.load %arg6[%get3A_2136, %get3A_2137] : memref<128x2xi32, #tpu.memory_space<smem>>
    %get3A_2139 = arith.constant 3 : i32
    %get3A_2140 = arith.constant 1 : i32
    %get3A_2141 = arith.index_cast %get3A_2139 : i32 to index
    %get3A_2142 = arith.index_cast %get3A_2140 : i32 to index
    %get3A_2143 = memref.load %arg6[%get3A_2141, %get3A_2142] : memref<128x2xi32, #tpu.memory_space<smem>>
    %jit3A_2144 = arith.constant 8 : i32
    %div3A_2145 = arith.divsi %get3A_2143, %jit3A_2144 : i32
    %sign3A_2146 = arith.constant 0 : i32
    %sign3A_2147 = arith.cmpi sgt, %get3A_2143, %sign3A_2146 : i32
    %sign3A_2148 = arith.extui %sign3A_2147 : i1 to i32
    %sign3A_2149 = arith.constant 0 : i32
    %sign3A_2150 = arith.cmpi slt, %get3A_2143, %sign3A_2149 : i32
    %sign3A_2151 = arith.extui %sign3A_2150 : i1 to i32
    %sign3A_2152 = arith.subi %sign3A_2148, %sign3A_2151 : i32
    %sign3A_2153 = arith.constant 0 : i32
    %sign3A_2154 = arith.cmpi sgt, %jit3A_2144, %sign3A_2153 : i32
    %sign3A_2155 = arith.extui %sign3A_2154 : i1 to i32
    %sign3A_2156 = arith.constant 0 : i32
    %sign3A_2157 = arith.cmpi slt, %jit3A_2144, %sign3A_2156 : i32
    %sign3A_2158 = arith.extui %sign3A_2157 : i1 to i32
    %sign3A_2159 = arith.subi %sign3A_2155, %sign3A_2158 : i32
    %ne3A_2160 = arith.cmpi ne, %sign3A_2152, %sign3A_2159 : i32
    %rem3A_2161 = arith.remsi %get3A_2143, %jit3A_2144 : i32
    %ne3A_2162 = arith.constant 0 : i32
    %ne3A_2163 = arith.cmpi ne, %rem3A_2161, %ne3A_2162 : i32
    %and3A_2164 = arith.andi %ne3A_2160, %ne3A_2163 : i1
    %sub3A_2165 = arith.constant 1 : i32
    %sub3A_2166 = arith.subi %div3A_2145, %sub3A_2165 : i32
    %select_n3A_2167 = arith.select %and3A_2164, %sub3A_2166, %div3A_2145 : i32
    %mul3A_2168 = arith.constant 8 : i32
    %mul3A_2169 = arith.muli %select_n3A_2167, %mul3A_2168 : i32
    %multiple_of3A_2170 = tpu.assume_multiple %mul3A_2169, 8 : i32
    %add3A_2171 = arith.constant 0 : i32
    %add3A_2172 = arith.addi %get3A_2138, %add3A_2171 : i32
    %dma_start3A_2173 = arith.constant 0 : i32
    %dma_start3A_2174 = arith.constant 3 : i32
    %dma_start3A_2175 = arith.constant 0 : i32
    %dma_start3A_2176 = arith.constant 0 : i32
    %dma_start3A_2177 = arith.constant 0 : i32
    %dma_start3A_2178 = tpu.memref_slice %arg7[%dma_start3A_2173, %dma_start3A_2174, %dma_start3A_2176, %dma_start3A_2177] : memref<2x16x16x72xf32, #tpu.memory_space<vmem>> -> memref<1x1x16x72xf32, #tpu.memory_space<vmem>>
    %dma_start3A_2179 = tpu.memref_squeeze %dma_start3A_2178 : memref<1x1x16x72xf32, #tpu.memory_space<vmem>> -> memref<16x72xf32, #tpu.memory_space<vmem>>
    %dma_start3A_2180 = tpu.memref_slice %arg2[%add3A_2172, %multiple_of3A_2170] : memref<2048x2048xf32, #tpu.memory_space<hbm>> -> memref<16x72xf32, #tpu.memory_space<hbm>>
    %dma_start3A_2181 = tpu.memref_slice %arg9[%dma_start3A_2175] : memref<2x!tpu.dma_semaphore, #tpu.memory_space<semaphore_mem>> -> memref<1x!tpu.dma_semaphore, #tpu.memory_space<semaphore_mem>>
    %dma_start3A_2182 = tpu.memref_squeeze %dma_start3A_2181 : memref<1x!tpu.dma_semaphore, #tpu.memory_space<semaphore_mem>> -> memref<!tpu.dma_semaphore, #tpu.memory_space<semaphore_mem>>
    %dma_start3A_2183 = arith.constant 0 : i32
    %dma_start3A_2184 = arith.constant 0 : i32
    %dma_start3A_2185 = tpu.memref_slice %arg7[%dma_start3A_2173, %dma_start3A_2174, %dma_start3A_2183, %dma_start3A_2184] : memref<2x16x16x72xf32, #tpu.memory_space<vmem>> -> memref<1x1x16x72xf32, #tpu.memory_space<vmem>>
    %dma_start3A_2186 = tpu.memref_squeeze %dma_start3A_2185 : memref<1x1x16x72xf32, #tpu.memory_space<vmem>> -> memref<16x72xf32, #tpu.memory_space<vmem>>
    %dma_start3A_2187 = tpu.memref_slice %arg2[%add3A_2172, %multiple_of3A_2170] : memref<2048x2048xf32, #tpu.memory_space<hbm>> -> memref<16x72xf32, #tpu.memory_space<hbm>>
    tpu.enqueue_dma source(%dma_start3A_2187 : memref<16x72xf32, #tpu.memory_space<hbm>>) target(%dma_start3A_2186 : memref<16x72xf32, #tpu.memory_space<vmem>>) target_semaphore(%dma_start3A_2182 : memref<!tpu.dma_semaphore, #tpu.memory_space<semaphore_mem>>)
    %get3A_2188 = arith.constant 4 : i32
    %get3A_2189 = arith.constant 0 : i32
    %get3A_2190 = arith.index_cast %get3A_2188 : i32 to index
    %get3A_2191 = arith.index_cast %get3A_2189 : i32 to index
    %get3A_2192 = memref.load %arg6[%get3A_2190, %get3A_2191] : memref<128x2xi32, #tpu.memory_space<smem>>
    %get3A_2193 = arith.constant 4 : i32
    %get3A_2194 = arith.constant 1 : i32
    %get3A_2195 = arith.index_cast %get3A_2193 : i32 to index
    %get3A_2196 = arith.index_cast %get3A_2194 : i32 to index
    %get3A_2197 = memref.load %arg6[%get3A_2195, %get3A_2196] : memref<128x2xi32, #tpu.memory_space<smem>>
    %jit3A_2198 = arith.constant 8 : i32
    %div3A_2199 = arith.divsi %get3A_2197, %jit3A_2198 : i32
    %sign3A_2200 = arith.constant 0 : i32
    %sign3A_2201 = arith.cmpi sgt, %get3A_2197, %sign3A_2200 : i32
    %sign3A_2202 = arith.extui %sign3A_2201 : i1 to i32
    %sign3A_2203 = arith.constant 0 : i32
    %sign3A_2204 = arith.cmpi slt, %get3A_2197, %sign3A_2203 : i32
    %sign3A_2205 = arith.extui %sign3A_2204 : i1 to i32
    %sign3A_2206 = arith.subi %sign3A_2202, %sign3A_2205 : i32
    %sign3A_2207 = arith.constant 0 : i32
    %sign3A_2208 = arith.cmpi sgt, %jit3A_2198, %sign3A_2207 : i32
    %sign3A_2209 = arith.extui %sign3A_2208 : i1 to i32
    %sign3A_2210 = arith.constant 0 : i32
    %sign3A_2211 = arith.cmpi slt, %jit3A_2198, %sign3A_2210 : i32
    %sign3A_2212 = arith.extui %sign3A_2211 : i1 to i32
    %sign3A_2213 = arith.subi %sign3A_2209, %sign3A_2212 : i32
    %ne3A_2214 = arith.cmpi ne, %sign3A_2206, %sign3A_2213 : i32
    %rem3A_2215 = arith.remsi %get3A_2197, %jit3A_2198 : i32
    %ne3A_2216 = arith.constant 0 : i32
    %ne3A_2217 = arith.cmpi ne, %rem3A_2215, %ne3A_2216 : i32
    %and3A_2218 = arith.andi %ne3A_2214, %ne3A_2217 : i1
    %sub3A_2219 = arith.constant 1 : i32
    %sub3A_2220 = arith.subi %div3A_2199, %sub3A_2219 : i32
    %select_n3A_2221 = arith.select %and3A_2218, %sub3A_2220, %div3A_2199 : i32
    %mul3A_2222 = arith.constant 8 : i32
    %mul3A_2223 = arith.muli %select_n3A_2221, %mul3A_2222 : i32
    %multiple_of3A_2224 = tpu.assume_multiple %mul3A_2223, 8 : i32
    %add3A_2225 = arith.constant 0 : i32
    %add3A_2226 = arith.addi %get3A_2192, %add3A_2225 : i32
    %dma_start3A_2227 = arith.constant 0 : i32
    %dma_start3A_2228 = arith.constant 4 : i32
    %dma_start3A_2229 = arith.constant 0 : i32
    %dma_start3A_2230 = arith.constant 0 : i32
    %dma_start3A_2231 = arith.constant 0 : i32
    %dma_start3A_2232 = tpu.memref_slice %arg7[%dma_start3A_2227, %dma_start3A_2228, %dma_start3A_2230, %dma_start3A_2231] : memref<2x16x16x72xf32, #tpu.memory_space<vmem>> -> memref<1x1x16x72xf32, #tpu.memory_space<vmem>>
    %dma_start3A_2233 = tpu.memref_squeeze %dma_start3A_2232 : memref<1x1x16x72xf32, #tpu.memory_space<vmem>> -> memref<16x72xf32, #tpu.memory_space<vmem>>
    %dma_start3A_2234 = tpu.memref_slice %arg2[%add3A_2226, %multiple_of3A_2224] : memref<2048x2048xf32, #tpu.memory_space<hbm>> -> memref<16x72xf32, #tpu.memory_space<hbm>>
    %dma_start3A_2235 = tpu.memref_slice %arg9[%dma_start3A_2229] : memref<2x!tpu.dma_semaphore, #tpu.memory_space<semaphore_mem>> -> memref<1x!tpu.dma_semaphore, #tpu.memory_space<semaphore_mem>>
    %dma_start3A_2236 = tpu.memref_squeeze %dma_start3A_2235 : memref<1x!tpu.dma_semaphore, #tpu.memory_space<semaphore_mem>> -> memref<!tpu.dma_semaphore, #tpu.memory_space<semaphore_mem>>
    %dma_start3A_2237 = arith.constant 0 : i32
    %dma_start3A_2238 = arith.constant 0 : i32
    %dma_start3A_2239 = tpu.memref_slice %arg7[%dma_start3A_2227, %dma_start3A_2228, %dma_start3A_2237, %dma_start3A_2238] : memref<2x16x16x72xf32, #tpu.memory_space<vmem>> -> memref<1x1x16x72xf32, #tpu.memory_space<vmem>>
    %dma_start3A_2240 = tpu.memref_squeeze %dma_start3A_2239 : memref<1x1x16x72xf32, #tpu.memory_space<vmem>> -> memref<16x72xf32, #tpu.memory_space<vmem>>
    %dma_start3A_2241 = tpu.memref_slice %arg2[%add3A_2226, %multiple_of3A_2224] : memref<2048x2048xf32, #tpu.memory_space<hbm>> -> memref<16x72xf32, #tpu.memory_space<hbm>>
    tpu.enqueue_dma source(%dma_start3A_2241 : memref<16x72xf32, #tpu.memory_space<hbm>>) target(%dma_start3A_2240 : memref<16x72xf32, #tpu.memory_space<vmem>>) target_semaphore(%dma_start3A_2236 : memref<!tpu.dma_semaphore, #tpu.memory_space<semaphore_mem>>)
    %get3A_2242 = arith.constant 5 : i32
    %get3A_2243 = arith.constant 0 : i32
    %get3A_2244 = arith.index_cast %get3A_2242 : i32 to index
    %get3A_2245 = arith.index_cast %get3A_2243 : i32 to index
    %get3A_2246 = memref.load %arg6[%get3A_2244, %get3A_2245] : memref<128x2xi32, #tpu.memory_space<smem>>
    %get3A_2247 = arith.constant 5 : i32
    %get3A_2248 = arith.constant 1 : i32
    %get3A_2249 = arith.index_cast %get3A_2247 : i32 to index
    %get3A_2250 = arith.index_cast %get3A_2248 : i32 to index
    %get3A_2251 = memref.load %arg6[%get3A_2249, %get3A_2250] : memref<128x2xi32, #tpu.memory_space<smem>>
    %jit3A_2252 = arith.constant 8 : i32
    %div3A_2253 = arith.divsi %get3A_2251, %jit3A_2252 : i32
    %sign3A_2254 = arith.constant 0 : i32
    %sign3A_2255 = arith.cmpi sgt, %get3A_2251, %sign3A_2254 : i32
    %sign3A_2256 = arith.extui %sign3A_2255 : i1 to i32
    %sign3A_2257 = arith.constant 0 : i32
    %sign3A_2258 = arith.cmpi slt, %get3A_2251, %sign3A_2257 : i32
    %sign3A_2259 = arith.extui %sign3A_2258 : i1 to i32
    %sign3A_2260 = arith.subi %sign3A_2256, %sign3A_2259 : i32
    %sign3A_2261 = arith.constant 0 : i32
    %sign3A_2262 = arith.cmpi sgt, %jit3A_2252, %sign3A_2261 : i32
    %sign3A_2263 = arith.extui %sign3A_2262 : i1 to i32
    %sign3A_2264 = arith.constant 0 : i32
    %sign3A_2265 = arith.cmpi slt, %jit3A_2252, %sign3A_2264 : i32
    %sign3A_2266 = arith.extui %sign3A_2265 : i1 to i32
    %sign3A_2267 = arith.subi %sign3A_2263, %sign3A_2266 : i32
    %ne3A_2268 = arith.cmpi ne, %sign3A_2260, %sign3A_2267 : i32
    %rem3A_2269 = arith.remsi %get3A_2251, %jit3A_2252 : i32
    %ne3A_2270 = arith.constant 0 : i32
    %ne3A_2271 = arith.cmpi ne, %rem3A_2269, %ne3A_2270 : i32
    %and3A_2272 = arith.andi %ne3A_2268, %ne3A_2271 : i1
    %sub3A_2273 = arith.constant 1 : i32
    %sub3A_2274 = arith.subi %div3A_2253, %sub3A_2273 : i32
    %select_n3A_2275 = arith.select %and3A_2272, %sub3A_2274, %div3A_2253 : i32
    %mul3A_2276 = arith.constant 8 : i32
    %mul3A_2277 = arith.muli %select_n3A_2275, %mul3A_2276 : i32
    %multiple_of3A_2278 = tpu.assume_multiple %mul3A_2277, 8 : i32
    %add3A_2279 = arith.constant 0 : i32
    %add3A_2280 = arith.addi %get3A_2246, %add3A_2279 : i32
    %dma_start3A_2281 = arith.constant 0 : i32
    %dma_start3A_2282 = arith.constant 5 : i32
    %dma_start3A_2283 = arith.constant 0 : i32
    %dma_start3A_2284 = arith.constant 0 : i32
    %dma_start3A_2285 = arith.constant 0 : i32
    %dma_start3A_2286 = tpu.memref_slice %arg7[%dma_start3A_2281, %dma_start3A_2282, %dma_start3A_2284, %dma_start3A_2285] : memref<2x16x16x72xf32, #tpu.memory_space<vmem>> -> memref<1x1x16x72xf32, #tpu.memory_space<vmem>>
    %dma_start3A_2287 = tpu.memref_squeeze %dma_start3A_2286 : memref<1x1x16x72xf32, #tpu.memory_space<vmem>> -> memref<16x72xf32, #tpu.memory_space<vmem>>
    %dma_start3A_2288 = tpu.memref_slice %arg2[%add3A_2280, %multiple_of3A_2278] : memref<2048x2048xf32, #tpu.memory_space<hbm>> -> memref<16x72xf32, #tpu.memory_space<hbm>>
    %dma_start3A_2289 = tpu.memref_slice %arg9[%dma_start3A_2283] : memref<2x!tpu.dma_semaphore, #tpu.memory_space<semaphore_mem>> -> memref<1x!tpu.dma_semaphore, #tpu.memory_space<semaphore_mem>>
    %dma_start3A_2290 = tpu.memref_squeeze %dma_start3A_2289 : memref<1x!tpu.dma_semaphore, #tpu.memory_space<semaphore_mem>> -> memref<!tpu.dma_semaphore, #tpu.memory_space<semaphore_mem>>
    %dma_start3A_2291 = arith.constant 0 : i32
    %dma_start3A_2292 = arith.constant 0 : i32
    %dma_start3A_2293 = tpu.memref_slice %arg7[%dma_start3A_2281, %dma_start3A_2282, %dma_start3A_2291, %dma_start3A_2292] : memref<2x16x16x72xf32, #tpu.memory_space<vmem>> -> memref<1x1x16x72xf32, #tpu.memory_space<vmem>>
    %dma_start3A_2294 = tpu.memref_squeeze %dma_start3A_2293 : memref<1x1x16x72xf32, #tpu.memory_space<vmem>> -> memref<16x72xf32, #tpu.memory_space<vmem>>
    %dma_start3A_2295 = tpu.memref_slice %arg2[%add3A_2280, %multiple_of3A_2278] : memref<2048x2048xf32, #tpu.memory_space<hbm>> -> memref<16x72xf32, #tpu.memory_space<hbm>>
    tpu.enqueue_dma source(%dma_start3A_2295 : memref<16x72xf32, #tpu.memory_space<hbm>>) target(%dma_start3A_2294 : memref<16x72xf32, #tpu.memory_space<vmem>>) target_semaphore(%dma_start3A_2290 : memref<!tpu.dma_semaphore, #tpu.memory_space<semaphore_mem>>)
    %get3A_2296 = arith.constant 6 : i32
    %get3A_2297 = arith.constant 0 : i32
    %get3A_2298 = arith.index_cast %get3A_2296 : i32 to index
    %get3A_2299 = arith.index_cast %get3A_2297 : i32 to index
    %get3A_2300 = memref.load %arg6[%get3A_2298, %get3A_2299] : memref<128x2xi32, #tpu.memory_space<smem>>
    %get3A_2301 = arith.constant 6 : i32
    %get3A_2302 = arith.constant 1 : i32
    %get3A_2303 = arith.index_cast %get3A_2301 : i32 to index
    %get3A_2304 = arith.index_cast %get3A_2302 : i32 to index
    %get3A_2305 = memref.load %arg6[%get3A_2303, %get3A_2304] : memref<128x2xi32, #tpu.memory_space<smem>>
    %jit3A_2306 = arith.constant 8 : i32
    %div3A_2307 = arith.divsi %get3A_2305, %jit3A_2306 : i32
    %sign3A_2308 = arith.constant 0 : i32
    %sign3A_2309 = arith.cmpi sgt, %get3A_2305, %sign3A_2308 : i32
    %sign3A_2310 = arith.extui %sign3A_2309 : i1 to i32
    %sign3A_2311 = arith.constant 0 : i32
    %sign3A_2312 = arith.cmpi slt, %get3A_2305, %sign3A_2311 : i32
    %sign3A_2313 = arith.extui %sign3A_2312 : i1 to i32
    %sign3A_2314 = arith.subi %sign3A_2310, %sign3A_2313 : i32
    %sign3A_2315 = arith.constant 0 : i32
    %sign3A_2316 = arith.cmpi sgt, %jit3A_2306, %sign3A_2315 : i32
    %sign3A_2317 = arith.extui %sign3A_2316 : i1 to i32
    %sign3A_2318 = arith.constant 0 : i32
    %sign3A_2319 = arith.cmpi slt, %jit3A_2306, %sign3A_2318 : i32
    %sign3A_2320 = arith.extui %sign3A_2319 : i1 to i32
    %sign3A_2321 = arith.subi %sign3A_2317, %sign3A_2320 : i32
    %ne3A_2322 = arith.cmpi ne, %sign3A_2314, %sign3A_2321 : i32
    %rem3A_2323 = arith.remsi %get3A_2305, %jit3A_2306 : i32
    %ne3A_2324 = arith.constant 0 : i32
    %ne3A_2325 = arith.cmpi ne, %rem3A_2323, %ne3A_2324 : i32
    %and3A_2326 = arith.andi %ne3A_2322, %ne3A_2325 : i1
    %sub3A_2327 = arith.constant 1 : i32
    %sub3A_2328 = arith.subi %div3A_2307, %sub3A_2327 : i32
    %select_n3A_2329 = arith.select %and3A_2326, %sub3A_2328, %div3A_2307 : i32
    %mul3A_2330 = arith.constant 8 : i32
    %mul3A_2331 = arith.muli %select_n3A_2329, %mul3A_2330 : i32
    %multiple_of3A_2332 = tpu.assume_multiple %mul3A_2331, 8 : i32
    %add3A_2333 = arith.constant 0 : i32
    %add3A_2334 = arith.addi %get3A_2300, %add3A_2333 : i32
    %dma_start3A_2335 = arith.constant 0 : i32
    %dma_start3A_2336 = arith.constant 6 : i32
    %dma_start3A_2337 = arith.constant 0 : i32
    %dma_start3A_2338 = arith.constant 0 : i32
    %dma_start3A_2339 = arith.constant 0 : i32
    %dma_start3A_2340 = tpu.memref_slice %arg7[%dma_start3A_2335, %dma_start3A_2336, %dma_start3A_2338, %dma_start3A_2339] : memref<2x16x16x72xf32, #tpu.memory_space<vmem>> -> memref<1x1x16x72xf32, #tpu.memory_space<vmem>>
    %dma_start3A_2341 = tpu.memref_squeeze %dma_start3A_2340 : memref<1x1x16x72xf32, #tpu.memory_space<vmem>> -> memref<16x72xf32, #tpu.memory_space<vmem>>
    %dma_start3A_2342 = tpu.memref_slice %arg2[%add3A_2334, %multiple_of3A_2332] : memref<2048x2048xf32, #tpu.memory_space<hbm>> -> memref<16x72xf32, #tpu.memory_space<hbm>>
    %dma_start3A_2343 = tpu.memref_slice %arg9[%dma_start3A_2337] : memref<2x!tpu.dma_semaphore, #tpu.memory_space<semaphore_mem>> -> memref<1x!tpu.dma_semaphore, #tpu.memory_space<semaphore_mem>>
    %dma_start3A_2344 = tpu.memref_squeeze %dma_start3A_2343 : memref<1x!tpu.dma_semaphore, #tpu.memory_space<semaphore_mem>> -> memref<!tpu.dma_semaphore, #tpu.memory_space<semaphore_mem>>
    %dma_start3A_2345 = arith.constant 0 : i32
    %dma_start3A_2346 = arith.constant 0 : i32
    %dma_start3A_2347 = tpu.memref_slice %arg7[%dma_start3A_2335, %dma_start3A_2336, %dma_start3A_2345, %dma_start3A_2346] : memref<2x16x16x72xf32, #tpu.memory_space<vmem>> -> memref<1x1x16x72xf32, #tpu.memory_space<vmem>>
    %dma_start3A_2348 = tpu.memref_squeeze %dma_start3A_2347 : memref<1x1x16x72xf32, #tpu.memory_space<vmem>> -> memref<16x72xf32, #tpu.memory_space<vmem>>
    %dma_start3A_2349 = tpu.memref_slice %arg2[%add3A_2334, %multiple_of3A_2332] : memref<2048x2048xf32, #tpu.memory_space<hbm>> -> memref<16x72xf32, #tpu.memory_space<hbm>>
    tpu.enqueue_dma source(%dma_start3A_2349 : memref<16x72xf32, #tpu.memory_space<hbm>>) target(%dma_start3A_2348 : memref<16x72xf32, #tpu.memory_space<vmem>>) target_semaphore(%dma_start3A_2344 : memref<!tpu.dma_semaphore, #tpu.memory_space<semaphore_mem>>)
    %get3A_2350 = arith.constant 7 : i32
    %get3A_2351 = arith.constant 0 : i32
    %get3A_2352 = arith.index_cast %get3A_2350 : i32 to index
    %get3A_2353 = arith.index_cast %get3A_2351 : i32 to index
    %get3A_2354 = memref.load %arg6[%get3A_2352, %get3A_2353] : memref<128x2xi32, #tpu.memory_space<smem>>
    %get3A_2355 = arith.constant 7 : i32
    %get3A_2356 = arith.constant 1 : i32
    %get3A_2357 = arith.index_cast %get3A_2355 : i32 to index
    %get3A_2358 = arith.index_cast %get3A_2356 : i32 to index
    %get3A_2359 = memref.load %arg6[%get3A_2357, %get3A_2358] : memref<128x2xi32, #tpu.memory_space<smem>>
    %jit3A_2360 = arith.constant 8 : i32
    %div3A_2361 = arith.divsi %get3A_2359, %jit3A_2360 : i32
    %sign3A_2362 = arith.constant 0 : i32
    %sign3A_2363 = arith.cmpi sgt, %get3A_2359, %sign3A_2362 : i32
    %sign3A_2364 = arith.extui %sign3A_2363 : i1 to i32
    %sign3A_2365 = arith.constant 0 : i32
    %sign3A_2366 = arith.cmpi slt, %get3A_2359, %sign3A_2365 : i32
    %sign3A_2367 = arith.extui %sign3A_2366 : i1 to i32
    %sign3A_2368 = arith.subi %sign3A_2364, %sign3A_2367 : i32
    %sign3A_2369 = arith.constant 0 : i32
    %sign3A_2370 = arith.cmpi sgt, %jit3A_2360, %sign3A_2369 : i32
    %sign3A_2371 = arith.extui %sign3A_2370 : i1 to i32
    %sign3A_2372 = arith.constant 0 : i32
    %sign3A_2373 = arith.cmpi slt, %jit3A_2360, %sign3A_2372 : i32
    %sign3A_2374 = arith.extui %sign3A_2373 : i1 to i32
    %sign3A_2375 = arith.subi %sign3A_2371, %sign3A_2374 : i32
    %ne3A_2376 = arith.cmpi ne, %sign3A_2368, %sign3A_2375 : i32
    %rem3A_2377 = arith.remsi %get3A_2359, %jit3A_2360 : i32
    %ne3A_2378 = arith.constant 0 : i32
    %ne3A_2379 = arith.cmpi ne, %rem3A_2377, %ne3A_2378 : i32
    %and3A_2380 = arith.andi %ne3A_2376, %ne3A_2379 : i1
    %sub3A_2381 = arith.constant 1 : i32
    %sub3A_2382 = arith.subi %div3A_2361, %sub3A_2381 : i32
    %select_n3A_2383 = arith.select %and3A_2380, %sub3A_2382, %div3A_2361 : i32
    %mul3A_2384 = arith.constant 8 : i32
    %mul3A_2385 = arith.muli %select_n3A_2383, %mul3A_2384 : i32
    %multiple_of3A_2386 = tpu.assume_multiple %mul3A_2385, 8 : i32
    %add3A_2387 = arith.constant 0 : i32
    %add3A_2388 = arith.addi %get3A_2354, %add3A_2387 : i32
    %dma_start3A_2389 = arith.constant 0 : i32
    %dma_start3A_2390 = arith.constant 7 : i32
    %dma_start3A_2391 = arith.constant 0 : i32
    %dma_start3A_2392 = arith.constant 0 : i32
    %dma_start3A_2393 = arith.constant 0 : i32
    %dma_start3A_2394 = tpu.memref_slice %arg7[%dma_start3A_2389, %dma_start3A_2390, %dma_start3A_2392, %dma_start3A_2393] : memref<2x16x16x72xf32, #tpu.memory_space<vmem>> -> memref<1x1x16x72xf32, #tpu.memory_space<vmem>>
    %dma_start3A_2395 = tpu.memref_squeeze %dma_start3A_2394 : memref<1x1x16x72xf32, #tpu.memory_space<vmem>> -> memref<16x72xf32, #tpu.memory_space<vmem>>
    %dma_start3A_2396 = tpu.memref_slice %arg2[%add3A_2388, %multiple_of3A_2386] : memref<2048x2048xf32, #tpu.memory_space<hbm>> -> memref<16x72xf32, #tpu.memory_space<hbm>>
    %dma_start3A_2397 = tpu.memref_slice %arg9[%dma_start3A_2391] : memref<2x!tpu.dma_semaphore, #tpu.memory_space<semaphore_mem>> -> memref<1x!tpu.dma_semaphore, #tpu.memory_space<semaphore_mem>>
    %dma_start3A_2398 = tpu.memref_squeeze %dma_start3A_2397 : memref<1x!tpu.dma_semaphore, #tpu.memory_space<semaphore_mem>> -> memref<!tpu.dma_semaphore, #tpu.memory_space<semaphore_mem>>
    %dma_start3A_2399 = arith.constant 0 : i32
    %dma_start3A_2400 = arith.constant 0 : i32
    %dma_start3A_2401 = tpu.memref_slice %arg7[%dma_start3A_2389, %dma_start3A_2390, %dma_start3A_2399, %dma_start3A_2400] : memref<2x16x16x72xf32, #tpu.memory_space<vmem>> -> memref<1x1x16x72xf32, #tpu.memory_space<vmem>>
    %dma_start3A_2402 = tpu.memref_squeeze %dma_start3A_2401 : memref<1x1x16x72xf32, #tpu.memory_space<vmem>> -> memref<16x72xf32, #tpu.memory_space<vmem>>
    %dma_start3A_2403 = tpu.memref_slice %arg2[%add3A_2388, %multiple_of3A_2386] : memref<2048x2048xf32, #tpu.memory_space<hbm>> -> memref<16x72xf32, #tpu.memory_space<hbm>>
    tpu.enqueue_dma source(%dma_start3A_2403 : memref<16x72xf32, #tpu.memory_space<hbm>>) target(%dma_start3A_2402 : memref<16x72xf32, #tpu.memory_space<vmem>>) target_semaphore(%dma_start3A_2398 : memref<!tpu.dma_semaphore, #tpu.memory_space<semaphore_mem>>)
    %get3A_2404 = arith.constant 8 : i32
    %get3A_2405 = arith.constant 0 : i32
    %get3A_2406 = arith.index_cast %get3A_2404 : i32 to index
    %get3A_2407 = arith.index_cast %get3A_2405 : i32 to index
    %get3A_2408 = memref.load %arg6[%get3A_2406, %get3A_2407] : memref<128x2xi32, #tpu.memory_space<smem>>
    %get3A_2409 = arith.constant 8 : i32
    %get3A_2410 = arith.constant 1 : i32
    %get3A_2411 = arith.index_cast %get3A_2409 : i32 to index
    %get3A_2412 = arith.index_cast %get3A_2410 : i32 to index
    %get3A_2413 = memref.load %arg6[%get3A_2411, %get3A_2412] : memref<128x2xi32, #tpu.memory_space<smem>>
    %jit3A_2414 = arith.constant 8 : i32
    %div3A_2415 = arith.divsi %get3A_2413, %jit3A_2414 : i32
    %sign3A_2416 = arith.constant 0 : i32
    %sign3A_2417 = arith.cmpi sgt, %get3A_2413, %sign3A_2416 : i32
    %sign3A_2418 = arith.extui %sign3A_2417 : i1 to i32
    %sign3A_2419 = arith.constant 0 : i32
    %sign3A_2420 = arith.cmpi slt, %get3A_2413, %sign3A_2419 : i32
    %sign3A_2421 = arith.extui %sign3A_2420 : i1 to i32
    %sign3A_2422 = arith.subi %sign3A_2418, %sign3A_2421 : i32
    %sign3A_2423 = arith.constant 0 : i32
    %sign3A_2424 = arith.cmpi sgt, %jit3A_2414, %sign3A_2423 : i32
    %sign3A_2425 = arith.extui %sign3A_2424 : i1 to i32
    %sign3A_2426 = arith.constant 0 : i32
    %sign3A_2427 = arith.cmpi slt, %jit3A_2414, %sign3A_2426 : i32
    %sign3A_2428 = arith.extui %sign3A_2427 : i1 to i32
    %sign3A_2429 = arith.subi %sign3A_2425, %sign3A_2428 : i32
    %ne3A_2430 = arith.cmpi ne, %sign3A_2422, %sign3A_2429 : i32
    %rem3A_2431 = arith.remsi %get3A_2413, %jit3A_2414 : i32
    %ne3A_2432 = arith.constant 0 : i32
    %ne3A_2433 = arith.cmpi ne, %rem3A_2431, %ne3A_2432 : i32
    %and3A_2434 = arith.andi %ne3A_2430, %ne3A_2433 : i1
    %sub3A_2435 = arith.constant 1 : i32
    %sub3A_2436 = arith.subi %div3A_2415, %sub3A_2435 : i32
    %select_n3A_2437 = arith.select %and3A_2434, %sub3A_2436, %div3A_2415 : i32
    %mul3A_2438 = arith.constant 8 : i32
    %mul3A_2439 = arith.muli %select_n3A_2437, %mul3A_2438 : i32
    %multiple_of3A_2440 = tpu.assume_multiple %mul3A_2439, 8 : i32
    %add3A_2441 = arith.constant 0 : i32
    %add3A_2442 = arith.addi %get3A_2408, %add3A_2441 : i32
    %dma_start3A_2443 = arith.constant 0 : i32
    %dma_start3A_2444 = arith.constant 8 : i32
    %dma_start3A_2445 = arith.constant 0 : i32
    %dma_start3A_2446 = arith.constant 0 : i32
    %dma_start3A_2447 = arith.constant 0 : i32
    %dma_start3A_2448 = tpu.memref_slice %arg7[%dma_start3A_2443, %dma_start3A_2444, %dma_start3A_2446, %dma_start3A_2447] : memref<2x16x16x72xf32, #tpu.memory_space<vmem>> -> memref<1x1x16x72xf32, #tpu.memory_space<vmem>>
    %dma_start3A_2449 = tpu.memref_squeeze %dma_start3A_2448 : memref<1x1x16x72xf32, #tpu.memory_space<vmem>> -> memref<16x72xf32, #tpu.memory_space<vmem>>
    %dma_start3A_2450 = tpu.memref_slice %arg2[%add3A_2442, %multiple_of3A_2440] : memref<2048x2048xf32, #tpu.memory_space<hbm>> -> memref<16x72xf32, #tpu.memory_space<hbm>>
    %dma_start3A_2451 = tpu.memref_slice %arg9[%dma_start3A_2445] : memref<2x!tpu.dma_semaphore, #tpu.memory_space<semaphore_mem>> -> memref<1x!tpu.dma_semaphore, #tpu.memory_space<semaphore_mem>>
    %dma_start3A_2452 = tpu.memref_squeeze %dma_start3A_2451 : memref<1x!tpu.dma_semaphore, #tpu.memory_space<semaphore_mem>> -> memref<!tpu.dma_semaphore, #tpu.memory_space<semaphore_mem>>
    %dma_start3A_2453 = arith.constant 0 : i32
    %dma_start3A_2454 = arith.constant 0 : i32
    %dma_start3A_2455 = tpu.memref_slice %arg7[%dma_start3A_2443, %dma_start3A_2444, %dma_start3A_2453, %dma_start3A_2454] : memref<2x16x16x72xf32, #tpu.memory_space<vmem>> -> memref<1x1x16x72xf32, #tpu.memory_space<vmem>>
    %dma_start3A_2456 = tpu.memref_squeeze %dma_start3A_2455 : memref<1x1x16x72xf32, #tpu.memory_space<vmem>> -> memref<16x72xf32, #tpu.memory_space<vmem>>
    %dma_start3A_2457 = tpu.memref_slice %arg2[%add3A_2442, %multiple_of3A_2440] : memref<2048x2048xf32, #tpu.memory_space<hbm>> -> memref<16x72xf32, #tpu.memory_space<hbm>>
    tpu.enqueue_dma source(%dma_start3A_2457 : memref<16x72xf32, #tpu.memory_space<hbm>>) target(%dma_start3A_2456 : memref<16x72xf32, #tpu.memory_space<vmem>>) target_semaphore(%dma_start3A_2452 : memref<!tpu.dma_semaphore, #tpu.memory_space<semaphore_mem>>)
    %get3A_2458 = arith.constant 9 : i32
    %get3A_2459 = arith.constant 0 : i32
    %get3A_2460 = arith.index_cast %get3A_2458 : i32 to index
    %get3A_2461 = arith.index_cast %get3A_2459 : i32 to index
    %get3A_2462 = memref.load %arg6[%get3A_2460, %get3A_2461] : memref<128x2xi32, #tpu.memory_space<smem>>
    %get3A_2463 = arith.constant 9 : i32
    %get3A_2464 = arith.constant 1 : i32
    %get3A_2465 = arith.index_cast %get3A_2463 : i32 to index
    %get3A_2466 = arith.index_cast %get3A_2464 : i32 to index
    %get3A_2467 = memref.load %arg6[%get3A_2465, %get3A_2466] : memref<128x2xi32, #tpu.memory_space<smem>>
    %jit3A_2468 = arith.constant 8 : i32
    %div3A_2469 = arith.divsi %get3A_2467, %jit3A_2468 : i32
    %sign3A_2470 = arith.constant 0 : i32
    %sign3A_2471 = arith.cmpi sgt, %get3A_2467, %sign3A_2470 : i32
    %sign3A_2472 = arith.extui %sign3A_2471 : i1 to i32
    %sign3A_2473 = arith.constant 0 : i32
    %sign3A_2474 = arith.cmpi slt, %get3A_2467, %sign3A_2473 : i32
    %sign3A_2475 = arith.extui %sign3A_2474 : i1 to i32
    %sign3A_2476 = arith.subi %sign3A_2472, %sign3A_2475 : i32
    %sign3A_2477 = arith.constant 0 : i32
    %sign3A_2478 = arith.cmpi sgt, %jit3A_2468, %sign3A_2477 : i32
    %sign3A_2479 = arith.extui %sign3A_2478 : i1 to i32
    %sign3A_2480 = arith.constant 0 : i32
    %sign3A_2481 = arith.cmpi slt, %jit3A_2468, %sign3A_2480 : i32
    %sign3A_2482 = arith.extui %sign3A_2481 : i1 to i32
    %sign3A_2483 = arith.subi %sign3A_2479, %sign3A_2482 : i32
    %ne3A_2484 = arith.cmpi ne, %sign3A_2476, %sign3A_2483 : i32
    %rem3A_2485 = arith.remsi %get3A_2467, %jit3A_2468 : i32
    %ne3A_2486 = arith.constant 0 : i32
    %ne3A_2487 = arith.cmpi ne, %rem3A_2485, %ne3A_2486 : i32
    %and3A_2488 = arith.andi %ne3A_2484, %ne3A_2487 : i1
    %sub3A_2489 = arith.constant 1 : i32
    %sub3A_2490 = arith.subi %div3A_2469, %sub3A_2489 : i32
    %select_n3A_2491 = arith.select %and3A_2488, %sub3A_2490, %div3A_2469 : i32
    %mul3A_2492 = arith.constant 8 : i32
    %mul3A_2493 = arith.muli %select_n3A_2491, %mul3A_2492 : i32
    %multiple_of3A_2494 = tpu.assume_multiple %mul3A_2493, 8 : i32
    %add3A_2495 = arith.constant 0 : i32
    %add3A_2496 = arith.addi %get3A_2462, %add3A_2495 : i32
    %dma_start3A_2497 = arith.constant 0 : i32
    %dma_start3A_2498 = arith.constant 9 : i32
    %dma_start3A_2499 = arith.constant 0 : i32
    %dma_start3A_2500 = arith.constant 0 : i32
    %dma_start3A_2501 = arith.constant 0 : i32
    %dma_start3A_2502 = tpu.memref_slice %arg7[%dma_start3A_2497, %dma_start3A_2498, %dma_start3A_2500, %dma_start3A_2501] : memref<2x16x16x72xf32, #tpu.memory_space<vmem>> -> memref<1x1x16x72xf32, #tpu.memory_space<vmem>>
    %dma_start3A_2503 = tpu.memref_squeeze %dma_start3A_2502 : memref<1x1x16x72xf32, #tpu.memory_space<vmem>> -> memref<16x72xf32, #tpu.memory_space<vmem>>
    %dma_start3A_2504 = tpu.memref_slice %arg2[%add3A_2496, %multiple_of3A_2494] : memref<2048x2048xf32, #tpu.memory_space<hbm>> -> memref<16x72xf32, #tpu.memory_space<hbm>>
    %dma_start3A_2505 = tpu.memref_slice %arg9[%dma_start3A_2499] : memref<2x!tpu.dma_semaphore, #tpu.memory_space<semaphore_mem>> -> memref<1x!tpu.dma_semaphore, #tpu.memory_space<semaphore_mem>>
    %dma_start3A_2506 = tpu.memref_squeeze %dma_start3A_2505 : memref<1x!tpu.dma_semaphore, #tpu.memory_space<semaphore_mem>> -> memref<!tpu.dma_semaphore, #tpu.memory_space<semaphore_mem>>
    %dma_start3A_2507 = arith.constant 0 : i32
    %dma_start3A_2508 = arith.constant 0 : i32
    %dma_start3A_2509 = tpu.memref_slice %arg7[%dma_start3A_2497, %dma_start3A_2498, %dma_start3A_2507, %dma_start3A_2508] : memref<2x16x16x72xf32, #tpu.memory_space<vmem>> -> memref<1x1x16x72xf32, #tpu.memory_space<vmem>>
    %dma_start3A_2510 = tpu.memref_squeeze %dma_start3A_2509 : memref<1x1x16x72xf32, #tpu.memory_space<vmem>> -> memref<16x72xf32, #tpu.memory_space<vmem>>
    %dma_start3A_2511 = tpu.memref_slice %arg2[%add3A_2496, %multiple_of3A_2494] : memref<2048x2048xf32, #tpu.memory_space<hbm>> -> memref<16x72xf32, #tpu.memory_space<hbm>>
    tpu.enqueue_dma source(%dma_start3A_2511 : memref<16x72xf32, #tpu.memory_space<hbm>>) target(%dma_start3A_2510 : memref<16x72xf32, #tpu.memory_space<vmem>>) target_semaphore(%dma_start3A_2506 : memref<!tpu.dma_semaphore, #tpu.memory_space<semaphore_mem>>)
    %get3A_2512 = arith.constant 10 : i32
    %get3A_2513 = arith.constant 0 : i32
    %get3A_2514 = arith.index_cast %get3A_2512 : i32 to index
    %get3A_2515 = arith.index_cast %get3A_2513 : i32 to index
    %get3A_2516 = memref.load %arg6[%get3A_2514, %get3A_2515] : memref<128x2xi32, #tpu.memory_space<smem>>
    %get3A_2517 = arith.constant 10 : i32
    %get3A_2518 = arith.constant 1 : i32
    %get3A_2519 = arith.index_cast %get3A_2517 : i32 to index
    %get3A_2520 = arith.index_cast %get3A_2518 : i32 to index
    %get3A_2521 = memref.load %arg6[%get3A_2519, %get3A_2520] : memref<128x2xi32, #tpu.memory_space<smem>>
    %jit3A_2522 = arith.constant 8 : i32
    %div3A_2523 = arith.divsi %get3A_2521, %jit3A_2522 : i32
    %sign3A_2524 = arith.constant 0 : i32
    %sign3A_2525 = arith.cmpi sgt, %get3A_2521, %sign3A_2524 : i32
    %sign3A_2526 = arith.extui %sign3A_2525 : i1 to i32
    %sign3A_2527 = arith.constant 0 : i32
    %sign3A_2528 = arith.cmpi slt, %get3A_2521, %sign3A_2527 : i32
    %sign3A_2529 = arith.extui %sign3A_2528 : i1 to i32
    %sign3A_2530 = arith.subi %sign3A_2526, %sign3A_2529 : i32
    %sign3A_2531 = arith.constant 0 : i32
    %sign3A_2532 = arith.cmpi sgt, %jit3A_2522, %sign3A_2531 : i32
    %sign3A_2533 = arith.extui %sign3A_2532 : i1 to i32
    %sign3A_2534 = arith.constant 0 : i32
    %sign3A_2535 = arith.cmpi slt, %jit3A_2522, %sign3A_2534 : i32
    %sign3A_2536 = arith.extui %sign3A_2535 : i1 to i32
    %sign3A_2537 = arith.subi %sign3A_2533, %sign3A_2536 : i32
    %ne3A_2538 = arith.cmpi ne, %sign3A_2530, %sign3A_2537 : i32
    %rem3A_2539 = arith.remsi %get3A_2521, %jit3A_2522 : i32
    %ne3A_2540 = arith.constant 0 : i32
    %ne3A_2541 = arith.cmpi ne, %rem3A_2539, %ne3A_2540 : i32
    %and3A_2542 = arith.andi %ne3A_2538, %ne3A_2541 : i1
    %sub3A_2543 = arith.constant 1 : i32
    %sub3A_2544 = arith.subi %div3A_2523, %sub3A_2543 : i32
    %select_n3A_2545 = arith.select %and3A_2542, %sub3A_2544, %div3A_2523 : i32
    %mul3A_2546 = arith.constant 8 : i32
    %mul3A_2547 = arith.muli %select_n3A_2545, %mul3A_2546 : i32
    %multiple_of3A_2548 = tpu.assume_multiple %mul3A_2547, 8 : i32
    %add3A_2549 = arith.constant 0 : i32
    %add3A_2550 = arith.addi %get3A_2516, %add3A_2549 : i32
    %dma_start3A_2551 = arith.constant 0 : i32
    %dma_start3A_2552 = arith.constant 10 : i32
    %dma_start3A_2553 = arith.constant 0 : i32
    %dma_start3A_2554 = arith.constant 0 : i32
    %dma_start3A_2555 = arith.constant 0 : i32
    %dma_start3A_2556 = tpu.memref_slice %arg7[%dma_start3A_2551, %dma_start3A_2552, %dma_start3A_2554, %dma_start3A_2555] : memref<2x16x16x72xf32, #tpu.memory_space<vmem>> -> memref<1x1x16x72xf32, #tpu.memory_space<vmem>>
    %dma_start3A_2557 = tpu.memref_squeeze %dma_start3A_2556 : memref<1x1x16x72xf32, #tpu.memory_space<vmem>> -> memref<16x72xf32, #tpu.memory_space<vmem>>
    %dma_start3A_2558 = tpu.memref_slice %arg2[%add3A_2550, %multiple_of3A_2548] : memref<2048x2048xf32, #tpu.memory_space<hbm>> -> memref<16x72xf32, #tpu.memory_space<hbm>>
    %dma_start3A_2559 = tpu.memref_slice %arg9[%dma_start3A_2553] : memref<2x!tpu.dma_semaphore, #tpu.memory_space<semaphore_mem>> -> memref<1x!tpu.dma_semaphore, #tpu.memory_space<semaphore_mem>>
    %dma_start3A_2560 = tpu.memref_squeeze %dma_start3A_2559 : memref<1x!tpu.dma_semaphore, #tpu.memory_space<semaphore_mem>> -> memref<!tpu.dma_semaphore, #tpu.memory_space<semaphore_mem>>
    %dma_start3A_2561 = arith.constant 0 : i32
    %dma_start3A_2562 = arith.constant 0 : i32
    %dma_start3A_2563 = tpu.memref_slice %arg7[%dma_start3A_2551, %dma_start3A_2552, %dma_start3A_2561, %dma_start3A_2562] : memref<2x16x16x72xf32, #tpu.memory_space<vmem>> -> memref<1x1x16x72xf32, #tpu.memory_space<vmem>>
    %dma_start3A_2564 = tpu.memref_squeeze %dma_start3A_2563 : memref<1x1x16x72xf32, #tpu.memory_space<vmem>> -> memref<16x72xf32, #tpu.memory_space<vmem>>
    %dma_start3A_2565 = tpu.memref_slice %arg2[%add3A_2550, %multiple_of3A_2548] : memref<2048x2048xf32, #tpu.memory_space<hbm>> -> memref<16x72xf32, #tpu.memory_space<hbm>>
    tpu.enqueue_dma source(%dma_start3A_2565 : memref<16x72xf32, #tpu.memory_space<hbm>>) target(%dma_start3A_2564 : memref<16x72xf32, #tpu.memory_space<vmem>>) target_semaphore(%dma_start3A_2560 : memref<!tpu.dma_semaphore, #tpu.memory_space<semaphore_mem>>)
    %get3A_2566 = arith.constant 11 : i32
    %get3A_2567 = arith.constant 0 : i32
    %get3A_2568 = arith.index_cast %get3A_2566 : i32 to index
    %get3A_2569 = arith.index_cast %get3A_2567 : i32 to index
    %get3A_2570 = memref.load %arg6[%get3A_2568, %get3A_2569] : memref<128x2xi32, #tpu.memory_space<smem>>
    %get3A_2571 = arith.constant 11 : i32
    %get3A_2572 = arith.constant 1 : i32
    %get3A_2573 = arith.index_cast %get3A_2571 : i32 to index
    %get3A_2574 = arith.index_cast %get3A_2572 : i32 to index
    %get3A_2575 = memref.load %arg6[%get3A_2573, %get3A_2574] : memref<128x2xi32, #tpu.memory_space<smem>>
    %jit3A_2576 = arith.constant 8 : i32
    %div3A_2577 = arith.divsi %get3A_2575, %jit3A_2576 : i32
    %sign3A_2578 = arith.constant 0 : i32
    %sign3A_2579 = arith.cmpi sgt, %get3A_2575, %sign3A_2578 : i32
    %sign3A_2580 = arith.extui %sign3A_2579 : i1 to i32
    %sign3A_2581 = arith.constant 0 : i32
    %sign3A_2582 = arith.cmpi slt, %get3A_2575, %sign3A_2581 : i32
    %sign3A_2583 = arith.extui %sign3A_2582 : i1 to i32
    %sign3A_2584 = arith.subi %sign3A_2580, %sign3A_2583 : i32
    %sign3A_2585 = arith.constant 0 : i32
    %sign3A_2586 = arith.cmpi sgt, %jit3A_2576, %sign3A_2585 : i32
    %sign3A_2587 = arith.extui %sign3A_2586 : i1 to i32
    %sign3A_2588 = arith.constant 0 : i32
    %sign3A_2589 = arith.cmpi slt, %jit3A_2576, %sign3A_2588 : i32
    %sign3A_2590 = arith.extui %sign3A_2589 : i1 to i32
    %sign3A_2591 = arith.subi %sign3A_2587, %sign3A_2590 : i32
    %ne3A_2592 = arith.cmpi ne, %sign3A_2584, %sign3A_2591 : i32
    %rem3A_2593 = arith.remsi %get3A_2575, %jit3A_2576 : i32
    %ne3A_2594 = arith.constant 0 : i32
    %ne3A_2595 = arith.cmpi ne, %rem3A_2593, %ne3A_2594 : i32
    %and3A_2596 = arith.andi %ne3A_2592, %ne3A_2595 : i1
    %sub3A_2597 = arith.constant 1 : i32
    %sub3A_2598 = arith.subi %div3A_2577, %sub3A_2597 : i32
    %select_n3A_2599 = arith.select %and3A_2596, %sub3A_2598, %div3A_2577 : i32
    %mul3A_2600 = arith.constant 8 : i32
    %mul3A_2601 = arith.muli %select_n3A_2599, %mul3A_2600 : i32
    %multiple_of3A_2602 = tpu.assume_multiple %mul3A_2601, 8 : i32
    %add3A_2603 = arith.constant 0 : i32
    %add3A_2604 = arith.addi %get3A_2570, %add3A_2603 : i32
    %dma_start3A_2605 = arith.constant 0 : i32
    %dma_start3A_2606 = arith.constant 11 : i32
    %dma_start3A_2607 = arith.constant 0 : i32
    %dma_start3A_2608 = arith.constant 0 : i32
    %dma_start3A_2609 = arith.constant 0 : i32
    %dma_start3A_2610 = tpu.memref_slice %arg7[%dma_start3A_2605, %dma_start3A_2606, %dma_start3A_2608, %dma_start3A_2609] : memref<2x16x16x72xf32, #tpu.memory_space<vmem>> -> memref<1x1x16x72xf32, #tpu.memory_space<vmem>>
    %dma_start3A_2611 = tpu.memref_squeeze %dma_start3A_2610 : memref<1x1x16x72xf32, #tpu.memory_space<vmem>> -> memref<16x72xf32, #tpu.memory_space<vmem>>
    %dma_start3A_2612 = tpu.memref_slice %arg2[%add3A_2604, %multiple_of3A_2602] : memref<2048x2048xf32, #tpu.memory_space<hbm>> -> memref<16x72xf32, #tpu.memory_space<hbm>>
    %dma_start3A_2613 = tpu.memref_slice %arg9[%dma_start3A_2607] : memref<2x!tpu.dma_semaphore, #tpu.memory_space<semaphore_mem>> -> memref<1x!tpu.dma_semaphore, #tpu.memory_space<semaphore_mem>>
    %dma_start3A_2614 = tpu.memref_squeeze %dma_start3A_2613 : memref<1x!tpu.dma_semaphore, #tpu.memory_space<semaphore_mem>> -> memref<!tpu.dma_semaphore, #tpu.memory_space<semaphore_mem>>
    %dma_start3A_2615 = arith.constant 0 : i32
    %dma_start3A_2616 = arith.constant 0 : i32
    %dma_start3A_2617 = tpu.memref_slice %arg7[%dma_start3A_2605, %dma_start3A_2606, %dma_start3A_2615, %dma_start3A_2616] : memref<2x16x16x72xf32, #tpu.memory_space<vmem>> -> memref<1x1x16x72xf32, #tpu.memory_space<vmem>>
    %dma_start3A_2618 = tpu.memref_squeeze %dma_start3A_2617 : memref<1x1x16x72xf32, #tpu.memory_space<vmem>> -> memref<16x72xf32, #tpu.memory_space<vmem>>
    %dma_start3A_2619 = tpu.memref_slice %arg2[%add3A_2604, %multiple_of3A_2602] : memref<2048x2048xf32, #tpu.memory_space<hbm>> -> memref<16x72xf32, #tpu.memory_space<hbm>>
    tpu.enqueue_dma source(%dma_start3A_2619 : memref<16x72xf32, #tpu.memory_space<hbm>>) target(%dma_start3A_2618 : memref<16x72xf32, #tpu.memory_space<vmem>>) target_semaphore(%dma_start3A_2614 : memref<!tpu.dma_semaphore, #tpu.memory_space<semaphore_mem>>)
    %get3A_2620 = arith.constant 12 : i32
    %get3A_2621 = arith.constant 0 : i32
    %get3A_2622 = arith.index_cast %get3A_2620 : i32 to index
    %get3A_2623 = arith.index_cast %get3A_2621 : i32 to index
    %get3A_2624 = memref.load %arg6[%get3A_2622, %get3A_2623] : memref<128x2xi32, #tpu.memory_space<smem>>
    %get3A_2625 = arith.constant 12 : i32
    %get3A_2626 = arith.constant 1 : i32
    %get3A_2627 = arith.index_cast %get3A_2625 : i32 to index
    %get3A_2628 = arith.index_cast %get3A_2626 : i32 to index
    %get3A_2629 = memref.load %arg6[%get3A_2627, %get3A_2628] : memref<128x2xi32, #tpu.memory_space<smem>>
    %jit3A_2630 = arith.constant 8 : i32
    %div3A_2631 = arith.divsi %get3A_2629, %jit3A_2630 : i32
    %sign3A_2632 = arith.constant 0 : i32
    %sign3A_2633 = arith.cmpi sgt, %get3A_2629, %sign3A_2632 : i32
    %sign3A_2634 = arith.extui %sign3A_2633 : i1 to i32
    %sign3A_2635 = arith.constant 0 : i32
    %sign3A_2636 = arith.cmpi slt, %get3A_2629, %sign3A_2635 : i32
    %sign3A_2637 = arith.extui %sign3A_2636 : i1 to i32
    %sign3A_2638 = arith.subi %sign3A_2634, %sign3A_2637 : i32
    %sign3A_2639 = arith.constant 0 : i32
    %sign3A_2640 = arith.cmpi sgt, %jit3A_2630, %sign3A_2639 : i32
    %sign3A_2641 = arith.extui %sign3A_2640 : i1 to i32
    %sign3A_2642 = arith.constant 0 : i32
    %sign3A_2643 = arith.cmpi slt, %jit3A_2630, %sign3A_2642 : i32
    %sign3A_2644 = arith.extui %sign3A_2643 : i1 to i32
    %sign3A_2645 = arith.subi %sign3A_2641, %sign3A_2644 : i32
    %ne3A_2646 = arith.cmpi ne, %sign3A_2638, %sign3A_2645 : i32
    %rem3A_2647 = arith.remsi %get3A_2629, %jit3A_2630 : i32
    %ne3A_2648 = arith.constant 0 : i32
    %ne3A_2649 = arith.cmpi ne, %rem3A_2647, %ne3A_2648 : i32
    %and3A_2650 = arith.andi %ne3A_2646, %ne3A_2649 : i1
    %sub3A_2651 = arith.constant 1 : i32
    %sub3A_2652 = arith.subi %div3A_2631, %sub3A_2651 : i32
    %select_n3A_2653 = arith.select %and3A_2650, %sub3A_2652, %div3A_2631 : i32
    %mul3A_2654 = arith.constant 8 : i32
    %mul3A_2655 = arith.muli %select_n3A_2653, %mul3A_2654 : i32
    %multiple_of3A_2656 = tpu.assume_multiple %mul3A_2655, 8 : i32
    %add3A_2657 = arith.constant 0 : i32
    %add3A_2658 = arith.addi %get3A_2624, %add3A_2657 : i32
    %dma_start3A_2659 = arith.constant 0 : i32
    %dma_start3A_2660 = arith.constant 12 : i32
    %dma_start3A_2661 = arith.constant 0 : i32
    %dma_start3A_2662 = arith.constant 0 : i32
    %dma_start3A_2663 = arith.constant 0 : i32
    %dma_start3A_2664 = tpu.memref_slice %arg7[%dma_start3A_2659, %dma_start3A_2660, %dma_start3A_2662, %dma_start3A_2663] : memref<2x16x16x72xf32, #tpu.memory_space<vmem>> -> memref<1x1x16x72xf32, #tpu.memory_space<vmem>>
    %dma_start3A_2665 = tpu.memref_squeeze %dma_start3A_2664 : memref<1x1x16x72xf32, #tpu.memory_space<vmem>> -> memref<16x72xf32, #tpu.memory_space<vmem>>
    %dma_start3A_2666 = tpu.memref_slice %arg2[%add3A_2658, %multiple_of3A_2656] : memref<2048x2048xf32, #tpu.memory_space<hbm>> -> memref<16x72xf32, #tpu.memory_space<hbm>>
    %dma_start3A_2667 = tpu.memref_slice %arg9[%dma_start3A_2661] : memref<2x!tpu.dma_semaphore, #tpu.memory_space<semaphore_mem>> -> memref<1x!tpu.dma_semaphore, #tpu.memory_space<semaphore_mem>>
    %dma_start3A_2668 = tpu.memref_squeeze %dma_start3A_2667 : memref<1x!tpu.dma_semaphore, #tpu.memory_space<semaphore_mem>> -> memref<!tpu.dma_semaphore, #tpu.memory_space<semaphore_mem>>
    %dma_start3A_2669 = arith.constant 0 : i32
    %dma_start3A_2670 = arith.constant 0 : i32
    %dma_start3A_2671 = tpu.memref_slice %arg7[%dma_start3A_2659, %dma_start3A_2660, %dma_start3A_2669, %dma_start3A_2670] : memref<2x16x16x72xf32, #tpu.memory_space<vmem>> -> memref<1x1x16x72xf32, #tpu.memory_space<vmem>>
    %dma_start3A_2672 = tpu.memref_squeeze %dma_start3A_2671 : memref<1x1x16x72xf32, #tpu.memory_space<vmem>> -> memref<16x72xf32, #tpu.memory_space<vmem>>
    %dma_start3A_2673 = tpu.memref_slice %arg2[%add3A_2658, %multiple_of3A_2656] : memref<2048x2048xf32, #tpu.memory_space<hbm>> -> memref<16x72xf32, #tpu.memory_space<hbm>>
    tpu.enqueue_dma source(%dma_start3A_2673 : memref<16x72xf32, #tpu.memory_space<hbm>>) target(%dma_start3A_2672 : memref<16x72xf32, #tpu.memory_space<vmem>>) target_semaphore(%dma_start3A_2668 : memref<!tpu.dma_semaphore, #tpu.memory_space<semaphore_mem>>)
    %get3A_2674 = arith.constant 13 : i32
    %get3A_2675 = arith.constant 0 : i32
    %get3A_2676 = arith.index_cast %get3A_2674 : i32 to index
    %get3A_2677 = arith.index_cast %get3A_2675 : i32 to index
    %get3A_2678 = memref.load %arg6[%get3A_2676, %get3A_2677] : memref<128x2xi32, #tpu.memory_space<smem>>
    %get3A_2679 = arith.constant 13 : i32
    %get3A_2680 = arith.constant 1 : i32
    %get3A_2681 = arith.index_cast %get3A_2679 : i32 to index
    %get3A_2682 = arith.index_cast %get3A_2680 : i32 to index
    %get3A_2683 = memref.load %arg6[%get3A_2681, %get3A_2682] : memref<128x2xi32, #tpu.memory_space<smem>>
    %jit3A_2684 = arith.constant 8 : i32
    %div3A_2685 = arith.divsi %get3A_2683, %jit3A_2684 : i32
    %sign3A_2686 = arith.constant 0 : i32
    %sign3A_2687 = arith.cmpi sgt, %get3A_2683, %sign3A_2686 : i32
    %sign3A_2688 = arith.extui %sign3A_2687 : i1 to i32
    %sign3A_2689 = arith.constant 0 : i32
    %sign3A_2690 = arith.cmpi slt, %get3A_2683, %sign3A_2689 : i32
    %sign3A_2691 = arith.extui %sign3A_2690 : i1 to i32
    %sign3A_2692 = arith.subi %sign3A_2688, %sign3A_2691 : i32
    %sign3A_2693 = arith.constant 0 : i32
    %sign3A_2694 = arith.cmpi sgt, %jit3A_2684, %sign3A_2693 : i32
    %sign3A_2695 = arith.extui %sign3A_2694 : i1 to i32
    %sign3A_2696 = arith.constant 0 : i32
    %sign3A_2697 = arith.cmpi slt, %jit3A_2684, %sign3A_2696 : i32
    %sign3A_2698 = arith.extui %sign3A_2697 : i1 to i32
    %sign3A_2699 = arith.subi %sign3A_2695, %sign3A_2698 : i32
    %ne3A_2700 = arith.cmpi ne, %sign3A_2692, %sign3A_2699 : i32
    %rem3A_2701 = arith.remsi %get3A_2683, %jit3A_2684 : i32
    %ne3A_2702 = arith.constant 0 : i32
    %ne3A_2703 = arith.cmpi ne, %rem3A_2701, %ne3A_2702 : i32
    %and3A_2704 = arith.andi %ne3A_2700, %ne3A_2703 : i1
    %sub3A_2705 = arith.constant 1 : i32
    %sub3A_2706 = arith.subi %div3A_2685, %sub3A_2705 : i32
    %select_n3A_2707 = arith.select %and3A_2704, %sub3A_2706, %div3A_2685 : i32
    %mul3A_2708 = arith.constant 8 : i32
    %mul3A_2709 = arith.muli %select_n3A_2707, %mul3A_2708 : i32
    %multiple_of3A_2710 = tpu.assume_multiple %mul3A_2709, 8 : i32
    %add3A_2711 = arith.constant 0 : i32
    %add3A_2712 = arith.addi %get3A_2678, %add3A_2711 : i32
    %dma_start3A_2713 = arith.constant 0 : i32
    %dma_start3A_2714 = arith.constant 13 : i32
    %dma_start3A_2715 = arith.constant 0 : i32
    %dma_start3A_2716 = arith.constant 0 : i32
    %dma_start3A_2717 = arith.constant 0 : i32
    %dma_start3A_2718 = tpu.memref_slice %arg7[%dma_start3A_2713, %dma_start3A_2714, %dma_start3A_2716, %dma_start3A_2717] : memref<2x16x16x72xf32, #tpu.memory_space<vmem>> -> memref<1x1x16x72xf32, #tpu.memory_space<vmem>>
    %dma_start3A_2719 = tpu.memref_squeeze %dma_start3A_2718 : memref<1x1x16x72xf32, #tpu.memory_space<vmem>> -> memref<16x72xf32, #tpu.memory_space<vmem>>
    %dma_start3A_2720 = tpu.memref_slice %arg2[%add3A_2712, %multiple_of3A_2710] : memref<2048x2048xf32, #tpu.memory_space<hbm>> -> memref<16x72xf32, #tpu.memory_space<hbm>>
    %dma_start3A_2721 = tpu.memref_slice %arg9[%dma_start3A_2715] : memref<2x!tpu.dma_semaphore, #tpu.memory_space<semaphore_mem>> -> memref<1x!tpu.dma_semaphore, #tpu.memory_space<semaphore_mem>>
    %dma_start3A_2722 = tpu.memref_squeeze %dma_start3A_2721 : memref<1x!tpu.dma_semaphore, #tpu.memory_space<semaphore_mem>> -> memref<!tpu.dma_semaphore, #tpu.memory_space<semaphore_mem>>
    %dma_start3A_2723 = arith.constant 0 : i32
    %dma_start3A_2724 = arith.constant 0 : i32
    %dma_start3A_2725 = tpu.memref_slice %arg7[%dma_start3A_2713, %dma_start3A_2714, %dma_start3A_2723, %dma_start3A_2724] : memref<2x16x16x72xf32, #tpu.memory_space<vmem>> -> memref<1x1x16x72xf32, #tpu.memory_space<vmem>>
    %dma_start3A_2726 = tpu.memref_squeeze %dma_start3A_2725 : memref<1x1x16x72xf32, #tpu.memory_space<vmem>> -> memref<16x72xf32, #tpu.memory_space<vmem>>
    %dma_start3A_2727 = tpu.memref_slice %arg2[%add3A_2712, %multiple_of3A_2710] : memref<2048x2048xf32, #tpu.memory_space<hbm>> -> memref<16x72xf32, #tpu.memory_space<hbm>>
    tpu.enqueue_dma source(%dma_start3A_2727 : memref<16x72xf32, #tpu.memory_space<hbm>>) target(%dma_start3A_2726 : memref<16x72xf32, #tpu.memory_space<vmem>>) target_semaphore(%dma_start3A_2722 : memref<!tpu.dma_semaphore, #tpu.memory_space<semaphore_mem>>)
    %get3A_2728 = arith.constant 14 : i32
    %get3A_2729 = arith.constant 0 : i32
    %get3A_2730 = arith.index_cast %get3A_2728 : i32 to index
    %get3A_2731 = arith.index_cast %get3A_2729 : i32 to index
    %get3A_2732 = memref.load %arg6[%get3A_2730, %get3A_2731] : memref<128x2xi32, #tpu.memory_space<smem>>
    %get3A_2733 = arith.constant 14 : i32
    %get3A_2734 = arith.constant 1 : i32
    %get3A_2735 = arith.index_cast %get3A_2733 : i32 to index
    %get3A_2736 = arith.index_cast %get3A_2734 : i32 to index
    %get3A_2737 = memref.load %arg6[%get3A_2735, %get3A_2736] : memref<128x2xi32, #tpu.memory_space<smem>>
    %jit3A_2738 = arith.constant 8 : i32
    %div3A_2739 = arith.divsi %get3A_2737, %jit3A_2738 : i32
    %sign3A_2740 = arith.constant 0 : i32
    %sign3A_2741 = arith.cmpi sgt, %get3A_2737, %sign3A_2740 : i32
    %sign3A_2742 = arith.extui %sign3A_2741 : i1 to i32
    %sign3A_2743 = arith.constant 0 : i32
    %sign3A_2744 = arith.cmpi slt, %get3A_2737, %sign3A_2743 : i32
    %sign3A_2745 = arith.extui %sign3A_2744 : i1 to i32
    %sign3A_2746 = arith.subi %sign3A_2742, %sign3A_2745 : i32
    %sign3A_2747 = arith.constant 0 : i32
    %sign3A_2748 = arith.cmpi sgt, %jit3A_2738, %sign3A_2747 : i32
    %sign3A_2749 = arith.extui %sign3A_2748 : i1 to i32
    %sign3A_2750 = arith.constant 0 : i32
    %sign3A_2751 = arith.cmpi slt, %jit3A_2738, %sign3A_2750 : i32
    %sign3A_2752 = arith.extui %sign3A_2751 : i1 to i32
    %sign3A_2753 = arith.subi %sign3A_2749, %sign3A_2752 : i32
    %ne3A_2754 = arith.cmpi ne, %sign3A_2746, %sign3A_2753 : i32
    %rem3A_2755 = arith.remsi %get3A_2737, %jit3A_2738 : i32
    %ne3A_2756 = arith.constant 0 : i32
    %ne3A_2757 = arith.cmpi ne, %rem3A_2755, %ne3A_2756 : i32
    %and3A_2758 = arith.andi %ne3A_2754, %ne3A_2757 : i1
    %sub3A_2759 = arith.constant 1 : i32
    %sub3A_2760 = arith.subi %div3A_2739, %sub3A_2759 : i32
    %select_n3A_2761 = arith.select %and3A_2758, %sub3A_2760, %div3A_2739 : i32
    %mul3A_2762 = arith.constant 8 : i32
    %mul3A_2763 = arith.muli %select_n3A_2761, %mul3A_2762 : i32
    %multiple_of3A_2764 = tpu.assume_multiple %mul3A_2763, 8 : i32
    %add3A_2765 = arith.constant 0 : i32
    %add3A_2766 = arith.addi %get3A_2732, %add3A_2765 : i32
    %dma_start3A_2767 = arith.constant 0 : i32
    %dma_start3A_2768 = arith.constant 14 : i32
    %dma_start3A_2769 = arith.constant 0 : i32
    %dma_start3A_2770 = arith.constant 0 : i32
    %dma_start3A_2771 = arith.constant 0 : i32
    %dma_start3A_2772 = tpu.memref_slice %arg7[%dma_start3A_2767, %dma_start3A_2768, %dma_start3A_2770, %dma_start3A_2771] : memref<2x16x16x72xf32, #tpu.memory_space<vmem>> -> memref<1x1x16x72xf32, #tpu.memory_space<vmem>>
    %dma_start3A_2773 = tpu.memref_squeeze %dma_start3A_2772 : memref<1x1x16x72xf32, #tpu.memory_space<vmem>> -> memref<16x72xf32, #tpu.memory_space<vmem>>
    %dma_start3A_2774 = tpu.memref_slice %arg2[%add3A_2766, %multiple_of3A_2764] : memref<2048x2048xf32, #tpu.memory_space<hbm>> -> memref<16x72xf32, #tpu.memory_space<hbm>>
    %dma_start3A_2775 = tpu.memref_slice %arg9[%dma_start3A_2769] : memref<2x!tpu.dma_semaphore, #tpu.memory_space<semaphore_mem>> -> memref<1x!tpu.dma_semaphore, #tpu.memory_space<semaphore_mem>>
    %dma_start3A_2776 = tpu.memref_squeeze %dma_start3A_2775 : memref<1x!tpu.dma_semaphore, #tpu.memory_space<semaphore_mem>> -> memref<!tpu.dma_semaphore, #tpu.memory_space<semaphore_mem>>
    %dma_start3A_2777 = arith.constant 0 : i32
    %dma_start3A_2778 = arith.constant 0 : i32
    %dma_start3A_2779 = tpu.memref_slice %arg7[%dma_start3A_2767, %dma_start3A_2768, %dma_start3A_2777, %dma_start3A_2778] : memref<2x16x16x72xf32, #tpu.memory_space<vmem>> -> memref<1x1x16x72xf32, #tpu.memory_space<vmem>>
    %dma_start3A_2780 = tpu.memref_squeeze %dma_start3A_2779 : memref<1x1x16x72xf32, #tpu.memory_space<vmem>> -> memref<16x72xf32, #tpu.memory_space<vmem>>
    %dma_start3A_2781 = tpu.memref_slice %arg2[%add3A_2766, %multiple_of3A_2764] : memref<2048x2048xf32, #tpu.memory_space<hbm>> -> memref<16x72xf32, #tpu.memory_space<hbm>>
    tpu.enqueue_dma source(%dma_start3A_2781 : memref<16x72xf32, #tpu.memory_space<hbm>>) target(%dma_start3A_2780 : memref<16x72xf32, #tpu.memory_space<vmem>>) target_semaphore(%dma_start3A_2776 : memref<!tpu.dma_semaphore, #tpu.memory_space<semaphore_mem>>)
    %get3A_2782 = arith.constant 15 : i32
    %get3A_2783 = arith.constant 0 : i32
    %get3A_2784 = arith.index_cast %get3A_2782 : i32 to index
    %get3A_2785 = arith.index_cast %get3A_2783 : i32 to index
    %get3A_2786 = memref.load %arg6[%get3A_2784, %get3A_2785] : memref<128x2xi32, #tpu.memory_space<smem>>
    %get3A_2787 = arith.constant 15 : i32
    %get3A_2788 = arith.constant 1 : i32
    %get3A_2789 = arith.index_cast %get3A_2787 : i32 to index
    %get3A_2790 = arith.index_cast %get3A_2788 : i32 to index
    %get3A_2791 = memref.load %arg6[%get3A_2789, %get3A_2790] : memref<128x2xi32, #tpu.memory_space<smem>>
    %jit3A_2792 = arith.constant 8 : i32
    %div3A_2793 = arith.divsi %get3A_2791, %jit3A_2792 : i32
    %sign3A_2794 = arith.constant 0 : i32
    %sign3A_2795 = arith.cmpi sgt, %get3A_2791, %sign3A_2794 : i32
    %sign3A_2796 = arith.extui %sign3A_2795 : i1 to i32
    %sign3A_2797 = arith.constant 0 : i32
    %sign3A_2798 = arith.cmpi slt, %get3A_2791, %sign3A_2797 : i32
    %sign3A_2799 = arith.extui %sign3A_2798 : i1 to i32
    %sign3A_2800 = arith.subi %sign3A_2796, %sign3A_2799 : i32
    %sign3A_2801 = arith.constant 0 : i32
    %sign3A_2802 = arith.cmpi sgt, %jit3A_2792, %sign3A_2801 : i32
    %sign3A_2803 = arith.extui %sign3A_2802 : i1 to i32
    %sign3A_2804 = arith.constant 0 : i32
    %sign3A_2805 = arith.cmpi slt, %jit3A_2792, %sign3A_2804 : i32
    %sign3A_2806 = arith.extui %sign3A_2805 : i1 to i32
    %sign3A_2807 = arith.subi %sign3A_2803, %sign3A_2806 : i32
    %ne3A_2808 = arith.cmpi ne, %sign3A_2800, %sign3A_2807 : i32
    %rem3A_2809 = arith.remsi %get3A_2791, %jit3A_2792 : i32
    %ne3A_2810 = arith.constant 0 : i32
    %ne3A_2811 = arith.cmpi ne, %rem3A_2809, %ne3A_2810 : i32
    %and3A_2812 = arith.andi %ne3A_2808, %ne3A_2811 : i1
    %sub3A_2813 = arith.constant 1 : i32
    %sub3A_2814 = arith.subi %div3A_2793, %sub3A_2813 : i32
    %select_n3A_2815 = arith.select %and3A_2812, %sub3A_2814, %div3A_2793 : i32
    %mul3A_2816 = arith.constant 8 : i32
    %mul3A_2817 = arith.muli %select_n3A_2815, %mul3A_2816 : i32
    %multiple_of3A_2818 = tpu.assume_multiple %mul3A_2817, 8 : i32
    %add3A_2819 = arith.constant 0 : i32
    %add3A_2820 = arith.addi %get3A_2786, %add3A_2819 : i32
    %dma_start3A_2821 = arith.constant 0 : i32
    %dma_start3A_2822 = arith.constant 15 : i32
    %dma_start3A_2823 = arith.constant 0 : i32
    %dma_start3A_2824 = arith.constant 0 : i32
    %dma_start3A_2825 = arith.constant 0 : i32
    %dma_start3A_2826 = tpu.memref_slice %arg7[%dma_start3A_2821, %dma_start3A_2822, %dma_start3A_2824, %dma_start3A_2825] : memref<2x16x16x72xf32, #tpu.memory_space<vmem>> -> memref<1x1x16x72xf32, #tpu.memory_space<vmem>>
    %dma_start3A_2827 = tpu.memref_squeeze %dma_start3A_2826 : memref<1x1x16x72xf32, #tpu.memory_space<vmem>> -> memref<16x72xf32, #tpu.memory_space<vmem>>
    %dma_start3A_2828 = tpu.memref_slice %arg2[%add3A_2820, %multiple_of3A_2818] : memref<2048x2048xf32, #tpu.memory_space<hbm>> -> memref<16x72xf32, #tpu.memory_space<hbm>>
    %dma_start3A_2829 = tpu.memref_slice %arg9[%dma_start3A_2823] : memref<2x!tpu.dma_semaphore, #tpu.memory_space<semaphore_mem>> -> memref<1x!tpu.dma_semaphore, #tpu.memory_space<semaphore_mem>>
    %dma_start3A_2830 = tpu.memref_squeeze %dma_start3A_2829 : memref<1x!tpu.dma_semaphore, #tpu.memory_space<semaphore_mem>> -> memref<!tpu.dma_semaphore, #tpu.memory_space<semaphore_mem>>
    %dma_start3A_2831 = arith.constant 0 : i32
    %dma_start3A_2832 = arith.constant 0 : i32
    %dma_start3A_2833 = tpu.memref_slice %arg7[%dma_start3A_2821, %dma_start3A_2822, %dma_start3A_2831, %dma_start3A_2832] : memref<2x16x16x72xf32, #tpu.memory_space<vmem>> -> memref<1x1x16x72xf32, #tpu.memory_space<vmem>>
    %dma_start3A_2834 = tpu.memref_squeeze %dma_start3A_2833 : memref<1x1x16x72xf32, #tpu.memory_space<vmem>> -> memref<16x72xf32, #tpu.memory_space<vmem>>
    %dma_start3A_2835 = tpu.memref_slice %arg2[%add3A_2820, %multiple_of3A_2818] : memref<2048x2048xf32, #tpu.memory_space<hbm>> -> memref<16x72xf32, #tpu.memory_space<hbm>>
    tpu.enqueue_dma source(%dma_start3A_2835 : memref<16x72xf32, #tpu.memory_space<hbm>>) target(%dma_start3A_2834 : memref<16x72xf32, #tpu.memory_space<vmem>>) target_semaphore(%dma_start3A_2830 : memref<!tpu.dma_semaphore, #tpu.memory_space<semaphore_mem>>)
    %scan3A = arith.constant 0 : i32
    %scan3A_2836 = arith.constant 0 : i32
    %scan3A_2837 = arith.constant 32 : i32
    %scan3A_2838 = arith.addi %scan3A_2836, %scan3A_2837 : i32
    %scan3A_2839 = arith.constant 1 : i32
    %scan3A_2840 = scf.for %scan3A_2899 = %scan3A_2836 to %scan3A_2838 step %scan3A_2839 iter_args(%scan3A_2900 = %scan3A) -> (i32)  : i32 {
      %rem3A_2901 = arith.constant 2 : i32
      %rem3A_2902 = arith.remsi %scan3A_2899, %rem3A_2901 : i32
      %add3A_2903 = arith.constant 1 : i32
      %add3A_2904 = arith.addi %scan3A_2899, %add3A_2903 : i32
      %rem3A_2905 = arith.constant 2 : i32
      %rem3A_2906 = arith.remsi %add3A_2904, %rem3A_2905 : i32
      %add3A_2907 = arith.constant 1 : i32
      %add3A_2908 = arith.addi %scan3A_2899, %add3A_2907 : i32
      %lt3A_2909 = arith.constant 32 : i32
      %lt3A_2910 = arith.cmpi slt, %add3A_2908, %lt3A_2909 : i32
      %convert_element_type3A = arith.extui %lt3A_2910 : i1 to i32
      %cond3A = arith.constant 0 : i32
      %cond3A_2911 = arith.cmpi ne, %convert_element_type3A, %cond3A : i32
      scf.if %cond3A_2911 {
        %add3A_3290 = arith.constant 1 : i32
        %add3A_3291 = arith.addi %scan3A_2899, %add3A_3290 : i32
        %jit3A_3292 = arith.constant 4 : i32
        %div3A_3293 = arith.divsi %add3A_3291, %jit3A_3292 : i32
        %sign3A_3294 = arith.constant 0 : i32
        %sign3A_3295 = arith.cmpi sgt, %add3A_3291, %sign3A_3294 : i32
        %sign3A_3296 = arith.extui %sign3A_3295 : i1 to i32
        %sign3A_3297 = arith.constant 0 : i32
        %sign3A_3298 = arith.cmpi slt, %add3A_3291, %sign3A_3297 : i32
        %sign3A_3299 = arith.extui %sign3A_3298 : i1 to i32
        %sign3A_3300 = arith.subi %sign3A_3296, %sign3A_3299 : i32
        %sign3A_3301 = arith.constant 0 : i32
        %sign3A_3302 = arith.cmpi sgt, %jit3A_3292, %sign3A_3301 : i32
        %sign3A_3303 = arith.extui %sign3A_3302 : i1 to i32
        %sign3A_3304 = arith.constant 0 : i32
        %sign3A_3305 = arith.cmpi slt, %jit3A_3292, %sign3A_3304 : i32
        %sign3A_3306 = arith.extui %sign3A_3305 : i1 to i32
        %sign3A_3307 = arith.subi %sign3A_3303, %sign3A_3306 : i32
        %ne3A_3308 = arith.cmpi ne, %sign3A_3300, %sign3A_3307 : i32
        %rem3A_3309 = arith.remsi %add3A_3291, %jit3A_3292 : i32
        %ne3A_3310 = arith.constant 0 : i32
        %ne3A_3311 = arith.cmpi ne, %rem3A_3309, %ne3A_3310 : i32
        %and3A_3312 = arith.andi %ne3A_3308, %ne3A_3311 : i1
        %sub3A_3313 = arith.constant 1 : i32
        %sub3A_3314 = arith.subi %div3A_3293, %sub3A_3313 : i32
        %select_n3A_3315 = arith.select %and3A_3312, %sub3A_3314, %div3A_3293 : i32
        %mul3A_3316 = arith.constant 16 : i32
        %mul3A_3317 = arith.muli %select_n3A_3315, %mul3A_3316 : i32
        %jit3A_3318 = arith.constant 4 : i32
        %eq3A_3319 = arith.constant 0 : i32
        %eq3A_3320 = arith.cmpi eq, %jit3A_3318, %eq3A_3319 : i32
        %jit3A_3321 = arith.constant 1 : i32
        %select_n3A_3322 = arith.select %eq3A_3320, %jit3A_3321, %jit3A_3318 : i32
        %rem3A_3323 = arith.remsi %add3A_3291, %select_n3A_3322 : i32
        %ne3A_3324 = arith.constant 0 : i32
        %ne3A_3325 = arith.cmpi ne, %rem3A_3323, %ne3A_3324 : i32
        %lt3A_3326 = arith.constant 0 : i32
        %lt3A_3327 = arith.cmpi slt, %rem3A_3323, %lt3A_3326 : i32
        %lt3A_3328 = arith.constant 0 : i32
        %lt3A_3329 = arith.cmpi slt, %select_n3A_3322, %lt3A_3328 : i32
        %ne3A_3330 = arith.xori %lt3A_3327, %lt3A_3329 : i1
        %and3A_3331 = arith.andi %ne3A_3330, %ne3A_3325 : i1
        %add3A_3332 = arith.addi %rem3A_3323, %select_n3A_3322 : i32
        %select_n3A_3333 = arith.select %and3A_3331, %add3A_3332, %rem3A_3323 : i32
        %mul3A_3334 = arith.constant 16 : i32
        %mul3A_3335 = arith.muli %select_n3A_3333, %mul3A_3334 : i32
        %add3A_3336 = arith.constant 0 : i32
        %add3A_3337 = arith.addi %mul3A_3317, %add3A_3336 : i32
        %get3A_3338 = arith.constant 0 : i32
        %get3A_3339 = arith.index_cast %add3A_3337 : i32 to index
        %get3A_3340 = arith.index_cast %get3A_3338 : i32 to index
        %get3A_3341 = memref.load %arg6[%get3A_3339, %get3A_3340] : memref<128x2xi32, #tpu.memory_space<smem>>
        %add3A_3342 = arith.constant 0 : i32
        %add3A_3343 = arith.addi %mul3A_3317, %add3A_3342 : i32
        %get3A_3344 = arith.constant 1 : i32
        %get3A_3345 = arith.index_cast %add3A_3343 : i32 to index
        %get3A_3346 = arith.index_cast %get3A_3344 : i32 to index
        %get3A_3347 = memref.load %arg6[%get3A_3345, %get3A_3346] : memref<128x2xi32, #tpu.memory_space<smem>>
        %jit3A_3348 = arith.constant 8 : i32
        %div3A_3349 = arith.divsi %get3A_3347, %jit3A_3348 : i32
        %sign3A_3350 = arith.constant 0 : i32
        %sign3A_3351 = arith.cmpi sgt, %get3A_3347, %sign3A_3350 : i32
        %sign3A_3352 = arith.extui %sign3A_3351 : i1 to i32
        %sign3A_3353 = arith.constant 0 : i32
        %sign3A_3354 = arith.cmpi slt, %get3A_3347, %sign3A_3353 : i32
        %sign3A_3355 = arith.extui %sign3A_3354 : i1 to i32
        %sign3A_3356 = arith.subi %sign3A_3352, %sign3A_3355 : i32
        %sign3A_3357 = arith.constant 0 : i32
        %sign3A_3358 = arith.cmpi sgt, %jit3A_3348, %sign3A_3357 : i32
        %sign3A_3359 = arith.extui %sign3A_3358 : i1 to i32
        %sign3A_3360 = arith.constant 0 : i32
        %sign3A_3361 = arith.cmpi slt, %jit3A_3348, %sign3A_3360 : i32
        %sign3A_3362 = arith.extui %sign3A_3361 : i1 to i32
        %sign3A_3363 = arith.subi %sign3A_3359, %sign3A_3362 : i32
        %ne3A_3364 = arith.cmpi ne, %sign3A_3356, %sign3A_3363 : i32
        %rem3A_3365 = arith.remsi %get3A_3347, %jit3A_3348 : i32
        %ne3A_3366 = arith.constant 0 : i32
        %ne3A_3367 = arith.cmpi ne, %rem3A_3365, %ne3A_3366 : i32
        %and3A_3368 = arith.andi %ne3A_3364, %ne3A_3367 : i1
        %sub3A_3369 = arith.constant 1 : i32
        %sub3A_3370 = arith.subi %div3A_3349, %sub3A_3369 : i32
        %select_n3A_3371 = arith.select %and3A_3368, %sub3A_3370, %div3A_3349 : i32
        %mul3A_3372 = arith.constant 8 : i32
        %mul3A_3373 = arith.muli %select_n3A_3371, %mul3A_3372 : i32
        %multiple_of3A_3374 = tpu.assume_multiple %mul3A_3373, 8 : i32
        %add3A_3375 = arith.addi %get3A_3341, %mul3A_3335 : i32
        %dma_start3A_3376 = arith.constant 0 : i32
        %dma_start3A_3377 = arith.constant 0 : i32
        %dma_start3A_3378 = arith.constant 0 : i32
        %dma_start3A_3379 = tpu.memref_slice %arg7[%rem3A_2906, %dma_start3A_3376, %dma_start3A_3377, %dma_start3A_3378] : memref<2x16x16x72xf32, #tpu.memory_space<vmem>> -> memref<1x1x16x72xf32, #tpu.memory_space<vmem>>
        %dma_start3A_3380 = tpu.memref_squeeze %dma_start3A_3379 : memref<1x1x16x72xf32, #tpu.memory_space<vmem>> -> memref<16x72xf32, #tpu.memory_space<vmem>>
        %dma_start3A_3381 = tpu.memref_slice %arg2[%add3A_3375, %multiple_of3A_3374] : memref<2048x2048xf32, #tpu.memory_space<hbm>> -> memref<16x72xf32, #tpu.memory_space<hbm>>
        %dma_start3A_3382 = tpu.memref_slice %arg9[%rem3A_2906] : memref<2x!tpu.dma_semaphore, #tpu.memory_space<semaphore_mem>> -> memref<1x!tpu.dma_semaphore, #tpu.memory_space<semaphore_mem>>
        %dma_start3A_3383 = tpu.memref_squeeze %dma_start3A_3382 : memref<1x!tpu.dma_semaphore, #tpu.memory_space<semaphore_mem>> -> memref<!tpu.dma_semaphore, #tpu.memory_space<semaphore_mem>>
        %dma_start3A_3384 = arith.constant 0 : i32
        %dma_start3A_3385 = arith.constant 0 : i32
        %dma_start3A_3386 = tpu.memref_slice %arg7[%rem3A_2906, %dma_start3A_3376, %dma_start3A_3384, %dma_start3A_3385] : memref<2x16x16x72xf32, #tpu.memory_space<vmem>> -> memref<1x1x16x72xf32, #tpu.memory_space<vmem>>
        %dma_start3A_3387 = tpu.memref_squeeze %dma_start3A_3386 : memref<1x1x16x72xf32, #tpu.memory_space<vmem>> -> memref<16x72xf32, #tpu.memory_space<vmem>>
        %dma_start3A_3388 = tpu.memref_slice %arg2[%add3A_3375, %multiple_of3A_3374] : memref<2048x2048xf32, #tpu.memory_space<hbm>> -> memref<16x72xf32, #tpu.memory_space<hbm>>
        tpu.enqueue_dma source(%dma_start3A_3388 : memref<16x72xf32, #tpu.memory_space<hbm>>) target(%dma_start3A_3387 : memref<16x72xf32, #tpu.memory_space<vmem>>) target_semaphore(%dma_start3A_3383 : memref<!tpu.dma_semaphore, #tpu.memory_space<semaphore_mem>>)
        %add3A_3389 = arith.constant 1 : i32
        %add3A_3390 = arith.addi %mul3A_3317, %add3A_3389 : i32
        %get3A_3391 = arith.constant 0 : i32
        %get3A_3392 = arith.index_cast %add3A_3390 : i32 to index
        %get3A_3393 = arith.index_cast %get3A_3391 : i32 to index
        %get3A_3394 = memref.load %arg6[%get3A_3392, %get3A_3393] : memref<128x2xi32, #tpu.memory_space<smem>>
        %add3A_3395 = arith.constant 1 : i32
        %add3A_3396 = arith.addi %mul3A_3317, %add3A_3395 : i32
        %get3A_3397 = arith.constant 1 : i32
        %get3A_3398 = arith.index_cast %add3A_3396 : i32 to index
        %get3A_3399 = arith.index_cast %get3A_3397 : i32 to index
        %get3A_3400 = memref.load %arg6[%get3A_3398, %get3A_3399] : memref<128x2xi32, #tpu.memory_space<smem>>
        %jit3A_3401 = arith.constant 8 : i32
        %div3A_3402 = arith.divsi %get3A_3400, %jit3A_3401 : i32
        %sign3A_3403 = arith.constant 0 : i32
        %sign3A_3404 = arith.cmpi sgt, %get3A_3400, %sign3A_3403 : i32
        %sign3A_3405 = arith.extui %sign3A_3404 : i1 to i32
        %sign3A_3406 = arith.constant 0 : i32
        %sign3A_3407 = arith.cmpi slt, %get3A_3400, %sign3A_3406 : i32
        %sign3A_3408 = arith.extui %sign3A_3407 : i1 to i32
        %sign3A_3409 = arith.subi %sign3A_3405, %sign3A_3408 : i32
        %sign3A_3410 = arith.constant 0 : i32
        %sign3A_3411 = arith.cmpi sgt, %jit3A_3401, %sign3A_3410 : i32
        %sign3A_3412 = arith.extui %sign3A_3411 : i1 to i32
        %sign3A_3413 = arith.constant 0 : i32
        %sign3A_3414 = arith.cmpi slt, %jit3A_3401, %sign3A_3413 : i32
        %sign3A_3415 = arith.extui %sign3A_3414 : i1 to i32
        %sign3A_3416 = arith.subi %sign3A_3412, %sign3A_3415 : i32
        %ne3A_3417 = arith.cmpi ne, %sign3A_3409, %sign3A_3416 : i32
        %rem3A_3418 = arith.remsi %get3A_3400, %jit3A_3401 : i32
        %ne3A_3419 = arith.constant 0 : i32
        %ne3A_3420 = arith.cmpi ne, %rem3A_3418, %ne3A_3419 : i32
        %and3A_3421 = arith.andi %ne3A_3417, %ne3A_3420 : i1
        %sub3A_3422 = arith.constant 1 : i32
        %sub3A_3423 = arith.subi %div3A_3402, %sub3A_3422 : i32
        %select_n3A_3424 = arith.select %and3A_3421, %sub3A_3423, %div3A_3402 : i32
        %mul3A_3425 = arith.constant 8 : i32
        %mul3A_3426 = arith.muli %select_n3A_3424, %mul3A_3425 : i32
        %multiple_of3A_3427 = tpu.assume_multiple %mul3A_3426, 8 : i32
        %add3A_3428 = arith.addi %get3A_3394, %mul3A_3335 : i32
        %dma_start3A_3429 = arith.constant 1 : i32
        %dma_start3A_3430 = arith.constant 0 : i32
        %dma_start3A_3431 = arith.constant 0 : i32
        %dma_start3A_3432 = tpu.memref_slice %arg7[%rem3A_2906, %dma_start3A_3429, %dma_start3A_3430, %dma_start3A_3431] : memref<2x16x16x72xf32, #tpu.memory_space<vmem>> -> memref<1x1x16x72xf32, #tpu.memory_space<vmem>>
        %dma_start3A_3433 = tpu.memref_squeeze %dma_start3A_3432 : memref<1x1x16x72xf32, #tpu.memory_space<vmem>> -> memref<16x72xf32, #tpu.memory_space<vmem>>
        %dma_start3A_3434 = tpu.memref_slice %arg2[%add3A_3428, %multiple_of3A_3427] : memref<2048x2048xf32, #tpu.memory_space<hbm>> -> memref<16x72xf32, #tpu.memory_space<hbm>>
        %dma_start3A_3435 = tpu.memref_slice %arg9[%rem3A_2906] : memref<2x!tpu.dma_semaphore, #tpu.memory_space<semaphore_mem>> -> memref<1x!tpu.dma_semaphore, #tpu.memory_space<semaphore_mem>>
        %dma_start3A_3436 = tpu.memref_squeeze %dma_start3A_3435 : memref<1x!tpu.dma_semaphore, #tpu.memory_space<semaphore_mem>> -> memref<!tpu.dma_semaphore, #tpu.memory_space<semaphore_mem>>
        %dma_start3A_3437 = arith.constant 0 : i32
        %dma_start3A_3438 = arith.constant 0 : i32
        %dma_start3A_3439 = tpu.memref_slice %arg7[%rem3A_2906, %dma_start3A_3429, %dma_start3A_3437, %dma_start3A_3438] : memref<2x16x16x72xf32, #tpu.memory_space<vmem>> -> memref<1x1x16x72xf32, #tpu.memory_space<vmem>>
        %dma_start3A_3440 = tpu.memref_squeeze %dma_start3A_3439 : memref<1x1x16x72xf32, #tpu.memory_space<vmem>> -> memref<16x72xf32, #tpu.memory_space<vmem>>
        %dma_start3A_3441 = tpu.memref_slice %arg2[%add3A_3428, %multiple_of3A_3427] : memref<2048x2048xf32, #tpu.memory_space<hbm>> -> memref<16x72xf32, #tpu.memory_space<hbm>>
        tpu.enqueue_dma source(%dma_start3A_3441 : memref<16x72xf32, #tpu.memory_space<hbm>>) target(%dma_start3A_3440 : memref<16x72xf32, #tpu.memory_space<vmem>>) target_semaphore(%dma_start3A_3436 : memref<!tpu.dma_semaphore, #tpu.memory_space<semaphore_mem>>)
        %add3A_3442 = arith.constant 2 : i32
        %add3A_3443 = arith.addi %mul3A_3317, %add3A_3442 : i32
        %get3A_3444 = arith.constant 0 : i32
        %get3A_3445 = arith.index_cast %add3A_3443 : i32 to index
        %get3A_3446 = arith.index_cast %get3A_3444 : i32 to index
        %get3A_3447 = memref.load %arg6[%get3A_3445, %get3A_3446] : memref<128x2xi32, #tpu.memory_space<smem>>
        %add3A_3448 = arith.constant 2 : i32
        %add3A_3449 = arith.addi %mul3A_3317, %add3A_3448 : i32
        %get3A_3450 = arith.constant 1 : i32
        %get3A_3451 = arith.index_cast %add3A_3449 : i32 to index
        %get3A_3452 = arith.index_cast %get3A_3450 : i32 to index
        %get3A_3453 = memref.load %arg6[%get3A_3451, %get3A_3452] : memref<128x2xi32, #tpu.memory_space<smem>>
        %jit3A_3454 = arith.constant 8 : i32
        %div3A_3455 = arith.divsi %get3A_3453, %jit3A_3454 : i32
        %sign3A_3456 = arith.constant 0 : i32
        %sign3A_3457 = arith.cmpi sgt, %get3A_3453, %sign3A_3456 : i32
        %sign3A_3458 = arith.extui %sign3A_3457 : i1 to i32
        %sign3A_3459 = arith.constant 0 : i32
        %sign3A_3460 = arith.cmpi slt, %get3A_3453, %sign3A_3459 : i32
        %sign3A_3461 = arith.extui %sign3A_3460 : i1 to i32
        %sign3A_3462 = arith.subi %sign3A_3458, %sign3A_3461 : i32
        %sign3A_3463 = arith.constant 0 : i32
        %sign3A_3464 = arith.cmpi sgt, %jit3A_3454, %sign3A_3463 : i32
        %sign3A_3465 = arith.extui %sign3A_3464 : i1 to i32
        %sign3A_3466 = arith.constant 0 : i32
        %sign3A_3467 = arith.cmpi slt, %jit3A_3454, %sign3A_3466 : i32
        %sign3A_3468 = arith.extui %sign3A_3467 : i1 to i32
        %sign3A_3469 = arith.subi %sign3A_3465, %sign3A_3468 : i32
        %ne3A_3470 = arith.cmpi ne, %sign3A_3462, %sign3A_3469 : i32
        %rem3A_3471 = arith.remsi %get3A_3453, %jit3A_3454 : i32
        %ne3A_3472 = arith.constant 0 : i32
        %ne3A_3473 = arith.cmpi ne, %rem3A_3471, %ne3A_3472 : i32
        %and3A_3474 = arith.andi %ne3A_3470, %ne3A_3473 : i1
        %sub3A_3475 = arith.constant 1 : i32
        %sub3A_3476 = arith.subi %div3A_3455, %sub3A_3475 : i32
        %select_n3A_3477 = arith.select %and3A_3474, %sub3A_3476, %div3A_3455 : i32
        %mul3A_3478 = arith.constant 8 : i32
        %mul3A_3479 = arith.muli %select_n3A_3477, %mul3A_3478 : i32
        %multiple_of3A_3480 = tpu.assume_multiple %mul3A_3479, 8 : i32
        %add3A_3481 = arith.addi %get3A_3447, %mul3A_3335 : i32
        %dma_start3A_3482 = arith.constant 2 : i32
        %dma_start3A_3483 = arith.constant 0 : i32
        %dma_start3A_3484 = arith.constant 0 : i32
        %dma_start3A_3485 = tpu.memref_slice %arg7[%rem3A_2906, %dma_start3A_3482, %dma_start3A_3483, %dma_start3A_3484] : memref<2x16x16x72xf32, #tpu.memory_space<vmem>> -> memref<1x1x16x72xf32, #tpu.memory_space<vmem>>
        %dma_start3A_3486 = tpu.memref_squeeze %dma_start3A_3485 : memref<1x1x16x72xf32, #tpu.memory_space<vmem>> -> memref<16x72xf32, #tpu.memory_space<vmem>>
        %dma_start3A_3487 = tpu.memref_slice %arg2[%add3A_3481, %multiple_of3A_3480] : memref<2048x2048xf32, #tpu.memory_space<hbm>> -> memref<16x72xf32, #tpu.memory_space<hbm>>
        %dma_start3A_3488 = tpu.memref_slice %arg9[%rem3A_2906] : memref<2x!tpu.dma_semaphore, #tpu.memory_space<semaphore_mem>> -> memref<1x!tpu.dma_semaphore, #tpu.memory_space<semaphore_mem>>
        %dma_start3A_3489 = tpu.memref_squeeze %dma_start3A_3488 : memref<1x!tpu.dma_semaphore, #tpu.memory_space<semaphore_mem>> -> memref<!tpu.dma_semaphore, #tpu.memory_space<semaphore_mem>>
        %dma_start3A_3490 = arith.constant 0 : i32
        %dma_start3A_3491 = arith.constant 0 : i32
        %dma_start3A_3492 = tpu.memref_slice %arg7[%rem3A_2906, %dma_start3A_3482, %dma_start3A_3490, %dma_start3A_3491] : memref<2x16x16x72xf32, #tpu.memory_space<vmem>> -> memref<1x1x16x72xf32, #tpu.memory_space<vmem>>
        %dma_start3A_3493 = tpu.memref_squeeze %dma_start3A_3492 : memref<1x1x16x72xf32, #tpu.memory_space<vmem>> -> memref<16x72xf32, #tpu.memory_space<vmem>>
        %dma_start3A_3494 = tpu.memref_slice %arg2[%add3A_3481, %multiple_of3A_3480] : memref<2048x2048xf32, #tpu.memory_space<hbm>> -> memref<16x72xf32, #tpu.memory_space<hbm>>
        tpu.enqueue_dma source(%dma_start3A_3494 : memref<16x72xf32, #tpu.memory_space<hbm>>) target(%dma_start3A_3493 : memref<16x72xf32, #tpu.memory_space<vmem>>) target_semaphore(%dma_start3A_3489 : memref<!tpu.dma_semaphore, #tpu.memory_space<semaphore_mem>>)
        %add3A_3495 = arith.constant 3 : i32
        %add3A_3496 = arith.addi %mul3A_3317, %add3A_3495 : i32
        %get3A_3497 = arith.constant 0 : i32
        %get3A_3498 = arith.index_cast %add3A_3496 : i32 to index
        %get3A_3499 = arith.index_cast %get3A_3497 : i32 to index
        %get3A_3500 = memref.load %arg6[%get3A_3498, %get3A_3499] : memref<128x2xi32, #tpu.memory_space<smem>>
        %add3A_3501 = arith.constant 3 : i32
        %add3A_3502 = arith.addi %mul3A_3317, %add3A_3501 : i32
        %get3A_3503 = arith.constant 1 : i32
        %get3A_3504 = arith.index_cast %add3A_3502 : i32 to index
        %get3A_3505 = arith.index_cast %get3A_3503 : i32 to index
        %get3A_3506 = memref.load %arg6[%get3A_3504, %get3A_3505] : memref<128x2xi32, #tpu.memory_space<smem>>
        %jit3A_3507 = arith.constant 8 : i32
        %div3A_3508 = arith.divsi %get3A_3506, %jit3A_3507 : i32
        %sign3A_3509 = arith.constant 0 : i32
        %sign3A_3510 = arith.cmpi sgt, %get3A_3506, %sign3A_3509 : i32
        %sign3A_3511 = arith.extui %sign3A_3510 : i1 to i32
        %sign3A_3512 = arith.constant 0 : i32
        %sign3A_3513 = arith.cmpi slt, %get3A_3506, %sign3A_3512 : i32
        %sign3A_3514 = arith.extui %sign3A_3513 : i1 to i32
        %sign3A_3515 = arith.subi %sign3A_3511, %sign3A_3514 : i32
        %sign3A_3516 = arith.constant 0 : i32
        %sign3A_3517 = arith.cmpi sgt, %jit3A_3507, %sign3A_3516 : i32
        %sign3A_3518 = arith.extui %sign3A_3517 : i1 to i32
        %sign3A_3519 = arith.constant 0 : i32
        %sign3A_3520 = arith.cmpi slt, %jit3A_3507, %sign3A_3519 : i32
        %sign3A_3521 = arith.extui %sign3A_3520 : i1 to i32
        %sign3A_3522 = arith.subi %sign3A_3518, %sign3A_3521 : i32
        %ne3A_3523 = arith.cmpi ne, %sign3A_3515, %sign3A_3522 : i32
        %rem3A_3524 = arith.remsi %get3A_3506, %jit3A_3507 : i32
        %ne3A_3525 = arith.constant 0 : i32
        %ne3A_3526 = arith.cmpi ne, %rem3A_3524, %ne3A_3525 : i32
        %and3A_3527 = arith.andi %ne3A_3523, %ne3A_3526 : i1
        %sub3A_3528 = arith.constant 1 : i32
        %sub3A_3529 = arith.subi %div3A_3508, %sub3A_3528 : i32
        %select_n3A_3530 = arith.select %and3A_3527, %sub3A_3529, %div3A_3508 : i32
        %mul3A_3531 = arith.constant 8 : i32
        %mul3A_3532 = arith.muli %select_n3A_3530, %mul3A_3531 : i32
        %multiple_of3A_3533 = tpu.assume_multiple %mul3A_3532, 8 : i32
        %add3A_3534 = arith.addi %get3A_3500, %mul3A_3335 : i32
        %dma_start3A_3535 = arith.constant 3 : i32
        %dma_start3A_3536 = arith.constant 0 : i32
        %dma_start3A_3537 = arith.constant 0 : i32
        %dma_start3A_3538 = tpu.memref_slice %arg7[%rem3A_2906, %dma_start3A_3535, %dma_start3A_3536, %dma_start3A_3537] : memref<2x16x16x72xf32, #tpu.memory_space<vmem>> -> memref<1x1x16x72xf32, #tpu.memory_space<vmem>>
        %dma_start3A_3539 = tpu.memref_squeeze %dma_start3A_3538 : memref<1x1x16x72xf32, #tpu.memory_space<vmem>> -> memref<16x72xf32, #tpu.memory_space<vmem>>
        %dma_start3A_3540 = tpu.memref_slice %arg2[%add3A_3534, %multiple_of3A_3533] : memref<2048x2048xf32, #tpu.memory_space<hbm>> -> memref<16x72xf32, #tpu.memory_space<hbm>>
        %dma_start3A_3541 = tpu.memref_slice %arg9[%rem3A_2906] : memref<2x!tpu.dma_semaphore, #tpu.memory_space<semaphore_mem>> -> memref<1x!tpu.dma_semaphore, #tpu.memory_space<semaphore_mem>>
        %dma_start3A_3542 = tpu.memref_squeeze %dma_start3A_3541 : memref<1x!tpu.dma_semaphore, #tpu.memory_space<semaphore_mem>> -> memref<!tpu.dma_semaphore, #tpu.memory_space<semaphore_mem>>
        %dma_start3A_3543 = arith.constant 0 : i32
        %dma_start3A_3544 = arith.constant 0 : i32
        %dma_start3A_3545 = tpu.memref_slice %arg7[%rem3A_2906, %dma_start3A_3535, %dma_start3A_3543, %dma_start3A_3544] : memref<2x16x16x72xf32, #tpu.memory_space<vmem>> -> memref<1x1x16x72xf32, #tpu.memory_space<vmem>>
        %dma_start3A_3546 = tpu.memref_squeeze %dma_start3A_3545 : memref<1x1x16x72xf32, #tpu.memory_space<vmem>> -> memref<16x72xf32, #tpu.memory_space<vmem>>
        %dma_start3A_3547 = tpu.memref_slice %arg2[%add3A_3534, %multiple_of3A_3533] : memref<2048x2048xf32, #tpu.memory_space<hbm>> -> memref<16x72xf32, #tpu.memory_space<hbm>>
        tpu.enqueue_dma source(%dma_start3A_3547 : memref<16x72xf32, #tpu.memory_space<hbm>>) target(%dma_start3A_3546 : memref<16x72xf32, #tpu.memory_space<vmem>>) target_semaphore(%dma_start3A_3542 : memref<!tpu.dma_semaphore, #tpu.memory_space<semaphore_mem>>)
        %add3A_3548 = arith.constant 4 : i32
        %add3A_3549 = arith.addi %mul3A_3317, %add3A_3548 : i32
        %get3A_3550 = arith.constant 0 : i32
        %get3A_3551 = arith.index_cast %add3A_3549 : i32 to index
        %get3A_3552 = arith.index_cast %get3A_3550 : i32 to index
        %get3A_3553 = memref.load %arg6[%get3A_3551, %get3A_3552] : memref<128x2xi32, #tpu.memory_space<smem>>
        %add3A_3554 = arith.constant 4 : i32
        %add3A_3555 = arith.addi %mul3A_3317, %add3A_3554 : i32
        %get3A_3556 = arith.constant 1 : i32
        %get3A_3557 = arith.index_cast %add3A_3555 : i32 to index
        %get3A_3558 = arith.index_cast %get3A_3556 : i32 to index
        %get3A_3559 = memref.load %arg6[%get3A_3557, %get3A_3558] : memref<128x2xi32, #tpu.memory_space<smem>>
        %jit3A_3560 = arith.constant 8 : i32
        %div3A_3561 = arith.divsi %get3A_3559, %jit3A_3560 : i32
        %sign3A_3562 = arith.constant 0 : i32
        %sign3A_3563 = arith.cmpi sgt, %get3A_3559, %sign3A_3562 : i32
        %sign3A_3564 = arith.extui %sign3A_3563 : i1 to i32
        %sign3A_3565 = arith.constant 0 : i32
        %sign3A_3566 = arith.cmpi slt, %get3A_3559, %sign3A_3565 : i32
        %sign3A_3567 = arith.extui %sign3A_3566 : i1 to i32
        %sign3A_3568 = arith.subi %sign3A_3564, %sign3A_3567 : i32
        %sign3A_3569 = arith.constant 0 : i32
        %sign3A_3570 = arith.cmpi sgt, %jit3A_3560, %sign3A_3569 : i32
        %sign3A_3571 = arith.extui %sign3A_3570 : i1 to i32
        %sign3A_3572 = arith.constant 0 : i32
        %sign3A_3573 = arith.cmpi slt, %jit3A_3560, %sign3A_3572 : i32
        %sign3A_3574 = arith.extui %sign3A_3573 : i1 to i32
        %sign3A_3575 = arith.subi %sign3A_3571, %sign3A_3574 : i32
        %ne3A_3576 = arith.cmpi ne, %sign3A_3568, %sign3A_3575 : i32
        %rem3A_3577 = arith.remsi %get3A_3559, %jit3A_3560 : i32
        %ne3A_3578 = arith.constant 0 : i32
        %ne3A_3579 = arith.cmpi ne, %rem3A_3577, %ne3A_3578 : i32
        %and3A_3580 = arith.andi %ne3A_3576, %ne3A_3579 : i1
        %sub3A_3581 = arith.constant 1 : i32
        %sub3A_3582 = arith.subi %div3A_3561, %sub3A_3581 : i32
        %select_n3A_3583 = arith.select %and3A_3580, %sub3A_3582, %div3A_3561 : i32
        %mul3A_3584 = arith.constant 8 : i32
        %mul3A_3585 = arith.muli %select_n3A_3583, %mul3A_3584 : i32
        %multiple_of3A_3586 = tpu.assume_multiple %mul3A_3585, 8 : i32
        %add3A_3587 = arith.addi %get3A_3553, %mul3A_3335 : i32
        %dma_start3A_3588 = arith.constant 4 : i32
        %dma_start3A_3589 = arith.constant 0 : i32
        %dma_start3A_3590 = arith.constant 0 : i32
        %dma_start3A_3591 = tpu.memref_slice %arg7[%rem3A_2906, %dma_start3A_3588, %dma_start3A_3589, %dma_start3A_3590] : memref<2x16x16x72xf32, #tpu.memory_space<vmem>> -> memref<1x1x16x72xf32, #tpu.memory_space<vmem>>
        %dma_start3A_3592 = tpu.memref_squeeze %dma_start3A_3591 : memref<1x1x16x72xf32, #tpu.memory_space<vmem>> -> memref<16x72xf32, #tpu.memory_space<vmem>>
        %dma_start3A_3593 = tpu.memref_slice %arg2[%add3A_3587, %multiple_of3A_3586] : memref<2048x2048xf32, #tpu.memory_space<hbm>> -> memref<16x72xf32, #tpu.memory_space<hbm>>
        %dma_start3A_3594 = tpu.memref_slice %arg9[%rem3A_2906] : memref<2x!tpu.dma_semaphore, #tpu.memory_space<semaphore_mem>> -> memref<1x!tpu.dma_semaphore, #tpu.memory_space<semaphore_mem>>
        %dma_start3A_3595 = tpu.memref_squeeze %dma_start3A_3594 : memref<1x!tpu.dma_semaphore, #tpu.memory_space<semaphore_mem>> -> memref<!tpu.dma_semaphore, #tpu.memory_space<semaphore_mem>>
        %dma_start3A_3596 = arith.constant 0 : i32
        %dma_start3A_3597 = arith.constant 0 : i32
        %dma_start3A_3598 = tpu.memref_slice %arg7[%rem3A_2906, %dma_start3A_3588, %dma_start3A_3596, %dma_start3A_3597] : memref<2x16x16x72xf32, #tpu.memory_space<vmem>> -> memref<1x1x16x72xf32, #tpu.memory_space<vmem>>
        %dma_start3A_3599 = tpu.memref_squeeze %dma_start3A_3598 : memref<1x1x16x72xf32, #tpu.memory_space<vmem>> -> memref<16x72xf32, #tpu.memory_space<vmem>>
        %dma_start3A_3600 = tpu.memref_slice %arg2[%add3A_3587, %multiple_of3A_3586] : memref<2048x2048xf32, #tpu.memory_space<hbm>> -> memref<16x72xf32, #tpu.memory_space<hbm>>
        tpu.enqueue_dma source(%dma_start3A_3600 : memref<16x72xf32, #tpu.memory_space<hbm>>) target(%dma_start3A_3599 : memref<16x72xf32, #tpu.memory_space<vmem>>) target_semaphore(%dma_start3A_3595 : memref<!tpu.dma_semaphore, #tpu.memory_space<semaphore_mem>>)
        %add3A_3601 = arith.constant 5 : i32
        %add3A_3602 = arith.addi %mul3A_3317, %add3A_3601 : i32
        %get3A_3603 = arith.constant 0 : i32
        %get3A_3604 = arith.index_cast %add3A_3602 : i32 to index
        %get3A_3605 = arith.index_cast %get3A_3603 : i32 to index
        %get3A_3606 = memref.load %arg6[%get3A_3604, %get3A_3605] : memref<128x2xi32, #tpu.memory_space<smem>>
        %add3A_3607 = arith.constant 5 : i32
        %add3A_3608 = arith.addi %mul3A_3317, %add3A_3607 : i32
        %get3A_3609 = arith.constant 1 : i32
        %get3A_3610 = arith.index_cast %add3A_3608 : i32 to index
        %get3A_3611 = arith.index_cast %get3A_3609 : i32 to index
        %get3A_3612 = memref.load %arg6[%get3A_3610, %get3A_3611] : memref<128x2xi32, #tpu.memory_space<smem>>
        %jit3A_3613 = arith.constant 8 : i32
        %div3A_3614 = arith.divsi %get3A_3612, %jit3A_3613 : i32
        %sign3A_3615 = arith.constant 0 : i32
        %sign3A_3616 = arith.cmpi sgt, %get3A_3612, %sign3A_3615 : i32
        %sign3A_3617 = arith.extui %sign3A_3616 : i1 to i32
        %sign3A_3618 = arith.constant 0 : i32
        %sign3A_3619 = arith.cmpi slt, %get3A_3612, %sign3A_3618 : i32
        %sign3A_3620 = arith.extui %sign3A_3619 : i1 to i32
        %sign3A_3621 = arith.subi %sign3A_3617, %sign3A_3620 : i32
        %sign3A_3622 = arith.constant 0 : i32
        %sign3A_3623 = arith.cmpi sgt, %jit3A_3613, %sign3A_3622 : i32
        %sign3A_3624 = arith.extui %sign3A_3623 : i1 to i32
        %sign3A_3625 = arith.constant 0 : i32
        %sign3A_3626 = arith.cmpi slt, %jit3A_3613, %sign3A_3625 : i32
        %sign3A_3627 = arith.extui %sign3A_3626 : i1 to i32
        %sign3A_3628 = arith.subi %sign3A_3624, %sign3A_3627 : i32
        %ne3A_3629 = arith.cmpi ne, %sign3A_3621, %sign3A_3628 : i32
        %rem3A_3630 = arith.remsi %get3A_3612, %jit3A_3613 : i32
        %ne3A_3631 = arith.constant 0 : i32
        %ne3A_3632 = arith.cmpi ne, %rem3A_3630, %ne3A_3631 : i32
        %and3A_3633 = arith.andi %ne3A_3629, %ne3A_3632 : i1
        %sub3A_3634 = arith.constant 1 : i32
        %sub3A_3635 = arith.subi %div3A_3614, %sub3A_3634 : i32
        %select_n3A_3636 = arith.select %and3A_3633, %sub3A_3635, %div3A_3614 : i32
        %mul3A_3637 = arith.constant 8 : i32
        %mul3A_3638 = arith.muli %select_n3A_3636, %mul3A_3637 : i32
        %multiple_of3A_3639 = tpu.assume_multiple %mul3A_3638, 8 : i32
        %add3A_3640 = arith.addi %get3A_3606, %mul3A_3335 : i32
        %dma_start3A_3641 = arith.constant 5 : i32
        %dma_start3A_3642 = arith.constant 0 : i32
        %dma_start3A_3643 = arith.constant 0 : i32
        %dma_start3A_3644 = tpu.memref_slice %arg7[%rem3A_2906, %dma_start3A_3641, %dma_start3A_3642, %dma_start3A_3643] : memref<2x16x16x72xf32, #tpu.memory_space<vmem>> -> memref<1x1x16x72xf32, #tpu.memory_space<vmem>>
        %dma_start3A_3645 = tpu.memref_squeeze %dma_start3A_3644 : memref<1x1x16x72xf32, #tpu.memory_space<vmem>> -> memref<16x72xf32, #tpu.memory_space<vmem>>
        %dma_start3A_3646 = tpu.memref_slice %arg2[%add3A_3640, %multiple_of3A_3639] : memref<2048x2048xf32, #tpu.memory_space<hbm>> -> memref<16x72xf32, #tpu.memory_space<hbm>>
        %dma_start3A_3647 = tpu.memref_slice %arg9[%rem3A_2906] : memref<2x!tpu.dma_semaphore, #tpu.memory_space<semaphore_mem>> -> memref<1x!tpu.dma_semaphore, #tpu.memory_space<semaphore_mem>>
        %dma_start3A_3648 = tpu.memref_squeeze %dma_start3A_3647 : memref<1x!tpu.dma_semaphore, #tpu.memory_space<semaphore_mem>> -> memref<!tpu.dma_semaphore, #tpu.memory_space<semaphore_mem>>
        %dma_start3A_3649 = arith.constant 0 : i32
        %dma_start3A_3650 = arith.constant 0 : i32
        %dma_start3A_3651 = tpu.memref_slice %arg7[%rem3A_2906, %dma_start3A_3641, %dma_start3A_3649, %dma_start3A_3650] : memref<2x16x16x72xf32, #tpu.memory_space<vmem>> -> memref<1x1x16x72xf32, #tpu.memory_space<vmem>>
        %dma_start3A_3652 = tpu.memref_squeeze %dma_start3A_3651 : memref<1x1x16x72xf32, #tpu.memory_space<vmem>> -> memref<16x72xf32, #tpu.memory_space<vmem>>
        %dma_start3A_3653 = tpu.memref_slice %arg2[%add3A_3640, %multiple_of3A_3639] : memref<2048x2048xf32, #tpu.memory_space<hbm>> -> memref<16x72xf32, #tpu.memory_space<hbm>>
        tpu.enqueue_dma source(%dma_start3A_3653 : memref<16x72xf32, #tpu.memory_space<hbm>>) target(%dma_start3A_3652 : memref<16x72xf32, #tpu.memory_space<vmem>>) target_semaphore(%dma_start3A_3648 : memref<!tpu.dma_semaphore, #tpu.memory_space<semaphore_mem>>)
        %add3A_3654 = arith.constant 6 : i32
        %add3A_3655 = arith.addi %mul3A_3317, %add3A_3654 : i32
        %get3A_3656 = arith.constant 0 : i32
        %get3A_3657 = arith.index_cast %add3A_3655 : i32 to index
        %get3A_3658 = arith.index_cast %get3A_3656 : i32 to index
        %get3A_3659 = memref.load %arg6[%get3A_3657, %get3A_3658] : memref<128x2xi32, #tpu.memory_space<smem>>
        %add3A_3660 = arith.constant 6 : i32
        %add3A_3661 = arith.addi %mul3A_3317, %add3A_3660 : i32
        %get3A_3662 = arith.constant 1 : i32
        %get3A_3663 = arith.index_cast %add3A_3661 : i32 to index
        %get3A_3664 = arith.index_cast %get3A_3662 : i32 to index
        %get3A_3665 = memref.load %arg6[%get3A_3663, %get3A_3664] : memref<128x2xi32, #tpu.memory_space<smem>>
        %jit3A_3666 = arith.constant 8 : i32
        %div3A_3667 = arith.divsi %get3A_3665, %jit3A_3666 : i32
        %sign3A_3668 = arith.constant 0 : i32
        %sign3A_3669 = arith.cmpi sgt, %get3A_3665, %sign3A_3668 : i32
        %sign3A_3670 = arith.extui %sign3A_3669 : i1 to i32
        %sign3A_3671 = arith.constant 0 : i32
        %sign3A_3672 = arith.cmpi slt, %get3A_3665, %sign3A_3671 : i32
        %sign3A_3673 = arith.extui %sign3A_3672 : i1 to i32
        %sign3A_3674 = arith.subi %sign3A_3670, %sign3A_3673 : i32
        %sign3A_3675 = arith.constant 0 : i32
        %sign3A_3676 = arith.cmpi sgt, %jit3A_3666, %sign3A_3675 : i32
        %sign3A_3677 = arith.extui %sign3A_3676 : i1 to i32
        %sign3A_3678 = arith.constant 0 : i32
        %sign3A_3679 = arith.cmpi slt, %jit3A_3666, %sign3A_3678 : i32
        %sign3A_3680 = arith.extui %sign3A_3679 : i1 to i32
        %sign3A_3681 = arith.subi %sign3A_3677, %sign3A_3680 : i32
        %ne3A_3682 = arith.cmpi ne, %sign3A_3674, %sign3A_3681 : i32
        %rem3A_3683 = arith.remsi %get3A_3665, %jit3A_3666 : i32
        %ne3A_3684 = arith.constant 0 : i32
        %ne3A_3685 = arith.cmpi ne, %rem3A_3683, %ne3A_3684 : i32
        %and3A_3686 = arith.andi %ne3A_3682, %ne3A_3685 : i1
        %sub3A_3687 = arith.constant 1 : i32
        %sub3A_3688 = arith.subi %div3A_3667, %sub3A_3687 : i32
        %select_n3A_3689 = arith.select %and3A_3686, %sub3A_3688, %div3A_3667 : i32
        %mul3A_3690 = arith.constant 8 : i32
        %mul3A_3691 = arith.muli %select_n3A_3689, %mul3A_3690 : i32
        %multiple_of3A_3692 = tpu.assume_multiple %mul3A_3691, 8 : i32
        %add3A_3693 = arith.addi %get3A_3659, %mul3A_3335 : i32
        %dma_start3A_3694 = arith.constant 6 : i32
        %dma_start3A_3695 = arith.constant 0 : i32
        %dma_start3A_3696 = arith.constant 0 : i32
        %dma_start3A_3697 = tpu.memref_slice %arg7[%rem3A_2906, %dma_start3A_3694, %dma_start3A_3695, %dma_start3A_3696] : memref<2x16x16x72xf32, #tpu.memory_space<vmem>> -> memref<1x1x16x72xf32, #tpu.memory_space<vmem>>
        %dma_start3A_3698 = tpu.memref_squeeze %dma_start3A_3697 : memref<1x1x16x72xf32, #tpu.memory_space<vmem>> -> memref<16x72xf32, #tpu.memory_space<vmem>>
        %dma_start3A_3699 = tpu.memref_slice %arg2[%add3A_3693, %multiple_of3A_3692] : memref<2048x2048xf32, #tpu.memory_space<hbm>> -> memref<16x72xf32, #tpu.memory_space<hbm>>
        %dma_start3A_3700 = tpu.memref_slice %arg9[%rem3A_2906] : memref<2x!tpu.dma_semaphore, #tpu.memory_space<semaphore_mem>> -> memref<1x!tpu.dma_semaphore, #tpu.memory_space<semaphore_mem>>
        %dma_start3A_3701 = tpu.memref_squeeze %dma_start3A_3700 : memref<1x!tpu.dma_semaphore, #tpu.memory_space<semaphore_mem>> -> memref<!tpu.dma_semaphore, #tpu.memory_space<semaphore_mem>>
        %dma_start3A_3702 = arith.constant 0 : i32
        %dma_start3A_3703 = arith.constant 0 : i32
        %dma_start3A_3704 = tpu.memref_slice %arg7[%rem3A_2906, %dma_start3A_3694, %dma_start3A_3702, %dma_start3A_3703] : memref<2x16x16x72xf32, #tpu.memory_space<vmem>> -> memref<1x1x16x72xf32, #tpu.memory_space<vmem>>
        %dma_start3A_3705 = tpu.memref_squeeze %dma_start3A_3704 : memref<1x1x16x72xf32, #tpu.memory_space<vmem>> -> memref<16x72xf32, #tpu.memory_space<vmem>>
        %dma_start3A_3706 = tpu.memref_slice %arg2[%add3A_3693, %multiple_of3A_3692] : memref<2048x2048xf32, #tpu.memory_space<hbm>> -> memref<16x72xf32, #tpu.memory_space<hbm>>
        tpu.enqueue_dma source(%dma_start3A_3706 : memref<16x72xf32, #tpu.memory_space<hbm>>) target(%dma_start3A_3705 : memref<16x72xf32, #tpu.memory_space<vmem>>) target_semaphore(%dma_start3A_3701 : memref<!tpu.dma_semaphore, #tpu.memory_space<semaphore_mem>>)
        %add3A_3707 = arith.constant 7 : i32
        %add3A_3708 = arith.addi %mul3A_3317, %add3A_3707 : i32
        %get3A_3709 = arith.constant 0 : i32
        %get3A_3710 = arith.index_cast %add3A_3708 : i32 to index
        %get3A_3711 = arith.index_cast %get3A_3709 : i32 to index
        %get3A_3712 = memref.load %arg6[%get3A_3710, %get3A_3711] : memref<128x2xi32, #tpu.memory_space<smem>>
        %add3A_3713 = arith.constant 7 : i32
        %add3A_3714 = arith.addi %mul3A_3317, %add3A_3713 : i32
        %get3A_3715 = arith.constant 1 : i32
        %get3A_3716 = arith.index_cast %add3A_3714 : i32 to index
        %get3A_3717 = arith.index_cast %get3A_3715 : i32 to index
        %get3A_3718 = memref.load %arg6[%get3A_3716, %get3A_3717] : memref<128x2xi32, #tpu.memory_space<smem>>
        %jit3A_3719 = arith.constant 8 : i32
        %div3A_3720 = arith.divsi %get3A_3718, %jit3A_3719 : i32
        %sign3A_3721 = arith.constant 0 : i32
        %sign3A_3722 = arith.cmpi sgt, %get3A_3718, %sign3A_3721 : i32
        %sign3A_3723 = arith.extui %sign3A_3722 : i1 to i32
        %sign3A_3724 = arith.constant 0 : i32
        %sign3A_3725 = arith.cmpi slt, %get3A_3718, %sign3A_3724 : i32
        %sign3A_3726 = arith.extui %sign3A_3725 : i1 to i32
        %sign3A_3727 = arith.subi %sign3A_3723, %sign3A_3726 : i32
        %sign3A_3728 = arith.constant 0 : i32
        %sign3A_3729 = arith.cmpi sgt, %jit3A_3719, %sign3A_3728 : i32
        %sign3A_3730 = arith.extui %sign3A_3729 : i1 to i32
        %sign3A_3731 = arith.constant 0 : i32
        %sign3A_3732 = arith.cmpi slt, %jit3A_3719, %sign3A_3731 : i32
        %sign3A_3733 = arith.extui %sign3A_3732 : i1 to i32
        %sign3A_3734 = arith.subi %sign3A_3730, %sign3A_3733 : i32
        %ne3A_3735 = arith.cmpi ne, %sign3A_3727, %sign3A_3734 : i32
        %rem3A_3736 = arith.remsi %get3A_3718, %jit3A_3719 : i32
        %ne3A_3737 = arith.constant 0 : i32
        %ne3A_3738 = arith.cmpi ne, %rem3A_3736, %ne3A_3737 : i32
        %and3A_3739 = arith.andi %ne3A_3735, %ne3A_3738 : i1
        %sub3A_3740 = arith.constant 1 : i32
        %sub3A_3741 = arith.subi %div3A_3720, %sub3A_3740 : i32
        %select_n3A_3742 = arith.select %and3A_3739, %sub3A_3741, %div3A_3720 : i32
        %mul3A_3743 = arith.constant 8 : i32
        %mul3A_3744 = arith.muli %select_n3A_3742, %mul3A_3743 : i32
        %multiple_of3A_3745 = tpu.assume_multiple %mul3A_3744, 8 : i32
        %add3A_3746 = arith.addi %get3A_3712, %mul3A_3335 : i32
        %dma_start3A_3747 = arith.constant 7 : i32
        %dma_start3A_3748 = arith.constant 0 : i32
        %dma_start3A_3749 = arith.constant 0 : i32
        %dma_start3A_3750 = tpu.memref_slice %arg7[%rem3A_2906, %dma_start3A_3747, %dma_start3A_3748, %dma_start3A_3749] : memref<2x16x16x72xf32, #tpu.memory_space<vmem>> -> memref<1x1x16x72xf32, #tpu.memory_space<vmem>>
        %dma_start3A_3751 = tpu.memref_squeeze %dma_start3A_3750 : memref<1x1x16x72xf32, #tpu.memory_space<vmem>> -> memref<16x72xf32, #tpu.memory_space<vmem>>
        %dma_start3A_3752 = tpu.memref_slice %arg2[%add3A_3746, %multiple_of3A_3745] : memref<2048x2048xf32, #tpu.memory_space<hbm>> -> memref<16x72xf32, #tpu.memory_space<hbm>>
        %dma_start3A_3753 = tpu.memref_slice %arg9[%rem3A_2906] : memref<2x!tpu.dma_semaphore, #tpu.memory_space<semaphore_mem>> -> memref<1x!tpu.dma_semaphore, #tpu.memory_space<semaphore_mem>>
        %dma_start3A_3754 = tpu.memref_squeeze %dma_start3A_3753 : memref<1x!tpu.dma_semaphore, #tpu.memory_space<semaphore_mem>> -> memref<!tpu.dma_semaphore, #tpu.memory_space<semaphore_mem>>
        %dma_start3A_3755 = arith.constant 0 : i32
        %dma_start3A_3756 = arith.constant 0 : i32
        %dma_start3A_3757 = tpu.memref_slice %arg7[%rem3A_2906, %dma_start3A_3747, %dma_start3A_3755, %dma_start3A_3756] : memref<2x16x16x72xf32, #tpu.memory_space<vmem>> -> memref<1x1x16x72xf32, #tpu.memory_space<vmem>>
        %dma_start3A_3758 = tpu.memref_squeeze %dma_start3A_3757 : memref<1x1x16x72xf32, #tpu.memory_space<vmem>> -> memref<16x72xf32, #tpu.memory_space<vmem>>
        %dma_start3A_3759 = tpu.memref_slice %arg2[%add3A_3746, %multiple_of3A_3745] : memref<2048x2048xf32, #tpu.memory_space<hbm>> -> memref<16x72xf32, #tpu.memory_space<hbm>>
        tpu.enqueue_dma source(%dma_start3A_3759 : memref<16x72xf32, #tpu.memory_space<hbm>>) target(%dma_start3A_3758 : memref<16x72xf32, #tpu.memory_space<vmem>>) target_semaphore(%dma_start3A_3754 : memref<!tpu.dma_semaphore, #tpu.memory_space<semaphore_mem>>)
        %add3A_3760 = arith.constant 8 : i32
        %add3A_3761 = arith.addi %mul3A_3317, %add3A_3760 : i32
        %get3A_3762 = arith.constant 0 : i32
        %get3A_3763 = arith.index_cast %add3A_3761 : i32 to index
        %get3A_3764 = arith.index_cast %get3A_3762 : i32 to index
        %get3A_3765 = memref.load %arg6[%get3A_3763, %get3A_3764] : memref<128x2xi32, #tpu.memory_space<smem>>
        %add3A_3766 = arith.constant 8 : i32
        %add3A_3767 = arith.addi %mul3A_3317, %add3A_3766 : i32
        %get3A_3768 = arith.constant 1 : i32
        %get3A_3769 = arith.index_cast %add3A_3767 : i32 to index
        %get3A_3770 = arith.index_cast %get3A_3768 : i32 to index
        %get3A_3771 = memref.load %arg6[%get3A_3769, %get3A_3770] : memref<128x2xi32, #tpu.memory_space<smem>>
        %jit3A_3772 = arith.constant 8 : i32
        %div3A_3773 = arith.divsi %get3A_3771, %jit3A_3772 : i32
        %sign3A_3774 = arith.constant 0 : i32
        %sign3A_3775 = arith.cmpi sgt, %get3A_3771, %sign3A_3774 : i32
        %sign3A_3776 = arith.extui %sign3A_3775 : i1 to i32
        %sign3A_3777 = arith.constant 0 : i32
        %sign3A_3778 = arith.cmpi slt, %get3A_3771, %sign3A_3777 : i32
        %sign3A_3779 = arith.extui %sign3A_3778 : i1 to i32
        %sign3A_3780 = arith.subi %sign3A_3776, %sign3A_3779 : i32
        %sign3A_3781 = arith.constant 0 : i32
        %sign3A_3782 = arith.cmpi sgt, %jit3A_3772, %sign3A_3781 : i32
        %sign3A_3783 = arith.extui %sign3A_3782 : i1 to i32
        %sign3A_3784 = arith.constant 0 : i32
        %sign3A_3785 = arith.cmpi slt, %jit3A_3772, %sign3A_3784 : i32
        %sign3A_3786 = arith.extui %sign3A_3785 : i1 to i32
        %sign3A_3787 = arith.subi %sign3A_3783, %sign3A_3786 : i32
        %ne3A_3788 = arith.cmpi ne, %sign3A_3780, %sign3A_3787 : i32
        %rem3A_3789 = arith.remsi %get3A_3771, %jit3A_3772 : i32
        %ne3A_3790 = arith.constant 0 : i32
        %ne3A_3791 = arith.cmpi ne, %rem3A_3789, %ne3A_3790 : i32
        %and3A_3792 = arith.andi %ne3A_3788, %ne3A_3791 : i1
        %sub3A_3793 = arith.constant 1 : i32
        %sub3A_3794 = arith.subi %div3A_3773, %sub3A_3793 : i32
        %select_n3A_3795 = arith.select %and3A_3792, %sub3A_3794, %div3A_3773 : i32
        %mul3A_3796 = arith.constant 8 : i32
        %mul3A_3797 = arith.muli %select_n3A_3795, %mul3A_3796 : i32
        %multiple_of3A_3798 = tpu.assume_multiple %mul3A_3797, 8 : i32
        %add3A_3799 = arith.addi %get3A_3765, %mul3A_3335 : i32
        %dma_start3A_3800 = arith.constant 8 : i32
        %dma_start3A_3801 = arith.constant 0 : i32
        %dma_start3A_3802 = arith.constant 0 : i32
        %dma_start3A_3803 = tpu.memref_slice %arg7[%rem3A_2906, %dma_start3A_3800, %dma_start3A_3801, %dma_start3A_3802] : memref<2x16x16x72xf32, #tpu.memory_space<vmem>> -> memref<1x1x16x72xf32, #tpu.memory_space<vmem>>
        %dma_start3A_3804 = tpu.memref_squeeze %dma_start3A_3803 : memref<1x1x16x72xf32, #tpu.memory_space<vmem>> -> memref<16x72xf32, #tpu.memory_space<vmem>>
        %dma_start3A_3805 = tpu.memref_slice %arg2[%add3A_3799, %multiple_of3A_3798] : memref<2048x2048xf32, #tpu.memory_space<hbm>> -> memref<16x72xf32, #tpu.memory_space<hbm>>
        %dma_start3A_3806 = tpu.memref_slice %arg9[%rem3A_2906] : memref<2x!tpu.dma_semaphore, #tpu.memory_space<semaphore_mem>> -> memref<1x!tpu.dma_semaphore, #tpu.memory_space<semaphore_mem>>
        %dma_start3A_3807 = tpu.memref_squeeze %dma_start3A_3806 : memref<1x!tpu.dma_semaphore, #tpu.memory_space<semaphore_mem>> -> memref<!tpu.dma_semaphore, #tpu.memory_space<semaphore_mem>>
        %dma_start3A_3808 = arith.constant 0 : i32
        %dma_start3A_3809 = arith.constant 0 : i32
        %dma_start3A_3810 = tpu.memref_slice %arg7[%rem3A_2906, %dma_start3A_3800, %dma_start3A_3808, %dma_start3A_3809] : memref<2x16x16x72xf32, #tpu.memory_space<vmem>> -> memref<1x1x16x72xf32, #tpu.memory_space<vmem>>
        %dma_start3A_3811 = tpu.memref_squeeze %dma_start3A_3810 : memref<1x1x16x72xf32, #tpu.memory_space<vmem>> -> memref<16x72xf32, #tpu.memory_space<vmem>>
        %dma_start3A_3812 = tpu.memref_slice %arg2[%add3A_3799, %multiple_of3A_3798] : memref<2048x2048xf32, #tpu.memory_space<hbm>> -> memref<16x72xf32, #tpu.memory_space<hbm>>
        tpu.enqueue_dma source(%dma_start3A_3812 : memref<16x72xf32, #tpu.memory_space<hbm>>) target(%dma_start3A_3811 : memref<16x72xf32, #tpu.memory_space<vmem>>) target_semaphore(%dma_start3A_3807 : memref<!tpu.dma_semaphore, #tpu.memory_space<semaphore_mem>>)
        %add3A_3813 = arith.constant 9 : i32
        %add3A_3814 = arith.addi %mul3A_3317, %add3A_3813 : i32
        %get3A_3815 = arith.constant 0 : i32
        %get3A_3816 = arith.index_cast %add3A_3814 : i32 to index
        %get3A_3817 = arith.index_cast %get3A_3815 : i32 to index
        %get3A_3818 = memref.load %arg6[%get3A_3816, %get3A_3817] : memref<128x2xi32, #tpu.memory_space<smem>>
        %add3A_3819 = arith.constant 9 : i32
        %add3A_3820 = arith.addi %mul3A_3317, %add3A_3819 : i32
        %get3A_3821 = arith.constant 1 : i32
        %get3A_3822 = arith.index_cast %add3A_3820 : i32 to index
        %get3A_3823 = arith.index_cast %get3A_3821 : i32 to index
        %get3A_3824 = memref.load %arg6[%get3A_3822, %get3A_3823] : memref<128x2xi32, #tpu.memory_space<smem>>
        %jit3A_3825 = arith.constant 8 : i32
        %div3A_3826 = arith.divsi %get3A_3824, %jit3A_3825 : i32
        %sign3A_3827 = arith.constant 0 : i32
        %sign3A_3828 = arith.cmpi sgt, %get3A_3824, %sign3A_3827 : i32
        %sign3A_3829 = arith.extui %sign3A_3828 : i1 to i32
        %sign3A_3830 = arith.constant 0 : i32
        %sign3A_3831 = arith.cmpi slt, %get3A_3824, %sign3A_3830 : i32
        %sign3A_3832 = arith.extui %sign3A_3831 : i1 to i32
        %sign3A_3833 = arith.subi %sign3A_3829, %sign3A_3832 : i32
        %sign3A_3834 = arith.constant 0 : i32
        %sign3A_3835 = arith.cmpi sgt, %jit3A_3825, %sign3A_3834 : i32
        %sign3A_3836 = arith.extui %sign3A_3835 : i1 to i32
        %sign3A_3837 = arith.constant 0 : i32
        %sign3A_3838 = arith.cmpi slt, %jit3A_3825, %sign3A_3837 : i32
        %sign3A_3839 = arith.extui %sign3A_3838 : i1 to i32
        %sign3A_3840 = arith.subi %sign3A_3836, %sign3A_3839 : i32
        %ne3A_3841 = arith.cmpi ne, %sign3A_3833, %sign3A_3840 : i32
        %rem3A_3842 = arith.remsi %get3A_3824, %jit3A_3825 : i32
        %ne3A_3843 = arith.constant 0 : i32
        %ne3A_3844 = arith.cmpi ne, %rem3A_3842, %ne3A_3843 : i32
        %and3A_3845 = arith.andi %ne3A_3841, %ne3A_3844 : i1
        %sub3A_3846 = arith.constant 1 : i32
        %sub3A_3847 = arith.subi %div3A_3826, %sub3A_3846 : i32
        %select_n3A_3848 = arith.select %and3A_3845, %sub3A_3847, %div3A_3826 : i32
        %mul3A_3849 = arith.constant 8 : i32
        %mul3A_3850 = arith.muli %select_n3A_3848, %mul3A_3849 : i32
        %multiple_of3A_3851 = tpu.assume_multiple %mul3A_3850, 8 : i32
        %add3A_3852 = arith.addi %get3A_3818, %mul3A_3335 : i32
        %dma_start3A_3853 = arith.constant 9 : i32
        %dma_start3A_3854 = arith.constant 0 : i32
        %dma_start3A_3855 = arith.constant 0 : i32
        %dma_start3A_3856 = tpu.memref_slice %arg7[%rem3A_2906, %dma_start3A_3853, %dma_start3A_3854, %dma_start3A_3855] : memref<2x16x16x72xf32, #tpu.memory_space<vmem>> -> memref<1x1x16x72xf32, #tpu.memory_space<vmem>>
        %dma_start3A_3857 = tpu.memref_squeeze %dma_start3A_3856 : memref<1x1x16x72xf32, #tpu.memory_space<vmem>> -> memref<16x72xf32, #tpu.memory_space<vmem>>
        %dma_start3A_3858 = tpu.memref_slice %arg2[%add3A_3852, %multiple_of3A_3851] : memref<2048x2048xf32, #tpu.memory_space<hbm>> -> memref<16x72xf32, #tpu.memory_space<hbm>>
        %dma_start3A_3859 = tpu.memref_slice %arg9[%rem3A_2906] : memref<2x!tpu.dma_semaphore, #tpu.memory_space<semaphore_mem>> -> memref<1x!tpu.dma_semaphore, #tpu.memory_space<semaphore_mem>>
        %dma_start3A_3860 = tpu.memref_squeeze %dma_start3A_3859 : memref<1x!tpu.dma_semaphore, #tpu.memory_space<semaphore_mem>> -> memref<!tpu.dma_semaphore, #tpu.memory_space<semaphore_mem>>
        %dma_start3A_3861 = arith.constant 0 : i32
        %dma_start3A_3862 = arith.constant 0 : i32
        %dma_start3A_3863 = tpu.memref_slice %arg7[%rem3A_2906, %dma_start3A_3853, %dma_start3A_3861, %dma_start3A_3862] : memref<2x16x16x72xf32, #tpu.memory_space<vmem>> -> memref<1x1x16x72xf32, #tpu.memory_space<vmem>>
        %dma_start3A_3864 = tpu.memref_squeeze %dma_start3A_3863 : memref<1x1x16x72xf32, #tpu.memory_space<vmem>> -> memref<16x72xf32, #tpu.memory_space<vmem>>
        %dma_start3A_3865 = tpu.memref_slice %arg2[%add3A_3852, %multiple_of3A_3851] : memref<2048x2048xf32, #tpu.memory_space<hbm>> -> memref<16x72xf32, #tpu.memory_space<hbm>>
        tpu.enqueue_dma source(%dma_start3A_3865 : memref<16x72xf32, #tpu.memory_space<hbm>>) target(%dma_start3A_3864 : memref<16x72xf32, #tpu.memory_space<vmem>>) target_semaphore(%dma_start3A_3860 : memref<!tpu.dma_semaphore, #tpu.memory_space<semaphore_mem>>)
        %add3A_3866 = arith.constant 10 : i32
        %add3A_3867 = arith.addi %mul3A_3317, %add3A_3866 : i32
        %get3A_3868 = arith.constant 0 : i32
        %get3A_3869 = arith.index_cast %add3A_3867 : i32 to index
        %get3A_3870 = arith.index_cast %get3A_3868 : i32 to index
        %get3A_3871 = memref.load %arg6[%get3A_3869, %get3A_3870] : memref<128x2xi32, #tpu.memory_space<smem>>
        %add3A_3872 = arith.constant 10 : i32
        %add3A_3873 = arith.addi %mul3A_3317, %add3A_3872 : i32
        %get3A_3874 = arith.constant 1 : i32
        %get3A_3875 = arith.index_cast %add3A_3873 : i32 to index
        %get3A_3876 = arith.index_cast %get3A_3874 : i32 to index
        %get3A_3877 = memref.load %arg6[%get3A_3875, %get3A_3876] : memref<128x2xi32, #tpu.memory_space<smem>>
        %jit3A_3878 = arith.constant 8 : i32
        %div3A_3879 = arith.divsi %get3A_3877, %jit3A_3878 : i32
        %sign3A_3880 = arith.constant 0 : i32
        %sign3A_3881 = arith.cmpi sgt, %get3A_3877, %sign3A_3880 : i32
        %sign3A_3882 = arith.extui %sign3A_3881 : i1 to i32
        %sign3A_3883 = arith.constant 0 : i32
        %sign3A_3884 = arith.cmpi slt, %get3A_3877, %sign3A_3883 : i32
        %sign3A_3885 = arith.extui %sign3A_3884 : i1 to i32
        %sign3A_3886 = arith.subi %sign3A_3882, %sign3A_3885 : i32
        %sign3A_3887 = arith.constant 0 : i32
        %sign3A_3888 = arith.cmpi sgt, %jit3A_3878, %sign3A_3887 : i32
        %sign3A_3889 = arith.extui %sign3A_3888 : i1 to i32
        %sign3A_3890 = arith.constant 0 : i32
        %sign3A_3891 = arith.cmpi slt, %jit3A_3878, %sign3A_3890 : i32
        %sign3A_3892 = arith.extui %sign3A_3891 : i1 to i32
        %sign3A_3893 = arith.subi %sign3A_3889, %sign3A_3892 : i32
        %ne3A_3894 = arith.cmpi ne, %sign3A_3886, %sign3A_3893 : i32
        %rem3A_3895 = arith.remsi %get3A_3877, %jit3A_3878 : i32
        %ne3A_3896 = arith.constant 0 : i32
        %ne3A_3897 = arith.cmpi ne, %rem3A_3895, %ne3A_3896 : i32
        %and3A_3898 = arith.andi %ne3A_3894, %ne3A_3897 : i1
        %sub3A_3899 = arith.constant 1 : i32
        %sub3A_3900 = arith.subi %div3A_3879, %sub3A_3899 : i32
        %select_n3A_3901 = arith.select %and3A_3898, %sub3A_3900, %div3A_3879 : i32
        %mul3A_3902 = arith.constant 8 : i32
        %mul3A_3903 = arith.muli %select_n3A_3901, %mul3A_3902 : i32
        %multiple_of3A_3904 = tpu.assume_multiple %mul3A_3903, 8 : i32
        %add3A_3905 = arith.addi %get3A_3871, %mul3A_3335 : i32
        %dma_start3A_3906 = arith.constant 10 : i32
        %dma_start3A_3907 = arith.constant 0 : i32
        %dma_start3A_3908 = arith.constant 0 : i32
        %dma_start3A_3909 = tpu.memref_slice %arg7[%rem3A_2906, %dma_start3A_3906, %dma_start3A_3907, %dma_start3A_3908] : memref<2x16x16x72xf32, #tpu.memory_space<vmem>> -> memref<1x1x16x72xf32, #tpu.memory_space<vmem>>
        %dma_start3A_3910 = tpu.memref_squeeze %dma_start3A_3909 : memref<1x1x16x72xf32, #tpu.memory_space<vmem>> -> memref<16x72xf32, #tpu.memory_space<vmem>>
        %dma_start3A_3911 = tpu.memref_slice %arg2[%add3A_3905, %multiple_of3A_3904] : memref<2048x2048xf32, #tpu.memory_space<hbm>> -> memref<16x72xf32, #tpu.memory_space<hbm>>
        %dma_start3A_3912 = tpu.memref_slice %arg9[%rem3A_2906] : memref<2x!tpu.dma_semaphore, #tpu.memory_space<semaphore_mem>> -> memref<1x!tpu.dma_semaphore, #tpu.memory_space<semaphore_mem>>
        %dma_start3A_3913 = tpu.memref_squeeze %dma_start3A_3912 : memref<1x!tpu.dma_semaphore, #tpu.memory_space<semaphore_mem>> -> memref<!tpu.dma_semaphore, #tpu.memory_space<semaphore_mem>>
        %dma_start3A_3914 = arith.constant 0 : i32
        %dma_start3A_3915 = arith.constant 0 : i32
        %dma_start3A_3916 = tpu.memref_slice %arg7[%rem3A_2906, %dma_start3A_3906, %dma_start3A_3914, %dma_start3A_3915] : memref<2x16x16x72xf32, #tpu.memory_space<vmem>> -> memref<1x1x16x72xf32, #tpu.memory_space<vmem>>
        %dma_start3A_3917 = tpu.memref_squeeze %dma_start3A_3916 : memref<1x1x16x72xf32, #tpu.memory_space<vmem>> -> memref<16x72xf32, #tpu.memory_space<vmem>>
        %dma_start3A_3918 = tpu.memref_slice %arg2[%add3A_3905, %multiple_of3A_3904] : memref<2048x2048xf32, #tpu.memory_space<hbm>> -> memref<16x72xf32, #tpu.memory_space<hbm>>
        tpu.enqueue_dma source(%dma_start3A_3918 : memref<16x72xf32, #tpu.memory_space<hbm>>) target(%dma_start3A_3917 : memref<16x72xf32, #tpu.memory_space<vmem>>) target_semaphore(%dma_start3A_3913 : memref<!tpu.dma_semaphore, #tpu.memory_space<semaphore_mem>>)
        %add3A_3919 = arith.constant 11 : i32
        %add3A_3920 = arith.addi %mul3A_3317, %add3A_3919 : i32
        %get3A_3921 = arith.constant 0 : i32
        %get3A_3922 = arith.index_cast %add3A_3920 : i32 to index
        %get3A_3923 = arith.index_cast %get3A_3921 : i32 to index
        %get3A_3924 = memref.load %arg6[%get3A_3922, %get3A_3923] : memref<128x2xi32, #tpu.memory_space<smem>>
        %add3A_3925 = arith.constant 11 : i32
        %add3A_3926 = arith.addi %mul3A_3317, %add3A_3925 : i32
        %get3A_3927 = arith.constant 1 : i32
        %get3A_3928 = arith.index_cast %add3A_3926 : i32 to index
        %get3A_3929 = arith.index_cast %get3A_3927 : i32 to index
        %get3A_3930 = memref.load %arg6[%get3A_3928, %get3A_3929] : memref<128x2xi32, #tpu.memory_space<smem>>
        %jit3A_3931 = arith.constant 8 : i32
        %div3A_3932 = arith.divsi %get3A_3930, %jit3A_3931 : i32
        %sign3A_3933 = arith.constant 0 : i32
        %sign3A_3934 = arith.cmpi sgt, %get3A_3930, %sign3A_3933 : i32
        %sign3A_3935 = arith.extui %sign3A_3934 : i1 to i32
        %sign3A_3936 = arith.constant 0 : i32
        %sign3A_3937 = arith.cmpi slt, %get3A_3930, %sign3A_3936 : i32
        %sign3A_3938 = arith.extui %sign3A_3937 : i1 to i32
        %sign3A_3939 = arith.subi %sign3A_3935, %sign3A_3938 : i32
        %sign3A_3940 = arith.constant 0 : i32
        %sign3A_3941 = arith.cmpi sgt, %jit3A_3931, %sign3A_3940 : i32
        %sign3A_3942 = arith.extui %sign3A_3941 : i1 to i32
        %sign3A_3943 = arith.constant 0 : i32
        %sign3A_3944 = arith.cmpi slt, %jit3A_3931, %sign3A_3943 : i32
        %sign3A_3945 = arith.extui %sign3A_3944 : i1 to i32
        %sign3A_3946 = arith.subi %sign3A_3942, %sign3A_3945 : i32
        %ne3A_3947 = arith.cmpi ne, %sign3A_3939, %sign3A_3946 : i32
        %rem3A_3948 = arith.remsi %get3A_3930, %jit3A_3931 : i32
        %ne3A_3949 = arith.constant 0 : i32
        %ne3A_3950 = arith.cmpi ne, %rem3A_3948, %ne3A_3949 : i32
        %and3A_3951 = arith.andi %ne3A_3947, %ne3A_3950 : i1
        %sub3A_3952 = arith.constant 1 : i32
        %sub3A_3953 = arith.subi %div3A_3932, %sub3A_3952 : i32
        %select_n3A_3954 = arith.select %and3A_3951, %sub3A_3953, %div3A_3932 : i32
        %mul3A_3955 = arith.constant 8 : i32
        %mul3A_3956 = arith.muli %select_n3A_3954, %mul3A_3955 : i32
        %multiple_of3A_3957 = tpu.assume_multiple %mul3A_3956, 8 : i32
        %add3A_3958 = arith.addi %get3A_3924, %mul3A_3335 : i32
        %dma_start3A_3959 = arith.constant 11 : i32
        %dma_start3A_3960 = arith.constant 0 : i32
        %dma_start3A_3961 = arith.constant 0 : i32
        %dma_start3A_3962 = tpu.memref_slice %arg7[%rem3A_2906, %dma_start3A_3959, %dma_start3A_3960, %dma_start3A_3961] : memref<2x16x16x72xf32, #tpu.memory_space<vmem>> -> memref<1x1x16x72xf32, #tpu.memory_space<vmem>>
        %dma_start3A_3963 = tpu.memref_squeeze %dma_start3A_3962 : memref<1x1x16x72xf32, #tpu.memory_space<vmem>> -> memref<16x72xf32, #tpu.memory_space<vmem>>
        %dma_start3A_3964 = tpu.memref_slice %arg2[%add3A_3958, %multiple_of3A_3957] : memref<2048x2048xf32, #tpu.memory_space<hbm>> -> memref<16x72xf32, #tpu.memory_space<hbm>>
        %dma_start3A_3965 = tpu.memref_slice %arg9[%rem3A_2906] : memref<2x!tpu.dma_semaphore, #tpu.memory_space<semaphore_mem>> -> memref<1x!tpu.dma_semaphore, #tpu.memory_space<semaphore_mem>>
        %dma_start3A_3966 = tpu.memref_squeeze %dma_start3A_3965 : memref<1x!tpu.dma_semaphore, #tpu.memory_space<semaphore_mem>> -> memref<!tpu.dma_semaphore, #tpu.memory_space<semaphore_mem>>
        %dma_start3A_3967 = arith.constant 0 : i32
        %dma_start3A_3968 = arith.constant 0 : i32
        %dma_start3A_3969 = tpu.memref_slice %arg7[%rem3A_2906, %dma_start3A_3959, %dma_start3A_3967, %dma_start3A_3968] : memref<2x16x16x72xf32, #tpu.memory_space<vmem>> -> memref<1x1x16x72xf32, #tpu.memory_space<vmem>>
        %dma_start3A_3970 = tpu.memref_squeeze %dma_start3A_3969 : memref<1x1x16x72xf32, #tpu.memory_space<vmem>> -> memref<16x72xf32, #tpu.memory_space<vmem>>
        %dma_start3A_3971 = tpu.memref_slice %arg2[%add3A_3958, %multiple_of3A_3957] : memref<2048x2048xf32, #tpu.memory_space<hbm>> -> memref<16x72xf32, #tpu.memory_space<hbm>>
        tpu.enqueue_dma source(%dma_start3A_3971 : memref<16x72xf32, #tpu.memory_space<hbm>>) target(%dma_start3A_3970 : memref<16x72xf32, #tpu.memory_space<vmem>>) target_semaphore(%dma_start3A_3966 : memref<!tpu.dma_semaphore, #tpu.memory_space<semaphore_mem>>)
        %add3A_3972 = arith.constant 12 : i32
        %add3A_3973 = arith.addi %mul3A_3317, %add3A_3972 : i32
        %get3A_3974 = arith.constant 0 : i32
        %get3A_3975 = arith.index_cast %add3A_3973 : i32 to index
        %get3A_3976 = arith.index_cast %get3A_3974 : i32 to index
        %get3A_3977 = memref.load %arg6[%get3A_3975, %get3A_3976] : memref<128x2xi32, #tpu.memory_space<smem>>
        %add3A_3978 = arith.constant 12 : i32
        %add3A_3979 = arith.addi %mul3A_3317, %add3A_3978 : i32
        %get3A_3980 = arith.constant 1 : i32
        %get3A_3981 = arith.index_cast %add3A_3979 : i32 to index
        %get3A_3982 = arith.index_cast %get3A_3980 : i32 to index
        %get3A_3983 = memref.load %arg6[%get3A_3981, %get3A_3982] : memref<128x2xi32, #tpu.memory_space<smem>>
        %jit3A_3984 = arith.constant 8 : i32
        %div3A_3985 = arith.divsi %get3A_3983, %jit3A_3984 : i32
        %sign3A_3986 = arith.constant 0 : i32
        %sign3A_3987 = arith.cmpi sgt, %get3A_3983, %sign3A_3986 : i32
        %sign3A_3988 = arith.extui %sign3A_3987 : i1 to i32
        %sign3A_3989 = arith.constant 0 : i32
        %sign3A_3990 = arith.cmpi slt, %get3A_3983, %sign3A_3989 : i32
        %sign3A_3991 = arith.extui %sign3A_3990 : i1 to i32
        %sign3A_3992 = arith.subi %sign3A_3988, %sign3A_3991 : i32
        %sign3A_3993 = arith.constant 0 : i32
        %sign3A_3994 = arith.cmpi sgt, %jit3A_3984, %sign3A_3993 : i32
        %sign3A_3995 = arith.extui %sign3A_3994 : i1 to i32
        %sign3A_3996 = arith.constant 0 : i32
        %sign3A_3997 = arith.cmpi slt, %jit3A_3984, %sign3A_3996 : i32
        %sign3A_3998 = arith.extui %sign3A_3997 : i1 to i32
        %sign3A_3999 = arith.subi %sign3A_3995, %sign3A_3998 : i32
        %ne3A_4000 = arith.cmpi ne, %sign3A_3992, %sign3A_3999 : i32
        %rem3A_4001 = arith.remsi %get3A_3983, %jit3A_3984 : i32
        %ne3A_4002 = arith.constant 0 : i32
        %ne3A_4003 = arith.cmpi ne, %rem3A_4001, %ne3A_4002 : i32
        %and3A_4004 = arith.andi %ne3A_4000, %ne3A_4003 : i1
        %sub3A_4005 = arith.constant 1 : i32
        %sub3A_4006 = arith.subi %div3A_3985, %sub3A_4005 : i32
        %select_n3A_4007 = arith.select %and3A_4004, %sub3A_4006, %div3A_3985 : i32
        %mul3A_4008 = arith.constant 8 : i32
        %mul3A_4009 = arith.muli %select_n3A_4007, %mul3A_4008 : i32
        %multiple_of3A_4010 = tpu.assume_multiple %mul3A_4009, 8 : i32
        %add3A_4011 = arith.addi %get3A_3977, %mul3A_3335 : i32
        %dma_start3A_4012 = arith.constant 12 : i32
        %dma_start3A_4013 = arith.constant 0 : i32
        %dma_start3A_4014 = arith.constant 0 : i32
        %dma_start3A_4015 = tpu.memref_slice %arg7[%rem3A_2906, %dma_start3A_4012, %dma_start3A_4013, %dma_start3A_4014] : memref<2x16x16x72xf32, #tpu.memory_space<vmem>> -> memref<1x1x16x72xf32, #tpu.memory_space<vmem>>
        %dma_start3A_4016 = tpu.memref_squeeze %dma_start3A_4015 : memref<1x1x16x72xf32, #tpu.memory_space<vmem>> -> memref<16x72xf32, #tpu.memory_space<vmem>>
        %dma_start3A_4017 = tpu.memref_slice %arg2[%add3A_4011, %multiple_of3A_4010] : memref<2048x2048xf32, #tpu.memory_space<hbm>> -> memref<16x72xf32, #tpu.memory_space<hbm>>
        %dma_start3A_4018 = tpu.memref_slice %arg9[%rem3A_2906] : memref<2x!tpu.dma_semaphore, #tpu.memory_space<semaphore_mem>> -> memref<1x!tpu.dma_semaphore, #tpu.memory_space<semaphore_mem>>
        %dma_start3A_4019 = tpu.memref_squeeze %dma_start3A_4018 : memref<1x!tpu.dma_semaphore, #tpu.memory_space<semaphore_mem>> -> memref<!tpu.dma_semaphore, #tpu.memory_space<semaphore_mem>>
        %dma_start3A_4020 = arith.constant 0 : i32
        %dma_start3A_4021 = arith.constant 0 : i32
        %dma_start3A_4022 = tpu.memref_slice %arg7[%rem3A_2906, %dma_start3A_4012, %dma_start3A_4020, %dma_start3A_4021] : memref<2x16x16x72xf32, #tpu.memory_space<vmem>> -> memref<1x1x16x72xf32, #tpu.memory_space<vmem>>
        %dma_start3A_4023 = tpu.memref_squeeze %dma_start3A_4022 : memref<1x1x16x72xf32, #tpu.memory_space<vmem>> -> memref<16x72xf32, #tpu.memory_space<vmem>>
        %dma_start3A_4024 = tpu.memref_slice %arg2[%add3A_4011, %multiple_of3A_4010] : memref<2048x2048xf32, #tpu.memory_space<hbm>> -> memref<16x72xf32, #tpu.memory_space<hbm>>
        tpu.enqueue_dma source(%dma_start3A_4024 : memref<16x72xf32, #tpu.memory_space<hbm>>) target(%dma_start3A_4023 : memref<16x72xf32, #tpu.memory_space<vmem>>) target_semaphore(%dma_start3A_4019 : memref<!tpu.dma_semaphore, #tpu.memory_space<semaphore_mem>>)
        %add3A_4025 = arith.constant 13 : i32
        %add3A_4026 = arith.addi %mul3A_3317, %add3A_4025 : i32
        %get3A_4027 = arith.constant 0 : i32
        %get3A_4028 = arith.index_cast %add3A_4026 : i32 to index
        %get3A_4029 = arith.index_cast %get3A_4027 : i32 to index
        %get3A_4030 = memref.load %arg6[%get3A_4028, %get3A_4029] : memref<128x2xi32, #tpu.memory_space<smem>>
        %add3A_4031 = arith.constant 13 : i32
        %add3A_4032 = arith.addi %mul3A_3317, %add3A_4031 : i32
        %get3A_4033 = arith.constant 1 : i32
        %get3A_4034 = arith.index_cast %add3A_4032 : i32 to index
        %get3A_4035 = arith.index_cast %get3A_4033 : i32 to index
        %get3A_4036 = memref.load %arg6[%get3A_4034, %get3A_4035] : memref<128x2xi32, #tpu.memory_space<smem>>
        %jit3A_4037 = arith.constant 8 : i32
        %div3A_4038 = arith.divsi %get3A_4036, %jit3A_4037 : i32
        %sign3A_4039 = arith.constant 0 : i32
        %sign3A_4040 = arith.cmpi sgt, %get3A_4036, %sign3A_4039 : i32
        %sign3A_4041 = arith.extui %sign3A_4040 : i1 to i32
        %sign3A_4042 = arith.constant 0 : i32
        %sign3A_4043 = arith.cmpi slt, %get3A_4036, %sign3A_4042 : i32
        %sign3A_4044 = arith.extui %sign3A_4043 : i1 to i32
        %sign3A_4045 = arith.subi %sign3A_4041, %sign3A_4044 : i32
        %sign3A_4046 = arith.constant 0 : i32
        %sign3A_4047 = arith.cmpi sgt, %jit3A_4037, %sign3A_4046 : i32
        %sign3A_4048 = arith.extui %sign3A_4047 : i1 to i32
        %sign3A_4049 = arith.constant 0 : i32
        %sign3A_4050 = arith.cmpi slt, %jit3A_4037, %sign3A_4049 : i32
        %sign3A_4051 = arith.extui %sign3A_4050 : i1 to i32
        %sign3A_4052 = arith.subi %sign3A_4048, %sign3A_4051 : i32
        %ne3A_4053 = arith.cmpi ne, %sign3A_4045, %sign3A_4052 : i32
        %rem3A_4054 = arith.remsi %get3A_4036, %jit3A_4037 : i32
        %ne3A_4055 = arith.constant 0 : i32
        %ne3A_4056 = arith.cmpi ne, %rem3A_4054, %ne3A_4055 : i32
        %and3A_4057 = arith.andi %ne3A_4053, %ne3A_4056 : i1
        %sub3A_4058 = arith.constant 1 : i32
        %sub3A_4059 = arith.subi %div3A_4038, %sub3A_4058 : i32
        %select_n3A_4060 = arith.select %and3A_4057, %sub3A_4059, %div3A_4038 : i32
        %mul3A_4061 = arith.constant 8 : i32
        %mul3A_4062 = arith.muli %select_n3A_4060, %mul3A_4061 : i32
        %multiple_of3A_4063 = tpu.assume_multiple %mul3A_4062, 8 : i32
        %add3A_4064 = arith.addi %get3A_4030, %mul3A_3335 : i32
        %dma_start3A_4065 = arith.constant 13 : i32
        %dma_start3A_4066 = arith.constant 0 : i32
        %dma_start3A_4067 = arith.constant 0 : i32
        %dma_start3A_4068 = tpu.memref_slice %arg7[%rem3A_2906, %dma_start3A_4065, %dma_start3A_4066, %dma_start3A_4067] : memref<2x16x16x72xf32, #tpu.memory_space<vmem>> -> memref<1x1x16x72xf32, #tpu.memory_space<vmem>>
        %dma_start3A_4069 = tpu.memref_squeeze %dma_start3A_4068 : memref<1x1x16x72xf32, #tpu.memory_space<vmem>> -> memref<16x72xf32, #tpu.memory_space<vmem>>
        %dma_start3A_4070 = tpu.memref_slice %arg2[%add3A_4064, %multiple_of3A_4063] : memref<2048x2048xf32, #tpu.memory_space<hbm>> -> memref<16x72xf32, #tpu.memory_space<hbm>>
        %dma_start3A_4071 = tpu.memref_slice %arg9[%rem3A_2906] : memref<2x!tpu.dma_semaphore, #tpu.memory_space<semaphore_mem>> -> memref<1x!tpu.dma_semaphore, #tpu.memory_space<semaphore_mem>>
        %dma_start3A_4072 = tpu.memref_squeeze %dma_start3A_4071 : memref<1x!tpu.dma_semaphore, #tpu.memory_space<semaphore_mem>> -> memref<!tpu.dma_semaphore, #tpu.memory_space<semaphore_mem>>
        %dma_start3A_4073 = arith.constant 0 : i32
        %dma_start3A_4074 = arith.constant 0 : i32
        %dma_start3A_4075 = tpu.memref_slice %arg7[%rem3A_2906, %dma_start3A_4065, %dma_start3A_4073, %dma_start3A_4074] : memref<2x16x16x72xf32, #tpu.memory_space<vmem>> -> memref<1x1x16x72xf32, #tpu.memory_space<vmem>>
        %dma_start3A_4076 = tpu.memref_squeeze %dma_start3A_4075 : memref<1x1x16x72xf32, #tpu.memory_space<vmem>> -> memref<16x72xf32, #tpu.memory_space<vmem>>
        %dma_start3A_4077 = tpu.memref_slice %arg2[%add3A_4064, %multiple_of3A_4063] : memref<2048x2048xf32, #tpu.memory_space<hbm>> -> memref<16x72xf32, #tpu.memory_space<hbm>>
        tpu.enqueue_dma source(%dma_start3A_4077 : memref<16x72xf32, #tpu.memory_space<hbm>>) target(%dma_start3A_4076 : memref<16x72xf32, #tpu.memory_space<vmem>>) target_semaphore(%dma_start3A_4072 : memref<!tpu.dma_semaphore, #tpu.memory_space<semaphore_mem>>)
        %add3A_4078 = arith.constant 14 : i32
        %add3A_4079 = arith.addi %mul3A_3317, %add3A_4078 : i32
        %get3A_4080 = arith.constant 0 : i32
        %get3A_4081 = arith.index_cast %add3A_4079 : i32 to index
        %get3A_4082 = arith.index_cast %get3A_4080 : i32 to index
        %get3A_4083 = memref.load %arg6[%get3A_4081, %get3A_4082] : memref<128x2xi32, #tpu.memory_space<smem>>
        %add3A_4084 = arith.constant 14 : i32
        %add3A_4085 = arith.addi %mul3A_3317, %add3A_4084 : i32
        %get3A_4086 = arith.constant 1 : i32
        %get3A_4087 = arith.index_cast %add3A_4085 : i32 to index
        %get3A_4088 = arith.index_cast %get3A_4086 : i32 to index
        %get3A_4089 = memref.load %arg6[%get3A_4087, %get3A_4088] : memref<128x2xi32, #tpu.memory_space<smem>>
        %jit3A_4090 = arith.constant 8 : i32
        %div3A_4091 = arith.divsi %get3A_4089, %jit3A_4090 : i32
        %sign3A_4092 = arith.constant 0 : i32
        %sign3A_4093 = arith.cmpi sgt, %get3A_4089, %sign3A_4092 : i32
        %sign3A_4094 = arith.extui %sign3A_4093 : i1 to i32
        %sign3A_4095 = arith.constant 0 : i32
        %sign3A_4096 = arith.cmpi slt, %get3A_4089, %sign3A_4095 : i32
        %sign3A_4097 = arith.extui %sign3A_4096 : i1 to i32
        %sign3A_4098 = arith.subi %sign3A_4094, %sign3A_4097 : i32
        %sign3A_4099 = arith.constant 0 : i32
        %sign3A_4100 = arith.cmpi sgt, %jit3A_4090, %sign3A_4099 : i32
        %sign3A_4101 = arith.extui %sign3A_4100 : i1 to i32
        %sign3A_4102 = arith.constant 0 : i32
        %sign3A_4103 = arith.cmpi slt, %jit3A_4090, %sign3A_4102 : i32
        %sign3A_4104 = arith.extui %sign3A_4103 : i1 to i32
        %sign3A_4105 = arith.subi %sign3A_4101, %sign3A_4104 : i32
        %ne3A_4106 = arith.cmpi ne, %sign3A_4098, %sign3A_4105 : i32
        %rem3A_4107 = arith.remsi %get3A_4089, %jit3A_4090 : i32
        %ne3A_4108 = arith.constant 0 : i32
        %ne3A_4109 = arith.cmpi ne, %rem3A_4107, %ne3A_4108 : i32
        %and3A_4110 = arith.andi %ne3A_4106, %ne3A_4109 : i1
        %sub3A_4111 = arith.constant 1 : i32
        %sub3A_4112 = arith.subi %div3A_4091, %sub3A_4111 : i32
        %select_n3A_4113 = arith.select %and3A_4110, %sub3A_4112, %div3A_4091 : i32
        %mul3A_4114 = arith.constant 8 : i32
        %mul3A_4115 = arith.muli %select_n3A_4113, %mul3A_4114 : i32
        %multiple_of3A_4116 = tpu.assume_multiple %mul3A_4115, 8 : i32
        %add3A_4117 = arith.addi %get3A_4083, %mul3A_3335 : i32
        %dma_start3A_4118 = arith.constant 14 : i32
        %dma_start3A_4119 = arith.constant 0 : i32
        %dma_start3A_4120 = arith.constant 0 : i32
        %dma_start3A_4121 = tpu.memref_slice %arg7[%rem3A_2906, %dma_start3A_4118, %dma_start3A_4119, %dma_start3A_4120] : memref<2x16x16x72xf32, #tpu.memory_space<vmem>> -> memref<1x1x16x72xf32, #tpu.memory_space<vmem>>
        %dma_start3A_4122 = tpu.memref_squeeze %dma_start3A_4121 : memref<1x1x16x72xf32, #tpu.memory_space<vmem>> -> memref<16x72xf32, #tpu.memory_space<vmem>>
        %dma_start3A_4123 = tpu.memref_slice %arg2[%add3A_4117, %multiple_of3A_4116] : memref<2048x2048xf32, #tpu.memory_space<hbm>> -> memref<16x72xf32, #tpu.memory_space<hbm>>
        %dma_start3A_4124 = tpu.memref_slice %arg9[%rem3A_2906] : memref<2x!tpu.dma_semaphore, #tpu.memory_space<semaphore_mem>> -> memref<1x!tpu.dma_semaphore, #tpu.memory_space<semaphore_mem>>
        %dma_start3A_4125 = tpu.memref_squeeze %dma_start3A_4124 : memref<1x!tpu.dma_semaphore, #tpu.memory_space<semaphore_mem>> -> memref<!tpu.dma_semaphore, #tpu.memory_space<semaphore_mem>>
        %dma_start3A_4126 = arith.constant 0 : i32
        %dma_start3A_4127 = arith.constant 0 : i32
        %dma_start3A_4128 = tpu.memref_slice %arg7[%rem3A_2906, %dma_start3A_4118, %dma_start3A_4126, %dma_start3A_4127] : memref<2x16x16x72xf32, #tpu.memory_space<vmem>> -> memref<1x1x16x72xf32, #tpu.memory_space<vmem>>
        %dma_start3A_4129 = tpu.memref_squeeze %dma_start3A_4128 : memref<1x1x16x72xf32, #tpu.memory_space<vmem>> -> memref<16x72xf32, #tpu.memory_space<vmem>>
        %dma_start3A_4130 = tpu.memref_slice %arg2[%add3A_4117, %multiple_of3A_4116] : memref<2048x2048xf32, #tpu.memory_space<hbm>> -> memref<16x72xf32, #tpu.memory_space<hbm>>
        tpu.enqueue_dma source(%dma_start3A_4130 : memref<16x72xf32, #tpu.memory_space<hbm>>) target(%dma_start3A_4129 : memref<16x72xf32, #tpu.memory_space<vmem>>) target_semaphore(%dma_start3A_4125 : memref<!tpu.dma_semaphore, #tpu.memory_space<semaphore_mem>>)
        %add3A_4131 = arith.constant 15 : i32
        %add3A_4132 = arith.addi %mul3A_3317, %add3A_4131 : i32
        %get3A_4133 = arith.constant 0 : i32
        %get3A_4134 = arith.index_cast %add3A_4132 : i32 to index
        %get3A_4135 = arith.index_cast %get3A_4133 : i32 to index
        %get3A_4136 = memref.load %arg6[%get3A_4134, %get3A_4135] : memref<128x2xi32, #tpu.memory_space<smem>>
        %add3A_4137 = arith.constant 15 : i32
        %add3A_4138 = arith.addi %mul3A_3317, %add3A_4137 : i32
        %get3A_4139 = arith.constant 1 : i32
        %get3A_4140 = arith.index_cast %add3A_4138 : i32 to index
        %get3A_4141 = arith.index_cast %get3A_4139 : i32 to index
        %get3A_4142 = memref.load %arg6[%get3A_4140, %get3A_4141] : memref<128x2xi32, #tpu.memory_space<smem>>
        %jit3A_4143 = arith.constant 8 : i32
        %div3A_4144 = arith.divsi %get3A_4142, %jit3A_4143 : i32
        %sign3A_4145 = arith.constant 0 : i32
        %sign3A_4146 = arith.cmpi sgt, %get3A_4142, %sign3A_4145 : i32
        %sign3A_4147 = arith.extui %sign3A_4146 : i1 to i32
        %sign3A_4148 = arith.constant 0 : i32
        %sign3A_4149 = arith.cmpi slt, %get3A_4142, %sign3A_4148 : i32
        %sign3A_4150 = arith.extui %sign3A_4149 : i1 to i32
        %sign3A_4151 = arith.subi %sign3A_4147, %sign3A_4150 : i32
        %sign3A_4152 = arith.constant 0 : i32
        %sign3A_4153 = arith.cmpi sgt, %jit3A_4143, %sign3A_4152 : i32
        %sign3A_4154 = arith.extui %sign3A_4153 : i1 to i32
        %sign3A_4155 = arith.constant 0 : i32
        %sign3A_4156 = arith.cmpi slt, %jit3A_4143, %sign3A_4155 : i32
        %sign3A_4157 = arith.extui %sign3A_4156 : i1 to i32
        %sign3A_4158 = arith.subi %sign3A_4154, %sign3A_4157 : i32
        %ne3A_4159 = arith.cmpi ne, %sign3A_4151, %sign3A_4158 : i32
        %rem3A_4160 = arith.remsi %get3A_4142, %jit3A_4143 : i32
        %ne3A_4161 = arith.constant 0 : i32
        %ne3A_4162 = arith.cmpi ne, %rem3A_4160, %ne3A_4161 : i32
        %and3A_4163 = arith.andi %ne3A_4159, %ne3A_4162 : i1
        %sub3A_4164 = arith.constant 1 : i32
        %sub3A_4165 = arith.subi %div3A_4144, %sub3A_4164 : i32
        %select_n3A_4166 = arith.select %and3A_4163, %sub3A_4165, %div3A_4144 : i32
        %mul3A_4167 = arith.constant 8 : i32
        %mul3A_4168 = arith.muli %select_n3A_4166, %mul3A_4167 : i32
        %multiple_of3A_4169 = tpu.assume_multiple %mul3A_4168, 8 : i32
        %add3A_4170 = arith.addi %get3A_4136, %mul3A_3335 : i32
        %dma_start3A_4171 = arith.constant 15 : i32
        %dma_start3A_4172 = arith.constant 0 : i32
        %dma_start3A_4173 = arith.constant 0 : i32
        %dma_start3A_4174 = tpu.memref_slice %arg7[%rem3A_2906, %dma_start3A_4171, %dma_start3A_4172, %dma_start3A_4173] : memref<2x16x16x72xf32, #tpu.memory_space<vmem>> -> memref<1x1x16x72xf32, #tpu.memory_space<vmem>>
        %dma_start3A_4175 = tpu.memref_squeeze %dma_start3A_4174 : memref<1x1x16x72xf32, #tpu.memory_space<vmem>> -> memref<16x72xf32, #tpu.memory_space<vmem>>
        %dma_start3A_4176 = tpu.memref_slice %arg2[%add3A_4170, %multiple_of3A_4169] : memref<2048x2048xf32, #tpu.memory_space<hbm>> -> memref<16x72xf32, #tpu.memory_space<hbm>>
        %dma_start3A_4177 = tpu.memref_slice %arg9[%rem3A_2906] : memref<2x!tpu.dma_semaphore, #tpu.memory_space<semaphore_mem>> -> memref<1x!tpu.dma_semaphore, #tpu.memory_space<semaphore_mem>>
        %dma_start3A_4178 = tpu.memref_squeeze %dma_start3A_4177 : memref<1x!tpu.dma_semaphore, #tpu.memory_space<semaphore_mem>> -> memref<!tpu.dma_semaphore, #tpu.memory_space<semaphore_mem>>
        %dma_start3A_4179 = arith.constant 0 : i32
        %dma_start3A_4180 = arith.constant 0 : i32
        %dma_start3A_4181 = tpu.memref_slice %arg7[%rem3A_2906, %dma_start3A_4171, %dma_start3A_4179, %dma_start3A_4180] : memref<2x16x16x72xf32, #tpu.memory_space<vmem>> -> memref<1x1x16x72xf32, #tpu.memory_space<vmem>>
        %dma_start3A_4182 = tpu.memref_squeeze %dma_start3A_4181 : memref<1x1x16x72xf32, #tpu.memory_space<vmem>> -> memref<16x72xf32, #tpu.memory_space<vmem>>
        %dma_start3A_4183 = tpu.memref_slice %arg2[%add3A_4170, %multiple_of3A_4169] : memref<2048x2048xf32, #tpu.memory_space<hbm>> -> memref<16x72xf32, #tpu.memory_space<hbm>>
        tpu.enqueue_dma source(%dma_start3A_4183 : memref<16x72xf32, #tpu.memory_space<hbm>>) target(%dma_start3A_4182 : memref<16x72xf32, #tpu.memory_space<vmem>>) target_semaphore(%dma_start3A_4178 : memref<!tpu.dma_semaphore, #tpu.memory_space<semaphore_mem>>)
      } else {
      }
      %dma_wait3A_2912 = arith.constant 0 : i32
      %dma_wait3A_2913 = arith.constant 0 : i32
      %dma_wait3A_2914 = arith.constant 0 : i32
      %dma_wait3A_2915 = tpu.memref_slice %arg7[%rem3A_2902, %dma_wait3A_2912, %dma_wait3A_2913, %dma_wait3A_2914] : memref<2x16x16x72xf32, #tpu.memory_space<vmem>> -> memref<1x1x16x72xf32, #tpu.memory_space<vmem>>
      %dma_wait3A_2916 = tpu.memref_squeeze %dma_wait3A_2915 : memref<1x1x16x72xf32, #tpu.memory_space<vmem>> -> memref<16x72xf32, #tpu.memory_space<vmem>>
      %dma_wait3A_2917 = arith.constant 0 : i32
      %dma_wait3A_2918 = arith.constant 0 : i32
      %dma_wait3A_2919 = tpu.memref_slice %arg2[%dma_wait3A_2917, %dma_wait3A_2918] : memref<2048x2048xf32, #tpu.memory_space<hbm>> -> memref<16x72xf32, #tpu.memory_space<hbm>>
      %dma_wait3A_2920 = tpu.memref_slice %arg9[%rem3A_2902] : memref<2x!tpu.dma_semaphore, #tpu.memory_space<semaphore_mem>> -> memref<1x!tpu.dma_semaphore, #tpu.memory_space<semaphore_mem>>
      %dma_wait3A_2921 = tpu.memref_squeeze %dma_wait3A_2920 : memref<1x!tpu.dma_semaphore, #tpu.memory_space<semaphore_mem>> -> memref<!tpu.dma_semaphore, #tpu.memory_space<semaphore_mem>>
      %dma_wait3A_2922 = arith.constant 0 : i32
      %dma_wait3A_2923 = arith.constant 0 : i32
      %dma_wait3A_2924 = tpu.memref_slice %arg7[%rem3A_2902, %dma_wait3A_2912, %dma_wait3A_2922, %dma_wait3A_2923] : memref<2x16x16x72xf32, #tpu.memory_space<vmem>> -> memref<1x1x16x72xf32, #tpu.memory_space<vmem>>
      %dma_wait3A_2925 = tpu.memref_squeeze %dma_wait3A_2924 : memref<1x1x16x72xf32, #tpu.memory_space<vmem>> -> memref<16x72xf32, #tpu.memory_space<vmem>>
      %dma_wait3A_2926 = arith.constant 0 : i32
      %dma_wait3A_2927 = arith.constant 0 : i32
      %dma_wait3A_2928 = tpu.memref_slice %arg2[%dma_wait3A_2926, %dma_wait3A_2927] : memref<2048x2048xf32, #tpu.memory_space<hbm>> -> memref<16x72xf32, #tpu.memory_space<hbm>>
      tpu.wait_dma2 semaphore(%dma_wait3A_2921 : memref<!tpu.dma_semaphore, #tpu.memory_space<semaphore_mem>>) src(%dma_wait3A_2928 : memref<16x72xf32, #tpu.memory_space<hbm>>) dst(%dma_wait3A_2925 : memref<16x72xf32, #tpu.memory_space<vmem>>)
      %dma_wait3A_2929 = arith.constant 1 : i32
      %dma_wait3A_2930 = arith.constant 0 : i32
      %dma_wait3A_2931 = arith.constant 0 : i32
      %dma_wait3A_2932 = tpu.memref_slice %arg7[%rem3A_2902, %dma_wait3A_2929, %dma_wait3A_2930, %dma_wait3A_2931] : memref<2x16x16x72xf32, #tpu.memory_space<vmem>> -> memref<1x1x16x72xf32, #tpu.memory_space<vmem>>
      %dma_wait3A_2933 = tpu.memref_squeeze %dma_wait3A_2932 : memref<1x1x16x72xf32, #tpu.memory_space<vmem>> -> memref<16x72xf32, #tpu.memory_space<vmem>>
      %dma_wait3A_2934 = arith.constant 0 : i32
      %dma_wait3A_2935 = arith.constant 0 : i32
      %dma_wait3A_2936 = tpu.memref_slice %arg2[%dma_wait3A_2934, %dma_wait3A_2935] : memref<2048x2048xf32, #tpu.memory_space<hbm>> -> memref<16x72xf32, #tpu.memory_space<hbm>>
      %dma_wait3A_2937 = tpu.memref_slice %arg9[%rem3A_2902] : memref<2x!tpu.dma_semaphore, #tpu.memory_space<semaphore_mem>> -> memref<1x!tpu.dma_semaphore, #tpu.memory_space<semaphore_mem>>
      %dma_wait3A_2938 = tpu.memref_squeeze %dma_wait3A_2937 : memref<1x!tpu.dma_semaphore, #tpu.memory_space<semaphore_mem>> -> memref<!tpu.dma_semaphore, #tpu.memory_space<semaphore_mem>>
      %dma_wait3A_2939 = arith.constant 0 : i32
      %dma_wait3A_2940 = arith.constant 0 : i32
      %dma_wait3A_2941 = tpu.memref_slice %arg7[%rem3A_2902, %dma_wait3A_2929, %dma_wait3A_2939, %dma_wait3A_2940] : memref<2x16x16x72xf32, #tpu.memory_space<vmem>> -> memref<1x1x16x72xf32, #tpu.memory_space<vmem>>
      %dma_wait3A_2942 = tpu.memref_squeeze %dma_wait3A_2941 : memref<1x1x16x72xf32, #tpu.memory_space<vmem>> -> memref<16x72xf32, #tpu.memory_space<vmem>>
      %dma_wait3A_2943 = arith.constant 0 : i32
      %dma_wait3A_2944 = arith.constant 0 : i32
      %dma_wait3A_2945 = tpu.memref_slice %arg2[%dma_wait3A_2943, %dma_wait3A_2944] : memref<2048x2048xf32, #tpu.memory_space<hbm>> -> memref<16x72xf32, #tpu.memory_space<hbm>>
      tpu.wait_dma2 semaphore(%dma_wait3A_2938 : memref<!tpu.dma_semaphore, #tpu.memory_space<semaphore_mem>>) src(%dma_wait3A_2945 : memref<16x72xf32, #tpu.memory_space<hbm>>) dst(%dma_wait3A_2942 : memref<16x72xf32, #tpu.memory_space<vmem>>)
      %dma_wait3A_2946 = arith.constant 2 : i32
      %dma_wait3A_2947 = arith.constant 0 : i32
      %dma_wait3A_2948 = arith.constant 0 : i32
      %dma_wait3A_2949 = tpu.memref_slice %arg7[%rem3A_2902, %dma_wait3A_2946, %dma_wait3A_2947, %dma_wait3A_2948] : memref<2x16x16x72xf32, #tpu.memory_space<vmem>> -> memref<1x1x16x72xf32, #tpu.memory_space<vmem>>
      %dma_wait3A_2950 = tpu.memref_squeeze %dma_wait3A_2949 : memref<1x1x16x72xf32, #tpu.memory_space<vmem>> -> memref<16x72xf32, #tpu.memory_space<vmem>>
      %dma_wait3A_2951 = arith.constant 0 : i32
      %dma_wait3A_2952 = arith.constant 0 : i32
      %dma_wait3A_2953 = tpu.memref_slice %arg2[%dma_wait3A_2951, %dma_wait3A_2952] : memref<2048x2048xf32, #tpu.memory_space<hbm>> -> memref<16x72xf32, #tpu.memory_space<hbm>>
      %dma_wait3A_2954 = tpu.memref_slice %arg9[%rem3A_2902] : memref<2x!tpu.dma_semaphore, #tpu.memory_space<semaphore_mem>> -> memref<1x!tpu.dma_semaphore, #tpu.memory_space<semaphore_mem>>
      %dma_wait3A_2955 = tpu.memref_squeeze %dma_wait3A_2954 : memref<1x!tpu.dma_semaphore, #tpu.memory_space<semaphore_mem>> -> memref<!tpu.dma_semaphore, #tpu.memory_space<semaphore_mem>>
      %dma_wait3A_2956 = arith.constant 0 : i32
      %dma_wait3A_2957 = arith.constant 0 : i32
      %dma_wait3A_2958 = tpu.memref_slice %arg7[%rem3A_2902, %dma_wait3A_2946, %dma_wait3A_2956, %dma_wait3A_2957] : memref<2x16x16x72xf32, #tpu.memory_space<vmem>> -> memref<1x1x16x72xf32, #tpu.memory_space<vmem>>
      %dma_wait3A_2959 = tpu.memref_squeeze %dma_wait3A_2958 : memref<1x1x16x72xf32, #tpu.memory_space<vmem>> -> memref<16x72xf32, #tpu.memory_space<vmem>>
      %dma_wait3A_2960 = arith.constant 0 : i32
      %dma_wait3A_2961 = arith.constant 0 : i32
      %dma_wait3A_2962 = tpu.memref_slice %arg2[%dma_wait3A_2960, %dma_wait3A_2961] : memref<2048x2048xf32, #tpu.memory_space<hbm>> -> memref<16x72xf32, #tpu.memory_space<hbm>>
      tpu.wait_dma2 semaphore(%dma_wait3A_2955 : memref<!tpu.dma_semaphore, #tpu.memory_space<semaphore_mem>>) src(%dma_wait3A_2962 : memref<16x72xf32, #tpu.memory_space<hbm>>) dst(%dma_wait3A_2959 : memref<16x72xf32, #tpu.memory_space<vmem>>)
      %dma_wait3A_2963 = arith.constant 3 : i32
      %dma_wait3A_2964 = arith.constant 0 : i32
      %dma_wait3A_2965 = arith.constant 0 : i32
      %dma_wait3A_2966 = tpu.memref_slice %arg7[%rem3A_2902, %dma_wait3A_2963, %dma_wait3A_2964, %dma_wait3A_2965] : memref<2x16x16x72xf32, #tpu.memory_space<vmem>> -> memref<1x1x16x72xf32, #tpu.memory_space<vmem>>
      %dma_wait3A_2967 = tpu.memref_squeeze %dma_wait3A_2966 : memref<1x1x16x72xf32, #tpu.memory_space<vmem>> -> memref<16x72xf32, #tpu.memory_space<vmem>>
      %dma_wait3A_2968 = arith.constant 0 : i32
      %dma_wait3A_2969 = arith.constant 0 : i32
      %dma_wait3A_2970 = tpu.memref_slice %arg2[%dma_wait3A_2968, %dma_wait3A_2969] : memref<2048x2048xf32, #tpu.memory_space<hbm>> -> memref<16x72xf32, #tpu.memory_space<hbm>>
      %dma_wait3A_2971 = tpu.memref_slice %arg9[%rem3A_2902] : memref<2x!tpu.dma_semaphore, #tpu.memory_space<semaphore_mem>> -> memref<1x!tpu.dma_semaphore, #tpu.memory_space<semaphore_mem>>
      %dma_wait3A_2972 = tpu.memref_squeeze %dma_wait3A_2971 : memref<1x!tpu.dma_semaphore, #tpu.memory_space<semaphore_mem>> -> memref<!tpu.dma_semaphore, #tpu.memory_space<semaphore_mem>>
      %dma_wait3A_2973 = arith.constant 0 : i32
      %dma_wait3A_2974 = arith.constant 0 : i32
      %dma_wait3A_2975 = tpu.memref_slice %arg7[%rem3A_2902, %dma_wait3A_2963, %dma_wait3A_2973, %dma_wait3A_2974] : memref<2x16x16x72xf32, #tpu.memory_space<vmem>> -> memref<1x1x16x72xf32, #tpu.memory_space<vmem>>
      %dma_wait3A_2976 = tpu.memref_squeeze %dma_wait3A_2975 : memref<1x1x16x72xf32, #tpu.memory_space<vmem>> -> memref<16x72xf32, #tpu.memory_space<vmem>>
      %dma_wait3A_2977 = arith.constant 0 : i32
      %dma_wait3A_2978 = arith.constant 0 : i32
      %dma_wait3A_2979 = tpu.memref_slice %arg2[%dma_wait3A_2977, %dma_wait3A_2978] : memref<2048x2048xf32, #tpu.memory_space<hbm>> -> memref<16x72xf32, #tpu.memory_space<hbm>>
      tpu.wait_dma2 semaphore(%dma_wait3A_2972 : memref<!tpu.dma_semaphore, #tpu.memory_space<semaphore_mem>>) src(%dma_wait3A_2979 : memref<16x72xf32, #tpu.memory_space<hbm>>) dst(%dma_wait3A_2976 : memref<16x72xf32, #tpu.memory_space<vmem>>)
      %dma_wait3A_2980 = arith.constant 4 : i32
      %dma_wait3A_2981 = arith.constant 0 : i32
      %dma_wait3A_2982 = arith.constant 0 : i32
      %dma_wait3A_2983 = tpu.memref_slice %arg7[%rem3A_2902, %dma_wait3A_2980, %dma_wait3A_2981, %dma_wait3A_2982] : memref<2x16x16x72xf32, #tpu.memory_space<vmem>> -> memref<1x1x16x72xf32, #tpu.memory_space<vmem>>
      %dma_wait3A_2984 = tpu.memref_squeeze %dma_wait3A_2983 : memref<1x1x16x72xf32, #tpu.memory_space<vmem>> -> memref<16x72xf32, #tpu.memory_space<vmem>>
      %dma_wait3A_2985 = arith.constant 0 : i32
      %dma_wait3A_2986 = arith.constant 0 : i32
      %dma_wait3A_2987 = tpu.memref_slice %arg2[%dma_wait3A_2985, %dma_wait3A_2986] : memref<2048x2048xf32, #tpu.memory_space<hbm>> -> memref<16x72xf32, #tpu.memory_space<hbm>>
      %dma_wait3A_2988 = tpu.memref_slice %arg9[%rem3A_2902] : memref<2x!tpu.dma_semaphore, #tpu.memory_space<semaphore_mem>> -> memref<1x!tpu.dma_semaphore, #tpu.memory_space<semaphore_mem>>
      %dma_wait3A_2989 = tpu.memref_squeeze %dma_wait3A_2988 : memref<1x!tpu.dma_semaphore, #tpu.memory_space<semaphore_mem>> -> memref<!tpu.dma_semaphore, #tpu.memory_space<semaphore_mem>>
      %dma_wait3A_2990 = arith.constant 0 : i32
      %dma_wait3A_2991 = arith.constant 0 : i32
      %dma_wait3A_2992 = tpu.memref_slice %arg7[%rem3A_2902, %dma_wait3A_2980, %dma_wait3A_2990, %dma_wait3A_2991] : memref<2x16x16x72xf32, #tpu.memory_space<vmem>> -> memref<1x1x16x72xf32, #tpu.memory_space<vmem>>
      %dma_wait3A_2993 = tpu.memref_squeeze %dma_wait3A_2992 : memref<1x1x16x72xf32, #tpu.memory_space<vmem>> -> memref<16x72xf32, #tpu.memory_space<vmem>>
      %dma_wait3A_2994 = arith.constant 0 : i32
      %dma_wait3A_2995 = arith.constant 0 : i32
      %dma_wait3A_2996 = tpu.memref_slice %arg2[%dma_wait3A_2994, %dma_wait3A_2995] : memref<2048x2048xf32, #tpu.memory_space<hbm>> -> memref<16x72xf32, #tpu.memory_space<hbm>>
      tpu.wait_dma2 semaphore(%dma_wait3A_2989 : memref<!tpu.dma_semaphore, #tpu.memory_space<semaphore_mem>>) src(%dma_wait3A_2996 : memref<16x72xf32, #tpu.memory_space<hbm>>) dst(%dma_wait3A_2993 : memref<16x72xf32, #tpu.memory_space<vmem>>)
      %dma_wait3A_2997 = arith.constant 5 : i32
      %dma_wait3A_2998 = arith.constant 0 : i32
      %dma_wait3A_2999 = arith.constant 0 : i32
      %dma_wait3A_3000 = tpu.memref_slice %arg7[%rem3A_2902, %dma_wait3A_2997, %dma_wait3A_2998, %dma_wait3A_2999] : memref<2x16x16x72xf32, #tpu.memory_space<vmem>> -> memref<1x1x16x72xf32, #tpu.memory_space<vmem>>
      %dma_wait3A_3001 = tpu.memref_squeeze %dma_wait3A_3000 : memref<1x1x16x72xf32, #tpu.memory_space<vmem>> -> memref<16x72xf32, #tpu.memory_space<vmem>>
      %dma_wait3A_3002 = arith.constant 0 : i32
      %dma_wait3A_3003 = arith.constant 0 : i32
      %dma_wait3A_3004 = tpu.memref_slice %arg2[%dma_wait3A_3002, %dma_wait3A_3003] : memref<2048x2048xf32, #tpu.memory_space<hbm>> -> memref<16x72xf32, #tpu.memory_space<hbm>>
      %dma_wait3A_3005 = tpu.memref_slice %arg9[%rem3A_2902] : memref<2x!tpu.dma_semaphore, #tpu.memory_space<semaphore_mem>> -> memref<1x!tpu.dma_semaphore, #tpu.memory_space<semaphore_mem>>
      %dma_wait3A_3006 = tpu.memref_squeeze %dma_wait3A_3005 : memref<1x!tpu.dma_semaphore, #tpu.memory_space<semaphore_mem>> -> memref<!tpu.dma_semaphore, #tpu.memory_space<semaphore_mem>>
      %dma_wait3A_3007 = arith.constant 0 : i32
      %dma_wait3A_3008 = arith.constant 0 : i32
      %dma_wait3A_3009 = tpu.memref_slice %arg7[%rem3A_2902, %dma_wait3A_2997, %dma_wait3A_3007, %dma_wait3A_3008] : memref<2x16x16x72xf32, #tpu.memory_space<vmem>> -> memref<1x1x16x72xf32, #tpu.memory_space<vmem>>
      %dma_wait3A_3010 = tpu.memref_squeeze %dma_wait3A_3009 : memref<1x1x16x72xf32, #tpu.memory_space<vmem>> -> memref<16x72xf32, #tpu.memory_space<vmem>>
      %dma_wait3A_3011 = arith.constant 0 : i32
      %dma_wait3A_3012 = arith.constant 0 : i32
      %dma_wait3A_3013 = tpu.memref_slice %arg2[%dma_wait3A_3011, %dma_wait3A_3012] : memref<2048x2048xf32, #tpu.memory_space<hbm>> -> memref<16x72xf32, #tpu.memory_space<hbm>>
      tpu.wait_dma2 semaphore(%dma_wait3A_3006 : memref<!tpu.dma_semaphore, #tpu.memory_space<semaphore_mem>>) src(%dma_wait3A_3013 : memref<16x72xf32, #tpu.memory_space<hbm>>) dst(%dma_wait3A_3010 : memref<16x72xf32, #tpu.memory_space<vmem>>)
      %dma_wait3A_3014 = arith.constant 6 : i32
      %dma_wait3A_3015 = arith.constant 0 : i32
      %dma_wait3A_3016 = arith.constant 0 : i32
      %dma_wait3A_3017 = tpu.memref_slice %arg7[%rem3A_2902, %dma_wait3A_3014, %dma_wait3A_3015, %dma_wait3A_3016] : memref<2x16x16x72xf32, #tpu.memory_space<vmem>> -> memref<1x1x16x72xf32, #tpu.memory_space<vmem>>
      %dma_wait3A_3018 = tpu.memref_squeeze %dma_wait3A_3017 : memref<1x1x16x72xf32, #tpu.memory_space<vmem>> -> memref<16x72xf32, #tpu.memory_space<vmem>>
      %dma_wait3A_3019 = arith.constant 0 : i32
      %dma_wait3A_3020 = arith.constant 0 : i32
      %dma_wait3A_3021 = tpu.memref_slice %arg2[%dma_wait3A_3019, %dma_wait3A_3020] : memref<2048x2048xf32, #tpu.memory_space<hbm>> -> memref<16x72xf32, #tpu.memory_space<hbm>>
      %dma_wait3A_3022 = tpu.memref_slice %arg9[%rem3A_2902] : memref<2x!tpu.dma_semaphore, #tpu.memory_space<semaphore_mem>> -> memref<1x!tpu.dma_semaphore, #tpu.memory_space<semaphore_mem>>
      %dma_wait3A_3023 = tpu.memref_squeeze %dma_wait3A_3022 : memref<1x!tpu.dma_semaphore, #tpu.memory_space<semaphore_mem>> -> memref<!tpu.dma_semaphore, #tpu.memory_space<semaphore_mem>>
      %dma_wait3A_3024 = arith.constant 0 : i32
      %dma_wait3A_3025 = arith.constant 0 : i32
      %dma_wait3A_3026 = tpu.memref_slice %arg7[%rem3A_2902, %dma_wait3A_3014, %dma_wait3A_3024, %dma_wait3A_3025] : memref<2x16x16x72xf32, #tpu.memory_space<vmem>> -> memref<1x1x16x72xf32, #tpu.memory_space<vmem>>
      %dma_wait3A_3027 = tpu.memref_squeeze %dma_wait3A_3026 : memref<1x1x16x72xf32, #tpu.memory_space<vmem>> -> memref<16x72xf32, #tpu.memory_space<vmem>>
      %dma_wait3A_3028 = arith.constant 0 : i32
      %dma_wait3A_3029 = arith.constant 0 : i32
      %dma_wait3A_3030 = tpu.memref_slice %arg2[%dma_wait3A_3028, %dma_wait3A_3029] : memref<2048x2048xf32, #tpu.memory_space<hbm>> -> memref<16x72xf32, #tpu.memory_space<hbm>>
      tpu.wait_dma2 semaphore(%dma_wait3A_3023 : memref<!tpu.dma_semaphore, #tpu.memory_space<semaphore_mem>>) src(%dma_wait3A_3030 : memref<16x72xf32, #tpu.memory_space<hbm>>) dst(%dma_wait3A_3027 : memref<16x72xf32, #tpu.memory_space<vmem>>)
      %dma_wait3A_3031 = arith.constant 7 : i32
      %dma_wait3A_3032 = arith.constant 0 : i32
      %dma_wait3A_3033 = arith.constant 0 : i32
      %dma_wait3A_3034 = tpu.memref_slice %arg7[%rem3A_2902, %dma_wait3A_3031, %dma_wait3A_3032, %dma_wait3A_3033] : memref<2x16x16x72xf32, #tpu.memory_space<vmem>> -> memref<1x1x16x72xf32, #tpu.memory_space<vmem>>
      %dma_wait3A_3035 = tpu.memref_squeeze %dma_wait3A_3034 : memref<1x1x16x72xf32, #tpu.memory_space<vmem>> -> memref<16x72xf32, #tpu.memory_space<vmem>>
      %dma_wait3A_3036 = arith.constant 0 : i32
      %dma_wait3A_3037 = arith.constant 0 : i32
      %dma_wait3A_3038 = tpu.memref_slice %arg2[%dma_wait3A_3036, %dma_wait3A_3037] : memref<2048x2048xf32, #tpu.memory_space<hbm>> -> memref<16x72xf32, #tpu.memory_space<hbm>>
      %dma_wait3A_3039 = tpu.memref_slice %arg9[%rem3A_2902] : memref<2x!tpu.dma_semaphore, #tpu.memory_space<semaphore_mem>> -> memref<1x!tpu.dma_semaphore, #tpu.memory_space<semaphore_mem>>
      %dma_wait3A_3040 = tpu.memref_squeeze %dma_wait3A_3039 : memref<1x!tpu.dma_semaphore, #tpu.memory_space<semaphore_mem>> -> memref<!tpu.dma_semaphore, #tpu.memory_space<semaphore_mem>>
      %dma_wait3A_3041 = arith.constant 0 : i32
      %dma_wait3A_3042 = arith.constant 0 : i32
      %dma_wait3A_3043 = tpu.memref_slice %arg7[%rem3A_2902, %dma_wait3A_3031, %dma_wait3A_3041, %dma_wait3A_3042] : memref<2x16x16x72xf32, #tpu.memory_space<vmem>> -> memref<1x1x16x72xf32, #tpu.memory_space<vmem>>
      %dma_wait3A_3044 = tpu.memref_squeeze %dma_wait3A_3043 : memref<1x1x16x72xf32, #tpu.memory_space<vmem>> -> memref<16x72xf32, #tpu.memory_space<vmem>>
      %dma_wait3A_3045 = arith.constant 0 : i32
      %dma_wait3A_3046 = arith.constant 0 : i32
      %dma_wait3A_3047 = tpu.memref_slice %arg2[%dma_wait3A_3045, %dma_wait3A_3046] : memref<2048x2048xf32, #tpu.memory_space<hbm>> -> memref<16x72xf32, #tpu.memory_space<hbm>>
      tpu.wait_dma2 semaphore(%dma_wait3A_3040 : memref<!tpu.dma_semaphore, #tpu.memory_space<semaphore_mem>>) src(%dma_wait3A_3047 : memref<16x72xf32, #tpu.memory_space<hbm>>) dst(%dma_wait3A_3044 : memref<16x72xf32, #tpu.memory_space<vmem>>)
      %dma_wait3A_3048 = arith.constant 8 : i32
      %dma_wait3A_3049 = arith.constant 0 : i32
      %dma_wait3A_3050 = arith.constant 0 : i32
      %dma_wait3A_3051 = tpu.memref_slice %arg7[%rem3A_2902, %dma_wait3A_3048, %dma_wait3A_3049, %dma_wait3A_3050] : memref<2x16x16x72xf32, #tpu.memory_space<vmem>> -> memref<1x1x16x72xf32, #tpu.memory_space<vmem>>
      %dma_wait3A_3052 = tpu.memref_squeeze %dma_wait3A_3051 : memref<1x1x16x72xf32, #tpu.memory_space<vmem>> -> memref<16x72xf32, #tpu.memory_space<vmem>>
      %dma_wait3A_3053 = arith.constant 0 : i32
      %dma_wait3A_3054 = arith.constant 0 : i32
      %dma_wait3A_3055 = tpu.memref_slice %arg2[%dma_wait3A_3053, %dma_wait3A_3054] : memref<2048x2048xf32, #tpu.memory_space<hbm>> -> memref<16x72xf32, #tpu.memory_space<hbm>>
      %dma_wait3A_3056 = tpu.memref_slice %arg9[%rem3A_2902] : memref<2x!tpu.dma_semaphore, #tpu.memory_space<semaphore_mem>> -> memref<1x!tpu.dma_semaphore, #tpu.memory_space<semaphore_mem>>
      %dma_wait3A_3057 = tpu.memref_squeeze %dma_wait3A_3056 : memref<1x!tpu.dma_semaphore, #tpu.memory_space<semaphore_mem>> -> memref<!tpu.dma_semaphore, #tpu.memory_space<semaphore_mem>>
      %dma_wait3A_3058 = arith.constant 0 : i32
      %dma_wait3A_3059 = arith.constant 0 : i32
      %dma_wait3A_3060 = tpu.memref_slice %arg7[%rem3A_2902, %dma_wait3A_3048, %dma_wait3A_3058, %dma_wait3A_3059] : memref<2x16x16x72xf32, #tpu.memory_space<vmem>> -> memref<1x1x16x72xf32, #tpu.memory_space<vmem>>
      %dma_wait3A_3061 = tpu.memref_squeeze %dma_wait3A_3060 : memref<1x1x16x72xf32, #tpu.memory_space<vmem>> -> memref<16x72xf32, #tpu.memory_space<vmem>>
      %dma_wait3A_3062 = arith.constant 0 : i32
      %dma_wait3A_3063 = arith.constant 0 : i32
      %dma_wait3A_3064 = tpu.memref_slice %arg2[%dma_wait3A_3062, %dma_wait3A_3063] : memref<2048x2048xf32, #tpu.memory_space<hbm>> -> memref<16x72xf32, #tpu.memory_space<hbm>>
      tpu.wait_dma2 semaphore(%dma_wait3A_3057 : memref<!tpu.dma_semaphore, #tpu.memory_space<semaphore_mem>>) src(%dma_wait3A_3064 : memref<16x72xf32, #tpu.memory_space<hbm>>) dst(%dma_wait3A_3061 : memref<16x72xf32, #tpu.memory_space<vmem>>)
      %dma_wait3A_3065 = arith.constant 9 : i32
      %dma_wait3A_3066 = arith.constant 0 : i32
      %dma_wait3A_3067 = arith.constant 0 : i32
      %dma_wait3A_3068 = tpu.memref_slice %arg7[%rem3A_2902, %dma_wait3A_3065, %dma_wait3A_3066, %dma_wait3A_3067] : memref<2x16x16x72xf32, #tpu.memory_space<vmem>> -> memref<1x1x16x72xf32, #tpu.memory_space<vmem>>
      %dma_wait3A_3069 = tpu.memref_squeeze %dma_wait3A_3068 : memref<1x1x16x72xf32, #tpu.memory_space<vmem>> -> memref<16x72xf32, #tpu.memory_space<vmem>>
      %dma_wait3A_3070 = arith.constant 0 : i32
      %dma_wait3A_3071 = arith.constant 0 : i32
      %dma_wait3A_3072 = tpu.memref_slice %arg2[%dma_wait3A_3070, %dma_wait3A_3071] : memref<2048x2048xf32, #tpu.memory_space<hbm>> -> memref<16x72xf32, #tpu.memory_space<hbm>>
      %dma_wait3A_3073 = tpu.memref_slice %arg9[%rem3A_2902] : memref<2x!tpu.dma_semaphore, #tpu.memory_space<semaphore_mem>> -> memref<1x!tpu.dma_semaphore, #tpu.memory_space<semaphore_mem>>
      %dma_wait3A_3074 = tpu.memref_squeeze %dma_wait3A_3073 : memref<1x!tpu.dma_semaphore, #tpu.memory_space<semaphore_mem>> -> memref<!tpu.dma_semaphore, #tpu.memory_space<semaphore_mem>>
      %dma_wait3A_3075 = arith.constant 0 : i32
      %dma_wait3A_3076 = arith.constant 0 : i32
      %dma_wait3A_3077 = tpu.memref_slice %arg7[%rem3A_2902, %dma_wait3A_3065, %dma_wait3A_3075, %dma_wait3A_3076] : memref<2x16x16x72xf32, #tpu.memory_space<vmem>> -> memref<1x1x16x72xf32, #tpu.memory_space<vmem>>
      %dma_wait3A_3078 = tpu.memref_squeeze %dma_wait3A_3077 : memref<1x1x16x72xf32, #tpu.memory_space<vmem>> -> memref<16x72xf32, #tpu.memory_space<vmem>>
      %dma_wait3A_3079 = arith.constant 0 : i32
      %dma_wait3A_3080 = arith.constant 0 : i32
      %dma_wait3A_3081 = tpu.memref_slice %arg2[%dma_wait3A_3079, %dma_wait3A_3080] : memref<2048x2048xf32, #tpu.memory_space<hbm>> -> memref<16x72xf32, #tpu.memory_space<hbm>>
      tpu.wait_dma2 semaphore(%dma_wait3A_3074 : memref<!tpu.dma_semaphore, #tpu.memory_space<semaphore_mem>>) src(%dma_wait3A_3081 : memref<16x72xf32, #tpu.memory_space<hbm>>) dst(%dma_wait3A_3078 : memref<16x72xf32, #tpu.memory_space<vmem>>)
      %dma_wait3A_3082 = arith.constant 10 : i32
      %dma_wait3A_3083 = arith.constant 0 : i32
      %dma_wait3A_3084 = arith.constant 0 : i32
      %dma_wait3A_3085 = tpu.memref_slice %arg7[%rem3A_2902, %dma_wait3A_3082, %dma_wait3A_3083, %dma_wait3A_3084] : memref<2x16x16x72xf32, #tpu.memory_space<vmem>> -> memref<1x1x16x72xf32, #tpu.memory_space<vmem>>
      %dma_wait3A_3086 = tpu.memref_squeeze %dma_wait3A_3085 : memref<1x1x16x72xf32, #tpu.memory_space<vmem>> -> memref<16x72xf32, #tpu.memory_space<vmem>>
      %dma_wait3A_3087 = arith.constant 0 : i32
      %dma_wait3A_3088 = arith.constant 0 : i32
      %dma_wait3A_3089 = tpu.memref_slice %arg2[%dma_wait3A_3087, %dma_wait3A_3088] : memref<2048x2048xf32, #tpu.memory_space<hbm>> -> memref<16x72xf32, #tpu.memory_space<hbm>>
      %dma_wait3A_3090 = tpu.memref_slice %arg9[%rem3A_2902] : memref<2x!tpu.dma_semaphore, #tpu.memory_space<semaphore_mem>> -> memref<1x!tpu.dma_semaphore, #tpu.memory_space<semaphore_mem>>
      %dma_wait3A_3091 = tpu.memref_squeeze %dma_wait3A_3090 : memref<1x!tpu.dma_semaphore, #tpu.memory_space<semaphore_mem>> -> memref<!tpu.dma_semaphore, #tpu.memory_space<semaphore_mem>>
      %dma_wait3A_3092 = arith.constant 0 : i32
      %dma_wait3A_3093 = arith.constant 0 : i32
      %dma_wait3A_3094 = tpu.memref_slice %arg7[%rem3A_2902, %dma_wait3A_3082, %dma_wait3A_3092, %dma_wait3A_3093] : memref<2x16x16x72xf32, #tpu.memory_space<vmem>> -> memref<1x1x16x72xf32, #tpu.memory_space<vmem>>
      %dma_wait3A_3095 = tpu.memref_squeeze %dma_wait3A_3094 : memref<1x1x16x72xf32, #tpu.memory_space<vmem>> -> memref<16x72xf32, #tpu.memory_space<vmem>>
      %dma_wait3A_3096 = arith.constant 0 : i32
      %dma_wait3A_3097 = arith.constant 0 : i32
      %dma_wait3A_3098 = tpu.memref_slice %arg2[%dma_wait3A_3096, %dma_wait3A_3097] : memref<2048x2048xf32, #tpu.memory_space<hbm>> -> memref<16x72xf32, #tpu.memory_space<hbm>>
      tpu.wait_dma2 semaphore(%dma_wait3A_3091 : memref<!tpu.dma_semaphore, #tpu.memory_space<semaphore_mem>>) src(%dma_wait3A_3098 : memref<16x72xf32, #tpu.memory_space<hbm>>) dst(%dma_wait3A_3095 : memref<16x72xf32, #tpu.memory_space<vmem>>)
      %dma_wait3A_3099 = arith.constant 11 : i32
      %dma_wait3A_3100 = arith.constant 0 : i32
      %dma_wait3A_3101 = arith.constant 0 : i32
      %dma_wait3A_3102 = tpu.memref_slice %arg7[%rem3A_2902, %dma_wait3A_3099, %dma_wait3A_3100, %dma_wait3A_3101] : memref<2x16x16x72xf32, #tpu.memory_space<vmem>> -> memref<1x1x16x72xf32, #tpu.memory_space<vmem>>
      %dma_wait3A_3103 = tpu.memref_squeeze %dma_wait3A_3102 : memref<1x1x16x72xf32, #tpu.memory_space<vmem>> -> memref<16x72xf32, #tpu.memory_space<vmem>>
      %dma_wait3A_3104 = arith.constant 0 : i32
      %dma_wait3A_3105 = arith.constant 0 : i32
      %dma_wait3A_3106 = tpu.memref_slice %arg2[%dma_wait3A_3104, %dma_wait3A_3105] : memref<2048x2048xf32, #tpu.memory_space<hbm>> -> memref<16x72xf32, #tpu.memory_space<hbm>>
      %dma_wait3A_3107 = tpu.memref_slice %arg9[%rem3A_2902] : memref<2x!tpu.dma_semaphore, #tpu.memory_space<semaphore_mem>> -> memref<1x!tpu.dma_semaphore, #tpu.memory_space<semaphore_mem>>
      %dma_wait3A_3108 = tpu.memref_squeeze %dma_wait3A_3107 : memref<1x!tpu.dma_semaphore, #tpu.memory_space<semaphore_mem>> -> memref<!tpu.dma_semaphore, #tpu.memory_space<semaphore_mem>>
      %dma_wait3A_3109 = arith.constant 0 : i32
      %dma_wait3A_3110 = arith.constant 0 : i32
      %dma_wait3A_3111 = tpu.memref_slice %arg7[%rem3A_2902, %dma_wait3A_3099, %dma_wait3A_3109, %dma_wait3A_3110] : memref<2x16x16x72xf32, #tpu.memory_space<vmem>> -> memref<1x1x16x72xf32, #tpu.memory_space<vmem>>
      %dma_wait3A_3112 = tpu.memref_squeeze %dma_wait3A_3111 : memref<1x1x16x72xf32, #tpu.memory_space<vmem>> -> memref<16x72xf32, #tpu.memory_space<vmem>>
      %dma_wait3A_3113 = arith.constant 0 : i32
      %dma_wait3A_3114 = arith.constant 0 : i32
      %dma_wait3A_3115 = tpu.memref_slice %arg2[%dma_wait3A_3113, %dma_wait3A_3114] : memref<2048x2048xf32, #tpu.memory_space<hbm>> -> memref<16x72xf32, #tpu.memory_space<hbm>>
      tpu.wait_dma2 semaphore(%dma_wait3A_3108 : memref<!tpu.dma_semaphore, #tpu.memory_space<semaphore_mem>>) src(%dma_wait3A_3115 : memref<16x72xf32, #tpu.memory_space<hbm>>) dst(%dma_wait3A_3112 : memref<16x72xf32, #tpu.memory_space<vmem>>)
      %dma_wait3A_3116 = arith.constant 12 : i32
      %dma_wait3A_3117 = arith.constant 0 : i32
      %dma_wait3A_3118 = arith.constant 0 : i32
      %dma_wait3A_3119 = tpu.memref_slice %arg7[%rem3A_2902, %dma_wait3A_3116, %dma_wait3A_3117, %dma_wait3A_3118] : memref<2x16x16x72xf32, #tpu.memory_space<vmem>> -> memref<1x1x16x72xf32, #tpu.memory_space<vmem>>
      %dma_wait3A_3120 = tpu.memref_squeeze %dma_wait3A_3119 : memref<1x1x16x72xf32, #tpu.memory_space<vmem>> -> memref<16x72xf32, #tpu.memory_space<vmem>>
      %dma_wait3A_3121 = arith.constant 0 : i32
      %dma_wait3A_3122 = arith.constant 0 : i32
      %dma_wait3A_3123 = tpu.memref_slice %arg2[%dma_wait3A_3121, %dma_wait3A_3122] : memref<2048x2048xf32, #tpu.memory_space<hbm>> -> memref<16x72xf32, #tpu.memory_space<hbm>>
      %dma_wait3A_3124 = tpu.memref_slice %arg9[%rem3A_2902] : memref<2x!tpu.dma_semaphore, #tpu.memory_space<semaphore_mem>> -> memref<1x!tpu.dma_semaphore, #tpu.memory_space<semaphore_mem>>
      %dma_wait3A_3125 = tpu.memref_squeeze %dma_wait3A_3124 : memref<1x!tpu.dma_semaphore, #tpu.memory_space<semaphore_mem>> -> memref<!tpu.dma_semaphore, #tpu.memory_space<semaphore_mem>>
      %dma_wait3A_3126 = arith.constant 0 : i32
      %dma_wait3A_3127 = arith.constant 0 : i32
      %dma_wait3A_3128 = tpu.memref_slice %arg7[%rem3A_2902, %dma_wait3A_3116, %dma_wait3A_3126, %dma_wait3A_3127] : memref<2x16x16x72xf32, #tpu.memory_space<vmem>> -> memref<1x1x16x72xf32, #tpu.memory_space<vmem>>
      %dma_wait3A_3129 = tpu.memref_squeeze %dma_wait3A_3128 : memref<1x1x16x72xf32, #tpu.memory_space<vmem>> -> memref<16x72xf32, #tpu.memory_space<vmem>>
      %dma_wait3A_3130 = arith.constant 0 : i32
      %dma_wait3A_3131 = arith.constant 0 : i32
      %dma_wait3A_3132 = tpu.memref_slice %arg2[%dma_wait3A_3130, %dma_wait3A_3131] : memref<2048x2048xf32, #tpu.memory_space<hbm>> -> memref<16x72xf32, #tpu.memory_space<hbm>>
      tpu.wait_dma2 semaphore(%dma_wait3A_3125 : memref<!tpu.dma_semaphore, #tpu.memory_space<semaphore_mem>>) src(%dma_wait3A_3132 : memref<16x72xf32, #tpu.memory_space<hbm>>) dst(%dma_wait3A_3129 : memref<16x72xf32, #tpu.memory_space<vmem>>)
      %dma_wait3A_3133 = arith.constant 13 : i32
      %dma_wait3A_3134 = arith.constant 0 : i32
      %dma_wait3A_3135 = arith.constant 0 : i32
      %dma_wait3A_3136 = tpu.memref_slice %arg7[%rem3A_2902, %dma_wait3A_3133, %dma_wait3A_3134, %dma_wait3A_3135] : memref<2x16x16x72xf32, #tpu.memory_space<vmem>> -> memref<1x1x16x72xf32, #tpu.memory_space<vmem>>
      %dma_wait3A_3137 = tpu.memref_squeeze %dma_wait3A_3136 : memref<1x1x16x72xf32, #tpu.memory_space<vmem>> -> memref<16x72xf32, #tpu.memory_space<vmem>>
      %dma_wait3A_3138 = arith.constant 0 : i32
      %dma_wait3A_3139 = arith.constant 0 : i32
      %dma_wait3A_3140 = tpu.memref_slice %arg2[%dma_wait3A_3138, %dma_wait3A_3139] : memref<2048x2048xf32, #tpu.memory_space<hbm>> -> memref<16x72xf32, #tpu.memory_space<hbm>>
      %dma_wait3A_3141 = tpu.memref_slice %arg9[%rem3A_2902] : memref<2x!tpu.dma_semaphore, #tpu.memory_space<semaphore_mem>> -> memref<1x!tpu.dma_semaphore, #tpu.memory_space<semaphore_mem>>
      %dma_wait3A_3142 = tpu.memref_squeeze %dma_wait3A_3141 : memref<1x!tpu.dma_semaphore, #tpu.memory_space<semaphore_mem>> -> memref<!tpu.dma_semaphore, #tpu.memory_space<semaphore_mem>>
      %dma_wait3A_3143 = arith.constant 0 : i32
      %dma_wait3A_3144 = arith.constant 0 : i32
      %dma_wait3A_3145 = tpu.memref_slice %arg7[%rem3A_2902, %dma_wait3A_3133, %dma_wait3A_3143, %dma_wait3A_3144] : memref<2x16x16x72xf32, #tpu.memory_space<vmem>> -> memref<1x1x16x72xf32, #tpu.memory_space<vmem>>
      %dma_wait3A_3146 = tpu.memref_squeeze %dma_wait3A_3145 : memref<1x1x16x72xf32, #tpu.memory_space<vmem>> -> memref<16x72xf32, #tpu.memory_space<vmem>>
      %dma_wait3A_3147 = arith.constant 0 : i32
      %dma_wait3A_3148 = arith.constant 0 : i32
      %dma_wait3A_3149 = tpu.memref_slice %arg2[%dma_wait3A_3147, %dma_wait3A_3148] : memref<2048x2048xf32, #tpu.memory_space<hbm>> -> memref<16x72xf32, #tpu.memory_space<hbm>>
      tpu.wait_dma2 semaphore(%dma_wait3A_3142 : memref<!tpu.dma_semaphore, #tpu.memory_space<semaphore_mem>>) src(%dma_wait3A_3149 : memref<16x72xf32, #tpu.memory_space<hbm>>) dst(%dma_wait3A_3146 : memref<16x72xf32, #tpu.memory_space<vmem>>)
      %dma_wait3A_3150 = arith.constant 14 : i32
      %dma_wait3A_3151 = arith.constant 0 : i32
      %dma_wait3A_3152 = arith.constant 0 : i32
      %dma_wait3A_3153 = tpu.memref_slice %arg7[%rem3A_2902, %dma_wait3A_3150, %dma_wait3A_3151, %dma_wait3A_3152] : memref<2x16x16x72xf32, #tpu.memory_space<vmem>> -> memref<1x1x16x72xf32, #tpu.memory_space<vmem>>
      %dma_wait3A_3154 = tpu.memref_squeeze %dma_wait3A_3153 : memref<1x1x16x72xf32, #tpu.memory_space<vmem>> -> memref<16x72xf32, #tpu.memory_space<vmem>>
      %dma_wait3A_3155 = arith.constant 0 : i32
      %dma_wait3A_3156 = arith.constant 0 : i32
      %dma_wait3A_3157 = tpu.memref_slice %arg2[%dma_wait3A_3155, %dma_wait3A_3156] : memref<2048x2048xf32, #tpu.memory_space<hbm>> -> memref<16x72xf32, #tpu.memory_space<hbm>>
      %dma_wait3A_3158 = tpu.memref_slice %arg9[%rem3A_2902] : memref<2x!tpu.dma_semaphore, #tpu.memory_space<semaphore_mem>> -> memref<1x!tpu.dma_semaphore, #tpu.memory_space<semaphore_mem>>
      %dma_wait3A_3159 = tpu.memref_squeeze %dma_wait3A_3158 : memref<1x!tpu.dma_semaphore, #tpu.memory_space<semaphore_mem>> -> memref<!tpu.dma_semaphore, #tpu.memory_space<semaphore_mem>>
      %dma_wait3A_3160 = arith.constant 0 : i32
      %dma_wait3A_3161 = arith.constant 0 : i32
      %dma_wait3A_3162 = tpu.memref_slice %arg7[%rem3A_2902, %dma_wait3A_3150, %dma_wait3A_3160, %dma_wait3A_3161] : memref<2x16x16x72xf32, #tpu.memory_space<vmem>> -> memref<1x1x16x72xf32, #tpu.memory_space<vmem>>
      %dma_wait3A_3163 = tpu.memref_squeeze %dma_wait3A_3162 : memref<1x1x16x72xf32, #tpu.memory_space<vmem>> -> memref<16x72xf32, #tpu.memory_space<vmem>>
      %dma_wait3A_3164 = arith.constant 0 : i32
      %dma_wait3A_3165 = arith.constant 0 : i32
      %dma_wait3A_3166 = tpu.memref_slice %arg2[%dma_wait3A_3164, %dma_wait3A_3165] : memref<2048x2048xf32, #tpu.memory_space<hbm>> -> memref<16x72xf32, #tpu.memory_space<hbm>>
      tpu.wait_dma2 semaphore(%dma_wait3A_3159 : memref<!tpu.dma_semaphore, #tpu.memory_space<semaphore_mem>>) src(%dma_wait3A_3166 : memref<16x72xf32, #tpu.memory_space<hbm>>) dst(%dma_wait3A_3163 : memref<16x72xf32, #tpu.memory_space<vmem>>)
      %dma_wait3A_3167 = arith.constant 15 : i32
      %dma_wait3A_3168 = arith.constant 0 : i32
      %dma_wait3A_3169 = arith.constant 0 : i32
      %dma_wait3A_3170 = tpu.memref_slice %arg7[%rem3A_2902, %dma_wait3A_3167, %dma_wait3A_3168, %dma_wait3A_3169] : memref<2x16x16x72xf32, #tpu.memory_space<vmem>> -> memref<1x1x16x72xf32, #tpu.memory_space<vmem>>
      %dma_wait3A_3171 = tpu.memref_squeeze %dma_wait3A_3170 : memref<1x1x16x72xf32, #tpu.memory_space<vmem>> -> memref<16x72xf32, #tpu.memory_space<vmem>>
      %dma_wait3A_3172 = arith.constant 0 : i32
      %dma_wait3A_3173 = arith.constant 0 : i32
      %dma_wait3A_3174 = tpu.memref_slice %arg2[%dma_wait3A_3172, %dma_wait3A_3173] : memref<2048x2048xf32, #tpu.memory_space<hbm>> -> memref<16x72xf32, #tpu.memory_space<hbm>>
      %dma_wait3A_3175 = tpu.memref_slice %arg9[%rem3A_2902] : memref<2x!tpu.dma_semaphore, #tpu.memory_space<semaphore_mem>> -> memref<1x!tpu.dma_semaphore, #tpu.memory_space<semaphore_mem>>
      %dma_wait3A_3176 = tpu.memref_squeeze %dma_wait3A_3175 : memref<1x!tpu.dma_semaphore, #tpu.memory_space<semaphore_mem>> -> memref<!tpu.dma_semaphore, #tpu.memory_space<semaphore_mem>>
      %dma_wait3A_3177 = arith.constant 0 : i32
      %dma_wait3A_3178 = arith.constant 0 : i32
      %dma_wait3A_3179 = tpu.memref_slice %arg7[%rem3A_2902, %dma_wait3A_3167, %dma_wait3A_3177, %dma_wait3A_3178] : memref<2x16x16x72xf32, #tpu.memory_space<vmem>> -> memref<1x1x16x72xf32, #tpu.memory_space<vmem>>
      %dma_wait3A_3180 = tpu.memref_squeeze %dma_wait3A_3179 : memref<1x1x16x72xf32, #tpu.memory_space<vmem>> -> memref<16x72xf32, #tpu.memory_space<vmem>>
      %dma_wait3A_3181 = arith.constant 0 : i32
      %dma_wait3A_3182 = arith.constant 0 : i32
      %dma_wait3A_3183 = tpu.memref_slice %arg2[%dma_wait3A_3181, %dma_wait3A_3182] : memref<2048x2048xf32, #tpu.memory_space<hbm>> -> memref<16x72xf32, #tpu.memory_space<hbm>>
      tpu.wait_dma2 semaphore(%dma_wait3A_3176 : memref<!tpu.dma_semaphore, #tpu.memory_space<semaphore_mem>>) src(%dma_wait3A_3183 : memref<16x72xf32, #tpu.memory_space<hbm>>) dst(%dma_wait3A_3180 : memref<16x72xf32, #tpu.memory_space<vmem>>)
      %rem3A_3184 = arith.constant 2 : i32
      %rem3A_3185 = arith.remsi %scan3A_2899, %rem3A_3184 : i32
      %ge3A = arith.constant 2 : i32
      %ge3A_3186 = arith.cmpi sge, %scan3A_2899, %ge3A : i32
      %convert_element_type3A_3187 = arith.extui %ge3A_3186 : i1 to i32
      %cond3A_3188 = arith.constant 0 : i32
      %cond3A_3189 = arith.cmpi ne, %convert_element_type3A_3187, %cond3A_3188 : i32
      scf.if %cond3A_3189 {
        %sub3A_3290 = arith.constant 2 : i32
        %sub3A_3291 = arith.subi %scan3A_2899, %sub3A_3290 : i32
        %jit3A_3292 = arith.constant 4 : i32
        %div3A_3293 = arith.divsi %sub3A_3291, %jit3A_3292 : i32
        %sign3A_3294 = arith.constant 0 : i32
        %sign3A_3295 = arith.cmpi sgt, %sub3A_3291, %sign3A_3294 : i32
        %sign3A_3296 = arith.extui %sign3A_3295 : i1 to i32
        %sign3A_3297 = arith.constant 0 : i32
        %sign3A_3298 = arith.cmpi slt, %sub3A_3291, %sign3A_3297 : i32
        %sign3A_3299 = arith.extui %sign3A_3298 : i1 to i32
        %sign3A_3300 = arith.subi %sign3A_3296, %sign3A_3299 : i32
        %sign3A_3301 = arith.constant 0 : i32
        %sign3A_3302 = arith.cmpi sgt, %jit3A_3292, %sign3A_3301 : i32
        %sign3A_3303 = arith.extui %sign3A_3302 : i1 to i32
        %sign3A_3304 = arith.constant 0 : i32
        %sign3A_3305 = arith.cmpi slt, %jit3A_3292, %sign3A_3304 : i32
        %sign3A_3306 = arith.extui %sign3A_3305 : i1 to i32
        %sign3A_3307 = arith.subi %sign3A_3303, %sign3A_3306 : i32
        %ne3A_3308 = arith.cmpi ne, %sign3A_3300, %sign3A_3307 : i32
        %rem3A_3309 = arith.remsi %sub3A_3291, %jit3A_3292 : i32
        %ne3A_3310 = arith.constant 0 : i32
        %ne3A_3311 = arith.cmpi ne, %rem3A_3309, %ne3A_3310 : i32
        %and3A_3312 = arith.andi %ne3A_3308, %ne3A_3311 : i1
        %sub3A_3313 = arith.constant 1 : i32
        %sub3A_3314 = arith.subi %div3A_3293, %sub3A_3313 : i32
        %select_n3A_3315 = arith.select %and3A_3312, %sub3A_3314, %div3A_3293 : i32
        %mul3A_3316 = arith.constant 16 : i32
        %mul3A_3317 = arith.muli %select_n3A_3315, %mul3A_3316 : i32
        %jit3A_3318 = arith.constant 4 : i32
        %eq3A_3319 = arith.constant 0 : i32
        %eq3A_3320 = arith.cmpi eq, %jit3A_3318, %eq3A_3319 : i32
        %jit3A_3321 = arith.constant 1 : i32
        %select_n3A_3322 = arith.select %eq3A_3320, %jit3A_3321, %jit3A_3318 : i32
        %rem3A_3323 = arith.remsi %sub3A_3291, %select_n3A_3322 : i32
        %ne3A_3324 = arith.constant 0 : i32
        %ne3A_3325 = arith.cmpi ne, %rem3A_3323, %ne3A_3324 : i32
        %lt3A_3326 = arith.constant 0 : i32
        %lt3A_3327 = arith.cmpi slt, %rem3A_3323, %lt3A_3326 : i32
        %lt3A_3328 = arith.constant 0 : i32
        %lt3A_3329 = arith.cmpi slt, %select_n3A_3322, %lt3A_3328 : i32
        %ne3A_3330 = arith.xori %lt3A_3327, %lt3A_3329 : i1
        %and3A_3331 = arith.andi %ne3A_3330, %ne3A_3325 : i1
        %add3A_3332 = arith.addi %rem3A_3323, %select_n3A_3322 : i32
        %select_n3A_3333 = arith.select %and3A_3331, %add3A_3332, %rem3A_3323 : i32
        %mul3A_3334 = arith.constant 16 : i32
        %mul3A_3335 = arith.muli %select_n3A_3333, %mul3A_3334 : i32
        %dma_wait3A_3336 = arith.constant 0 : i32
        %dma_wait3A_3337 = arith.constant 0 : i32
        %dma_wait3A_3338 = arith.constant 0 : i32
        %dma_wait3A_3339 = arith.constant 0 : i32
        %dma_wait3A_3340 = arith.constant 0 : i32
        %dma_wait3A_3341 = tpu.memref_slice %arg8[%rem3A_3185, %dma_wait3A_3336, %dma_wait3A_3337, %dma_wait3A_3338, %dma_wait3A_3339, %dma_wait3A_3340] : memref<2x16x8x1x8x16xf32, #tpu.memory_space<vmem>> -> memref<1x16x8x1x8x16xf32, #tpu.memory_space<vmem>>
        %dma_wait3A_3342 = tpu.memref_squeeze %dma_wait3A_3341 : memref<1x16x8x1x8x16xf32, #tpu.memory_space<vmem>> -> memref<16x8x1x8x16xf32, #tpu.memory_space<vmem>>
        %dma_wait3A_3343 = arith.constant 0 : i32
        %dma_wait3A_3344 = arith.constant 0 : i32
        %dma_wait3A_3345 = tpu.memref_slice %arg4[%mul3A_3335, %dma_wait3A_3343, %add3A, %dma_wait3A_3344, %mul3A_3317] : memref<64x8x32x8x128xf32, #tpu.memory_space<hbm>> -> memref<16x8x1x8x16xf32, #tpu.memory_space<hbm>>
        %dma_wait3A_3346 = tpu.memref_slice %arg10[%rem3A_3185] : memref<2x!tpu.dma_semaphore, #tpu.memory_space<semaphore_mem>> -> memref<1x!tpu.dma_semaphore, #tpu.memory_space<semaphore_mem>>
        %dma_wait3A_3347 = tpu.memref_squeeze %dma_wait3A_3346 : memref<1x!tpu.dma_semaphore, #tpu.memory_space<semaphore_mem>> -> memref<!tpu.dma_semaphore, #tpu.memory_space<semaphore_mem>>
        %dma_wait3A_3348 = arith.constant 0 : i32
        %dma_wait3A_3349 = arith.constant 0 : i32
        %dma_wait3A_3350 = tpu.memref_slice %arg4[%mul3A_3335, %dma_wait3A_3348, %add3A, %dma_wait3A_3349, %mul3A_3317] : memref<64x8x32x8x128xf32, #tpu.memory_space<hbm>> -> memref<16x8x1x8x16xf32, #tpu.memory_space<hbm>>
        %dma_wait3A_3351 = arith.constant 0 : i32
        %dma_wait3A_3352 = arith.constant 0 : i32
        %dma_wait3A_3353 = arith.constant 0 : i32
        %dma_wait3A_3354 = arith.constant 0 : i32
        %dma_wait3A_3355 = arith.constant 0 : i32
        %dma_wait3A_3356 = tpu.memref_slice %arg8[%rem3A_3185, %dma_wait3A_3351, %dma_wait3A_3352, %dma_wait3A_3353, %dma_wait3A_3354, %dma_wait3A_3355] : memref<2x16x8x1x8x16xf32, #tpu.memory_space<vmem>> -> memref<1x16x8x1x8x16xf32, #tpu.memory_space<vmem>>
        %dma_wait3A_3357 = tpu.memref_squeeze %dma_wait3A_3356 : memref<1x16x8x1x8x16xf32, #tpu.memory_space<vmem>> -> memref<16x8x1x8x16xf32, #tpu.memory_space<vmem>>
        tpu.wait_dma2 semaphore(%dma_wait3A_3347 : memref<!tpu.dma_semaphore, #tpu.memory_space<semaphore_mem>>) src(%dma_wait3A_3357 : memref<16x8x1x8x16xf32, #tpu.memory_space<vmem>>) dst(%dma_wait3A_3350 : memref<16x8x1x8x16xf32, #tpu.memory_space<hbm>>)
      } else {
      }
      %jit3A_3190 = arith.constant 4 : i32
      %div3A_3191 = arith.divsi %scan3A_2899, %jit3A_3190 : i32
      %sign3A_3192 = arith.constant 0 : i32
      %sign3A_3193 = arith.cmpi sgt, %scan3A_2899, %sign3A_3192 : i32
      %sign3A_3194 = arith.extui %sign3A_3193 : i1 to i32
      %sign3A_3195 = arith.constant 0 : i32
      %sign3A_3196 = arith.cmpi slt, %scan3A_2899, %sign3A_3195 : i32
      %sign3A_3197 = arith.extui %sign3A_3196 : i1 to i32
      %sign3A_3198 = arith.subi %sign3A_3194, %sign3A_3197 : i32
      %sign3A_3199 = arith.constant 0 : i32
      %sign3A_3200 = arith.cmpi sgt, %jit3A_3190, %sign3A_3199 : i32
      %sign3A_3201 = arith.extui %sign3A_3200 : i1 to i32
      %sign3A_3202 = arith.constant 0 : i32
      %sign3A_3203 = arith.cmpi slt, %jit3A_3190, %sign3A_3202 : i32
      %sign3A_3204 = arith.extui %sign3A_3203 : i1 to i32
      %sign3A_3205 = arith.subi %sign3A_3201, %sign3A_3204 : i32
      %ne3A_3206 = arith.cmpi ne, %sign3A_3198, %sign3A_3205 : i32
      %rem3A_3207 = arith.remsi %scan3A_2899, %jit3A_3190 : i32
      %ne3A_3208 = arith.constant 0 : i32
      %ne3A_3209 = arith.cmpi ne, %rem3A_3207, %ne3A_3208 : i32
      %and3A_3210 = arith.andi %ne3A_3206, %ne3A_3209 : i1
      %sub3A_3211 = arith.constant 1 : i32
      %sub3A_3212 = arith.subi %div3A_3191, %sub3A_3211 : i32
      %select_n3A_3213 = arith.select %and3A_3210, %sub3A_3212, %div3A_3191 : i32
      %mul3A_3214 = arith.constant 16 : i32
      %mul3A_3215 = arith.muli %select_n3A_3213, %mul3A_3214 : i32
      %scan3A_3216 = arith.constant 0 : i32
      %scan3A_3217 = arith.constant 0 : i32
      %scan3A_3218 = arith.constant 16 : i32
      %scan3A_3219 = arith.addi %scan3A_3217, %scan3A_3218 : i32
      %scan3A_3220 = arith.constant 1 : i32
      %scan3A_3221 = scf.for %scan3A_3290 = %scan3A_3217 to %scan3A_3219 step %scan3A_3220 iter_args(%scan3A_3291 = %scan3A_3216) -> (i32)  : i32 {
        %add3A_3292 = arith.addi %mul3A_3215, %scan3A_3290 : i32
        %get3A_3293 = arith.constant 1 : i32
        %get3A_3294 = arith.index_cast %add3A_3292 : i32 to index
        %get3A_3295 = arith.index_cast %get3A_3293 : i32 to index
        %get3A_3296 = memref.load %arg6[%get3A_3294, %get3A_3295] : memref<128x2xi32, #tpu.memory_space<smem>>
        %jit3A_3297 = arith.constant 8 : i32
        %eq3A_3298 = arith.constant 0 : i32
        %eq3A_3299 = arith.cmpi eq, %jit3A_3297, %eq3A_3298 : i32
        %jit3A_3300 = arith.constant 1 : i32
        %select_n3A_3301 = arith.select %eq3A_3299, %jit3A_3300, %jit3A_3297 : i32
        %rem3A_3302 = arith.remsi %get3A_3296, %select_n3A_3301 : i32
        %ne3A_3303 = arith.constant 0 : i32
        %ne3A_3304 = arith.cmpi ne, %rem3A_3302, %ne3A_3303 : i32
        %lt3A_3305 = arith.constant 0 : i32
        %lt3A_3306 = arith.cmpi slt, %rem3A_3302, %lt3A_3305 : i32
        %lt3A_3307 = arith.constant 0 : i32
        %lt3A_3308 = arith.cmpi slt, %select_n3A_3301, %lt3A_3307 : i32
        %ne3A_3309 = arith.xori %lt3A_3306, %lt3A_3308 : i1
        %and3A_3310 = arith.andi %ne3A_3309, %ne3A_3304 : i1
        %add3A_3311 = arith.addi %rem3A_3302, %select_n3A_3301 : i32
        %select_n3A_3312 = arith.select %and3A_3310, %add3A_3311, %rem3A_3302 : i32
        %broadcast_in_dim3A_3313 = vector.broadcast %scan3A_3290 : i32 to vector<16xi32>
        %add3A_3314 = arith.constant 0 : i32
        %add3A_3315 = arith.addi %select_n3A_3312, %add3A_3314 : i32
        %add3A_3316 = vector.broadcast %add3A_3315 : i32 to vector<16xi32>
        %add3A_3317 = arith.addi %add3A_3316, %iota3A : vector<16xi32>
        %add3A_3318 = arith.constant 16 : i32
        %add3A_3319 = arith.addi %select_n3A_3312, %add3A_3318 : i32
        %add3A_3320 = vector.broadcast %add3A_3319 : i32 to vector<16xi32>
        %add3A_3321 = arith.addi %add3A_3320, %iota3A : vector<16xi32>
        %add3A_3322 = arith.constant 32 : i32
        %add3A_3323 = arith.addi %select_n3A_3312, %add3A_3322 : i32
        %add3A_3324 = vector.broadcast %add3A_3323 : i32 to vector<16xi32>
        %add3A_3325 = arith.addi %add3A_3324, %iota3A : vector<16xi32>
        %add3A_3326 = arith.constant 48 : i32
        %add3A_3327 = arith.addi %select_n3A_3312, %add3A_3326 : i32
        %add3A_3328 = vector.broadcast %add3A_3327 : i32 to vector<16xi32>
        %add3A_3329 = arith.addi %add3A_3328, %iota3A : vector<16xi32>
        %scan3A_3330 = arith.constant 0 : i32
        %scan3A_3331 = arith.constant 0 : i32
        %scan3A_3332 = arith.constant 16 : i32
        %scan3A_3333 = arith.addi %scan3A_3331, %scan3A_3332 : i32
        %scan3A_3334 = arith.constant 1 : i32
        %scan3A_3335 = scf.for %scan3A_3338 = %scan3A_3331 to %scan3A_3333 step %scan3A_3334 iter_args(%scan3A_3339 = %scan3A_3330) -> (i32)  : i32 {
          %broadcast_in_dim3A_3340 = vector.broadcast %scan3A_3338 : i32 to vector<16xi32>
          %gather3A = arith.constant 0 : i32
          %gather3A_3341 = arith.constant 0 : i32
          %gather3A_3342 = tpu.memref_slice %arg7[%rem3A_2902, %scan3A_3290, %gather3A, %gather3A_3341] : memref<2x16x16x72xf32, #tpu.memory_space<vmem>> -> memref<1x1x16x72xf32, #tpu.memory_space<vmem>>
          %gather3A_3343 = tpu.memref_squeeze %gather3A_3342 : memref<1x1x16x72xf32, #tpu.memory_space<vmem>> -> memref<16x72xf32, #tpu.memory_space<vmem>>
          %gather3A_3344 = tpu.vector_load_idx %gather3A_3343[%broadcast_in_dim3A_3340, %add3A_3317] : memref<16x72xf32, #tpu.memory_space<vmem>>[vector<16xi32>, vector<16xi32>], vector<16xf32>,
          %scatter3A = arith.constant 0 : i32
          %scatter3A_3345 = arith.constant 0 : i32
          %scatter3A_3346 = arith.constant 0 : i32
          %scatter3A_3347 = arith.constant 0 : i32
          %scatter3A_3348 = arith.constant 0 : i32
          %scatter3A_3349 = tpu.memref_slice %arg8[%rem3A_3185, %scatter3A, %scatter3A_3345, %scatter3A_3346, %scatter3A_3347, %scatter3A_3348] : memref<2x16x8x1x8x16xf32, #tpu.memory_space<vmem>> -> memref<1x16x8x1x8x16xf32, #tpu.memory_space<vmem>>
          %scatter3A_3350 = tpu.memref_squeeze %scatter3A_3349 : memref<1x16x8x1x8x16xf32, #tpu.memory_space<vmem>> -> memref<16x8x1x8x16xf32, #tpu.memory_space<vmem>>
          tpu.vector_store_idx %scatter3A_3350[%broadcast_in_dim3A_3340, %select_n3A, %broadcast_in_dim3A_1973, %select_n3A_1972, %broadcast_in_dim3A_3313], %gather3A_3344 : memref<16x8x1x8x16xf32, #tpu.memory_space<vmem>>[vector<16xi32>, vector<16xi32>, vector<16xi32>, vector<16xi32>, vector<16xi32>], vector<16xf32>,
          %gather3A_3351 = arith.constant 0 : i32
          %gather3A_3352 = arith.constant 0 : i32
          %gather3A_3353 = tpu.memref_slice %arg7[%rem3A_2902, %scan3A_3290, %gather3A_3351, %gather3A_3352] : memref<2x16x16x72xf32, #tpu.memory_space<vmem>> -> memref<1x1x16x72xf32, #tpu.memory_space<vmem>>
          %gather3A_3354 = tpu.memref_squeeze %gather3A_3353 : memref<1x1x16x72xf32, #tpu.memory_space<vmem>> -> memref<16x72xf32, #tpu.memory_space<vmem>>
          %gather3A_3355 = tpu.vector_load_idx %gather3A_3354[%broadcast_in_dim3A_3340, %add3A_3321] : memref<16x72xf32, #tpu.memory_space<vmem>>[vector<16xi32>, vector<16xi32>], vector<16xf32>,
          %scatter3A_3356 = arith.constant 0 : i32
          %scatter3A_3357 = arith.constant 0 : i32
          %scatter3A_3358 = arith.constant 0 : i32
          %scatter3A_3359 = arith.constant 0 : i32
          %scatter3A_3360 = arith.constant 0 : i32
          %scatter3A_3361 = tpu.memref_slice %arg8[%rem3A_3185, %scatter3A_3356, %scatter3A_3357, %scatter3A_3358, %scatter3A_3359, %scatter3A_3360] : memref<2x16x8x1x8x16xf32, #tpu.memory_space<vmem>> -> memref<1x16x8x1x8x16xf32, #tpu.memory_space<vmem>>
          %scatter3A_3362 = tpu.memref_squeeze %scatter3A_3361 : memref<1x16x8x1x8x16xf32, #tpu.memory_space<vmem>> -> memref<16x8x1x8x16xf32, #tpu.memory_space<vmem>>
          tpu.vector_store_idx %scatter3A_3362[%broadcast_in_dim3A_3340, %select_n3A_1884, %broadcast_in_dim3A_1973, %select_n3A_1972, %broadcast_in_dim3A_3313], %gather3A_3355 : memref<16x8x1x8x16xf32, #tpu.memory_space<vmem>>[vector<16xi32>, vector<16xi32>, vector<16xi32>, vector<16xi32>, vector<16xi32>], vector<16xf32>,
          %gather3A_3363 = arith.constant 0 : i32
          %gather3A_3364 = arith.constant 0 : i32
          %gather3A_3365 = tpu.memref_slice %arg7[%rem3A_2902, %scan3A_3290, %gather3A_3363, %gather3A_3364] : memref<2x16x16x72xf32, #tpu.memory_space<vmem>> -> memref<1x1x16x72xf32, #tpu.memory_space<vmem>>
          %gather3A_3366 = tpu.memref_squeeze %gather3A_3365 : memref<1x1x16x72xf32, #tpu.memory_space<vmem>> -> memref<16x72xf32, #tpu.memory_space<vmem>>
          %gather3A_3367 = tpu.vector_load_idx %gather3A_3366[%broadcast_in_dim3A_3340, %add3A_3325] : memref<16x72xf32, #tpu.memory_space<vmem>>[vector<16xi32>, vector<16xi32>], vector<16xf32>,
          %scatter3A_3368 = arith.constant 0 : i32
          %scatter3A_3369 = arith.constant 0 : i32
          %scatter3A_3370 = arith.constant 0 : i32
          %scatter3A_3371 = arith.constant 0 : i32
          %scatter3A_3372 = arith.constant 0 : i32
          %scatter3A_3373 = tpu.memref_slice %arg8[%rem3A_3185, %scatter3A_3368, %scatter3A_3369, %scatter3A_3370, %scatter3A_3371, %scatter3A_3372] : memref<2x16x8x1x8x16xf32, #tpu.memory_space<vmem>> -> memref<1x16x8x1x8x16xf32, #tpu.memory_space<vmem>>
          %scatter3A_3374 = tpu.memref_squeeze %scatter3A_3373 : memref<1x16x8x1x8x16xf32, #tpu.memory_space<vmem>> -> memref<16x8x1x8x16xf32, #tpu.memory_space<vmem>>
          tpu.vector_store_idx %scatter3A_3374[%broadcast_in_dim3A_3340, %select_n3A_1918, %broadcast_in_dim3A_1973, %select_n3A_1972, %broadcast_in_dim3A_3313], %gather3A_3367 : memref<16x8x1x8x16xf32, #tpu.memory_space<vmem>>[vector<16xi32>, vector<16xi32>, vector<16xi32>, vector<16xi32>, vector<16xi32>], vector<16xf32>,
          %gather3A_3375 = arith.constant 0 : i32
          %gather3A_3376 = arith.constant 0 : i32
          %gather3A_3377 = tpu.memref_slice %arg7[%rem3A_2902, %scan3A_3290, %gather3A_3375, %gather3A_3376] : memref<2x16x16x72xf32, #tpu.memory_space<vmem>> -> memref<1x1x16x72xf32, #tpu.memory_space<vmem>>
          %gather3A_3378 = tpu.memref_squeeze %gather3A_3377 : memref<1x1x16x72xf32, #tpu.memory_space<vmem>> -> memref<16x72xf32, #tpu.memory_space<vmem>>
          %gather3A_3379 = tpu.vector_load_idx %gather3A_3378[%broadcast_in_dim3A_3340, %add3A_3329] : memref<16x72xf32, #tpu.memory_space<vmem>>[vector<16xi32>, vector<16xi32>], vector<16xf32>,
          %scatter3A_3380 = arith.constant 0 : i32
          %scatter3A_3381 = arith.constant 0 : i32
          %scatter3A_3382 = arith.constant 0 : i32
          %scatter3A_3383 = arith.constant 0 : i32
          %scatter3A_3384 = arith.constant 0 : i32
          %scatter3A_3385 = tpu.memref_slice %arg8[%rem3A_3185, %scatter3A_3380, %scatter3A_3381, %scatter3A_3382, %scatter3A_3383, %scatter3A_3384] : memref<2x16x8x1x8x16xf32, #tpu.memory_space<vmem>> -> memref<1x16x8x1x8x16xf32, #tpu.memory_space<vmem>>
          %scatter3A_3386 = tpu.memref_squeeze %scatter3A_3385 : memref<1x16x8x1x8x16xf32, #tpu.memory_space<vmem>> -> memref<16x8x1x8x16xf32, #tpu.memory_space<vmem>>
          tpu.vector_store_idx %scatter3A_3386[%broadcast_in_dim3A_3340, %select_n3A_1952, %broadcast_in_dim3A_1973, %select_n3A_1972, %broadcast_in_dim3A_3313], %gather3A_3379 : memref<16x8x1x8x16xf32, #tpu.memory_space<vmem>>[vector<16xi32>, vector<16xi32>, vector<16xi32>, vector<16xi32>, vector<16xi32>], vector<16xf32>,
          %scan3A_3387 = arith.constant 0 : i32
          scf.yield %scan3A_3387 : i32
        }
        %scan3A_3336 = arith.constant 16 : i32
        %scan3A_3337 = arith.constant 0 : i32
        scf.yield %scan3A_3337 : i32
      }
      %scan3A_3222 = arith.constant 16 : i32
      %jit3A_3223 = arith.constant 4 : i32
      %div3A_3224 = arith.divsi %scan3A_2899, %jit3A_3223 : i32
      %sign3A_3225 = arith.constant 0 : i32
      %sign3A_3226 = arith.cmpi sgt, %scan3A_2899, %sign3A_3225 : i32
      %sign3A_3227 = arith.extui %sign3A_3226 : i1 to i32
      %sign3A_3228 = arith.constant 0 : i32
      %sign3A_3229 = arith.cmpi slt, %scan3A_2899, %sign3A_3228 : i32
      %sign3A_3230 = arith.extui %sign3A_3229 : i1 to i32
      %sign3A_3231 = arith.subi %sign3A_3227, %sign3A_3230 : i32
      %sign3A_3232 = arith.constant 0 : i32
      %sign3A_3233 = arith.cmpi sgt, %jit3A_3223, %sign3A_3232 : i32
      %sign3A_3234 = arith.extui %sign3A_3233 : i1 to i32
      %sign3A_3235 = arith.constant 0 : i32
      %sign3A_3236 = arith.cmpi slt, %jit3A_3223, %sign3A_3235 : i32
      %sign3A_3237 = arith.extui %sign3A_3236 : i1 to i32
      %sign3A_3238 = arith.subi %sign3A_3234, %sign3A_3237 : i32
      %ne3A_3239 = arith.cmpi ne, %sign3A_3231, %sign3A_3238 : i32
      %rem3A_3240 = arith.remsi %scan3A_2899, %jit3A_3223 : i32
      %ne3A_3241 = arith.constant 0 : i32
      %ne3A_3242 = arith.cmpi ne, %rem3A_3240, %ne3A_3241 : i32
      %and3A_3243 = arith.andi %ne3A_3239, %ne3A_3242 : i1
      %sub3A_3244 = arith.constant 1 : i32
      %sub3A_3245 = arith.subi %div3A_3224, %sub3A_3244 : i32
      %select_n3A_3246 = arith.select %and3A_3243, %sub3A_3245, %div3A_3224 : i32
      %mul3A_3247 = arith.constant 16 : i32
      %mul3A_3248 = arith.muli %select_n3A_3246, %mul3A_3247 : i32
      %jit3A_3249 = arith.constant 4 : i32
      %eq3A_3250 = arith.constant 0 : i32
      %eq3A_3251 = arith.cmpi eq, %jit3A_3249, %eq3A_3250 : i32
      %jit3A_3252 = arith.constant 1 : i32
      %select_n3A_3253 = arith.select %eq3A_3251, %jit3A_3252, %jit3A_3249 : i32
      %rem3A_3254 = arith.remsi %scan3A_2899, %select_n3A_3253 : i32
      %ne3A_3255 = arith.constant 0 : i32
      %ne3A_3256 = arith.cmpi ne, %rem3A_3254, %ne3A_3255 : i32
      %lt3A_3257 = arith.constant 0 : i32
      %lt3A_3258 = arith.cmpi slt, %rem3A_3254, %lt3A_3257 : i32
      %lt3A_3259 = arith.constant 0 : i32
      %lt3A_3260 = arith.cmpi slt, %select_n3A_3253, %lt3A_3259 : i32
      %ne3A_3261 = arith.xori %lt3A_3258, %lt3A_3260 : i1
      %and3A_3262 = arith.andi %ne3A_3261, %ne3A_3256 : i1
      %add3A_3263 = arith.addi %rem3A_3254, %select_n3A_3253 : i32
      %select_n3A_3264 = arith.select %and3A_3262, %add3A_3263, %rem3A_3254 : i32
      %mul3A_3265 = arith.constant 16 : i32
      %mul3A_3266 = arith.muli %select_n3A_3264, %mul3A_3265 : i32
      %dma_start3A_3267 = arith.constant 0 : i32
      %dma_start3A_3268 = arith.constant 0 : i32
      %dma_start3A_3269 = arith.constant 0 : i32
      %dma_start3A_3270 = arith.constant 0 : i32
      %dma_start3A_3271 = arith.constant 0 : i32
      %dma_start3A_3272 = tpu.memref_slice %arg8[%rem3A_3185, %dma_start3A_3267, %dma_start3A_3268, %dma_start3A_3269, %dma_start3A_3270, %dma_start3A_3271] : memref<2x16x8x1x8x16xf32, #tpu.memory_space<vmem>> -> memref<1x16x8x1x8x16xf32, #tpu.memory_space<vmem>>
      %dma_start3A_3273 = tpu.memref_squeeze %dma_start3A_3272 : memref<1x16x8x1x8x16xf32, #tpu.memory_space<vmem>> -> memref<16x8x1x8x16xf32, #tpu.memory_space<vmem>>
      %dma_start3A_3274 = arith.constant 0 : i32
      %dma_start3A_3275 = arith.constant 0 : i32
      %dma_start3A_3276 = tpu.memref_slice %arg4[%mul3A_3266, %dma_start3A_3274, %add3A, %dma_start3A_3275, %mul3A_3248] : memref<64x8x32x8x128xf32, #tpu.memory_space<hbm>> -> memref<16x8x1x8x16xf32, #tpu.memory_space<hbm>>
      %dma_start3A_3277 = tpu.memref_slice %arg10[%rem3A_3185] : memref<2x!tpu.dma_semaphore, #tpu.memory_space<semaphore_mem>> -> memref<1x!tpu.dma_semaphore, #tpu.memory_space<semaphore_mem>>
      %dma_start3A_3278 = tpu.memref_squeeze %dma_start3A_3277 : memref<1x!tpu.dma_semaphore, #tpu.memory_space<semaphore_mem>> -> memref<!tpu.dma_semaphore, #tpu.memory_space<semaphore_mem>>
      %dma_start3A_3279 = arith.constant 0 : i32
      %dma_start3A_3280 = arith.constant 0 : i32
      %dma_start3A_3281 = tpu.memref_slice %arg4[%mul3A_3266, %dma_start3A_3279, %add3A, %dma_start3A_3280, %mul3A_3248] : memref<64x8x32x8x128xf32, #tpu.memory_space<hbm>> -> memref<16x8x1x8x16xf32, #tpu.memory_space<hbm>>
      %dma_start3A_3282 = arith.constant 0 : i32
      %dma_start3A_3283 = arith.constant 0 : i32
      %dma_start3A_3284 = arith.constant 0 : i32
      %dma_start3A_3285 = arith.constant 0 : i32
      %dma_start3A_3286 = arith.constant 0 : i32
      %dma_start3A_3287 = tpu.memref_slice %arg8[%rem3A_3185, %dma_start3A_3282, %dma_start3A_3283, %dma_start3A_3284, %dma_start3A_3285, %dma_start3A_3286] : memref<2x16x8x1x8x16xf32, #tpu.memory_space<vmem>> -> memref<1x16x8x1x8x16xf32, #tpu.memory_space<vmem>>
      %dma_start3A_3288 = tpu.memref_squeeze %dma_start3A_3287 : memref<1x16x8x1x8x16xf32, #tpu.memory_space<vmem>> -> memref<16x8x1x8x16xf32, #tpu.memory_space<vmem>>
      tpu.enqueue_dma source(%dma_start3A_3288 : memref<16x8x1x8x16xf32, #tpu.memory_space<vmem>>) target(%dma_start3A_3281 : memref<16x8x1x8x16xf32, #tpu.memory_space<hbm>>) target_semaphore(%dma_start3A_3278 : memref<!tpu.dma_semaphore, #tpu.memory_space<semaphore_mem>>)
      %scan3A_3289 = arith.constant 0 : i32
      scf.yield %scan3A_3289 : i32
    }
    %scan3A_2841 = arith.constant 32 : i32
    %rem3A_2842 = arith.constant 30 : i32
    %rem3A_2843 = arith.constant 2 : i32
    %rem3A_2844 = arith.remsi %rem3A_2842, %rem3A_2843 : i32
    %dma_wait3A = arith.constant 0 : i32
    %dma_wait3A_2845 = arith.constant 0 : i32
    %dma_wait3A_2846 = arith.constant 0 : i32
    %dma_wait3A_2847 = arith.constant 0 : i32
    %dma_wait3A_2848 = arith.constant 0 : i32
    %dma_wait3A_2849 = tpu.memref_slice %arg8[%rem3A_2844, %dma_wait3A, %dma_wait3A_2845, %dma_wait3A_2846, %dma_wait3A_2847, %dma_wait3A_2848] : memref<2x16x8x1x8x16xf32, #tpu.memory_space<vmem>> -> memref<1x16x8x1x8x16xf32, #tpu.memory_space<vmem>>
    %dma_wait3A_2850 = tpu.memref_squeeze %dma_wait3A_2849 : memref<1x16x8x1x8x16xf32, #tpu.memory_space<vmem>> -> memref<16x8x1x8x16xf32, #tpu.memory_space<vmem>>
    %dma_wait3A_2851 = arith.constant 32 : i32
    %dma_wait3A_2852 = arith.constant 0 : i32
    %dma_wait3A_2853 = arith.constant 0 : i32
    %dma_wait3A_2854 = arith.constant 112 : i32
    %dma_wait3A_2855 = tpu.memref_slice %arg4[%dma_wait3A_2851, %dma_wait3A_2852, %add3A, %dma_wait3A_2853, %dma_wait3A_2854] : memref<64x8x32x8x128xf32, #tpu.memory_space<hbm>> -> memref<16x8x1x8x16xf32, #tpu.memory_space<hbm>>
    %dma_wait3A_2856 = tpu.memref_slice %arg10[%rem3A_2844] : memref<2x!tpu.dma_semaphore, #tpu.memory_space<semaphore_mem>> -> memref<1x!tpu.dma_semaphore, #tpu.memory_space<semaphore_mem>>
    %dma_wait3A_2857 = tpu.memref_squeeze %dma_wait3A_2856 : memref<1x!tpu.dma_semaphore, #tpu.memory_space<semaphore_mem>> -> memref<!tpu.dma_semaphore, #tpu.memory_space<semaphore_mem>>
    %dma_wait3A_2858 = arith.constant 32 : i32
    %dma_wait3A_2859 = arith.constant 0 : i32
    %dma_wait3A_2860 = arith.constant 0 : i32
    %dma_wait3A_2861 = arith.constant 112 : i32
    %dma_wait3A_2862 = tpu.memref_slice %arg4[%dma_wait3A_2858, %dma_wait3A_2859, %add3A, %dma_wait3A_2860, %dma_wait3A_2861] : memref<64x8x32x8x128xf32, #tpu.memory_space<hbm>> -> memref<16x8x1x8x16xf32, #tpu.memory_space<hbm>>
    %dma_wait3A_2863 = arith.constant 0 : i32
    %dma_wait3A_2864 = arith.constant 0 : i32
    %dma_wait3A_2865 = arith.constant 0 : i32
    %dma_wait3A_2866 = arith.constant 0 : i32
    %dma_wait3A_2867 = arith.constant 0 : i32
    %dma_wait3A_2868 = tpu.memref_slice %arg8[%rem3A_2844, %dma_wait3A_2863, %dma_wait3A_2864, %dma_wait3A_2865, %dma_wait3A_2866, %dma_wait3A_2867] : memref<2x16x8x1x8x16xf32, #tpu.memory_space<vmem>> -> memref<1x16x8x1x8x16xf32, #tpu.memory_space<vmem>>
    %dma_wait3A_2869 = tpu.memref_squeeze %dma_wait3A_2868 : memref<1x16x8x1x8x16xf32, #tpu.memory_space<vmem>> -> memref<16x8x1x8x16xf32, #tpu.memory_space<vmem>>
    tpu.wait_dma2 semaphore(%dma_wait3A_2857 : memref<!tpu.dma_semaphore, #tpu.memory_space<semaphore_mem>>) src(%dma_wait3A_2869 : memref<16x8x1x8x16xf32, #tpu.memory_space<vmem>>) dst(%dma_wait3A_2862 : memref<16x8x1x8x16xf32, #tpu.memory_space<hbm>>)
    %rem3A_2870 = arith.constant 31 : i32
    %rem3A_2871 = arith.constant 2 : i32
    %rem3A_2872 = arith.remsi %rem3A_2870, %rem3A_2871 : i32
    %dma_wait3A_2873 = arith.constant 0 : i32
    %dma_wait3A_2874 = arith.constant 0 : i32
    %dma_wait3A_2875 = arith.constant 0 : i32
    %dma_wait3A_2876 = arith.constant 0 : i32
    %dma_wait3A_2877 = arith.constant 0 : i32
    %dma_wait3A_2878 = tpu.memref_slice %arg8[%rem3A_2872, %dma_wait3A_2873, %dma_wait3A_2874, %dma_wait3A_2875, %dma_wait3A_2876, %dma_wait3A_2877] : memref<2x16x8x1x8x16xf32, #tpu.memory_space<vmem>> -> memref<1x16x8x1x8x16xf32, #tpu.memory_space<vmem>>
    %dma_wait3A_2879 = tpu.memref_squeeze %dma_wait3A_2878 : memref<1x16x8x1x8x16xf32, #tpu.memory_space<vmem>> -> memref<16x8x1x8x16xf32, #tpu.memory_space<vmem>>
    %dma_wait3A_2880 = arith.constant 48 : i32
    %dma_wait3A_2881 = arith.constant 0 : i32
    %dma_wait3A_2882 = arith.constant 0 : i32
    %dma_wait3A_2883 = arith.constant 112 : i32
    %dma_wait3A_2884 = tpu.memref_slice %arg4[%dma_wait3A_2880, %dma_wait3A_2881, %add3A, %dma_wait3A_2882, %dma_wait3A_2883] : memref<64x8x32x8x128xf32, #tpu.memory_space<hbm>> -> memref<16x8x1x8x16xf32, #tpu.memory_space<hbm>>
    %dma_wait3A_2885 = tpu.memref_slice %arg10[%rem3A_2872] : memref<2x!tpu.dma_semaphore, #tpu.memory_space<semaphore_mem>> -> memref<1x!tpu.dma_semaphore, #tpu.memory_space<semaphore_mem>>
    %dma_wait3A_2886 = tpu.memref_squeeze %dma_wait3A_2885 : memref<1x!tpu.dma_semaphore, #tpu.memory_space<semaphore_mem>> -> memref<!tpu.dma_semaphore, #tpu.memory_space<semaphore_mem>>
    %dma_wait3A_2887 = arith.constant 48 : i32
    %dma_wait3A_2888 = arith.constant 0 : i32
    %dma_wait3A_2889 = arith.constant 0 : i32
    %dma_wait3A_2890 = arith.constant 112 : i32
    %dma_wait3A_2891 = tpu.memref_slice %arg4[%dma_wait3A_2887, %dma_wait3A_2888, %add3A, %dma_wait3A_2889, %dma_wait3A_2890] : memref<64x8x32x8x128xf32, #tpu.memory_space<hbm>> -> memref<16x8x1x8x16xf32, #tpu.memory_space<hbm>>
    %dma_wait3A_2892 = arith.constant 0 : i32
    %dma_wait3A_2893 = arith.constant 0 : i32
    %dma_wait3A_2894 = arith.constant 0 : i32
    %dma_wait3A_2895 = arith.constant 0 : i32
    %dma_wait3A_2896 = arith.constant 0 : i32
    %dma_wait3A_2897 = tpu.memref_slice %arg8[%rem3A_2872, %dma_wait3A_2892, %dma_wait3A_2893, %dma_wait3A_2894, %dma_wait3A_2895, %dma_wait3A_2896] : memref<2x16x8x1x8x16xf32, #tpu.memory_space<vmem>> -> memref<1x16x8x1x8x16xf32, #tpu.memory_space<vmem>>
    %dma_wait3A_2898 = tpu.memref_squeeze %dma_wait3A_2897 : memref<1x16x8x1x8x16xf32, #tpu.memory_space<vmem>> -> memref<16x8x1x8x16xf32, #tpu.memory_space<vmem>>
    tpu.wait_dma2 semaphore(%dma_wait3A_2886 : memref<!tpu.dma_semaphore, #tpu.memory_space<semaphore_mem>>) src(%dma_wait3A_2898 : memref<16x8x1x8x16xf32, #tpu.memory_space<vmem>>) dst(%dma_wait3A_2891 : memref<16x8x1x8x16xf32, #tpu.memory_space<hbm>>)
    return
  }
}

</mosaic_0001>

<sc_bundles>
// kernel: kernel.3.cloned.1.call-start
scs
__scs_entry_jumppad:
0x0: {  	(pc) =	sbr.rel $0x88, $3  }
0x1: {  	(tag) =	ssettag $0x0;
	lr =	simm.s32 $0x1  }
0x2: {  	[smem:$0x3F9F] =	sst lr;
	_ =	strace $0xD0000000  }
0x3: {  	_ = 	snop  }
0x4: {  	_ = 	snop  }
0x5: {  	_ = 	snop  }
0x6: {  	_ = 	snop  }
0x7: {  	_ = 	snop  }
__scs_overlays_trampoline_lowered:
0x8: {  	[smem:$0x3FAE] =	sst s0  }
0x9: {  	[smem:$0x3FAF] =	sst s1  }
0xa: {  	[smem:$0x3FB0] =	sst s2  }
0xb: {  	[smem:$0x3FB1] =	sst s3  }
0xc: {  	[smem:$0x3FB2] =	sst s4  }
0xd: {  	[smem:$0x3FB3] =	sst s5  }
0xe: {  	[smem:$0x3FB4] =	sst s6  }
0xf: {  	[smem:$0x3FB5] =	sst s7  }
0x10: {  	[smem:$0x3FB6] =	sst s8  }
0x11: {  	[smem:$0x3FB7] =	sst s9;
	s0 =	simm.s32 @!p0 $0x0  }
0x12: {  	s1 =	sld [smem:$0x3F9D];
	s0 =	simm.s32 @p0 $0x1  }
0x13: {  	[smem:$0x3FB8] =	sst s0;
	s0 =	simm.s32 @!p1 $0x0  }
0x14: {  	s2 =	sld [smem:$0x3F9C];
	s0 =	simm.s32 @p1 $0x1  }
0x15: {  	[smem:$0x3FB9] =	sst s0;
	s0 =	simm.s32 @!p2 $0x0  }
0x16: {  	s3 =	sld [smem:$0x3FDB];
	s0 =	simm.s32 @p2 $0x1  }
0x17: {  	s4 =	simm.s32 $0x1BF5;
	[smem:$0x3FBB] =	sst s0  }
0x18: {  	s0 =	sld [smem:$0x3F9E];
	_ =	swait.ge [sflag:s4], $0x0  }
0x19: {  	s7 =	sld [smem:$0x3F9F]  }
0x1a: {  	s8 =	sadd.s32 $0xFFFFE003, lr  }
0x1b: {  	s9 =	sadd.s32 $0xFFFFFEF7, lr;
	s5 =	simm.s32 $0xFFFFFFFF;
	p2 =	slt.u32 s8, $0xFFFFF086  }
0x1c: {  	p1 =	slt.u32 s9, $0xF7A;
	s5 =	simm.s32 @!p2 $0x0  }
0x1d: {  	s5 =	simm.s32 @p1 $0x1;
	p0 =	seq.s32 s7, s2  }
0x1e: {  	s7 =	smul.u32 @!p0 $0xF7A, s2;
	p2 =	seq.s32 @!p0 s5, $0x0  }
0x1f: {  	s9 =	smul.u32 $0xF7A, s1;
	s8 =	simm.s32 @!p0 $0x1BF5;
	p2 =	por !p2, p0  }
0x20: {  	[sflag:s8] =	ssyncset.s32 @!p0 $0xFFFFF086;
	s6 =	sadd.s32 @!p0 s3, s7;
	s7 =	simm.s32 @!p0 $0x108  }
0x21: {  	s3 =	sadd.s32 s3, s9;
	s6 =	sadd.s32 @!p0 $0x88, s6;
	s7 =	simm.s32 @p2 $0x1082  }
0x22: {  	[simem:s7], [sflag:s8] =	dma.local @!p0 [hbm:s6], $0xF7A  }
0x23: {  	s9 =	sor.u32 $0xD0000000, s2;
	s6 =	simm.s32 $0x108;
	_ =	swait.ge @!p0 [sflag:s8], $0x0  }
0x24: {  	s3 =	sadd.s32 $0x88, s3;
	s6 =	simm.s32 @!p1 $0x1082;
	[sflag:s4] =	ssyncset.s32 $0xFFFFF086  }
0x25: {  	[simem:s6], [sflag:s4] =	dma.local [hbm:s3], $0xF7A  }
0x26: {  	[smem:$0x3F9F] =	sst s1;
	(tag) =	ssettag s2;
	_ =	strace s9  }
0x27: {  	s1 =	sld [smem:$0x3FAF]  }
0x28: {  	s2 =	sld [smem:$0x3FB0]  }
0x29: {  	s4 =	sld [smem:$0x3FB2]  }
0x2a: {  	p0 =	seq.s32 s5, $0x0;
	s5 =	sld [smem:$0x3FB3]  }
0x2b: {  	s6 =	sld [smem:$0x3FB4]  }
0x2c: {  	s7 =	sld [smem:$0x3FB5]  }
0x2d: {  	s3 =	simm.s32 $0x108;
	s8 =	sld [smem:$0x3FB6]  }
0x2e: {  	s3 =	simm.s32 @!p0 $0x1082;
	s9 =	sld [smem:$0x3FB7]  }
0x2f: {  	lr =	sadd.s32 s0, s3;
	s0 =	sld [smem:$0x3FAE]  }
0x30: {  	s3 =	sld [smem:$0x3FB1]  }
0x31: {  	[smem:$0x3FBA] =	sst s10  }
0x32: {  	s10 =	sld [smem:$0x3FB8];
	_ =	sdelay $0x3  }
0x33: {  	p0 =	seq.s32 s10, $0x1;
	s10 =	sld [smem:$0x3FBA];
	_ =	sdelay $0x3  }
0x34: {  	[smem:$0x3FBA] =	sst s10  }
0x35: {  	s10 =	sld [smem:$0x3FB9];
	_ =	sdelay $0x3  }
0x36: {  	p1 =	seq.s32 s10, $0x1;
	s10 =	sld [smem:$0x3FBA];
	_ =	sdelay $0x3  }
0x37: {  	[smem:$0x3FBA] =	sst s10  }
0x38: {  	s10 =	sld [smem:$0x3FBB]  }
0x39: {  	_ = 	snop;
	(pc) =	sbr.ind lr, $3  }
0x3a: {  	_ = 	snop  }
0x3b: {  	_ = 	snop  }
0x3c: {  	p2 =	seq.s32 s10, $0x1;
	s10 =	sld [smem:$0x3FBA]  }
0x3d: {  	_ =	shalt  }
0x3e: {  	_ =	shalt  }
0x3f: {  	_ =	shalt  }
0x40: {  	_ =	shalt  }
0x41: {  	_ =	shalt  }
0x42: {  	_ =	shalt  }
0x43: {  	_ =	shalt  }
0x44: {  	_ =	shalt  }
0x45: {  	_ =	shalt  }
0x46: {  	_ =	shalt  }
0x47: {  	_ =	shalt  }
0x48: {  	_ =	shalt  }
0x49: {  	_ =	shalt  }
0x4a: {  	_ =	shalt  }
0x4b: {  	_ =	shalt  }
0x4c: {  	_ =	shalt  }
0x4d: {  	_ =	shalt  }
0x4e: {  	_ =	shalt  }
0x4f: {  	_ =	shalt  }
0x50: {  	_ =	shalt  }
0x51: {  	_ =	shalt  }
0x52: {  	_ =	shalt  }
0x53: {  	_ =	shalt  }
0x54: {  	_ =	shalt  }
0x55: {  	_ =	shalt  }
0x56: {  	_ =	shalt  }
0x57: {  	_ =	shalt  }
0x58: {  	_ =	shalt  }
0x59: {  	_ =	shalt  }
0x5a: {  	_ =	shalt  }
0x5b: {  	_ =	shalt  }
0x5c: {  	_ =	shalt  }
0x5d: {  	_ =	shalt  }
0x5e: {  	_ =	shalt  }
0x5f: {  	_ =	shalt  }
0x60: {  	_ =	shalt  }
0x61: {  	_ =	shalt  }
0x62: {  	_ =	shalt  }
0x63: {  	_ =	shalt  }
0x64: {  	_ =	shalt  }
0x65: {  	_ =	shalt  }
0x66: {  	_ =	shalt  }
0x67: {  	_ =	shalt  }
0x68: {  	_ =	shalt  }
0x69: {  	_ =	shalt  }
0x6a: {  	_ =	shalt  }
0x6b: {  	_ =	shalt  }
0x6c: {  	_ =	shalt  }
0x6d: {  	_ =	shalt  }
0x6e: {  	_ =	shalt  }
0x6f: {  	_ =	shalt  }
0x70: {  	_ =	shalt  }
0x71: {  	_ =	shalt  }
0x72: {  	_ =	shalt  }
0x73: {  	_ =	shalt  }
0x74: {  	_ =	shalt  }
0x75: {  	_ =	shalt  }
0x76: {  	_ =	shalt  }
0x77: {  	_ =	shalt  }
0x78: {  	_ =	shalt  }
0x79: {  	_ =	shalt  }
0x7a: {  	_ =	shalt  }
0x7b: {  	_ =	shalt  }
0x7c: {  	_ =	shalt  }
0x7d: {  	_ =	shalt  }
0x7e: {  	_ =	shalt  }
0x7f: {  	_ =	shalt  }
0x80: {  	_ =	shalt  }
0x81: {  	_ =	shalt  }
0x82: {  	_ =	shalt  }
0x83: {  	_ =	shalt  }
0x84: {  	_ =	shalt  }
0x85: {  	_ =	shalt  }
0x86: {  	_ =	shalt  }
0x87: {  	_ =	shalt  }
.Lfunc_end0:
.L_simem_size_0:
called_computation_lowered:
.L_overlay_start_0:
0x88: {  	s2 =	sld [smem:$0x3FD9]  }
0x89: {  	s3 =	sld [smem:$0x3FFE];
	_ =	sdelay $0x1  }
0x8a: {  	s1 =	srdreg.scid  }
0x8b: {  	s0 =	sand.u32 $0x1, s1  }
0x8c: {  	s17 =	sshll.u32 s0, $0xA;
	s2 =	sadd.s32 s3, s2  }
0x8d: {  	s2 =	sadd.s32 s2, s17  }
0x8e: {  	[smem:$0x3FC6] =	sst s2  }
0x8f: {  	_ = 	snop  }
0x90: {  	s2 =	sld [smem:$0x3FD0];
	(tm) =	ssettm $0x1  }
0x91: {  	s18 =	sld [smem:$0x3FFB];
	_ =	sdelay $0x3  }
0x92: {  	_ =	strace s18  }
0x93: {  	s3 =	sld [smem:$0x3FFC];
	_ =	sdelay $0x3  }
0x94: {  	_ =	strace s3  }
0x95: {  	s3 =	sld [smem:$0x3FFD];
	_ =	sdelay $0x3  }
0x96: {  	_ =	strace s3  }
0x97: {  	_ =	strace $0x8FFFFFFF  }
0x98: {  	s19 =	sld [smem:$0x3FDB];
	_ =	sdelay $0x1  }
0x99: {  	s4 =	simm.s32 $_scs_section_size  }
0x9a: {  	s5 =	simm.s32 $_size__tile_overlayer_lowered;
	s6 =	simm.s32 $_tile_overlayer_lowered  }
0x9b: {  	s22 =	simm.s32 $0x1BFF;
	s21 =	sshll.u32 s6, $0x1;
	s3 =	sadd.s32 s4, s19  }
0x9c: {  	s7 =	simm.s32 $0x0;
	s20 =	sshll.u32 s5, $0x1;
	s5 =	sadd.s32 s21, s3  }
0x9d: {  	[timem:s7], [sflag:s22] =	dma.local [hbm:s5], s20  }
0x9e: {  	_ =	swait.ge [sflag:s22], s20  }
0x9f: {  	s4 =	ssub.s32 $0x0, s20;
	[sflag:s22] =	ssyncset.done $0x0  }
0xa0: {  	[sflag:s22] =	ssyncadd.s32 s4;
	_ =	sdelay $0x1  }
0xa1: {  	s23 =	simm.s32 $0x1B8B  }
0xa2: {  	_ =	swait.ge [sflag:s23], $0x1  }
0xa3: {  	[sflag:s23] =	ssyncset.done $0x0  }
0xa4: {  	s25 =	simm.s32 $0x1B8E;
	s24 =	sld [smem:$0x3FFE];
	[sflag:s23] =	ssyncadd.s32 $0xFFFFFFFF  }
0xa5: {  	s26 =	simm.s32 $execute0_lowered;
	[smem:$0x3FD2] =	sst s25  }
0xa6: {  	s5 =	sshll.u32 s26, $0x1;
	_ =	strace $0x80000046;
	[dreg:$0x1] =	wrdreg $0xFFFFFFFF  }
0xa7: {  	s28 =	simm.s32 $_size_execute0_lowered;
	s3 =	sadd.s32 s3, s5;
	[dreg:$0x0] =	wrdreg $0x0  }
0xa8: {  	s5 =	sshll.u32 s28, $0x1;
	[dreg:$0x2] =	wrdreg s3  }
0xa9: {  	[dreg:$0x3] =	wrdreg s5  }
0xaa: {  	[dreg:$0x4] =	wrdreg $0xC0  }
0xab: {  	_ =	task [dreg:s7], $0x5FFFF  }
0xac: {  	[dreg:$0x1] =	wrdreg $0xFFFFFFFF  }
0xad: {  	[dreg:$0x0] =	wrdreg $0x60  }
0xae: {  	[dreg:$0x2] =	wrdreg s24  }
0xaf: {  	[dreg:$0x3] =	wrdreg s2  }
0xb0: {  	[dreg:$0x4] =	wrdreg $0x9  }
0xb1: {  	_ =	task.clear_ibuf [dreg:s7], $0x5FFFF;
	_ =	strace $0x90000046  }
0xb2: {  	s29 =	simm.s32 $0x9;
	_ =	strace $0x80000048  }
0xb3: {  	_ =	swait.ge [sflag:s29], $0x1  }
0xb4: {  	[sflag:s29] =	ssyncadd.s32 $0xFFFFFFFF  }
0xb5: {  	_ =	strace $0x90000048  }
0xb6: {  	_ =	sfence  }
0xb7: {  	s30 =	sld [smem:$0x0];
	_ =	sdelay $0x2  }
0xb8: {  	s31 =	sshll.u32 s1, $0xD;
	s1 =	sshrl.u32 s1, $0x2  }
0xb9: {  	s3 =	sand.u32 $0x4000, s31;
	s1 =	sadd.s32 s1, s30  }
0xba: {  	s0 =	sor.u32 s3, s0;
	s1 =	sshll.u32 s1, $0x11  }
0xbb: {  	s0 =	sor.u32 s1, s0  }
0xbc: {  	s0 =	sadd.s32 $0x8F2B, s0  }
0xbd: {  	[sflag:s0] =	ssyncadd.remote.s32 $0x1  }
0xbe: {  	_ =	sfence.sel $0xFFFF  }
0xbf: {  	[dreg:$0x0] =	wrdreg $0xFFFFFFFF;
	(pc) =	sbr.abs _section_cstart, $3  }
0xc0: {  	[dreg:$0x1] =	wrdreg $0xFFFFFFFF  }
0xc1: {  	_ =	task.clear_ibuf [dreg:s7], $0x2FFFF;
	_ =	strace $0x9FFFFFFF  }
0xc2: {  	(tm) =	ssettm $0x7FFFFFFF  }
0xc3: {  	_ =	shalt  }
tec
execute0_lowered:
.L_overlay_start_1:
0x0: {  	(tag) =	ssettag $0x1  }
0x1: {  	s0 =	rddreg [dreg:$0x0]  }
0x2: {  	s2 =	rddreg [dreg:$0x1]  }
0x3: {  	s1 =	srdreg.scid;
	s4 =	stileid.u32;
	s3 =	simm.s32 $0x0  }
0x4: {  	s8 =	simm.s32 $0x5;
	s9 =	simm.s32 $0x48;
	s10 =	simm.s32 $0x800  }
0x5: {  	s22 =	simm.s32 $0x3280;
	s23 =	simm.s32 $0x3700;
	s24 =	simm.s32 $0x3B80  }
0x6: {  	s25 =	simm.s32 $0x4000;
	s26 =	simm.s32 $0x4480;
	s28 =	simm.s32 $0x10  }
0x7: {  	s29 =	simm.s32 $0x80;
	s30 =	simm.s32 $0x3;
	s31 =	simm.s32 $0x4  }
0x8: {  	s1 =	sand.u32 $0x1, s1;
	s4 =	sshll.u32 s4, $0x1;
	[smem:$0x7FF] =	sst s3  }
0x9: {  	v0 =	vlaneseq.u32;
	s6 =	sor.u32 s1, s4;
	s1 =	ssub.s32 $0x2, s1;
	_ =	strace $0x80000047  }
0xa: {  	v1 =	vmul.u32 $0x10, v0;
	s4 =	sadd.s32 $0x800, s0;
	s5 =	sshll.u32 s6, $0x5;
	s7 =	sshrl.u32 s1, $0x1  }
0xb: {  	s6 =	sshll.u32 s6, $0xA;
	s0 =	sadd.s32 s5, s0;
	s1 =	ssub.s32 s1, s7  }
0xc: {  	v2 =	vor.u32 $0x100, v1;
	v3 =	vor.u32 $0x200, v1;
	v4 =	vor.u32 $0x300, v1;
	s5 =	sadd.s32 $0x400, s0;
	s7 =	smax.u32 s1, $0x1;
	s0 =	simm.s32 $0x0  }
.LBB2_1:
0xd: {  	[tilespmem:s3], [sflag:$0x5] =	stream.linear.gather [hbm4b:s5+s3], $0x100, $0x38;
	[tilespmem:$0x11100] =	vst v63  }
0xe: {  	_ =	swait.ge [sflag:s8], $0x100  }
0xf: {  	[sflag:s8] =	ssyncset.done $0x0  }
0x10: {  	[sflag:s8] =	ssyncadd.s32 $0xFFFFFF00  }
0x11: {  	v5 =	vld [tilespmem:$0x0];
	_ =	sdelay $0x4  }
0x12: {  	(v2sf) =	vpush v5, $0x0  }
0x13: {  	(v2sf) =	vpush v5, $0x1  }
0x14: {  	(v2sf) =	vpush v5, $0x2  }
0x15: {  	(v2sf) =	vpush v5, $0x3  }
0x16: {  	(v2sf) =	vpush v5, $0x4  }
0x17: {  	(v2sf) =	vpush v5, $0x5  }
0x18: {  	(v2sf) =	vpush v5, $0x6  }
0x19: {  	(v2sf) =	vpush v5, $0x7  }
0x1a: {  	(v2sf) =	vpush v5, $0x8  }
0x1b: {  	(v2sf) =	vpush v5, $0x9  }
0x1c: {  	(v2sf) =	vpush v5, $0xA  }
0x1d: {  	v6 =	vld [tilespmem:$0x10];
	(v2sf) =	vpush v5, $0xB  }
0x1e: {  	(v2sf) =	vpush v5, $0xC  }
0x1f: {  	(v2sf) =	vpush v5, $0xD  }
0x20: {  	(v2sf) =	vpush v5, $0xE  }
0x21: {  	s1 =	spop (v2sf);
	(v2sf) =	vpush v5, $0xF  }
0x22: {  	[smem:$0x0] =	sst s1;
	s16 =	spop (v2sf);
	(v2sf) =	vpush v6, $0x0  }
0x23: {  	[smem:$0x1] =	sst s16;
	s17 =	spop (v2sf);
	(v2sf) =	vpush v6, $0x1  }
0x24: {  	[smem:$0x8] =	sst s17;
	s18 =	spop (v2sf);
	(v2sf) =	vpush v6, $0x2  }
0x25: {  	[smem:$0x9] =	sst s18;
	s19 =	spop (v2sf);
	(v2sf) =	vpush v6, $0x3  }
0x26: {  	[smem:$0x10] =	sst s19;
	s20 =	spop (v2sf);
	(v2sf) =	vpush v6, $0x4  }
0x27: {  	[smem:$0x11] =	sst s20;
	s21 =	spop (v2sf);
	(v2sf) =	vpush v6, $0x5  }
0x28: {  	[smem:$0x18] =	sst s21;
	s11 =	spop (v2sf);
	(v2sf) =	vpush v6, $0x6  }
0x29: {  	[smem:$0x19] =	sst s11;
	s12 =	spop (v2sf);
	(v2sf) =	vpush v6, $0x7  }
0x2a: {  	[smem:$0x20] =	sst s12;
	s13 =	spop (v2sf);
	(v2sf) =	vpush v6, $0x8  }
0x2b: {  	[smem:$0x21] =	sst s13;
	s14 =	spop (v2sf);
	(v2sf) =	vpush v6, $0x9  }
0x2c: {  	[smem:$0x28] =	sst s14;
	s15 =	spop (v2sf);
	(v2sf) =	vpush v6, $0xA  }
0x2d: {  	v5 =	vld [tilespmem:$0x20];
	[smem:$0x29] =	sst s15;
	s16 =	spop (v2sf);
	(v2sf) =	vpush v6, $0xB  }
0x2e: {  	[smem:$0x30] =	sst s16;
	s17 =	spop (v2sf);
	(v2sf) =	vpush v6, $0xC  }
0x2f: {  	[smem:$0x31] =	sst s17;
	s18 =	spop (v2sf);
	(v2sf) =	vpush v6, $0xD  }
0x30: {  	[smem:$0x38] =	sst s18;
	s19 =	spop (v2sf);
	(v2sf) =	vpush v6, $0xE  }
0x31: {  	[smem:$0x39] =	sst s19;
	s20 =	spop (v2sf);
	(v2sf) =	vpush v6, $0xF  }
0x32: {  	[smem:$0x40] =	sst s20;
	s21 =	spop (v2sf);
	(v2sf) =	vpush v5, $0x0  }
0x33: {  	[smem:$0x41] =	sst s21;
	s11 =	spop (v2sf);
	(v2sf) =	vpush v5, $0x1  }
0x34: {  	[smem:$0x48] =	sst s11;
	s12 =	spop (v2sf);
	(v2sf) =	vpush v5, $0x2  }
0x35: {  	[smem:$0x49] =	sst s12;
	s13 =	spop (v2sf);
	(v2sf) =	vpush v5, $0x3  }
0x36: {  	[smem:$0x50] =	sst s13;
	s14 =	spop (v2sf);
	(v2sf) =	vpush v5, $0x4  }
0x37: {  	[smem:$0x51] =	sst s14;
	s15 =	spop (v2sf);
	(v2sf) =	vpush v5, $0x5  }
0x38: {  	[smem:$0x58] =	sst s15;
	s16 =	spop (v2sf);
	(v2sf) =	vpush v5, $0x6  }
0x39: {  	[smem:$0x59] =	sst s16;
	s17 =	spop (v2sf);
	(v2sf) =	vpush v5, $0x7  }
0x3a: {  	[smem:$0x60] =	sst s17;
	s18 =	spop (v2sf);
	(v2sf) =	vpush v5, $0x8  }
0x3b: {  	[smem:$0x61] =	sst s18;
	s19 =	spop (v2sf);
	(v2sf) =	vpush v5, $0x9  }
0x3c: {  	[smem:$0x68] =	sst s19;
	s20 =	spop (v2sf);
	(v2sf) =	vpush v5, $0xA  }
0x3d: {  	v6 =	vld [tilespmem:$0x30];
	[smem:$0x69] =	sst s20;
	s21 =	spop (v2sf);
	(v2sf) =	vpush v5, $0xB  }
0x3e: {  	[smem:$0x70] =	sst s21;
	s11 =	spop (v2sf);
	(v2sf) =	vpush v5, $0xC  }
0x3f: {  	[smem:$0x71] =	sst s11;
	s12 =	spop (v2sf);
	(v2sf) =	vpush v5, $0xD  }
0x40: {  	[smem:$0x78] =	sst s12;
	s13 =	spop (v2sf);
	(v2sf) =	vpush v5, $0xE  }
0x41: {  	[smem:$0x79] =	sst s13;
	s14 =	spop (v2sf);
	(v2sf) =	vpush v5, $0xF  }
0x42: {  	[smem:$0x80] =	sst s14;
	s15 =	spop (v2sf);
	(v2sf) =	vpush v6, $0x0  }
0x43: {  	[smem:$0x81] =	sst s15;
	s16 =	spop (v2sf);
	(v2sf) =	vpush v6, $0x1  }
0x44: {  	[smem:$0x88] =	sst s16;
	s17 =	spop (v2sf);
	(v2sf) =	vpush v6, $0x2  }
0x45: {  	[smem:$0x89] =	sst s17;
	s18 =	spop (v2sf);
	(v2sf) =	vpush v6, $0x3  }
0x46: {  	[smem:$0x90] =	sst s18;
	s19 =	spop (v2sf);
	(v2sf) =	vpush v6, $0x4  }
0x47: {  	[smem:$0x91] =	sst s19;
	s20 =	spop (v2sf);
	(v2sf) =	vpush v6, $0x5  }
0x48: {  	[smem:$0x98] =	sst s20;
	s21 =	spop (v2sf);
	(v2sf) =	vpush v6, $0x6  }
0x49: {  	[smem:$0x99] =	sst s21;
	s11 =	spop (v2sf);
	(v2sf) =	vpush v6, $0x7  }
0x4a: {  	[smem:$0xA0] =	sst s11;
	s12 =	spop (v2sf);
	(v2sf) =	vpush v6, $0x8  }
0x4b: {  	[smem:$0xA1] =	sst s12;
	s13 =	spop (v2sf);
	(v2sf) =	vpush v6, $0x9  }
0x4c: {  	[smem:$0xA8] =	sst s13;
	s14 =	spop (v2sf);
	(v2sf) =	vpush v6, $0xA  }
0x4d: {  	v5 =	vld [tilespmem:$0x40];
	[smem:$0xA9] =	sst s14;
	s15 =	spop (v2sf);
	(v2sf) =	vpush v6, $0xB  }
0x4e: {  	[smem:$0xB0] =	sst s15;
	s16 =	spop (v2sf);
	(v2sf) =	vpush v6, $0xC  }
0x4f: {  	[smem:$0xB1] =	sst s16;
	s17 =	spop (v2sf);
	(v2sf) =	vpush v6, $0xD  }
0x50: {  	[smem:$0xB8] =	sst s17;
	s18 =	spop (v2sf);
	(v2sf) =	vpush v6, $0xE  }
0x51: {  	[smem:$0xB9] =	sst s18;
	s19 =	spop (v2sf);
	(v2sf) =	vpush v6, $0xF  }
0x52: {  	[smem:$0xC0] =	sst s19;
	s20 =	spop (v2sf);
	(v2sf) =	vpush v5, $0x0  }
0x53: {  	[smem:$0xC1] =	sst s20;
	s21 =	spop (v2sf);
	(v2sf) =	vpush v5, $0x1  }
0x54: {  	[smem:$0xC8] =	sst s21;
	s11 =	spop (v2sf);
	(v2sf) =	vpush v5, $0x2  }
0x55: {  	[smem:$0xC9] =	sst s11;
	s12 =	spop (v2sf);
	(v2sf) =	vpush v5, $0x3  }
0x56: {  	[smem:$0xD0] =	sst s12;
	s13 =	spop (v2sf);
	(v2sf) =	vpush v5, $0x4  }
0x57: {  	[smem:$0xD1] =	sst s13;
	s14 =	spop (v2sf);
	(v2sf) =	vpush v5, $0x5  }
0x58: {  	[smem:$0xD8] =	sst s14;
	s15 =	spop (v2sf);
	(v2sf) =	vpush v5, $0x6  }
0x59: {  	[smem:$0xD9] =	sst s15;
	s16 =	spop (v2sf);
	(v2sf) =	vpush v5, $0x7  }
0x5a: {  	[smem:$0xE0] =	sst s16;
	s17 =	spop (v2sf);
	(v2sf) =	vpush v5, $0x8  }
0x5b: {  	[smem:$0xE1] =	sst s17;
	s18 =	spop (v2sf);
	(v2sf) =	vpush v5, $0x9  }
0x5c: {  	[smem:$0xE8] =	sst s18;
	s19 =	spop (v2sf);
	(v2sf) =	vpush v5, $0xA  }
0x5d: {  	v6 =	vld [tilespmem:$0x50];
	[smem:$0xE9] =	sst s19;
	s20 =	spop (v2sf);
	(v2sf) =	vpush v5, $0xB  }
0x5e: {  	[smem:$0xF0] =	sst s20;
	s21 =	spop (v2sf);
	(v2sf) =	vpush v5, $0xC  }
0x5f: {  	[smem:$0xF1] =	sst s21;
	s11 =	spop (v2sf);
	(v2sf) =	vpush v5, $0xD  }
0x60: {  	[smem:$0xF8] =	sst s11;
	s12 =	spop (v2sf);
	(v2sf) =	vpush v5, $0xE  }
0x61: {  	[smem:$0xF9] =	sst s12;
	s13 =	spop (v2sf);
	(v2sf) =	vpush v5, $0xF  }
0x62: {  	[smem:$0x100] =	sst s13;
	s14 =	spop (v2sf);
	(v2sf) =	vpush v6, $0x0  }
0x63: {  	[smem:$0x101] =	sst s14;
	s15 =	spop (v2sf);
	(v2sf) =	vpush v6, $0x1  }
0x64: {  	[smem:$0x108] =	sst s15;
	s16 =	spop (v2sf);
	(v2sf) =	vpush v6, $0x2  }
0x65: {  	[smem:$0x109] =	sst s16;
	s17 =	spop (v2sf);
	(v2sf) =	vpush v6, $0x3  }
0x66: {  	[smem:$0x110] =	sst s17;
	s18 =	spop (v2sf);
	(v2sf) =	vpush v6, $0x4  }
0x67: {  	[smem:$0x111] =	sst s18;
	s19 =	spop (v2sf);
	(v2sf) =	vpush v6, $0x5  }
0x68: {  	[smem:$0x118] =	sst s19;
	s20 =	spop (v2sf);
	(v2sf) =	vpush v6, $0x6  }
0x69: {  	[smem:$0x119] =	sst s20;
	s21 =	spop (v2sf);
	(v2sf) =	vpush v6, $0x7  }
0x6a: {  	[smem:$0x120] =	sst s21;
	s11 =	spop (v2sf);
	(v2sf) =	vpush v6, $0x8  }
0x6b: {  	[smem:$0x121] =	sst s11;
	s12 =	spop (v2sf);
	(v2sf) =	vpush v6, $0x9  }
0x6c: {  	[smem:$0x128] =	sst s12;
	s13 =	spop (v2sf);
	(v2sf) =	vpush v6, $0xA  }
0x6d: {  	v5 =	vld [tilespmem:$0x60];
	[smem:$0x129] =	sst s13;
	s14 =	spop (v2sf);
	(v2sf) =	vpush v6, $0xB  }
0x6e: {  	[smem:$0x130] =	sst s14;
	s15 =	spop (v2sf);
	(v2sf) =	vpush v6, $0xC  }
0x6f: {  	[smem:$0x131] =	sst s15;
	s16 =	spop (v2sf);
	(v2sf) =	vpush v6, $0xD  }
0x70: {  	[smem:$0x138] =	sst s16;
	s17 =	spop (v2sf);
	(v2sf) =	vpush v6, $0xE  }
0x71: {  	[smem:$0x139] =	sst s17;
	s18 =	spop (v2sf);
	(v2sf) =	vpush v6, $0xF  }
0x72: {  	[smem:$0x140] =	sst s18;
	s19 =	spop (v2sf);
	(v2sf) =	vpush v5, $0x0  }
0x73: {  	[smem:$0x141] =	sst s19;
	s20 =	spop (v2sf);
	(v2sf) =	vpush v5, $0x1  }
0x74: {  	[smem:$0x148] =	sst s20;
	s21 =	spop (v2sf);
	(v2sf) =	vpush v5, $0x2  }
0x75: {  	[smem:$0x149] =	sst s21;
	s11 =	spop (v2sf);
	(v2sf) =	vpush v5, $0x3  }
0x76: {  	[smem:$0x150] =	sst s11;
	s12 =	spop (v2sf);
	(v2sf) =	vpush v5, $0x4  }
0x77: {  	[smem:$0x151] =	sst s12;
	s13 =	spop (v2sf);
	(v2sf) =	vpush v5, $0x5  }
0x78: {  	[smem:$0x158] =	sst s13;
	s14 =	spop (v2sf);
	(v2sf) =	vpush v5, $0x6  }
0x79: {  	[smem:$0x159] =	sst s14;
	s15 =	spop (v2sf);
	(v2sf) =	vpush v5, $0x7  }
0x7a: {  	[smem:$0x160] =	sst s15;
	s16 =	spop (v2sf);
	(v2sf) =	vpush v5, $0x8  }
0x7b: {  	[smem:$0x161] =	sst s16;
	s17 =	spop (v2sf);
	(v2sf) =	vpush v5, $0x9  }
0x7c: {  	[smem:$0x168] =	sst s17;
	s18 =	spop (v2sf);
	(v2sf) =	vpush v5, $0xA  }
0x7d: {  	[smem:$0x169] =	sst s18;
	s19 =	spop (v2sf);
	(v2sf) =	vpush v5, $0xB  }
0x7e: {  	[smem:$0x170] =	sst s19;
	s20 =	spop (v2sf)  }
0x7f: {  	[smem:$0x171] =	sst s20;
	s21 =	spop (v2sf);
	(v2sf) =	vpush v5, $0xC  }
0x80: {  	[smem:$0x178] =	sst s21;
	s11 =	spop (v2sf)  }
0x81: {  	[smem:$0x179] =	sst s11;
	s12 =	spop (v2sf)  }
0x82: {  	[smem:$0x180] =	sst s12;
	s13 =	spop (v2sf)  }
0x83: {  	[smem:$0x181] =	sst s13;
	s14 =	spop (v2sf)  }
0x84: {  	[smem:$0x188] =	sst s14;
	s15 =	spop (v2sf)  }
0x85: {  	[smem:$0x189] =	sst s15;
	s16 =	spop (v2sf)  }
0x86: {  	[smem:$0x190] =	sst s16;
	s17 =	spop (v2sf)  }
0x87: {  	[smem:$0x191] =	sst s17;
	s18 =	spop (v2sf)  }
0x88: {  	[smem:$0x198] =	sst s18;
	s19 =	spop (v2sf)  }
0x89: {  	[smem:$0x199] =	sst s19;
	s20 =	spop (v2sf)  }
0x8a: {  	[smem:$0x1A0] =	sst s20;
	s21 =	spop (v2sf)  }
0x8b: {  	[smem:$0x1A1] =	sst s21;
	s11 =	spop (v2sf)  }
0x8c: {  	[smem:$0x1A8] =	sst s11;
	s12 =	spop (v2sf)  }
0x8d: {  	[smem:$0x1A9] =	sst s12  }
0x8e: {  	s1 =	spop (v2sf)  }
0x8f: {  	v6 =	vld [tilespmem:$0x70];
	_ =	sdelay $0x1  }
0x90: {  	(v2sf) =	vpush v5, $0xD  }
0x91: {  	(v2sf) =	vpush v5, $0xE  }
0x92: {  	(v2sf) =	vpush v5, $0xF  }
0x93: {  	(v2sf) =	vpush v6, $0x0  }
0x94: {  	(v2sf) =	vpush v6, $0x1  }
0x95: {  	(v2sf) =	vpush v6, $0x2  }
0x96: {  	(v2sf) =	vpush v6, $0x3  }
0x97: {  	(v2sf) =	vpush v6, $0x4  }
0x98: {  	(v2sf) =	vpush v6, $0x5  }
0x99: {  	(v2sf) =	vpush v6, $0x6  }
0x9a: {  	(v2sf) =	vpush v6, $0x7  }
0x9b: {  	(v2sf) =	vpush v6, $0x8  }
0x9c: {  	(v2sf) =	vpush v6, $0x9  }
0x9d: {  	(v2sf) =	vpush v6, $0xA  }
0x9e: {  	v5 =	vld [tilespmem:$0x80];
	(v2sf) =	vpush v6, $0xB  }
0x9f: {  	[smem:$0x1B0] =	sst s1;
	s13 =	spop (v2sf);
	(v2sf) =	vpush v6, $0xC  }
0xa0: {  	[smem:$0x1B1] =	sst s13;
	s14 =	spop (v2sf);
	(v2sf) =	vpush v6, $0xD  }
0xa1: {  	[smem:$0x1B8] =	sst s14;
	s15 =	spop (v2sf);
	(v2sf) =	vpush v6, $0xE  }
0xa2: {  	[smem:$0x1B9] =	sst s15;
	s16 =	spop (v2sf);
	(v2sf) =	vpush v6, $0xF  }
0xa3: {  	[smem:$0x1C0] =	sst s16;
	s17 =	spop (v2sf);
	(v2sf) =	vpush v5, $0x0  }
0xa4: {  	[smem:$0x1C1] =	sst s17;
	s18 =	spop (v2sf);
	(v2sf) =	vpush v5, $0x1  }
0xa5: {  	[smem:$0x1C8] =	sst s18;
	s19 =	spop (v2sf);
	(v2sf) =	vpush v5, $0x2  }
0xa6: {  	[smem:$0x1C9] =	sst s19;
	s20 =	spop (v2sf);
	(v2sf) =	vpush v5, $0x3  }
0xa7: {  	[smem:$0x1D0] =	sst s20;
	s21 =	spop (v2sf);
	(v2sf) =	vpush v5, $0x4  }
0xa8: {  	[smem:$0x1D1] =	sst s21;
	s11 =	spop (v2sf);
	(v2sf) =	vpush v5, $0x5  }
0xa9: {  	[smem:$0x1D8] =	sst s11;
	s12 =	spop (v2sf);
	(v2sf) =	vpush v5, $0x6  }
0xaa: {  	[smem:$0x1D9] =	sst s12;
	s13 =	spop (v2sf);
	(v2sf) =	vpush v5, $0x7  }
0xab: {  	[smem:$0x1E0] =	sst s13;
	s14 =	spop (v2sf);
	(v2sf) =	vpush v5, $0x8  }
0xac: {  	[smem:$0x1E1] =	sst s14;
	s15 =	spop (v2sf);
	(v2sf) =	vpush v5, $0x9  }
0xad: {  	[smem:$0x1E8] =	sst s15;
	s16 =	spop (v2sf);
	(v2sf) =	vpush v5, $0xA  }
0xae: {  	v6 =	vld [tilespmem:$0x90];
	[smem:$0x1E9] =	sst s16;
	s17 =	spop (v2sf);
	(v2sf) =	vpush v5, $0xB  }
0xaf: {  	[smem:$0x1F0] =	sst s17;
	s18 =	spop (v2sf);
	(v2sf) =	vpush v5, $0xC  }
0xb0: {  	[smem:$0x1F1] =	sst s18;
	s19 =	spop (v2sf);
	(v2sf) =	vpush v5, $0xD  }
0xb1: {  	[smem:$0x1F8] =	sst s19;
	s20 =	spop (v2sf);
	(v2sf) =	vpush v5, $0xE  }
0xb2: {  	[smem:$0x1F9] =	sst s20;
	s21 =	spop (v2sf);
	(v2sf) =	vpush v5, $0xF  }
0xb3: {  	[smem:$0x200] =	sst s21;
	s11 =	spop (v2sf);
	(v2sf) =	vpush v6, $0x0  }
0xb4: {  	[smem:$0x201] =	sst s11;
	s12 =	spop (v2sf);
	(v2sf) =	vpush v6, $0x1  }
0xb5: {  	[smem:$0x208] =	sst s12;
	s13 =	spop (v2sf);
	(v2sf) =	vpush v6, $0x2  }
0xb6: {  	[smem:$0x209] =	sst s13;
	s14 =	spop (v2sf);
	(v2sf) =	vpush v6, $0x3  }
0xb7: {  	[smem:$0x210] =	sst s14;
	s15 =	spop (v2sf);
	(v2sf) =	vpush v6, $0x4  }
0xb8: {  	[smem:$0x211] =	sst s15;
	s16 =	spop (v2sf);
	(v2sf) =	vpush v6, $0x5  }
0xb9: {  	[smem:$0x218] =	sst s16;
	s17 =	spop (v2sf);
	(v2sf) =	vpush v6, $0x6  }
0xba: {  	[smem:$0x219] =	sst s17;
	s18 =	spop (v2sf);
	(v2sf) =	vpush v6, $0x7  }
0xbb: {  	[smem:$0x220] =	sst s18;
	s19 =	spop (v2sf);
	(v2sf) =	vpush v6, $0x8  }
0xbc: {  	[smem:$0x221] =	sst s19;
	s20 =	spop (v2sf);
	(v2sf) =	vpush v6, $0x9  }
0xbd: {  	[smem:$0x228] =	sst s20;
	s21 =	spop (v2sf);
	(v2sf) =	vpush v6, $0xA  }
0xbe: {  	v5 =	vld [tilespmem:$0xA0];
	[smem:$0x229] =	sst s21;
	s11 =	spop (v2sf);
	(v2sf) =	vpush v6, $0xB  }
0xbf: {  	[smem:$0x230] =	sst s11;
	s12 =	spop (v2sf);
	(v2sf) =	vpush v6, $0xC  }
0xc0: {  	[smem:$0x231] =	sst s12;
	s13 =	spop (v2sf);
	(v2sf) =	vpush v6, $0xD  }
0xc1: {  	[smem:$0x238] =	sst s13;
	s14 =	spop (v2sf);
	(v2sf) =	vpush v6, $0xE  }
0xc2: {  	[smem:$0x239] =	sst s14;
	s15 =	spop (v2sf);
	(v2sf) =	vpush v6, $0xF  }
0xc3: {  	[smem:$0x240] =	sst s15;
	s16 =	spop (v2sf);
	(v2sf) =	vpush v5, $0x0  }
0xc4: {  	[smem:$0x241] =	sst s16;
	s17 =	spop (v2sf);
	(v2sf) =	vpush v5, $0x1  }
0xc5: {  	[smem:$0x248] =	sst s17;
	s18 =	spop (v2sf);
	(v2sf) =	vpush v5, $0x2  }
0xc6: {  	[smem:$0x249] =	sst s18;
	s19 =	spop (v2sf)  }
0xc7: {  	(v2sf) =	vpush v5, $0x3;
	[smem:$0x250] =	sst s19;
	s20 =	spop (v2sf)  }
0xc8: {  	(v2sf) =	vpush v5, $0x4;
	[smem:$0x251] =	sst s20;
	s21 =	spop (v2sf)  }
0xc9: {  	(v2sf) =	vpush v5, $0x5;
	[smem:$0x258] =	sst s21;
	s11 =	spop (v2sf)  }
0xca: {  	(v2sf) =	vpush v5, $0x6;
	[smem:$0x259] =	sst s11;
	s12 =	spop (v2sf)  }
0xcb: {  	(v2sf) =	vpush v5, $0x7;
	[smem:$0x260] =	sst s12;
	s13 =	spop (v2sf)  }
0xcc: {  	(v2sf) =	vpush v5, $0x8;
	[smem:$0x261] =	sst s13;
	s14 =	spop (v2sf)  }
0xcd: {  	(v2sf) =	vpush v5, $0x9;
	[smem:$0x268] =	sst s14;
	s15 =	spop (v2sf)  }
0xce: {  	(v2sf) =	vpush v5, $0xA;
	s11 =	spop (v2sf);
	[smem:$0x269] =	sst s15  }
0xcf: {  	(v2sf) =	vpush v5, $0xB;
	[smem:$0x270] =	sst s11;
	s16 =	spop (v2sf)  }
0xd0: {  	(v2sf) =	vpush v5, $0xC;
	[smem:$0x271] =	sst s16;
	s17 =	spop (v2sf)  }
0xd1: {  	v9 =	vld [tilespmem:$0xB0];
	(v2sf) =	vpush v5, $0xD;
	[smem:$0x278] =	sst s17;
	s18 =	spop (v2sf)  }
0xd2: {  	[smem:$0x279] =	sst s18;
	s19 =	spop (v2sf)  }
0xd3: {  	(v2sf) =	vpush v5, $0xE;
	s20 =	spop (v2sf);
	[smem:$0x280] =	sst s19  }
0xd4: {  	s21 =	spop (v2sf);
	[smem:$0x281] =	sst s20  }
0xd5: {  	(v2sf) =	vpush v5, $0xF;
	[smem:$0x288] =	sst s21  }
0xd6: {  	(v2sf) =	vpush v9, $0x0;
	s12 =	spop (v2sf);
	s21 =	sld [smem:$0x1]  }
0xd7: {  	(v2sf) =	vpush v9, $0x1;
	s13 =	spop (v2sf);
	[smem:$0x289] =	sst s12  }
0xd8: {  	s14 =	spop (v2sf);
	[smem:$0x290] =	sst s13  }
0xd9: {  	[smem:$0x291] =	sst s14;
	s15 =	spop (v2sf)  }
0xda: {  	s16 =	spop (v2sf);
	[smem:$0x298] =	sst s15  }
0xdb: {  	[smem:$0x299] =	sst s16;
	s17 =	spop (v2sf)  }
0xdc: {  	[smem:$0x2A0] =	sst s17;
	s18 =	spop (v2sf)  }
0xdd: {  	p0 =	slt.s32 s21, $0x1;
	[smem:$0x2A1] =	sst s18;
	s19 =	spop (v2sf)  }
0xde: {  	s16 =	sand.u32 $0x7, s21;
	[smem:$0x2A8] =	sst s19;
	s20 =	spop (v2sf)  }
0xdf: {  	p1 =	sne.s32 s16, $0x0;
	[smem:$0x2A9] =	sst s20;
	s12 =	spop (v2sf)  }
0xe0: {  	(v2sf) =	vpush v9, $0x2;
	p0 =	por !p0, !p1;
	[smem:$0x2B0] =	sst s12;
	s13 =	spop (v2sf)  }
0xe1: {  	(v2sf) =	vpush v9, $0x3;
	p0 =	por !p0, !p0;
	s12 =	sshra.s32 s21, $0x1F;
	[smem:$0x2B1] =	sst s13  }
0xe2: {  	s14 =	spop (v2sf);
	s15 =	sshrl.u32 s12, $0x1D;
	s13 =	sld [smem:$0x0]  }
0xe3: {  	(v2sf) =	vpush v9, $0x4;
	s12 =	simm.s32 $0x1;
	[smem:$0x2B8] =	sst s14;
	s1 =	sadd.s32 s15, s21  }
0xe4: {  	(v2sf) =	vpush v9, $0x5;
	s17 =	spop (v2sf);
	s12 =	simm.s32 @!p0 $0x0;
	s21 =	sld [smem:$0x9]  }
0xe5: {  	[smem:$0x2B9] =	sst s17;
	s1 =	sshrl.u32 s1, $0x3;
	s19 =	spop (v2sf)  }
0xe6: {  	(v2sf) =	vpush v9, $0x6;
	s18 =	sshll.u32 s13, $0x8;
	[smem:$0x2C0] =	sst s19;
	s20 =	spop (v2sf)  }
0xe7: {  	(v2sf) =	vpush v9, $0x7;
	s15 =	simm.s32 $0x100;
	s1 =	sadd.s32 s1, s18;
	[smem:$0x2C1] =	sst s20  }
0xe8: {  	s17 =	sshra.s32 s21, $0x1F;
	s19 =	sand.u32 $0x7, s21;
	s20 =	sld [smem:$0x8]  }
0xe9: {  	v8 =	vld [tilespmem:$0xC0];
	p1 =	slt.s32 s21, $0x1;
	s1 =	ssub.s32 s1, s12;
	s18 =	sshrl.u32 s17, $0x1D  }
0xea: {  	v7 =	vld [tilespmem:$0xD0];
	(v2sf) =	vpush v9, $0x8;
	p2 =	sne.s32 s19, $0x0;
	s12 =	simm.s32 $0x1;
	s1 =	sand.u32 $0x1FFFFFFF, s1  }
0xeb: {  	v6 =	vld [tilespmem:$0xE0];
	s17 =	sld [smem:$0x11];
	p0 =	por !p1, !p2;
	s1 =	sadd.s32 s4, s1  }
0xec: {  	v5 =	vld [tilespmem:$0xF0];
	(v2sf) =	vpush v9, $0x9;
	[tilespmem:s15], [sflag:$0x1] =	stream.strided.gather [hbm4b:s1+s9], $0x480, s10, s9, $0x38  }
0xed: {  	s19 =	simm.s32 $0x580;
	p0 =	por !p0, !p0;
	s1 =	sadd.s32 s18, s21  }
0xee: {  	s12 =	simm.s32 @!p0 $0x0;
	s13 =	sand.u32 $0x7, s17;
	p3 =	slt.s32 s17, $0x1  }
0xef: {  	s1 =	sshrl.u32 s1, $0x3;
	p4 =	sne.s32 s13, $0x0;
	s14 =	spop (v2sf)  }
0xf0: {  	p0 =	por !p3, !p4;
	[smem:$0x2C8] =	sst s14;
	s16 =	spop (v2sf)  }
0xf1: {  	s14 =	sshll.u32 s20, $0x8;
	p0 =	por !p0, !p0;
	[smem:$0x2C9] =	sst s16  }
0xf2: {  	s21 =	spop (v2sf);
	s1 =	sadd.s32 s1, s14;
	s14 =	sld [smem:$0x10]  }
0xf3: {  	(v2sf) =	vpush v9, $0xA;
	[smem:$0x2D0] =	sst s21;
	s15 =	spop (v2sf);
	s1 =	ssub.s32 s1, s12  }
0xf4: {  	(v2sf) =	vpush v9, $0xB;
	s21 =	sshra.s32 s17, $0x1F;
	s12 =	simm.s32 $0x1;
	[smem:$0x2D1] =	sst s15  }
0xf5: {  	(v2sf) =	vpush v9, $0xC;
	s16 =	spop (v2sf);
	s1 =	sand.u32 $0x1FFFFFFF, s1;
	s11 =	sshrl.u32 s21, $0x1D  }
0xf6: {  	(v2sf) =	vpush v9, $0xD;
	[smem:$0x2D8] =	sst s16;
	s18 =	spop (v2sf);
	s1 =	sadd.s32 s4, s1  }
0xf7: {  	(v2sf) =	vpush v9, $0xE;
	[tilespmem:s19], [sflag:$0x1] =	stream.strided.gather [hbm4b:s1+s9], $0x480, s10, s9, $0x38;
	[tilespmem:$0x11100] =	vst v63  }
0xf8: {  	s12 =	simm.s32 @!p0 $0x0;
	s21 =	simm.s32 $0xA00;
	[smem:$0x2D9] =	sst s18;
	(v2sf) =	vpush v9, $0xF  }
0xf9: {  	s20 =	spop (v2sf);
	s1 =	sadd.s32 s11, s17;
	s19 =	sld [smem:$0x19];
	(v2sf) =	vpush v8, $0x0  }
0xfa: {  	s16 =	sshll.u32 s14, $0x8;
	[smem:$0x2E0] =	sst s20;
	s1 =	sshrl.u32 s1, $0x3  }
0xfb: {  	s15 =	spop (v2sf);
	s1 =	sadd.s32 s1, s16;
	s16 =	sld [smem:$0x18]  }
0xfc: {  	[smem:$0x2E1] =	sst s15;
	s1 =	ssub.s32 s1, s12;
	s13 =	sshra.s32 s19, $0x1F  }
0xfd: {  	(v2sf) =	vpush v8, $0x1;
	s15 =	sand.u32 $0x7, s19;
	p5 =	slt.s32 s19, $0x1;
	s1 =	sand.u32 $0x1FFFFFFF, s1  }
0xfe: {  	s12 =	simm.s32 $0x1;
	p6 =	sne.s32 s15, $0x0;
	s1 =	sadd.s32 s4, s1  }
0xff: {  	[tilespmem:s21], [sflag:$0x1] =	stream.strided.gather [hbm4b:s1+s9], $0x480, s10, s9, $0x38;
	[tilespmem:$0x11100] =	vst v63  }
0x100: {  	s14 =	sshrl.u32 s13, $0x1D;
	p0 =	por !p5, !p6;
	s21 =	sld [smem:$0x21]  }
0x101: {  	s15 =	simm.s32 $0xE80;
	s1 =	sadd.s32 s14, s19;
	p0 =	por !p0, !p0  }
0x102: {  	s1 =	sshrl.u32 s1, $0x3;
	s12 =	simm.s32 @!p0 $0x0;
	s17 =	spop (v2sf)  }
0x103: {  	p1 =	slt.s32 s21, $0x1;
	(v2sf) =	vpush v8, $0x2;
	[smem:$0x2E8] =	sst s17;
	s18 =	spop (v2sf)  }
0x104: {  	[smem:$0x2E9] =	sst s18;
	s20 =	spop (v2sf);
	s18 =	sshll.u32 s16, $0x8  }
0x105: {  	(v2sf) =	vpush v8, $0x3;
	[smem:$0x2F0] =	sst s20;
	s11 =	spop (v2sf);
	s1 =	sadd.s32 s1, s18  }
0x106: {  	[smem:$0x2F1] =	sst s11;
	s17 =	spop (v2sf);
	s1 =	ssub.s32 s1, s12  }
0x107: {  	(v2sf) =	vpush v8, $0x4;
	s12 =	simm.s32 $0x1;
	[smem:$0x2F8] =	sst s17;
	s19 =	spop (v2sf)  }
0x108: {  	(v2sf) =	vpush v8, $0x5;
	s1 =	sand.u32 $0x1FFFFFFF, s1;
	[smem:$0x2F9] =	sst s19;
	s20 =	spop (v2sf)  }
0x109: {  	(v2sf) =	vpush v8, $0x6;
	s17 =	sshra.s32 s21, $0x1F;
	s1 =	sadd.s32 s4, s1;
	[smem:$0x300] =	sst s20  }
0x10a: {  	(v2sf) =	vpush v8, $0x7;
	[tilespmem:s15], [sflag:$0x1] =	stream.strided.gather [hbm4b:s1+s9], $0x480, s10, s9, $0x38;
	[tilespmem:$0x11100] =	vst v63  }
0x10b: {  	s18 =	sshrl.u32 s17, $0x1D;
	s19 =	sand.u32 $0x7, s21;
	s20 =	sld [smem:$0x20]  }
0x10c: {  	s17 =	sld [smem:$0x29];
	s14 =	spop (v2sf);
	p2 =	sne.s32 s19, $0x0  }
0x10d: {  	s1 =	sadd.s32 s18, s21;
	[smem:$0x301] =	sst s14;
	p0 =	por !p1, !p2  }
0x10e: {  	(v2sf) =	vpush v8, $0x8;
	s1 =	sshrl.u32 s1, $0x3;
	p0 =	por !p0, !p0;
	s14 =	sshll.u32 s20, $0x8  }
0x10f: {  	s19 =	simm.s32 $0x1300;
	s12 =	simm.s32 @!p0 $0x0;
	s1 =	sadd.s32 s1, s14  }
0x110: {  	s13 =	sand.u32 $0x7, s17;
	p3 =	slt.s32 s17, $0x1;
	s1 =	ssub.s32 s1, s12  }
0x111: {  	p4 =	sne.s32 s13, $0x0;
	s14 =	sld [smem:$0x28];
	s1 =	sand.u32 $0x1FFFFFFF, s1  }
0x112: {  	p0 =	por !p3, !p4;
	s1 =	sadd.s32 s4, s1;
	s16 =	spop (v2sf)  }
0x113: {  	(v2sf) =	vpush v8, $0x9;
	[tilespmem:s19], [sflag:$0x1] =	stream.strided.gather [hbm4b:s1+s9], $0x480, s10, s9, $0x38;
	[tilespmem:$0x11100] =	vst v63  }
0x114: {  	p0 =	por !p0, !p0;
	s12 =	simm.s32 $0x1;
	s21 =	spop (v2sf);
	(v2sf) =	vpush v8, $0xA  }
0x115: {  	s12 =	simm.s32 @!p0 $0x0;
	[smem:$0x308] =	sst s16;
	(v2sf) =	vpush v8, $0xB  }
0x116: {  	[smem:$0x309] =	sst s21;
	s21 =	sshra.s32 s17, $0x1F;
	s15 =	spop (v2sf);
	(v2sf) =	vpush v8, $0xC  }
0x117: {  	s19 =	sld [smem:$0x31];
	s11 =	sshrl.u32 s21, $0x1D;
	s16 =	spop (v2sf);
	(v2sf) =	vpush v8, $0xD  }
0x118: {  	s21 =	simm.s32 $0x1780;
	[smem:$0x310] =	sst s15;
	s18 =	spop (v2sf)  }
0x119: {  	s1 =	sadd.s32 s11, s17;
	[smem:$0x311] =	sst s16;
	s20 =	spop (v2sf);
	(v2sf) =	vpush v8, $0xE  }
0x11a: {  	s1 =	sshrl.u32 s1, $0x3;
	s16 =	sshll.u32 s14, $0x8;
	[smem:$0x318] =	sst s18;
	(v2sf) =	vpush v8, $0xF  }
0x11b: {  	s13 =	sshra.s32 s19, $0x1F;
	s1 =	sadd.s32 s1, s16;
	s16 =	sld [smem:$0x30]  }
0x11c: {  	p5 =	slt.s32 s19, $0x1;
	s14 =	sshrl.u32 s13, $0x1D;
	[smem:$0x319] =	sst s20  }
0x11d: {  	s15 =	spop (v2sf);
	s1 =	ssub.s32 s1, s12;
	s12 =	simm.s32 $0x1  }
0x11e: {  	[smem:$0x320] =	sst s15;
	(v2sf) =	vpush v7, $0x0;
	s1 =	sand.u32 $0x1FFFFFFF, s1;
	s15 =	sand.u32 $0x7, s19  }
0x11f: {  	s1 =	sadd.s32 s4, s1;
	p6 =	sne.s32 s15, $0x0;
	s15 =	simm.s32 $0x1C00  }
0x120: {  	[tilespmem:s21], [sflag:$0x1] =	stream.strided.gather [hbm4b:s1+s9], $0x480, s10, s9, $0x38;
	[tilespmem:$0x11100] =	vst v63  }
0x121: {  	s1 =	sadd.s32 s14, s19;
	p0 =	por !p5, !p6;
	s21 =	sld [smem:$0x39]  }
0x122: {  	s1 =	sshrl.u32 s1, $0x3;
	p0 =	por !p0, !p0;
	s17 =	spop (v2sf)  }
0x123: {  	s12 =	simm.s32 @!p0 $0x0;
	(v2sf) =	vpush v7, $0x1;
	[smem:$0x321] =	sst s17;
	s18 =	spop (v2sf)  }
0x124: {  	(v2sf) =	vpush v7, $0x2;
	[smem:$0x328] =	sst s18;
	s20 =	spop (v2sf);
	s18 =	sshll.u32 s16, $0x8  }
0x125: {  	[smem:$0x329] =	sst s20;
	s11 =	spop (v2sf);
	s1 =	sadd.s32 s1, s18  }
0x126: {  	(v2sf) =	vpush v7, $0x3;
	[smem:$0x330] =	sst s11;
	s17 =	spop (v2sf);
	s1 =	ssub.s32 s1, s12  }
0x127: {  	(v2sf) =	vpush v7, $0x4;
	[smem:$0x331] =	sst s17;
	s1 =	sand.u32 $0x1FFFFFFF, s1;
	s17 =	sshra.s32 s21, $0x1F  }
0x128: {  	(v2sf) =	vpush v7, $0x5;
	s19 =	spop (v2sf);
	s18 =	sshrl.u32 s17, $0x1D;
	s17 =	sld [smem:$0x41]  }
0x129: {  	(v2sf) =	vpush v7, $0x6;
	s1 =	sadd.s32 s4, s1;
	[smem:$0x338] =	sst s19;
	s20 =	spop (v2sf)  }
0x12a: {  	[tilespmem:s15], [sflag:$0x1] =	stream.strided.gather [hbm4b:s1+s9], $0x480, s10, s9, $0x38;
	[tilespmem:$0x11100] =	vst v63  }
0x12b: {  	p1 =	slt.s32 s21, $0x1;
	s12 =	simm.s32 $0x1;
	[smem:$0x339] =	sst s20  }
0x12c: {  	s1 =	sadd.s32 s18, s21;
	s19 =	sand.u32 $0x7, s21;
	s20 =	sld [smem:$0x38]  }
0x12d: {  	s14 =	spop (v2sf);
	p2 =	sne.s32 s19, $0x0;
	s1 =	sshrl.u32 s1, $0x3  }
0x12e: {  	(v2sf) =	vpush v7, $0x7;
	[smem:$0x340] =	sst s14;
	p0 =	por !p1, !p2;
	s13 =	sand.u32 $0x7, s17  }
0x12f: {  	p3 =	slt.s32 s17, $0x1;
	p0 =	por !p0, !p0;
	s14 =	sshll.u32 s20, $0x8  }
0x130: {  	p4 =	sne.s32 s13, $0x0;
	s12 =	simm.s32 @!p0 $0x0;
	s1 =	sadd.s32 s1, s14  }
0x131: {  	s19 =	simm.s32 $0x2080;
	p0 =	por !p3, !p4;
	s1 =	ssub.s32 s1, s12  }
0x132: {  	s14 =	sld [smem:$0x40];
	s1 =	sand.u32 $0x1FFFFFFF, s1;
	s16 =	spop (v2sf);
	(v2sf) =	vpush v7, $0x8  }
0x133: {  	p0 =	por !p0, !p0;
	s1 =	sadd.s32 s4, s1;
	s21 =	spop (v2sf)  }
0x134: {  	(v2sf) =	vpush v7, $0x9;
	[tilespmem:s19], [sflag:$0x1] =	stream.strided.gather [hbm4b:s1+s9], $0x480, s10, s9, $0x38;
	[tilespmem:$0x11100] =	vst v63  }
0x135: {  	s12 =	simm.s32 $0x1;
	[smem:$0x341] =	sst s16;
	(v2sf) =	vpush v7, $0xA;
	s15 =	spop (v2sf)  }
0x136: {  	s12 =	simm.s32 @!p0 $0x0;
	s19 =	sld [smem:$0x49];
	(v2sf) =	vpush v7, $0xB;
	s16 =	spop (v2sf)  }
0x137: {  	[smem:$0x348] =	sst s21;
	s21 =	sshra.s32 s17, $0x1F;
	(v2sf) =	vpush v7, $0xC;
	s18 =	spop (v2sf)  }
0x138: {  	s11 =	sshrl.u32 s21, $0x1D;
	s21 =	simm.s32 $0x2500;
	s20 =	spop (v2sf);
	(v2sf) =	vpush v7, $0xD  }
0x139: {  	[smem:$0x349] =	sst s15;
	s1 =	sadd.s32 s11, s17;
	s13 =	sshra.s32 s19, $0x1F;
	(v2sf) =	vpush v7, $0xE  }
0x13a: {  	[smem:$0x350] =	sst s16;
	s1 =	sshrl.u32 s1, $0x3;
	s16 =	sshll.u32 s14, $0x8  }
0x13b: {  	p5 =	slt.s32 s19, $0x1;
	[smem:$0x351] =	sst s18;
	s1 =	sadd.s32 s1, s16  }
0x13c: {  	s14 =	sshrl.u32 s13, $0x1D;
	s16 =	sld [smem:$0x48];
	s1 =	ssub.s32 s1, s12  }
0x13d: {  	[smem:$0x358] =	sst s20;
	s15 =	spop (v2sf);
	(v2sf) =	vpush v7, $0xF;
	s1 =	sand.u32 $0x1FFFFFFF, s1  }
0x13e: {  	[smem:$0x359] =	sst s15;
	s1 =	sadd.s32 s4, s1;
	s15 =	sand.u32 $0x7, s19  }
0x13f: {  	[tilespmem:s21], [sflag:$0x1] =	stream.strided.gather [hbm4b:s1+s9], $0x480, s10, s9, $0x38;
	[tilespmem:$0x11100] =	vst v63  }
0x140: {  	s12 =	simm.s32 $0x1;
	s1 =	sadd.s32 s14, s19;
	p6 =	sne.s32 s15, $0x0  }
0x141: {  	s21 =	sld [smem:$0x51];
	p0 =	por !p5, !p6;
	s17 =	spop (v2sf);
	(v2sf) =	vpush v6, $0x0  }
0x142: {  	s15 =	simm.s32 $0x2980;
	s1 =	sshrl.u32 s1, $0x3;
	p0 =	por !p0, !p0  }
0x143: {  	s12 =	simm.s32 @!p0 $0x0;
	[smem:$0x360] =	sst s17;
	s18 =	spop (v2sf);
	(v2sf) =	vpush v6, $0x1  }
0x144: {  	[smem:$0x361] =	sst s18;
	s20 =	spop (v2sf);
	s18 =	sshll.u32 s16, $0x8  }
0x145: {  	p1 =	slt.s32 s21, $0x1;
	s11 =	spop (v2sf);
	(v2sf) =	vpush v6, $0x2;
	s1 =	sadd.s32 s1, s18  }
0x146: {  	[smem:$0x368] =	sst s20;
	s17 =	spop (v2sf);
	s1 =	ssub.s32 s1, s12  }
0x147: {  	(v2sf) =	vpush v6, $0x3;
	[smem:$0x370] =	sst s17;
	s1 =	sand.u32 $0x1FFFFFFF, s1;
	s19 =	spop (v2sf)  }
0x148: {  	(v2sf) =	vpush v6, $0x4;
	s1 =	sadd.s32 s4, s1;
	[smem:$0x371] =	sst s19;
	s20 =	spop (v2sf)  }
0x149: {  	(v2sf) =	vpush v6, $0x5;
	[tilespmem:s15], [sflag:$0x1] =	stream.strided.gather [hbm4b:s1+s9], $0x480, s10, s9, $0x38;
	[tilespmem:$0x11100] =	vst v63  }
0x14a: {  	s12 =	simm.s32 $0x1;
	s17 =	sshra.s32 s21, $0x1F;
	[smem:$0x378] =	sst s20  }
0x14b: {  	s18 =	sshrl.u32 s17, $0x1D;
	s19 =	sand.u32 $0x7, s21;
	s20 =	sld [smem:$0x50]  }
0x14c: {  	s1 =	sadd.s32 s18, s21;
	s14 =	spop (v2sf);
	(v2sf) =	vpush v6, $0x6;
	p2 =	sne.s32 s19, $0x0  }
0x14d: {  	s17 =	sld [smem:$0x59];
	s1 =	sshrl.u32 s1, $0x3;
	p0 =	por !p1, !p2  }
0x14e: {  	[smem:$0x379] =	sst s14;
	p0 =	por !p0, !p0;
	s14 =	sshll.u32 s20, $0x8  }
0x14f: {  	[smem:$0x369] =	sst s11;
	s12 =	simm.s32 @!p0 $0x0;
	s1 =	sadd.s32 s1, s14  }
0x150: {  	s19 =	simm.s32 $0x2E00;
	s1 =	ssub.s32 s1, s12;
	s16 =	spop (v2sf);
	(v2sf) =	vpush v6, $0x7  }
0x151: {  	p3 =	slt.s32 s17, $0x1;
	s14 =	sand.u32 $0x7, s17;
	s1 =	sand.u32 $0x1FFFFFFF, s1  }
0x152: {  	s1 =	sadd.s32 s4, s1;
	[smem:$0x380] =	sst s16;
	s21 =	spop (v2sf)  }
0x153: {  	(v2sf) =	vpush v6, $0x8;
	[tilespmem:s19], [sflag:$0x1] =	stream.strided.gather [hbm4b:s1+s9], $0x480, s10, s9, $0x38;
	[tilespmem:$0x11100] =	vst v63  }
0x154: {  	p4 =	sne.s32 s14, $0x0;
	[smem:$0x381] =	sst s21;
	s15 =	spop (v2sf)  }
0x155: {  	s12 =	simm.s32 $0x1;
	p0 =	por !p3, !p4;
	(v2sf) =	vpush v6, $0x9;
	[smem:$0x388] =	sst s15  }
0x156: {  	s21 =	sshra.s32 s17, $0x1F;
	(v2sf) =	vpush v6, $0xA;
	s16 =	spop (v2sf);
	s15 =	sld [smem:$0x58]  }
0x157: {  	p0 =	por !p0, !p0;
	s13 =	sshrl.u32 s21, $0x1D;
	s18 =	spop (v2sf)  }
0x158: {  	(v2sf) =	vpush v6, $0xB;
	s1 =	sadd.s32 s13, s17;
	[smem:$0x390] =	sst s18;
	s20 =	spop (v2sf)  }
0x159: {  	s1 =	sshrl.u32 s1, $0x3;
	[smem:$0x391] =	sst s20;
	s17 =	sshll.u32 s15, $0x8  }
0x15a: {  	s12 =	simm.s32 @!p0 $0x0;
	(v2sf) =	vpush v6, $0xC;
	s20 =	sld [smem:$0x61];
	s1 =	sadd.s32 s1, s17  }
0x15b: {  	[smem:$0x389] =	sst s16;
	s16 =	spop (v2sf);
	s1 =	ssub.s32 s1, s12  }
0x15c: {  	(v2sf) =	vpush v6, $0xD;
	[smem:$0x398] =	sst s16;
	s1 =	sand.u32 $0x1FFFFFFF, s1  }
0x15d: {  	(v2sf) =	vpush v6, $0xE;
	s16 =	sld [smem:$0x60];
	s13 =	sshra.s32 s20, $0x1F;
	s1 =	sadd.s32 s4, s1  }
0x15e: {  	[tilespmem:s22], [sflag:$0x1] =	stream.strided.gather [hbm4b:s1+s9], $0x480, s10, s9, $0x38;
	[tilespmem:$0x11100] =	vst v63  }
0x15f: {  	s15 =	sand.u32 $0x7, s20;
	s14 =	sshrl.u32 s13, $0x1D;
	s18 =	spop (v2sf);
	(v2sf) =	vpush v6, $0xF  }
0x160: {  	p5 =	slt.s32 s20, $0x1;
	p6 =	sne.s32 s15, $0x0;
	s1 =	sadd.s32 s14, s20  }
0x161: {  	s12 =	simm.s32 $0x1;
	p0 =	por !p5, !p6;
	s1 =	sshrl.u32 s1, $0x3  }
0x162: {  	p0 =	por !p0, !p0;
	[smem:$0x399] =	sst s18;
	s19 =	spop (v2sf)  }
0x163: {  	s12 =	simm.s32 @!p0 $0x0;
	s18 =	sshll.u32 s16, $0x8;
	[smem:$0x3A0] =	sst s19  }
0x164: {  	s21 =	spop (v2sf);
	s1 =	sadd.s32 s1, s18;
	s18 =	sld [smem:$0x68]  }
0x165: {  	(v2sf) =	vpush v5, $0x0;
	[smem:$0x3A1] =	sst s21;
	s11 =	spop (v2sf);
	s1 =	ssub.s32 s1, s12  }
0x166: {  	(v2sf) =	vpush v5, $0x1;
	s21 =	sld [smem:$0x69];
	s12 =	simm.s32 $0x1;
	s1 =	sand.u32 $0x1FFFFFFF, s1  }
0x167: {  	[smem:$0x3A8] =	sst s11;
	s17 =	spop (v2sf);
	(v2sf) =	vpush v5, $0x2;
	s1 =	sadd.s32 s4, s1  }
0x168: {  	(v2sf) =	vpush v5, $0x3;
	[tilespmem:s23], [sflag:$0x1] =	stream.strided.gather [hbm4b:s1+s9], $0x480, s10, s9, $0x38;
	[tilespmem:$0x11100] =	vst v63  }
0x169: {  	[smem:$0x3A9] =	sst s17;
	s19 =	spop (v2sf);
	(v2sf) =	vpush v5, $0x4;
	s15 =	sshra.s32 s21, $0x1F  }
0x16a: {  	s17 =	sand.u32 $0x7, s21;
	p1 =	slt.s32 s21, $0x1;
	[smem:$0x3B0] =	sst s19  }
0x16b: {  	s20 =	spop (v2sf);
	s16 =	sshrl.u32 s15, $0x1D;
	s15 =	sld [smem:$0x71]  }
0x16c: {  	p2 =	sne.s32 s17, $0x0;
	[smem:$0x3B1] =	sst s20;
	s13 =	spop (v2sf)  }
0x16d: {  	(v2sf) =	vpush v5, $0x5;
	s1 =	sadd.s32 s16, s21;
	p0 =	por !p1, !p2;
	s20 =	sshll.u32 s18, $0x8  }
0x16e: {  	s1 =	sshrl.u32 s1, $0x3;
	p0 =	por !p0, !p0;
	s14 =	spop (v2sf);
	(v2sf) =	vpush v5, $0x6  }
0x16f: {  	s1 =	sadd.s32 s1, s20;
	s12 =	simm.s32 @!p0 $0x0  }
0x170: {  	[smem:$0x3B8] =	sst s13;
	s1 =	ssub.s32 s1, s12  }
0x171: {  	s18 =	sshra.s32 s15, $0x1F;
	s20 =	sand.u32 $0x7, s15;
	s1 =	sand.u32 $0x1FFFFFFF, s1  }
0x172: {  	p3 =	slt.s32 s15, $0x1;
	p4 =	sne.s32 s20, $0x0;
	s1 =	sadd.s32 s4, s1  }
0x173: {  	[tilespmem:s24], [sflag:$0x1] =	stream.strided.gather [hbm4b:s1+s9], $0x480, s10, s9, $0x38;
	[tilespmem:$0x11100] =	vst v63  }
0x174: {  	s12 =	simm.s32 $0x1;
	[smem:$0x3B9] =	sst s14;
	s19 =	spop (v2sf);
	(v2sf) =	vpush v5, $0x7  }
0x175: {  	p0 =	por !p3, !p4;
	[smem:$0x3C0] =	sst s19;
	(v2sf) =	vpush v5, $0x8;
	s21 =	spop (v2sf)  }
0x176: {  	s19 =	sshrl.u32 s18, $0x1D;
	s18 =	sld [smem:$0x79];
	(v2sf) =	vpush v5, $0x9;
	s14 =	spop (v2sf)  }
0x177: {  	p0 =	por !p0, !p0;
	[smem:$0x3C1] =	sst s21;
	(v2sf) =	vpush v5, $0xA;
	s16 =	spop (v2sf)  }
0x178: {  	s1 =	sadd.s32 s19, s15;
	s21 =	sld [smem:$0x70];
	s17 =	spop (v2sf);
	(v2sf) =	vpush v5, $0xB  }
0x179: {  	s12 =	simm.s32 @!p0 $0x0;
	s1 =	sshrl.u32 s1, $0x3  }
0x17a: {  	[smem:$0x3C8] =	sst s14;
	s13 =	sand.u32 $0x7, s18;
	p5 =	slt.s32 s18, $0x1;
	(v2sf) =	vpush v5, $0xC  }
0x17b: {  	[smem:$0x3C9] =	sst s16;
	p6 =	sne.s32 s13, $0x0;
	s15 =	sshll.u32 s21, $0x8;
	(v2sf) =	vpush v5, $0xD  }
0x17c: {  	[smem:$0x3D0] =	sst s17;
	s14 =	spop (v2sf);
	s1 =	sadd.s32 s1, s15;
	(v2sf) =	vpush v5, $0xE  }
0x17d: {  	s21 =	sshra.s32 s18, $0x1F;
	s1 =	ssub.s32 s1, s12;
	s16 =	spop (v2sf);
	(v2sf) =	vpush v5, $0xF  }
0x17e: {  	p0 =	por !p5, !p6;
	[smem:$0x3D1] =	sst s14;
	s1 =	sand.u32 $0x1FFFFFFF, s1  }
0x17f: {  	s11 =	sshrl.u32 s21, $0x1D;
	s14 =	sld [smem:$0x78];
	s1 =	sadd.s32 s4, s1  }
0x180: {  	[tilespmem:s25], [sflag:$0x1] =	stream.strided.gather [hbm4b:s1+s9], $0x480, s10, s9, $0x38;
	[tilespmem:$0x11100] =	vst v63  }
0x181: {  	p0 =	por !p0, !p0;
	s12 =	simm.s32 $0x1;
	s1 =	sadd.s32 s11, s18  }
0x182: {  	s12 =	simm.s32 @!p0 $0x0;
	s1 =	sshrl.u32 s1, $0x3  }
0x183: {  	[smem:$0x3D8] =	sst s16;
	s17 =	spop (v2sf);
	s16 =	sshll.u32 s14, $0x8  }
0x184: {  	s19 =	spop (v2sf);
	[smem:$0x3D9] =	sst s17;
	s1 =	sadd.s32 s1, s16  }
0x185: {  	s20 =	spop (v2sf);
	[smem:$0x3E0] =	sst s19;
	s1 =	ssub.s32 s1, s12  }
0x186: {  	[smem:$0x3E1] =	sst s20;
	s15 =	spop (v2sf);
	s1 =	sand.u32 $0x1FFFFFFF, s1  }
0x187: {  	[smem:$0x3E8] =	sst s15;
	s1 =	sadd.s32 s4, s1;
	s17 =	spop (v2sf)  }
0x188: {  	[tilespmem:s26], [sflag:$0x1] =	stream.strided.gather [hbm4b:s1+s9], $0x480, s10, s9, $0x38;
	[tilespmem:$0x11100] =	vst v63  }
0x189: {  	[smem:$0x3E9] =	sst s17;
	s18 =	spop (v2sf)  }
0x18a: {  	[smem:$0x3F0] =	sst s18;
	s19 =	spop (v2sf)  }
0x18b: {  	[smem:$0x3F1] =	sst s19;
	s20 =	spop (v2sf)  }
0x18c: {  	[smem:$0x3F8] =	sst s20;
	s21 =	spop (v2sf)  }
0x18d: {  	p0 =	por $0x0, $0x0;
	s1 =	simm.s32 $0x0;
	[smem:$0x3F9] =	sst s21  }
.LBB2_3:
0x18e: {  	p1 =	seq.s32 s1, $0x1F  }
.Ltmp0:
0x18f: {  	_ = 	snop;
	(pc) =	sbr.rel @p1 .LBB2_5-.Ltmp0, $2  }
0x190: {  	_ =	sdelay $0x2  }
0x191: {  	s11 =	sadd.s32 $0x1, s1  }
0x192: {  	s12 =	sshll.u32 s11, $0x5  }
0x193: {  	s13 =	sand.u32 $0x780, s12  }
0x194: {  	s12 =	sor.u32 $0x1, s13;
	s16 =	sld [smem:s13+$0x0]  }
0x195: {  	s14 =	sld [smem:s12+$0x0]  }
0x196: {  	s18 =	sshll.u32 s11, $0x4  }
0x197: {  	s15 =	sand.u32 $0x1, s11;
	s12 =	sand.u32 $0x30, s18  }
0x198: {  	s19 =	sadd.s32 s12, s16;
	s17 =	sshra.s32 s14, $0x1F;
	s18 =	sand.u32 $0x7, s14  }
0x199: {  	p1 =	slt.s32 s14, $0x1;
	s17 =	sshrl.u32 s17, $0x1D;
	p2 =	sne.s32 s18, $0x0  }
0x19a: {  	s17 =	sadd.s32 s17, s14;
	p1 =	por !p1, !p2;
	s14 =	sshll.u32 s19, $0x8  }
0x19b: {  	s20 =	sshrl.u32 s17, $0x3;
	p1 =	por !p1, !p1;
	s17 =	simm.s32 $0x1  }
0x19c: {  	s21 =	smul.u32 $0x12000, s15;
	s16 =	sadd.s32 s20, s14;
	s17 =	simm.s32 @!p1 $0x0  }
0x19d: {  	s19 =	sor.u32 $0x9, s13;
	s14 =	sadd.s32 $0x1, s15;
	s16 =	ssub.s32 s16, s17  }
0x19e: {  	s15 =	sshrl.u32 s21, $0x2;
	s17 =	sld [smem:s19+$0x0];
	s16 =	sand.u32 $0x1FFFFFFF, s16  }
0x19f: {  	s20 =	sor.u32 $0x8, s13;
	s18 =	sor.u32 $0x100, s15;
	s16 =	sadd.s32 s4, s16  }
0x1a0: {  	[tilespmem:s18], [sflag:s14] =	stream.strided.gather [hbm4b:s16+s9], $0x480, s10, s9, $0x38;
	[tilespmem:$0x11100] =	vst v63  }
0x1a1: {  	s16 =	sld [smem:s20+$0x0];
	s21 =	sshra.s32 s17, $0x1F  }
0x1a2: {  	s19 =	sand.u32 $0x7, s17;
	s18 =	sshrl.u32 s21, $0x1D  }
0x1a3: {  	p5 =	slt.s32 s17, $0x1;
	p6 =	sne.s32 s19, $0x0;
	s18 =	sadd.s32 s18, s17  }
0x1a4: {  	p1 =	por !p5, !p6;
	s16 =	sadd.s32 s12, s16;
	s19 =	sshrl.u32 s18, $0x3  }
0x1a5: {  	p1 =	por !p1, !p1;
	s18 =	simm.s32 $0x1;
	s16 =	sshll.u32 s16, $0x8  }
0x1a6: {  	s18 =	simm.s32 @!p1 $0x0;
	s16 =	sadd.s32 s19, s16  }
0x1a7: {  	s20 =	sor.u32 $0x11, s13;
	s16 =	ssub.s32 s16, s18  }
0x1a8: {  	s17 =	sld [smem:s20+$0x0];
	s16 =	sand.u32 $0x1FFFFFFF, s16  }
0x1a9: {  	s21 =	sor.u32 $0x580, s15;
	s19 =	sor.u32 $0x10, s13;
	s16 =	sadd.s32 s4, s16  }
0x1aa: {  	[tilespmem:s21], [sflag:s14] =	stream.strided.gather [hbm4b:s16+s9], $0x480, s10, s9, $0x38;
	[tilespmem:$0x11100] =	vst v63  }
0x1ab: {  	s20 =	sshra.s32 s17, $0x1F;
	s16 =	sld [smem:s19+$0x0]  }
0x1ac: {  	s18 =	sshrl.u32 s20, $0x1D;
	s21 =	sand.u32 $0x7, s17  }
0x1ad: {  	p3 =	slt.s32 s17, $0x1;
	s18 =	sadd.s32 s18, s17;
	p4 =	sne.s32 s21, $0x0  }
0x1ae: {  	s19 =	sshrl.u32 s18, $0x3;
	p1 =	por !p3, !p4;
	s16 =	sadd.s32 s12, s16  }
0x1af: {  	s18 =	simm.s32 $0x1;
	p1 =	por !p1, !p1;
	s16 =	sshll.u32 s16, $0x8  }
0x1b0: {  	s18 =	simm.s32 @!p1 $0x0;
	s16 =	sadd.s32 s19, s16  }
0x1b1: {  	s20 =	sor.u32 $0x19, s13;
	s16 =	ssub.s32 s16, s18  }
0x1b2: {  	s17 =	sld [smem:s20+$0x0];
	s16 =	sand.u32 $0x1FFFFFFF, s16  }
0x1b3: {  	s21 =	sadd.s32 $0xA00, s15;
	s19 =	sor.u32 $0x18, s13;
	s16 =	sadd.s32 s4, s16  }
0x1b4: {  	[tilespmem:s21], [sflag:s14] =	stream.strided.gather [hbm4b:s16+s9], $0x480, s10, s9, $0x38;
	[tilespmem:$0x11100] =	vst v63  }
0x1b5: {  	s20 =	sshra.s32 s17, $0x1F;
	s16 =	sld [smem:s19+$0x0]  }
0x1b6: {  	s18 =	sshrl.u32 s20, $0x1D;
	s21 =	sand.u32 $0x7, s17  }
0x1b7: {  	p5 =	slt.s32 s17, $0x1;
	s18 =	sadd.s32 s18, s17;
	p6 =	sne.s32 s21, $0x0  }
0x1b8: {  	s19 =	sshrl.u32 s18, $0x3;
	p1 =	por !p5, !p6;
	s16 =	sadd.s32 s12, s16  }
0x1b9: {  	s18 =	simm.s32 $0x1;
	p1 =	por !p1, !p1;
	s16 =	sshll.u32 s16, $0x8  }
0x1ba: {  	s18 =	simm.s32 @!p1 $0x0;
	s16 =	sadd.s32 s19, s16  }
0x1bb: {  	s20 =	sor.u32 $0x21, s13;
	s16 =	ssub.s32 s16, s18  }
0x1bc: {  	s17 =	sld [smem:s20+$0x0];
	s16 =	sand.u32 $0x1FFFFFFF, s16  }
0x1bd: {  	s21 =	sadd.s32 $0xE80, s15;
	s19 =	sor.u32 $0x20, s13;
	s16 =	sadd.s32 s4, s16  }
0x1be: {  	[tilespmem:s21], [sflag:s14] =	stream.strided.gather [hbm4b:s16+s9], $0x480, s10, s9, $0x38;
	[tilespmem:$0x11100] =	vst v63  }
0x1bf: {  	s20 =	sshra.s32 s17, $0x1F;
	s16 =	sld [smem:s19+$0x0]  }
0x1c0: {  	s18 =	sshrl.u32 s20, $0x1D;
	s21 =	sand.u32 $0x7, s17  }
0x1c1: {  	p3 =	slt.s32 s17, $0x1;
	s18 =	sadd.s32 s18, s17;
	p4 =	sne.s32 s21, $0x0  }
0x1c2: {  	s19 =	sshrl.u32 s18, $0x3;
	p1 =	por !p3, !p4;
	s16 =	sadd.s32 s12, s16  }
0x1c3: {  	s18 =	simm.s32 $0x1;
	p1 =	por !p1, !p1;
	s16 =	sshll.u32 s16, $0x8  }
0x1c4: {  	s18 =	simm.s32 @!p1 $0x0;
	s16 =	sadd.s32 s19, s16  }
0x1c5: {  	s20 =	sor.u32 $0x29, s13;
	s16 =	ssub.s32 s16, s18  }
0x1c6: {  	s17 =	sld [smem:s20+$0x0];
	s16 =	sand.u32 $0x1FFFFFFF, s16  }
0x1c7: {  	s21 =	sadd.s32 $0x1300, s15;
	s19 =	sor.u32 $0x28, s13;
	s16 =	sadd.s32 s4, s16  }
0x1c8: {  	[tilespmem:s21], [sflag:s14] =	stream.strided.gather [hbm4b:s16+s9], $0x480, s10, s9, $0x38;
	[tilespmem:$0x11100] =	vst v63  }
0x1c9: {  	s20 =	sshra.s32 s17, $0x1F;
	s16 =	sld [smem:s19+$0x0]  }
0x1ca: {  	s18 =	sshrl.u32 s20, $0x1D;
	s21 =	sand.u32 $0x7, s17  }
0x1cb: {  	p5 =	slt.s32 s17, $0x1;
	s18 =	sadd.s32 s18, s17;
	p6 =	sne.s32 s21, $0x0  }
0x1cc: {  	s19 =	sshrl.u32 s18, $0x3;
	p1 =	por !p5, !p6;
	s16 =	sadd.s32 s12, s16  }
0x1cd: {  	s18 =	simm.s32 $0x1;
	p1 =	por !p1, !p1;
	s16 =	sshll.u32 s16, $0x8  }
0x1ce: {  	s18 =	simm.s32 @!p1 $0x0;
	s16 =	sadd.s32 s19, s16  }
0x1cf: {  	s20 =	sor.u32 $0x31, s13;
	s16 =	ssub.s32 s16, s18  }
0x1d0: {  	s17 =	sld [smem:s20+$0x0];
	s16 =	sand.u32 $0x1FFFFFFF, s16  }
0x1d1: {  	s21 =	sadd.s32 $0x1780, s15;
	s19 =	sor.u32 $0x30, s13;
	s16 =	sadd.s32 s4, s16  }
0x1d2: {  	[tilespmem:s21], [sflag:s14] =	stream.strided.gather [hbm4b:s16+s9], $0x480, s10, s9, $0x38;
	[tilespmem:$0x11100] =	vst v63  }
0x1d3: {  	s20 =	sshra.s32 s17, $0x1F;
	s16 =	sld [smem:s19+$0x0]  }
0x1d4: {  	s18 =	sshrl.u32 s20, $0x1D;
	s21 =	sand.u32 $0x7, s17  }
0x1d5: {  	p3 =	slt.s32 s17, $0x1;
	s18 =	sadd.s32 s18, s17;
	p4 =	sne.s32 s21, $0x0  }
0x1d6: {  	s19 =	sshrl.u32 s18, $0x3;
	p1 =	por !p3, !p4;
	s16 =	sadd.s32 s12, s16  }
0x1d7: {  	s18 =	simm.s32 $0x1;
	p1 =	por !p1, !p1;
	s16 =	sshll.u32 s16, $0x8  }
0x1d8: {  	s18 =	simm.s32 @!p1 $0x0;
	s16 =	sadd.s32 s19, s16  }
0x1d9: {  	s20 =	sor.u32 $0x39, s13;
	s16 =	ssub.s32 s16, s18  }
0x1da: {  	s17 =	sld [smem:s20+$0x0];
	s16 =	sand.u32 $0x1FFFFFFF, s16  }
0x1db: {  	s21 =	sadd.s32 $0x1C00, s15;
	s19 =	sor.u32 $0x38, s13;
	s16 =	sadd.s32 s4, s16  }
0x1dc: {  	[tilespmem:s21], [sflag:s14] =	stream.strided.gather [hbm4b:s16+s9], $0x480, s10, s9, $0x38;
	[tilespmem:$0x11100] =	vst v63  }
0x1dd: {  	s20 =	sshra.s32 s17, $0x1F;
	s16 =	sld [smem:s19+$0x0]  }
0x1de: {  	s18 =	sshrl.u32 s20, $0x1D;
	s21 =	sand.u32 $0x7, s17  }
0x1df: {  	p5 =	slt.s32 s17, $0x1;
	s18 =	sadd.s32 s18, s17;
	p6 =	sne.s32 s21, $0x0  }
0x1e0: {  	s19 =	sshrl.u32 s18, $0x3;
	p1 =	por !p5, !p6;
	s16 =	sadd.s32 s12, s16  }
0x1e1: {  	s18 =	simm.s32 $0x1;
	p1 =	por !p1, !p1;
	s16 =	sshll.u32 s16, $0x8  }
0x1e2: {  	s18 =	simm.s32 @!p1 $0x0;
	s16 =	sadd.s32 s19, s16  }
0x1e3: {  	s20 =	sor.u32 $0x41, s13;
	s16 =	ssub.s32 s16, s18  }
0x1e4: {  	s17 =	sld [smem:s20+$0x0];
	s16 =	sand.u32 $0x1FFFFFFF, s16  }
0x1e5: {  	s21 =	sadd.s32 $0x2080, s15;
	s19 =	sor.u32 $0x40, s13;
	s16 =	sadd.s32 s4, s16  }
0x1e6: {  	[tilespmem:s21], [sflag:s14] =	stream.strided.gather [hbm4b:s16+s9], $0x480, s10, s9, $0x38;
	[tilespmem:$0x11100] =	vst v63  }
0x1e7: {  	s20 =	sshra.s32 s17, $0x1F;
	s16 =	sld [smem:s19+$0x0]  }
0x1e8: {  	s18 =	sshrl.u32 s20, $0x1D;
	s21 =	sand.u32 $0x7, s17  }
0x1e9: {  	p3 =	slt.s32 s17, $0x1;
	s18 =	sadd.s32 s18, s17;
	p4 =	sne.s32 s21, $0x0  }
0x1ea: {  	s19 =	sshrl.u32 s18, $0x3;
	p1 =	por !p3, !p4;
	s16 =	sadd.s32 s12, s16  }
0x1eb: {  	s18 =	simm.s32 $0x1;
	p1 =	por !p1, !p1;
	s16 =	sshll.u32 s16, $0x8  }
0x1ec: {  	s18 =	simm.s32 @!p1 $0x0;
	s16 =	sadd.s32 s19, s16  }
0x1ed: {  	s20 =	sor.u32 $0x49, s13;
	s16 =	ssub.s32 s16, s18  }
0x1ee: {  	s17 =	sld [smem:s20+$0x0];
	s16 =	sand.u32 $0x1FFFFFFF, s16  }
0x1ef: {  	s21 =	sadd.s32 $0x2500, s15;
	s19 =	sor.u32 $0x48, s13;
	s16 =	sadd.s32 s4, s16  }
0x1f0: {  	[tilespmem:s21], [sflag:s14] =	stream.strided.gather [hbm4b:s16+s9], $0x480, s10, s9, $0x38;
	[tilespmem:$0x11100] =	vst v63  }
0x1f1: {  	s20 =	sshra.s32 s17, $0x1F;
	s16 =	sld [smem:s19+$0x0]  }
0x1f2: {  	s18 =	sshrl.u32 s20, $0x1D;
	s21 =	sand.u32 $0x7, s17  }
0x1f3: {  	p5 =	slt.s32 s17, $0x1;
	s18 =	sadd.s32 s18, s17;
	p6 =	sne.s32 s21, $0x0  }
0x1f4: {  	s19 =	sshrl.u32 s18, $0x3;
	p1 =	por !p5, !p6;
	s16 =	sadd.s32 s12, s16  }
0x1f5: {  	s18 =	simm.s32 $0x1;
	p1 =	por !p1, !p1;
	s16 =	sshll.u32 s16, $0x8  }
0x1f6: {  	s18 =	simm.s32 @!p1 $0x0;
	s16 =	sadd.s32 s19, s16  }
0x1f7: {  	s20 =	sor.u32 $0x51, s13;
	s16 =	ssub.s32 s16, s18  }
0x1f8: {  	s17 =	sld [smem:s20+$0x0];
	s16 =	sand.u32 $0x1FFFFFFF, s16  }
0x1f9: {  	s21 =	sadd.s32 $0x2980, s15;
	s19 =	sor.u32 $0x50, s13;
	s16 =	sadd.s32 s4, s16  }
0x1fa: {  	[tilespmem:s21], [sflag:s14] =	stream.strided.gather [hbm4b:s16+s9], $0x480, s10, s9, $0x38;
	[tilespmem:$0x11100] =	vst v63  }
0x1fb: {  	s20 =	sshra.s32 s17, $0x1F;
	s16 =	sld [smem:s19+$0x0]  }
0x1fc: {  	s18 =	sshrl.u32 s20, $0x1D;
	s21 =	sand.u32 $0x7, s17  }
0x1fd: {  	p3 =	slt.s32 s17, $0x1;
	s18 =	sadd.s32 s18, s17;
	p4 =	sne.s32 s21, $0x0  }
0x1fe: {  	s19 =	sshrl.u32 s18, $0x3;
	p1 =	por !p3, !p4;
	s16 =	sadd.s32 s12, s16  }
0x1ff: {  	s18 =	simm.s32 $0x1;
	p1 =	por !p1, !p1;
	s16 =	sshll.u32 s16, $0x8  }
0x200: {  	s18 =	simm.s32 @!p1 $0x0;
	s16 =	sadd.s32 s19, s16  }
0x201: {  	s20 =	sor.u32 $0x59, s13;
	s16 =	ssub.s32 s16, s18  }
0x202: {  	s17 =	sld [smem:s20+$0x0];
	s16 =	sand.u32 $0x1FFFFFFF, s16  }
0x203: {  	s21 =	sadd.s32 $0x2E00, s15;
	s19 =	sor.u32 $0x58, s13;
	s16 =	sadd.s32 s4, s16  }
0x204: {  	[tilespmem:s21], [sflag:s14] =	stream.strided.gather [hbm4b:s16+s9], $0x480, s10, s9, $0x38;
	[tilespmem:$0x11100] =	vst v63  }
0x205: {  	s20 =	sshra.s32 s17, $0x1F;
	s16 =	sld [smem:s19+$0x0]  }
0x206: {  	s18 =	sshrl.u32 s20, $0x1D;
	s21 =	sand.u32 $0x7, s17  }
0x207: {  	p5 =	slt.s32 s17, $0x1;
	s18 =	sadd.s32 s18, s17;
	p6 =	sne.s32 s21, $0x0  }
0x208: {  	s19 =	sshrl.u32 s18, $0x3;
	p1 =	por !p5, !p6;
	s16 =	sadd.s32 s12, s16  }
0x209: {  	s18 =	simm.s32 $0x1;
	p1 =	por !p1, !p1;
	s16 =	sshll.u32 s16, $0x8  }
0x20a: {  	s18 =	simm.s32 @!p1 $0x0;
	s16 =	sadd.s32 s19, s16  }
0x20b: {  	s20 =	sor.u32 $0x61, s13;
	s16 =	ssub.s32 s16, s18  }
0x20c: {  	s17 =	sld [smem:s20+$0x0];
	s16 =	sand.u32 $0x1FFFFFFF, s16  }
0x20d: {  	s21 =	sadd.s32 $0x3280, s15;
	s19 =	sor.u32 $0x60, s13;
	s16 =	sadd.s32 s4, s16  }
0x20e: {  	[tilespmem:s21], [sflag:s14] =	stream.strided.gather [hbm4b:s16+s9], $0x480, s10, s9, $0x38;
	[tilespmem:$0x11100] =	vst v63  }
0x20f: {  	s20 =	sshra.s32 s17, $0x1F;
	s16 =	sld [smem:s19+$0x0]  }
0x210: {  	s18 =	sshrl.u32 s20, $0x1D;
	s21 =	sand.u32 $0x7, s17  }
0x211: {  	p3 =	slt.s32 s17, $0x1;
	s18 =	sadd.s32 s18, s17;
	p4 =	sne.s32 s21, $0x0  }
0x212: {  	s19 =	sshrl.u32 s18, $0x3;
	p1 =	por !p3, !p4;
	s16 =	sadd.s32 s12, s16  }
0x213: {  	s18 =	simm.s32 $0x1;
	p1 =	por !p1, !p1;
	s16 =	sshll.u32 s16, $0x8  }
0x214: {  	s18 =	simm.s32 @!p1 $0x0;
	s16 =	sadd.s32 s19, s16  }
0x215: {  	s20 =	sor.u32 $0x69, s13;
	s16 =	ssub.s32 s16, s18  }
0x216: {  	s17 =	sld [smem:s20+$0x0];
	s16 =	sand.u32 $0x1FFFFFFF, s16  }
0x217: {  	s21 =	sadd.s32 $0x3700, s15;
	s19 =	sor.u32 $0x68, s13;
	s16 =	sadd.s32 s4, s16  }
0x218: {  	[tilespmem:s21], [sflag:s14] =	stream.strided.gather [hbm4b:s16+s9], $0x480, s10, s9, $0x38;
	[tilespmem:$0x11100] =	vst v63  }
0x219: {  	s20 =	sshra.s32 s17, $0x1F;
	s16 =	sld [smem:s19+$0x0]  }
0x21a: {  	p5 =	slt.s32 s17, $0x1;
	s18 =	sshrl.u32 s20, $0x1D;
	s21 =	sand.u32 $0x7, s17  }
0x21b: {  	s20 =	sor.u32 $0x71, s13;
	s18 =	sadd.s32 s18, s17;
	p6 =	sne.s32 s21, $0x0  }
0x21c: {  	s19 =	sshrl.u32 s18, $0x3;
	p1 =	por !p5, !p6;
	s16 =	sadd.s32 s12, s16  }
0x21d: {  	s18 =	simm.s32 $0x1;
	p1 =	por !p1, !p1;
	s16 =	sshll.u32 s16, $0x8  }
0x21e: {  	s17 =	sld [smem:s20+$0x0];
	s18 =	simm.s32 @!p1 $0x0;
	s16 =	sadd.s32 s19, s16  }
0x21f: {  	s16 =	ssub.s32 s16, s18  }
0x220: {  	s21 =	sadd.s32 $0x3B80, s15;
	s16 =	sand.u32 $0x1FFFFFFF, s16  }
0x221: {  	s20 =	sshra.s32 s17, $0x1F;
	s19 =	sor.u32 $0x70, s13;
	s16 =	sadd.s32 s4, s16  }
0x222: {  	[tilespmem:s21], [sflag:s14] =	stream.strided.gather [hbm4b:s16+s9], $0x480, s10, s9, $0x38;
	[tilespmem:$0x11100] =	vst v63  }
0x223: {  	s18 =	sshrl.u32 s20, $0x1D;
	s16 =	sld [smem:s19+$0x0]  }
0x224: {  	p3 =	slt.s32 s17, $0x1;
	s18 =	sadd.s32 s18, s17;
	s21 =	sand.u32 $0x7, s17  }
0x225: {  	s20 =	sor.u32 $0x79, s13;
	s19 =	sshrl.u32 s18, $0x3;
	p4 =	sne.s32 s21, $0x0  }
0x226: {  	s18 =	simm.s32 $0x1;
	p1 =	por !p3, !p4;
	s16 =	sadd.s32 s12, s16  }
0x227: {  	s17 =	sld [smem:s20+$0x0];
	p1 =	por !p1, !p1;
	s16 =	sshll.u32 s16, $0x8  }
0x228: {  	s13 =	sor.u32 $0x78, s13;
	s18 =	simm.s32 @!p1 $0x0;
	s16 =	sadd.s32 s19, s16  }
0x229: {  	s13 =	sld [smem:s13+$0x0];
	s16 =	ssub.s32 s16, s18  }
0x22a: {  	s21 =	sadd.s32 $0x4000, s15;
	p5 =	slt.s32 s17, $0x1;
	s16 =	sand.u32 $0x1FFFFFFF, s16  }
0x22b: {  	s19 =	sand.u32 $0x7, s17;
	s18 =	sshra.s32 s17, $0x1F;
	s16 =	sadd.s32 s4, s16  }
0x22c: {  	[tilespmem:s21], [sflag:s14] =	stream.strided.gather [hbm4b:s16+s9], $0x480, s10, s9, $0x38;
	[tilespmem:$0x11100] =	vst v63  }
0x22d: {  	s12 =	sadd.s32 s12, s13;
	p6 =	sne.s32 s19, $0x0;
	s16 =	sshrl.u32 s18, $0x1D  }
0x22e: {  	s12 =	sshll.u32 s12, $0x8;
	p1 =	por !p5, !p6;
	s16 =	sadd.s32 s16, s17  }
0x22f: {  	p1 =	por !p1, !p1;
	s20 =	sshrl.u32 s16, $0x3;
	s16 =	simm.s32 $0x1  }
0x230: {  	s12 =	sadd.s32 s20, s12;
	s16 =	simm.s32 @!p1 $0x0  }
0x231: {  	s12 =	ssub.s32 s12, s16  }
0x232: {  	s12 =	sand.u32 $0x1FFFFFFF, s12  }
0x233: {  	s21 =	sadd.s32 $0x4480, s15;
	s12 =	sadd.s32 s4, s12  }
0x234: {  	[tilespmem:s21], [sflag:s14] =	stream.strided.gather [hbm4b:s12+s9], $0x480, s10, s9, $0x38;
	[tilespmem:$0x11100] =	vst v63  }
.LBB2_5:
0x235: {  	s12 =	sand.u32 $0x1, s1  }
0x236: {  	s13 =	sadd.s32 $0x1, s12  }
0x237: {  	_ =	swait.ge [sflag:s13], $0x480  }
0x238: {  	[sflag:s13] =	ssyncset.done $0x0  }
0x239: {  	[sflag:s13] =	ssyncadd.s32 $0xFFFFFB80  }
0x23a: {  	_ =	swait.ge [sflag:s13], $0x480  }
0x23b: {  	[sflag:s13] =	ssyncset.done $0x0  }
0x23c: {  	[sflag:s13] =	ssyncadd.s32 $0xFFFFFB80  }
0x23d: {  	_ =	swait.ge [sflag:s13], $0x480  }
0x23e: {  	[sflag:s13] =	ssyncset.done $0x0  }
0x23f: {  	[sflag:s13] =	ssyncadd.s32 $0xFFFFFB80  }
0x240: {  	_ =	swait.ge [sflag:s13], $0x480  }
0x241: {  	[sflag:s13] =	ssyncset.done $0x0  }
0x242: {  	[sflag:s13] =	ssyncadd.s32 $0xFFFFFB80  }
0x243: {  	_ =	swait.ge [sflag:s13], $0x480  }
0x244: {  	[sflag:s13] =	ssyncset.done $0x0  }
0x245: {  	[sflag:s13] =	ssyncadd.s32 $0xFFFFFB80  }
0x246: {  	_ =	swait.ge [sflag:s13], $0x480  }
0x247: {  	[sflag:s13] =	ssyncset.done $0x0  }
0x248: {  	[sflag:s13] =	ssyncadd.s32 $0xFFFFFB80  }
0x249: {  	_ =	swait.ge [sflag:s13], $0x480  }
0x24a: {  	[sflag:s13] =	ssyncset.done $0x0  }
0x24b: {  	[sflag:s13] =	ssyncadd.s32 $0xFFFFFB80  }
0x24c: {  	_ =	swait.ge [sflag:s13], $0x480  }
0x24d: {  	[sflag:s13] =	ssyncset.done $0x0  }
0x24e: {  	[sflag:s13] =	ssyncadd.s32 $0xFFFFFB80  }
0x24f: {  	_ =	swait.ge [sflag:s13], $0x480  }
0x250: {  	[sflag:s13] =	ssyncset.done $0x0  }
0x251: {  	[sflag:s13] =	ssyncadd.s32 $0xFFFFFB80  }
0x252: {  	_ =	swait.ge [sflag:s13], $0x480  }
0x253: {  	[sflag:s13] =	ssyncset.done $0x0  }
0x254: {  	[sflag:s13] =	ssyncadd.s32 $0xFFFFFB80  }
0x255: {  	_ =	swait.ge [sflag:s13], $0x480  }
0x256: {  	[sflag:s13] =	ssyncset.done $0x0  }
0x257: {  	[sflag:s13] =	ssyncadd.s32 $0xFFFFFB80  }
0x258: {  	_ =	swait.ge [sflag:s13], $0x480  }
0x259: {  	[sflag:s13] =	ssyncset.done $0x0  }
0x25a: {  	[sflag:s13] =	ssyncadd.s32 $0xFFFFFB80  }
0x25b: {  	_ =	swait.ge [sflag:s13], $0x480  }
0x25c: {  	[sflag:s13] =	ssyncset.done $0x0  }
0x25d: {  	[sflag:s13] =	ssyncadd.s32 $0xFFFFFB80  }
0x25e: {  	_ =	swait.ge [sflag:s13], $0x480  }
0x25f: {  	[sflag:s13] =	ssyncset.done $0x0  }
0x260: {  	[sflag:s13] =	ssyncadd.s32 $0xFFFFFB80  }
0x261: {  	_ =	swait.ge [sflag:s13], $0x480  }
0x262: {  	s14 =	simm.s32 $0x1;
	[sflag:s13] =	ssyncset.done $0x0  }
0x263: {  	p1 =	slt.u32 s1, $0x2;
	s20 =	sshll.u32 s1, $0x2;
	[sflag:s13] =	ssyncadd.s32 $0xFFFFFB80  }
0x264: {  	s17 =	simm.s32 $0x0;
	s14 =	simm.s32 @!p0 $0x0;
	_ =	swait.ge [sflag:s13], $0x480  }
0x265: {  	s15 =	sadd.s32 @!p1 $0x3, s12;
	s19 =	smul.u32 $0x12000, s12;
	[sflag:s13] =	ssyncset.done $0x0  }
0x266: {  	s21 =	sshll.u32 s12, $0xE;
	s18 =	sshll.u32 s14, $0xE;
	[sflag:s13] =	ssyncadd.s32 $0xFFFFFB80  }
0x267: {  	s14 =	sand.u32 $0x70, s20;
	s16 =	sshrl.u32 s19, $0x2;
	_ =	swait.ge @!p1 [sflag:s15], $0x4000  }
0x268: {  	s13 =	sor.u32 $0x9100, s18;
	s18 =	simm.s32 $0x0;
	[sflag:s15] =	ssyncset.done @!p1 $0x0  }
0x269: {  	[sflag:s15] =	ssyncadd.s32 @!p1 $0xFFFFC000;
	s15 =	sor.u32 $0x100, s16;
	s16 =	sor.u32 $0x9100, s21  }
.LBB2_6:
0x26a: {  	s19 =	sadd.s32 s14, s18  }
0x26b: {  	s19 =	sshll.u32 s19, $0x3  }
0x26c: {  	s19 =	sand.u32 $0x3FFFFFF8, s19  }
0x26d: {  	s19 =	sor.u32 $0x1, s19  }
0x26e: {  	s19 =	sld [smem:s19+$0x0];
	_ =	sdelay $0x1  }
0x26f: {  	v7 =	vmov s17  }
0x270: {  	v14 =	vmul.u32 $0x48, v7;
	s20 =	sand.u32 $0x7, s19  }
0x271: {  	v5 =	vadd.s32 s20, v0  }
0x272: {  	v6 =	vmov s18;
	v8 =	vadd.s32 v5, v14  }
0x273: {  	s21 =	smul.u32 $0x1200, s18;
	v6 =	vand.u32 $0xF, v6  }
0x274: {  	v11 =	vbroadcast v6, $0x0  }
0x275: {  	s19 =	sshra.s32 s21, $0x2  }
0x276: {  	v13 =	vshll.u32 v7, $0xA;
	v6 =	vor.u32 v1, v11;
	s21 =	sor.u32 $0x10, s20;
	s19 =	sadd.s32 s19, s15  }
0x277: {  	v10 =	vor.u32 v13, v6;
	v7 =	vadd.s32 s21, v0;
	v9 =	vld.idx.msk [tilespmem:v8+s19+$0x0], $0xffff  }
0x278: {  	v12 =	vadd.s32 v7, v14;
	_ =	sdelay $0x3  }
0x279: {  	s21 =	sor.u32 $0x20, s20;
	v8 =	vor.u32 v2, v11;
	[tilespmem:v10+s16+$0x0] =	vst.idx.msk $0xffff, v9  }
0x27a: {  	v15 =	vor.u32 v13, v8;
	v9 =	vadd.s32 s21, v0;
	v12 =	vld.idx.msk [tilespmem:v12+s19+$0x0], $0xffff  }
0x27b: {  	v16 =	vadd.s32 v9, v14;
	_ =	sdelay $0x3  }
0x27c: {  	s20 =	sor.u32 $0x30, s20;
	v10 =	vor.u32 v3, v11;
	[tilespmem:v15+s16+$0x0] =	vst.idx.msk $0xffff, v12  }
0x27d: {  	v17 =	vor.u32 v13, v10;
	v12 =	vadd.s32 s20, v0;
	v16 =	vld.idx.msk [tilespmem:v16+s19+$0x0], $0xffff  }
0x27e: {  	v15 =	vadd.s32 v12, v14;
	_ =	sdelay $0x2  }
0x27f: {  	s21 =	simm.s32 $0x1  }
0x280: {  	v11 =	vor.u32 v4, v11;
	s20 =	simm.s32 $0x2;
	v14 =	vmov s21;
	[tilespmem:v17+s16+$0x0] =	vst.idx.msk $0xffff, v16  }
.LBB2_7:
0x281: {  	p1 =	sne.s32 s20, $0xF;
	v16 =	vmul.u32 $0x48, v14;
	v15 =	vld.idx.msk [tilespmem:v15+s19+$0x0], $0xffff  }
0x282: {  	v13 =	vor.u32 v13, v11  }
0x283: {  	v17 =	vadd.s32 v5, v16;
	_ =	sdelay $0x3  }
0x284: {  	[tilespmem:v13+s16+$0x0] =	vst.idx.msk $0xffff, v15  }
0x285: {  	v13 =	vshll.u32 v14, $0xA;
	v15 =	vld.idx.msk [tilespmem:v17+s19+$0x0], $0xffff  }
0x286: {  	v14 =	vor.u32 v13, v6  }
0x287: {  	v17 =	vadd.s32 v7, v16;
	_ =	sdelay $0x3  }
0x288: {  	[tilespmem:v14+s16+$0x0] =	vst.idx.msk $0xffff, v15  }
0x289: {  	v14 =	vld.idx.msk [tilespmem:v17+s19+$0x0], $0xffff  }
0x28a: {  	v15 =	vor.u32 v13, v8  }
0x28b: {  	v17 =	vadd.s32 v9, v16;
	_ =	sdelay $0x3  }
0x28c: {  	[tilespmem:v15+s16+$0x0] =	vst.idx.msk $0xffff, v14  }
0x28d: {  	v17 =	vld.idx.msk [tilespmem:v17+s19+$0x0], $0xffff  }
0x28e: {  	v18 =	vor.u32 v13, v10  }
.Ltmp1:
0x28f: {  	v15 =	vadd.s32 v12, v16;
	(pc) =	sbr.rel @p1 .LBB2_7-.Ltmp1, $2  }
0x290: {  	_ =	sdelay $0x2  }
0x291: {  	v14 =	vmov s20;
	s20 =	sadd.s32 $0x1, s20;
	[tilespmem:v18+s16+$0x0] =	vst.idx.msk $0xffff, v17  }
0x292: {  	_ =	sdelay $0x2  }
0x293: {  	v16 =	vmul.u32 $0x48, v14  }
0x294: {  	v15 =	vld.idx.msk [tilespmem:v15+s19+$0x0], $0xffff;
	v13 =	vor.u32 v13, v11  }
0x295: {  	v5 =	vadd.s32 v5, v16;
	_ =	sdelay $0x3  }
0x296: {  	v63 =	vshll.u32 v14, $0xA;
	[tilespmem:v13+s16+$0x0] =	vst.idx.msk $0xffff, v15  }
0x297: {  	v6 =	vor.u32 v63, v6;
	v5 =	vld.idx.msk [tilespmem:v5+s19+$0x0], $0xffff  }
0x298: {  	v7 =	vadd.s32 v7, v16;
	_ =	sdelay $0x3  }
0x299: {  	[tilespmem:v6+s16+$0x0] =	vst.idx.msk $0xffff, v5  }
0x29a: {  	v6 =	vor.u32 v63, v8;
	v5 =	vld.idx.msk [tilespmem:v7+s19+$0x0], $0xffff  }
0x29b: {  	v7 =	vadd.s32 v9, v16;
	_ =	sdelay $0x3  }
0x29c: {  	[tilespmem:v6+s16+$0x0] =	vst.idx.msk $0xffff, v5  }
0x29d: {  	v6 =	vor.u32 v63, v10;
	v5 =	vld.idx.msk [tilespmem:v7+s19+$0x0], $0xffff  }
0x29e: {  	v7 =	vadd.s32 v12, v16;
	_ =	sdelay $0x3  }
0x29f: {  	s18 =	sadd.s32 $0x1, s18;
	[tilespmem:v6+s16+$0x0] =	vst.idx.msk $0xffff, v5  }
0x2a0: {  	p1 =	sne.s32 s18, $0x10;
	v6 =	vor.u32 v63, v11;
	v5 =	vld.idx.msk [tilespmem:v7+s19+$0x0], $0xffff  }
.Ltmp2:
0x2a1: {  	_ = 	snop;
	(pc) =	sbr.rel @p1 .LBB2_6-.Ltmp2, $2  }
0x2a2: {  	_ =	sdelay $0x2  }
0x2a3: {  	[tilespmem:v6+s16+$0x0] =	vst.idx.msk $0xffff, v5  }
0x2a4: {  	s1 =	sshll.u32 s1, $0x16  }
0x2a5: {  	s1 =	sand.u32 $0xC00000, s1  }
0x2a6: {  	s1 =	sor.u32 s6, s1  }
0x2a7: {  	s1 =	sor.u32 s14, s1  }
0x2a8: {  	s21 =	sadd.s32 $0x0, s13;
	s14 =	sshrl.u32 s1, $0x3  }
0x2a9: {  	s1 =	sadd.s32 $0x3, s12;
	s12 =	sadd.s32 s2, s14;
	s14 =	simm.s32 $0x200  }
0x2aa: {  	[hbm4b:s12+s28] =	stream.strided.scatter [tilespmem:s21], [sflag:s1], $0x80, s29, s28, $0x38;
	[tilespmem:$0x11100] =	vst v63  }
.LBB2_10:
0x2ab: {  	p1 =	seq.s32 s14, $0xFE00  }
.Ltmp3:
0x2ac: {  	_ = 	snop;
	(pc) =	sbr.rel @!p1 .LBB2_10-.Ltmp3, $4  }
0x2ad: {  	_ = 	snop  }
0x2ae: {  	s15 =	sshra.s32 s14, $0x2;
	s14 =	sadd.s32 $0x200, s14  }
0x2af: {  	s12 =	sadd.s32 $0x1000, s12;
	s15 =	sadd.s32 s15, s13  }
0x2b0: {  	[hbm4b:s12+s28] =	stream.strided.scatter [tilespmem:s15], [sflag:s1], $0x80, s29, s28, $0x38;
	[tilespmem:$0x11100] =	vst v63  }
0x2b1: {  	p1 =	seq.s32 s11, $0x20  }
.Ltmp4:
0x2b2: {  	_ = 	snop;
	(pc) =	sbr.rel @!p1 .LBB2_3-.Ltmp4, $2  }
0x2b3: {  	_ =	sdelay $0x2  }
0x2b4: {  	p0 =	por !p0, !p0;
	s1 =	smov.u32 s11  }
0x2b5: {  	s0 =	sadd.s32 $0x1, s0  }
0x2b6: {  	_ =	swait.ge [sflag:s30], $0x4000;
	p0 =	sne.s32 s0, s7  }
.Ltmp5:
0x2b7: {  	[sflag:s30] =	ssyncset.done $0x0;
	(pc) =	sbr.rel @p0 .LBB2_1-.Ltmp5, $4  }
0x2b8: {  	[sflag:s30] =	ssyncadd.s32 $0xFFFFC000  }
0x2b9: {  	_ =	swait.ge [sflag:s31], $0x4000  }
0x2ba: {  	[sflag:s31] =	ssyncset.done $0x0  }
0x2bb: {  	[sflag:s31] =	ssyncadd.s32 $0xFFFFC000  }
0x2bc: {  	_ =	sfence.sel $0x180000  }
0x2bd: {  	[bflag:$0x0] =	sbarrier.arrive $0xFFFF  }
0x2be: {  	_ =	strace $0x90000047  }
0x2bf: {  	s0 =	stileid.u32;
	[bflag:$0x2] =	sbarrier.arrive $0xFFFF  }
0x2c0: {  	p0 =	sne.s32 s0, $0x0;
	s0 =	rddreg [dreg:$0x2]  }
0x2c1: {  	s0 =	sadd.s32 @!p0 $0x100000, s0  }
0x2c2: {  	[sflag:s0] =	ssyncadd.tile.s32 @!p0 $0x1;
	_ =	shalt  }
.Lfunc_end2:
_tile_overlayer_lowered:
.L_overlay_start_2:
0x2c3: {  	(tag) =	ssettag $0x2  }
0x2c4: {  	s0 =	rddreg [dreg:$0x0];
	s2 =	stileid.u32  }
0x2c5: {  	s1 =	rddreg [dreg:$0x1];
	p0 =	sne.s32 s2, $0x0  }
0x2c6: {  	s3 =	rddreg [dreg:$0x2];
	[bflag:$0x3] =	sbarrier.arrive $0xFFFF;
	s2 =	simm.s32 @!p0 $0x1C05  }
0x2c7: {  	[timem:s3], [sflag:s2] =	dma.local @!p0 [hbm:s0], s1  }
0x2c8: {  	s0 =	simm.s32 @!p0 $0x5  }
0x2c9: {  	_ =	swait.ge @!p0 [sflag:s0], s1  }
0x2ca: {  	s1 =	ssub.s32 @!p0 $0x0, s1;
	[sflag:s0] =	ssyncset.done @!p0 $0x0  }
0x2cb: {  	[sflag:s0] =	ssyncadd.s32 @!p0 s1  }
0x2cc: {  	[bflag:$0x3] =	sbarrier.arrive $0xFFFF  }
0x2cd: {  	_ =	shalt  }

</sc_bundles>
